<compile_context>
chip_gen: v7x
topology: tpu7x:2x2x1
jax: 0.10.2.dev20260603
libtpu: 0.0.44.dev20260713+nightly
codegen_flags: <defaults>
</compile_context>

<pallas_src>
import functools

import jax
import jax.numpy as jnp
from jax import lax
from jax.experimental import pallas as pl
from jax.experimental.pallas import tpu as pltpu
from jax.experimental.pallas import tpu_sc as plsc

_B = 4096
_N = 200
_D = 64
_K = 8
_L = 16
_NC = 2
_NS = 16
_NW = _NC * _NS
_BAGS_PER_W = _B // _NW
_BLK = _L
_NBLK = _BAGS_PER_W // _BLK
_TW = _N * _L
_ST = 17
_NEG_INF = float("-inf")
_LN2 = 0.6931471805599453
_LNK = 2.0794415416798357

_BL = 256
_NB = 40

_SORT8 = ((0, 1), (2, 3), (4, 5), (6, 7),
          (0, 2), (1, 3), (4, 6), (5, 7),
          (1, 2), (5, 6), (0, 4), (3, 7),
          (1, 5), (2, 6),
          (1, 4), (3, 6),
          (2, 4), (3, 5),
          (3, 4))
_BITONIC8 = ((0, 4), (1, 5), (2, 6), (3, 7),
             (0, 2), (1, 3), (4, 6), (5, 7),
             (0, 1), (2, 3), (4, 5), (6, 7))

_CHUNKS = tuple(range(0, _N - _L + 1, _L)) + (_N - _L,)


def _log_1_to_8(x):
    bits = lax.bitcast_convert_type(x, jnp.int32)
    e = lax.convert_element_type((bits >> 23) - 127, jnp.float32)
    m = lax.bitcast_convert_type(
        (bits & jnp.int32(0x007FFFFF)) | jnp.int32(0x3F800000), jnp.float32)
    z = (m - 1.0) / (m + 1.0)
    z2 = z * z
    p = 1.0 / 9.0 + z2 * (1.0 / 11.0)
    p = 1.0 / 7.0 + z2 * p
    p = 1.0 / 5.0 + z2 * p
    p = 1.0 / 3.0 + z2 * p
    p = 1.0 + z2 * p
    return e * _LN2 + 2.0 * z * p


def _sc_topk(scores_flat, mask_flat):
    mesh = plsc.VectorSubcoreMesh(
        core_axis_name="c", subcore_axis_name="s",
        num_cores=_NC, num_subcores=_NS)

    @functools.partial(
        pl.kernel,
        out_type=(
            jax.ShapeDtypeStruct((_B,), jnp.float32),
            jax.ShapeDtypeStruct((_N, _B), jnp.float32),
        ),
        mesh=mesh,
        compiler_params=pltpu.CompilerParams(use_tc_tiling_on_sc=False,
                                             needs_layout_passes=False),
        scratch_types=[
            pltpu.VMEM((2 * _TW,), jnp.float32),
            pltpu.VMEM((2 * _TW,), jnp.float32),
            pltpu.VMEM((_N * _ST,), jnp.float32),
            pltpu.VMEM((2, _N, _L), jnp.float32),
            pltpu.VMEM((_BAGS_PER_W,), jnp.float32),
            pltpu.SemaphoreType.DMA,
            pltpu.SemaphoreType.DMA,
        ],
    )
    def sc_kernel(scores_hbm, mask_hbm, agg_hbm, wt_hbm,
                  sc_v, mf_v, sm_v, wt_v, agg_v, sem_in, sem_w):
        wid = lax.axis_index("s") * _NC + lax.axis_index("c")
        row00 = wid * _BAGS_PER_W
        lanes = lax.iota(jnp.int32, _L)
        l17 = lanes * _ST
        zeros_i = jnp.zeros((_L,), jnp.int32)
        zeros_f = jnp.zeros((_L,), jnp.float32)

        def issue_in(blk, par):
            off = (row00 + blk * _BLK) * _N
            pltpu.async_copy(scores_hbm.at[pl.ds(off, _TW)],
                             sc_v.at[pl.ds(par * _TW, _TW)], sem_in)
            pltpu.async_copy(mask_hbm.at[pl.ds(off, _TW)],
                             mf_v.at[pl.ds(par * _TW, _TW)], sem_in)

        issue_in(0, 0)

        def cmp_desc(arr, a, b):
            hi = jnp.maximum(arr[a], arr[b])
            lo = jnp.minimum(arr[a], arr[b])
            arr[a], arr[b] = hi, lo

        def block_body(blk, _):
            par = blk % 2
            poff = par * _TW
            row0 = row00 + blk * _BLK
            goff = row0 * _N

            pltpu.make_async_copy(scores_hbm.at[pl.ds(goff, _TW)],
                                  sc_v.at[pl.ds(poff, _TW)], sem_in).wait()
            pltpu.make_async_copy(mask_hbm.at[pl.ds(goff, _TW)],
                                  mf_v.at[pl.ds(poff, _TW)], sem_in).wait()

            @pl.when(blk + 1 < _NBLK)
            def _prefetch():
                issue_in(blk + 1, 1 - par)

            def tr_body(b, _c):
                base = poff + b * _N
                for off in _CHUNKS:
                    s = sc_v[pl.ds(base + off, _L)]
                    mf = mf_v[pl.ds(base + off, _L)]
                    sm = jnp.where(mf > 0.0, s, _NEG_INF)
                    plsc.store_scatter(sm_v, [l17 + (off * _ST + b)], sm)
                return _c

            lax.fori_loop(0, _BLK, tr_body, 0, unroll=2)

            def p1_body(g, t):
                t = list(t)
                d = []
                for ju in range(8):
                    d.append(sm_v[pl.ds(g * (8 * _ST) + ju * _ST, _L)])
                for a, b in _SORT8:
                    cmp_desc(d, a, b)
                t = [jnp.maximum(t[i], d[7 - i]) for i in range(8)]
                for a, b in _BITONIC8:
                    cmp_desc(t, a, b)
                return tuple(t)

            t = lax.fori_loop(0, _N // 8, p1_body,
                              tuple(zeros_f + _NEG_INF for _ in range(8)),
                              unroll=2)

            big_t = t[0]
            thr = t[7]
            empty = big_t == _NEG_INF
            c_gt = zeros_i
            for i in range(7):
                c_gt = c_gt + jnp.where(t[i] > thr, 1, 0)
            budget = jnp.where(empty, 0, _K - c_gt)

            ssum = zeros_f
            for i in range(8):
                ssum = ssum + jnp.exp(t[i] - big_t)
            agg = big_t + _log_1_to_8(ssum) - _LNK
            agg = jnp.where(empty, 0.0, agg)
            plsc.store_scatter(agg_v, [blk * _BLK + lanes], agg)

            @pl.when(blk >= 2)
            def _drain_out():
                pltpu.make_async_copy(
                    wt_v.at[par], wt_hbm.at[:, pl.ds(row0, _BLK)],
                    sem_w).wait()

            def p2_body(j, eq_cnt):
                sm = sm_v[pl.ds(j * _ST, _L)]
                take_eq = (sm == thr) & (eq_cnt < budget)
                take = (sm > thr) | take_eq
                wt_v[par, j, :] = jnp.where(take, 1.0 / _K, 0.0)
                return eq_cnt + jnp.where(take_eq, 1, 0)

            lax.fori_loop(0, _N, p2_body, zeros_i, unroll=8)

            pltpu.async_copy(wt_v.at[par], wt_hbm.at[:, pl.ds(row0, _BLK)],
                             sem_w)
            return _

        lax.fori_loop(0, _NBLK, block_body, 0)

        for blk in (_NBLK - 2, _NBLK - 1):
            par = blk % 2
            row0 = row00 + blk * _BLK
            pltpu.make_async_copy(wt_v.at[par],
                                  wt_hbm.at[:, pl.ds(row0, _BLK)],
                                  sem_w).wait()

        pltpu.sync_copy(agg_v, agg_hbm.at[pl.ds(row00, _BAGS_PER_W)])

    return sc_kernel(scores_flat, mask_flat)


def _tc_pool_kernel(wt_ref, r_ref, out_ref):
    acc = wt_ref[0, :][None, :] * r_ref[0]
    for n in range(1, _N):
        acc = acc + wt_ref[n, :][None, :] * r_ref[n]
    out_ref[...] = acc


def _tc_pool(wt, reprs_t):
    return pl.pallas_call(
        _tc_pool_kernel,
        grid=(_B // _BL,),
        in_specs=[
            pl.BlockSpec((_N, _BL), lambda b: (0, b)),
            pl.BlockSpec((_N, _D, _BL), lambda b: (0, 0, b)),
        ],
        out_specs=pl.BlockSpec((_D, _BL), lambda b: (0, b)),
        out_shape=jax.ShapeDtypeStruct((_D, _B), jnp.float32),
        compiler_params=pltpu.CompilerParams(
            dimension_semantics=("arbitrary",)),
    )(wt, reprs_t)


@jax.jit
def _run(path_scores, bag_mask, path_reprs):
    scores_flat = path_scores.reshape(_B * _N)
    mask_flat = bag_mask.astype(jnp.float32).reshape(_B * _N)
    reprs_t = jnp.transpose(path_reprs, (1, 2, 0))
    agg_score, wt = _sc_topk(scores_flat, mask_flat)
    rep_t = _tc_pool(wt, reprs_t)
    return agg_score, wt.T, rep_t.T


def kernel(pair_repr, path_scores, path_reprs, bag_mask, W, b):
    del pair_repr, W, b
    return tuple(_run(path_scores, bag_mask, path_reprs))

# --- scband reference (transcript-rebuilt; emitter-appended) ---
"""Pipeline reference for scband-path-bag-aggregator-34368328302756 (READ-ONLY COPY).

The authoritative reference and input builder live on the scoring server;
editing this copy changes nothing except your own understanding.
"""

import jax, jax.numpy as jnp
import numpy as np

HIDDEN_DIM = 64
TOP_K = 8


def setup_inputs(seed: int = 0) -> dict:
    key = jax.random.key(seed)
    k1, k2, k3, k4, k5 = jax.random.split(key, 5)
    B, N, D = 4096, 200, HIDDEN_DIM
    pair_repr = jax.random.normal(k1, (B, D), dtype=jnp.float32)
    path_scores = jax.random.normal(k2, (B, N), dtype=jnp.float32)
    path_reprs = jax.random.normal(k3, (B, N, D), dtype=jnp.float32)
    bag_mask = jax.random.randint(k4, (B, N), 0, 2).astype(bool)
    # attn Linear(2*D, 1) params (unused in topk_logsumexp mode but part of module)
    W = jax.random.normal(k5, (1, 2 * D), dtype=jnp.float32) * 0.05
    b = jnp.zeros((1,), dtype=jnp.float32)
    return {"pair_repr": pair_repr, "path_scores": path_scores,
            "path_reprs": path_reprs, "bag_mask": bag_mask, "W": W, "b": b}


def reference(pair_repr, path_scores, path_reprs, bag_mask, W, b):
    B, N = path_scores.shape
    empty_rows = ~jnp.any(bag_mask, axis=1)
    masked_scores = jnp.where(bag_mask, path_scores, -jnp.inf)
    k = min(TOP_K, N)
    top_scores, top_idx = jax.lax.top_k(masked_scores, k)
    agg_score = jax.scipy.special.logsumexp(top_scores, axis=1) - jnp.log(jnp.float32(k))
    rows = jnp.arange(B)[:, None]
    weights = jnp.zeros_like(masked_scores).at[rows, top_idx].set(1.0 / k)
    agg_score = jnp.where(empty_rows, 0.0, agg_score)
    weights = jnp.where(empty_rows[:, None], 0.0, weights)
    agg_repr = jnp.sum(weights[..., None] * path_reprs, axis=1)
    agg_repr = jnp.where(empty_rows[:, None], 0.0, agg_repr)
    return (agg_score, weights, agg_repr)

if __name__ == "__main__":
    import jax
    _d = setup_inputs()
    print(jax.jit(kernel)(*tuple(_d.values())))

</pallas_src>

<mosaic_0001>
#map = affine_map<(d0, d1) -> (0)>
#map1 = affine_map<(d0, d1) -> (0, 0)>
module attributes {stable_mosaic.version = 14 : i64} {
  func.func @sc_kernel(%arg0: i32, %arg1: i32, %arg2: memref<819200xf32, #tpu.memory_space<hbm>>, %arg3: memref<819200xf32, #tpu.memory_space<hbm>>, %arg4: memref<4096xf32, #tpu.memory_space<hbm>>, %arg5: memref<200x4096xf32, #tpu.memory_space<hbm>>, %arg6: memref<6400xf32, #tpu.memory_space<vmem>>, %arg7: memref<6400xf32, #tpu.memory_space<vmem>>, %arg8: memref<3400xf32, #tpu.memory_space<vmem>>, %arg9: memref<2x200x16xf32, #tpu.memory_space<vmem>>, %arg10: memref<128xf32, #tpu.memory_space<vmem>>, %arg11: memref<!tpu.dma_semaphore, #tpu.memory_space<semaphore_mem>>, %arg12: memref<!tpu.dma_semaphore, #tpu.memory_space<semaphore_mem>>) attributes {dimension_semantics = [#tpu.dimension_semantics<core_parallel>, #tpu.dimension_semantics<subcore_parallel>], iteration_bounds = array<i64: 2, 16>, scalar_prefetch = 0 : i64, scratch_operands = 7 : i64, tpu.core_type = #tpu.core_type<sc_vector_subcore>, window_params = [{transform_indices = #map}, {transform_indices = #map}, {transform_indices = #map}, {transform_indices = #map1}]} {
    %mul3A = arith.constant 2 : i32
    %mul3A_0 = arith.muli %arg1, %mul3A : i32
    %add3A = arith.addi %mul3A_0, %arg0 : i32
    %mul3A_1 = arith.constant 128 : i32
    %mul3A_2 = arith.muli %add3A, %mul3A_1 : i32
    %iota3A = tpu.iota {dimensions = array<i32: 0>} : vector<16xi32>
    %mul3A_3 = arith.constant 17 : i32
    %mul3A_4 = vector.broadcast %mul3A_3 : i32 to vector<16xi32>
    %mul3A_5 = arith.muli %iota3A, %mul3A_4 : vector<16xi32>
    %broadcast_in_dim3A = arith.constant 0 : i32
    %broadcast_in_dim3A_6 = vector.broadcast %broadcast_in_dim3A : i32 to vector<16xi32>
    %broadcast_in_dim3A_7 = arith.constant 0.000000e+00 : f32
    %broadcast_in_dim3A_8 = vector.broadcast %broadcast_in_dim3A_7 : f32 to vector<16xf32>
    %add3A_9 = arith.constant 0 : i32
    %add3A_10 = arith.addi %mul3A_2, %add3A_9 : i32
    %mul3A_11 = arith.constant 200 : i32
    %mul3A_12 = arith.muli %add3A_10, %mul3A_11 : i32
    %dma_start3A = arith.constant 0 : i32
    %dma_start3A_13 = tpu.memref_slice %arg6[%dma_start3A] : memref<6400xf32, #tpu.memory_space<vmem>> -> memref<3200xf32, #tpu.memory_space<vmem>>
    %dma_start3A_14 = tpu.memref_slice %arg2[%mul3A_12] : memref<819200xf32, #tpu.memory_space<hbm>> -> memref<3200xf32, #tpu.memory_space<hbm>>
    %dma_start3A_15 = arith.constant 0 : i32
    %dma_start3A_16 = tpu.memref_slice %arg6[%dma_start3A_15] : memref<6400xf32, #tpu.memory_space<vmem>> -> memref<3200xf32, #tpu.memory_space<vmem>>
    %dma_start3A_17 = tpu.memref_slice %arg2[%mul3A_12] : memref<819200xf32, #tpu.memory_space<hbm>> -> memref<3200xf32, #tpu.memory_space<hbm>>
    tpu.enqueue_dma source(%dma_start3A_17 : memref<3200xf32, #tpu.memory_space<hbm>>) target(%dma_start3A_16 : memref<3200xf32, #tpu.memory_space<vmem>>) target_semaphore(%arg11 : memref<!tpu.dma_semaphore, #tpu.memory_space<semaphore_mem>>)
    %dma_start3A_18 = arith.constant 0 : i32
    %dma_start3A_19 = tpu.memref_slice %arg7[%dma_start3A_18] : memref<6400xf32, #tpu.memory_space<vmem>> -> memref<3200xf32, #tpu.memory_space<vmem>>
    %dma_start3A_20 = tpu.memref_slice %arg3[%mul3A_12] : memref<819200xf32, #tpu.memory_space<hbm>> -> memref<3200xf32, #tpu.memory_space<hbm>>
    %dma_start3A_21 = arith.constant 0 : i32
    %dma_start3A_22 = tpu.memref_slice %arg7[%dma_start3A_21] : memref<6400xf32, #tpu.memory_space<vmem>> -> memref<3200xf32, #tpu.memory_space<vmem>>
    %dma_start3A_23 = tpu.memref_slice %arg3[%mul3A_12] : memref<819200xf32, #tpu.memory_space<hbm>> -> memref<3200xf32, #tpu.memory_space<hbm>>
    tpu.enqueue_dma source(%dma_start3A_23 : memref<3200xf32, #tpu.memory_space<hbm>>) target(%dma_start3A_22 : memref<3200xf32, #tpu.memory_space<vmem>>) target_semaphore(%arg11 : memref<!tpu.dma_semaphore, #tpu.memory_space<semaphore_mem>>)
    %scan3A = arith.constant 0 : i32
    %scan3A_24 = arith.constant 0 : i32
    %scan3A_25 = arith.constant 8 : i32
    %scan3A_26 = arith.addi %scan3A_24, %scan3A_25 : i32
    %scan3A_27 = arith.constant 1 : i32
    scf.for %scan3A_58 = %scan3A_24 to %scan3A_26 step %scan3A_27  : i32 {
      %jit3A = arith.constant 2 : i32
      %eq3A = arith.constant 0 : i32
      %eq3A_59 = arith.cmpi eq, %jit3A, %eq3A : i32
      %jit3A_60 = arith.constant 1 : i32
      %select_n3A = arith.select %eq3A_59, %jit3A_60, %jit3A : i32
      %rem3A = arith.remsi %scan3A_58, %select_n3A : i32
      %ne3A = arith.constant 0 : i32
      %ne3A_61 = arith.cmpi ne, %rem3A, %ne3A : i32
      %lt3A = arith.constant 0 : i32
      %lt3A_62 = arith.cmpi slt, %rem3A, %lt3A : i32
      %lt3A_63 = arith.constant 0 : i32
      %lt3A_64 = arith.cmpi slt, %select_n3A, %lt3A_63 : i32
      %ne3A_65 = arith.xori %lt3A_62, %lt3A_64 : i1
      %and3A = arith.andi %ne3A_65, %ne3A_61 : i1
      %add3A_66 = arith.addi %rem3A, %select_n3A : i32
      %select_n3A_67 = arith.select %and3A, %add3A_66, %rem3A : i32
      %mul3A_68 = arith.constant 3200 : i32
      %mul3A_69 = arith.muli %select_n3A_67, %mul3A_68 : i32
      %mul3A_70 = arith.constant 16 : i32
      %mul3A_71 = arith.muli %scan3A_58, %mul3A_70 : i32
      %add3A_72 = arith.addi %mul3A_2, %mul3A_71 : i32
      %mul3A_73 = arith.constant 200 : i32
      %mul3A_74 = arith.muli %add3A_72, %mul3A_73 : i32
      %dma_wait3A_75 = tpu.memref_slice %arg6[%mul3A_69] : memref<6400xf32, #tpu.memory_space<vmem>> -> memref<3200xf32, #tpu.memory_space<vmem>>
      %dma_wait3A_76 = tpu.memref_slice %arg2[%mul3A_74] : memref<819200xf32, #tpu.memory_space<hbm>> -> memref<3200xf32, #tpu.memory_space<hbm>>
      %dma_wait3A_77 = tpu.memref_slice %arg6[%mul3A_69] : memref<6400xf32, #tpu.memory_space<vmem>> -> memref<3200xf32, #tpu.memory_space<vmem>>
      %dma_wait3A_78 = tpu.memref_slice %arg2[%mul3A_74] : memref<819200xf32, #tpu.memory_space<hbm>> -> memref<3200xf32, #tpu.memory_space<hbm>>
      tpu.wait_dma2 semaphore(%arg11 : memref<!tpu.dma_semaphore, #tpu.memory_space<semaphore_mem>>) src(%dma_wait3A_78 : memref<3200xf32, #tpu.memory_space<hbm>>) dst(%dma_wait3A_77 : memref<3200xf32, #tpu.memory_space<vmem>>)
      %dma_wait3A_79 = tpu.memref_slice %arg7[%mul3A_69] : memref<6400xf32, #tpu.memory_space<vmem>> -> memref<3200xf32, #tpu.memory_space<vmem>>
      %dma_wait3A_80 = tpu.memref_slice %arg3[%mul3A_74] : memref<819200xf32, #tpu.memory_space<hbm>> -> memref<3200xf32, #tpu.memory_space<hbm>>
      %dma_wait3A_81 = tpu.memref_slice %arg7[%mul3A_69] : memref<6400xf32, #tpu.memory_space<vmem>> -> memref<3200xf32, #tpu.memory_space<vmem>>
      %dma_wait3A_82 = tpu.memref_slice %arg3[%mul3A_74] : memref<819200xf32, #tpu.memory_space<hbm>> -> memref<3200xf32, #tpu.memory_space<hbm>>
      tpu.wait_dma2 semaphore(%arg11 : memref<!tpu.dma_semaphore, #tpu.memory_space<semaphore_mem>>) src(%dma_wait3A_82 : memref<3200xf32, #tpu.memory_space<hbm>>) dst(%dma_wait3A_81 : memref<3200xf32, #tpu.memory_space<vmem>>)
      %add3A_83 = arith.constant 1 : i32
      %add3A_84 = arith.addi %scan3A_58, %add3A_83 : i32
      %lt3A_85 = arith.constant 8 : i32
      %lt3A_86 = arith.cmpi slt, %add3A_84, %lt3A_85 : i32
      %convert_element_type3A = arith.extui %lt3A_86 : i1 to i32
      %cond3A = arith.constant 0 : i32
      %cond3A_87 = arith.cmpi ne, %convert_element_type3A, %cond3A : i32
      scf.if %cond3A_87 {
        %add3A_402 = arith.constant 1 : i32
        %add3A_403 = arith.addi %scan3A_58, %add3A_402 : i32
        %sub3A_404 = arith.constant 1 : i32
        %sub3A_405 = arith.subi %sub3A_404, %select_n3A_67 : i32
        %mul3A_406 = arith.constant 16 : i32
        %mul3A_407 = arith.muli %add3A_403, %mul3A_406 : i32
        %add3A_408 = arith.addi %mul3A_2, %mul3A_407 : i32
        %mul3A_409 = arith.constant 200 : i32
        %mul3A_410 = arith.muli %add3A_408, %mul3A_409 : i32
        %mul3A_411 = arith.constant 3200 : i32
        %mul3A_412 = arith.muli %sub3A_405, %mul3A_411 : i32
        %dma_start3A_413 = tpu.memref_slice %arg6[%mul3A_412] : memref<6400xf32, #tpu.memory_space<vmem>> -> memref<3200xf32, #tpu.memory_space<vmem>>
        %dma_start3A_414 = tpu.memref_slice %arg2[%mul3A_410] : memref<819200xf32, #tpu.memory_space<hbm>> -> memref<3200xf32, #tpu.memory_space<hbm>>
        %dma_start3A_415 = tpu.memref_slice %arg6[%mul3A_412] : memref<6400xf32, #tpu.memory_space<vmem>> -> memref<3200xf32, #tpu.memory_space<vmem>>
        %dma_start3A_416 = tpu.memref_slice %arg2[%mul3A_410] : memref<819200xf32, #tpu.memory_space<hbm>> -> memref<3200xf32, #tpu.memory_space<hbm>>
        tpu.enqueue_dma source(%dma_start3A_416 : memref<3200xf32, #tpu.memory_space<hbm>>) target(%dma_start3A_415 : memref<3200xf32, #tpu.memory_space<vmem>>) target_semaphore(%arg11 : memref<!tpu.dma_semaphore, #tpu.memory_space<semaphore_mem>>)
        %mul3A_417 = arith.constant 3200 : i32
        %mul3A_418 = arith.muli %sub3A_405, %mul3A_417 : i32
        %dma_start3A_419 = tpu.memref_slice %arg7[%mul3A_418] : memref<6400xf32, #tpu.memory_space<vmem>> -> memref<3200xf32, #tpu.memory_space<vmem>>
        %dma_start3A_420 = tpu.memref_slice %arg3[%mul3A_410] : memref<819200xf32, #tpu.memory_space<hbm>> -> memref<3200xf32, #tpu.memory_space<hbm>>
        %dma_start3A_421 = tpu.memref_slice %arg7[%mul3A_418] : memref<6400xf32, #tpu.memory_space<vmem>> -> memref<3200xf32, #tpu.memory_space<vmem>>
        %dma_start3A_422 = tpu.memref_slice %arg3[%mul3A_410] : memref<819200xf32, #tpu.memory_space<hbm>> -> memref<3200xf32, #tpu.memory_space<hbm>>
        tpu.enqueue_dma source(%dma_start3A_422 : memref<3200xf32, #tpu.memory_space<hbm>>) target(%dma_start3A_421 : memref<3200xf32, #tpu.memory_space<vmem>>) target_semaphore(%arg11 : memref<!tpu.dma_semaphore, #tpu.memory_space<semaphore_mem>>)
      } else {
      }
      %scan3A_88 = arith.constant 0 : i32
      %scan3A_89 = arith.constant 0 : i32
      %scan3A_90 = arith.constant 16 : i32
      %scan3A_91 = arith.addi %scan3A_89, %scan3A_90 : i32
      %scan3A_92 = arith.constant 2 : i32
      scf.for %scan3A_402 = %scan3A_89 to %scan3A_91 step %scan3A_92  : i32 {
        %mul3A_403 = arith.constant 200 : i32
        %mul3A_404 = arith.muli %scan3A_402, %mul3A_403 : i32
        %add3A_405 = arith.addi %mul3A_69, %mul3A_404 : i32
        %add3A_406 = arith.constant 0 : i32
        %add3A_407 = arith.addi %add3A_405, %add3A_406 : i32
        %get3A_408 = arith.index_cast %add3A_407 : i32 to index
        %get3A_409 = tpu.vector_load %arg6[%get3A_408] {strides = array<i32>} : memref<6400xf32, #tpu.memory_space<vmem>>, vector<16xf32>,
        %add3A_410 = arith.constant 0 : i32
        %add3A_411 = arith.addi %add3A_405, %add3A_410 : i32
        %get3A_412 = arith.index_cast %add3A_411 : i32 to index
        %get3A_413 = tpu.vector_load %arg7[%get3A_412] {strides = array<i32>} : memref<6400xf32, #tpu.memory_space<vmem>>, vector<16xf32>,
        %gt3A_414 = arith.constant 0.000000e+00 : f32
        %gt3A_415 = vector.broadcast %gt3A_414 : f32 to vector<16xf32>
        %gt3A_416 = arith.cmpf ogt, %get3A_413, %gt3A_415 : vector<16xf32>
        %jit3A_417 = arith.constant 0xFF800000 : f32
        %broadcast_in_dim3A_418 = vector.broadcast %jit3A_417 : f32 to vector<16xf32>
        %select_n3A_419 = arith.select %gt3A_416, %get3A_409, %broadcast_in_dim3A_418 : vector<16xi1>, vector<16xf32>
        %add3A_420 = arith.constant 0 : i32
        %add3A_421 = arith.addi %add3A_420, %scan3A_402 : i32
        %add3A_422 = vector.broadcast %add3A_421 : i32 to vector<16xi32>
        %add3A_423 = arith.addi %mul3A_5, %add3A_422 : vector<16xi32>
        tpu.vector_store_idx %arg8[%add3A_423], %select_n3A_419 : memref<3400xf32, #tpu.memory_space<vmem>>[vector<16xi32>], vector<16xf32>,
        %add3A_424 = arith.constant 16 : i32
        %add3A_425 = arith.addi %add3A_405, %add3A_424 : i32
        %get3A_426 = arith.index_cast %add3A_425 : i32 to index
        %get3A_427 = tpu.vector_load %arg6[%get3A_426] {strides = array<i32>} : memref<6400xf32, #tpu.memory_space<vmem>>, vector<16xf32>,
        %add3A_428 = arith.constant 16 : i32
        %add3A_429 = arith.addi %add3A_405, %add3A_428 : i32
        %get3A_430 = arith.index_cast %add3A_429 : i32 to index
        %get3A_431 = tpu.vector_load %arg7[%get3A_430] {strides = array<i32>} : memref<6400xf32, #tpu.memory_space<vmem>>, vector<16xf32>,
        %gt3A_432 = arith.constant 0.000000e+00 : f32
        %gt3A_433 = vector.broadcast %gt3A_432 : f32 to vector<16xf32>
        %gt3A_434 = arith.cmpf ogt, %get3A_431, %gt3A_433 : vector<16xf32>
        %jit3A_435 = arith.constant 0xFF800000 : f32
        %broadcast_in_dim3A_436 = vector.broadcast %jit3A_435 : f32 to vector<16xf32>
        %select_n3A_437 = arith.select %gt3A_434, %get3A_427, %broadcast_in_dim3A_436 : vector<16xi1>, vector<16xf32>
        %add3A_438 = arith.constant 272 : i32
        %add3A_439 = arith.addi %add3A_438, %scan3A_402 : i32
        %add3A_440 = vector.broadcast %add3A_439 : i32 to vector<16xi32>
        %add3A_441 = arith.addi %mul3A_5, %add3A_440 : vector<16xi32>
        tpu.vector_store_idx %arg8[%add3A_441], %select_n3A_437 : memref<3400xf32, #tpu.memory_space<vmem>>[vector<16xi32>], vector<16xf32>,
        %add3A_442 = arith.constant 32 : i32
        %add3A_443 = arith.addi %add3A_405, %add3A_442 : i32
        %get3A_444 = arith.index_cast %add3A_443 : i32 to index
        %get3A_445 = tpu.vector_load %arg6[%get3A_444] {strides = array<i32>} : memref<6400xf32, #tpu.memory_space<vmem>>, vector<16xf32>,
        %add3A_446 = arith.constant 32 : i32
        %add3A_447 = arith.addi %add3A_405, %add3A_446 : i32
        %get3A_448 = arith.index_cast %add3A_447 : i32 to index
        %get3A_449 = tpu.vector_load %arg7[%get3A_448] {strides = array<i32>} : memref<6400xf32, #tpu.memory_space<vmem>>, vector<16xf32>,
        %gt3A_450 = arith.constant 0.000000e+00 : f32
        %gt3A_451 = vector.broadcast %gt3A_450 : f32 to vector<16xf32>
        %gt3A_452 = arith.cmpf ogt, %get3A_449, %gt3A_451 : vector<16xf32>
        %jit3A_453 = arith.constant 0xFF800000 : f32
        %broadcast_in_dim3A_454 = vector.broadcast %jit3A_453 : f32 to vector<16xf32>
        %select_n3A_455 = arith.select %gt3A_452, %get3A_445, %broadcast_in_dim3A_454 : vector<16xi1>, vector<16xf32>
        %add3A_456 = arith.constant 544 : i32
        %add3A_457 = arith.addi %add3A_456, %scan3A_402 : i32
        %add3A_458 = vector.broadcast %add3A_457 : i32 to vector<16xi32>
        %add3A_459 = arith.addi %mul3A_5, %add3A_458 : vector<16xi32>
        tpu.vector_store_idx %arg8[%add3A_459], %select_n3A_455 : memref<3400xf32, #tpu.memory_space<vmem>>[vector<16xi32>], vector<16xf32>,
        %add3A_460 = arith.constant 48 : i32
        %add3A_461 = arith.addi %add3A_405, %add3A_460 : i32
        %get3A_462 = arith.index_cast %add3A_461 : i32 to index
        %get3A_463 = tpu.vector_load %arg6[%get3A_462] {strides = array<i32>} : memref<6400xf32, #tpu.memory_space<vmem>>, vector<16xf32>,
        %add3A_464 = arith.constant 48 : i32
        %add3A_465 = arith.addi %add3A_405, %add3A_464 : i32
        %get3A_466 = arith.index_cast %add3A_465 : i32 to index
        %get3A_467 = tpu.vector_load %arg7[%get3A_466] {strides = array<i32>} : memref<6400xf32, #tpu.memory_space<vmem>>, vector<16xf32>,
        %gt3A_468 = arith.constant 0.000000e+00 : f32
        %gt3A_469 = vector.broadcast %gt3A_468 : f32 to vector<16xf32>
        %gt3A_470 = arith.cmpf ogt, %get3A_467, %gt3A_469 : vector<16xf32>
        %jit3A_471 = arith.constant 0xFF800000 : f32
        %broadcast_in_dim3A_472 = vector.broadcast %jit3A_471 : f32 to vector<16xf32>
        %select_n3A_473 = arith.select %gt3A_470, %get3A_463, %broadcast_in_dim3A_472 : vector<16xi1>, vector<16xf32>
        %add3A_474 = arith.constant 816 : i32
        %add3A_475 = arith.addi %add3A_474, %scan3A_402 : i32
        %add3A_476 = vector.broadcast %add3A_475 : i32 to vector<16xi32>
        %add3A_477 = arith.addi %mul3A_5, %add3A_476 : vector<16xi32>
        tpu.vector_store_idx %arg8[%add3A_477], %select_n3A_473 : memref<3400xf32, #tpu.memory_space<vmem>>[vector<16xi32>], vector<16xf32>,
        %add3A_478 = arith.constant 64 : i32
        %add3A_479 = arith.addi %add3A_405, %add3A_478 : i32
        %get3A_480 = arith.index_cast %add3A_479 : i32 to index
        %get3A_481 = tpu.vector_load %arg6[%get3A_480] {strides = array<i32>} : memref<6400xf32, #tpu.memory_space<vmem>>, vector<16xf32>,
        %add3A_482 = arith.constant 64 : i32
        %add3A_483 = arith.addi %add3A_405, %add3A_482 : i32
        %get3A_484 = arith.index_cast %add3A_483 : i32 to index
        %get3A_485 = tpu.vector_load %arg7[%get3A_484] {strides = array<i32>} : memref<6400xf32, #tpu.memory_space<vmem>>, vector<16xf32>,
        %gt3A_486 = arith.constant 0.000000e+00 : f32
        %gt3A_487 = vector.broadcast %gt3A_486 : f32 to vector<16xf32>
        %gt3A_488 = arith.cmpf ogt, %get3A_485, %gt3A_487 : vector<16xf32>
        %jit3A_489 = arith.constant 0xFF800000 : f32
        %broadcast_in_dim3A_490 = vector.broadcast %jit3A_489 : f32 to vector<16xf32>
        %select_n3A_491 = arith.select %gt3A_488, %get3A_481, %broadcast_in_dim3A_490 : vector<16xi1>, vector<16xf32>
        %add3A_492 = arith.constant 1088 : i32
        %add3A_493 = arith.addi %add3A_492, %scan3A_402 : i32
        %add3A_494 = vector.broadcast %add3A_493 : i32 to vector<16xi32>
        %add3A_495 = arith.addi %mul3A_5, %add3A_494 : vector<16xi32>
        tpu.vector_store_idx %arg8[%add3A_495], %select_n3A_491 : memref<3400xf32, #tpu.memory_space<vmem>>[vector<16xi32>], vector<16xf32>,
        %add3A_496 = arith.constant 80 : i32
        %add3A_497 = arith.addi %add3A_405, %add3A_496 : i32
        %get3A_498 = arith.index_cast %add3A_497 : i32 to index
        %get3A_499 = tpu.vector_load %arg6[%get3A_498] {strides = array<i32>} : memref<6400xf32, #tpu.memory_space<vmem>>, vector<16xf32>,
        %add3A_500 = arith.constant 80 : i32
        %add3A_501 = arith.addi %add3A_405, %add3A_500 : i32
        %get3A_502 = arith.index_cast %add3A_501 : i32 to index
        %get3A_503 = tpu.vector_load %arg7[%get3A_502] {strides = array<i32>} : memref<6400xf32, #tpu.memory_space<vmem>>, vector<16xf32>,
        %gt3A_504 = arith.constant 0.000000e+00 : f32
        %gt3A_505 = vector.broadcast %gt3A_504 : f32 to vector<16xf32>
        %gt3A_506 = arith.cmpf ogt, %get3A_503, %gt3A_505 : vector<16xf32>
        %jit3A_507 = arith.constant 0xFF800000 : f32
        %broadcast_in_dim3A_508 = vector.broadcast %jit3A_507 : f32 to vector<16xf32>
        %select_n3A_509 = arith.select %gt3A_506, %get3A_499, %broadcast_in_dim3A_508 : vector<16xi1>, vector<16xf32>
        %add3A_510 = arith.constant 1360 : i32
        %add3A_511 = arith.addi %add3A_510, %scan3A_402 : i32
        %add3A_512 = vector.broadcast %add3A_511 : i32 to vector<16xi32>
        %add3A_513 = arith.addi %mul3A_5, %add3A_512 : vector<16xi32>
        tpu.vector_store_idx %arg8[%add3A_513], %select_n3A_509 : memref<3400xf32, #tpu.memory_space<vmem>>[vector<16xi32>], vector<16xf32>,
        %add3A_514 = arith.constant 96 : i32
        %add3A_515 = arith.addi %add3A_405, %add3A_514 : i32
        %get3A_516 = arith.index_cast %add3A_515 : i32 to index
        %get3A_517 = tpu.vector_load %arg6[%get3A_516] {strides = array<i32>} : memref<6400xf32, #tpu.memory_space<vmem>>, vector<16xf32>,
        %add3A_518 = arith.constant 96 : i32
        %add3A_519 = arith.addi %add3A_405, %add3A_518 : i32
        %get3A_520 = arith.index_cast %add3A_519 : i32 to index
        %get3A_521 = tpu.vector_load %arg7[%get3A_520] {strides = array<i32>} : memref<6400xf32, #tpu.memory_space<vmem>>, vector<16xf32>,
        %gt3A_522 = arith.constant 0.000000e+00 : f32
        %gt3A_523 = vector.broadcast %gt3A_522 : f32 to vector<16xf32>
        %gt3A_524 = arith.cmpf ogt, %get3A_521, %gt3A_523 : vector<16xf32>
        %jit3A_525 = arith.constant 0xFF800000 : f32
        %broadcast_in_dim3A_526 = vector.broadcast %jit3A_525 : f32 to vector<16xf32>
        %select_n3A_527 = arith.select %gt3A_524, %get3A_517, %broadcast_in_dim3A_526 : vector<16xi1>, vector<16xf32>
        %add3A_528 = arith.constant 1632 : i32
        %add3A_529 = arith.addi %add3A_528, %scan3A_402 : i32
        %add3A_530 = vector.broadcast %add3A_529 : i32 to vector<16xi32>
        %add3A_531 = arith.addi %mul3A_5, %add3A_530 : vector<16xi32>
        tpu.vector_store_idx %arg8[%add3A_531], %select_n3A_527 : memref<3400xf32, #tpu.memory_space<vmem>>[vector<16xi32>], vector<16xf32>,
        %add3A_532 = arith.constant 112 : i32
        %add3A_533 = arith.addi %add3A_405, %add3A_532 : i32
        %get3A_534 = arith.index_cast %add3A_533 : i32 to index
        %get3A_535 = tpu.vector_load %arg6[%get3A_534] {strides = array<i32>} : memref<6400xf32, #tpu.memory_space<vmem>>, vector<16xf32>,
        %add3A_536 = arith.constant 112 : i32
        %add3A_537 = arith.addi %add3A_405, %add3A_536 : i32
        %get3A_538 = arith.index_cast %add3A_537 : i32 to index
        %get3A_539 = tpu.vector_load %arg7[%get3A_538] {strides = array<i32>} : memref<6400xf32, #tpu.memory_space<vmem>>, vector<16xf32>,
        %gt3A_540 = arith.constant 0.000000e+00 : f32
        %gt3A_541 = vector.broadcast %gt3A_540 : f32 to vector<16xf32>
        %gt3A_542 = arith.cmpf ogt, %get3A_539, %gt3A_541 : vector<16xf32>
        %jit3A_543 = arith.constant 0xFF800000 : f32
        %broadcast_in_dim3A_544 = vector.broadcast %jit3A_543 : f32 to vector<16xf32>
        %select_n3A_545 = arith.select %gt3A_542, %get3A_535, %broadcast_in_dim3A_544 : vector<16xi1>, vector<16xf32>
        %add3A_546 = arith.constant 1904 : i32
        %add3A_547 = arith.addi %add3A_546, %scan3A_402 : i32
        %add3A_548 = vector.broadcast %add3A_547 : i32 to vector<16xi32>
        %add3A_549 = arith.addi %mul3A_5, %add3A_548 : vector<16xi32>
        tpu.vector_store_idx %arg8[%add3A_549], %select_n3A_545 : memref<3400xf32, #tpu.memory_space<vmem>>[vector<16xi32>], vector<16xf32>,
        %add3A_550 = arith.constant 128 : i32
        %add3A_551 = arith.addi %add3A_405, %add3A_550 : i32
        %get3A_552 = arith.index_cast %add3A_551 : i32 to index
        %get3A_553 = tpu.vector_load %arg6[%get3A_552] {strides = array<i32>} : memref<6400xf32, #tpu.memory_space<vmem>>, vector<16xf32>,
        %add3A_554 = arith.constant 128 : i32
        %add3A_555 = arith.addi %add3A_405, %add3A_554 : i32
        %get3A_556 = arith.index_cast %add3A_555 : i32 to index
        %get3A_557 = tpu.vector_load %arg7[%get3A_556] {strides = array<i32>} : memref<6400xf32, #tpu.memory_space<vmem>>, vector<16xf32>,
        %gt3A_558 = arith.constant 0.000000e+00 : f32
        %gt3A_559 = vector.broadcast %gt3A_558 : f32 to vector<16xf32>
        %gt3A_560 = arith.cmpf ogt, %get3A_557, %gt3A_559 : vector<16xf32>
        %jit3A_561 = arith.constant 0xFF800000 : f32
        %broadcast_in_dim3A_562 = vector.broadcast %jit3A_561 : f32 to vector<16xf32>
        %select_n3A_563 = arith.select %gt3A_560, %get3A_553, %broadcast_in_dim3A_562 : vector<16xi1>, vector<16xf32>
        %add3A_564 = arith.constant 2176 : i32
        %add3A_565 = arith.addi %add3A_564, %scan3A_402 : i32
        %add3A_566 = vector.broadcast %add3A_565 : i32 to vector<16xi32>
        %add3A_567 = arith.addi %mul3A_5, %add3A_566 : vector<16xi32>
        tpu.vector_store_idx %arg8[%add3A_567], %select_n3A_563 : memref<3400xf32, #tpu.memory_space<vmem>>[vector<16xi32>], vector<16xf32>,
        %add3A_568 = arith.constant 144 : i32
        %add3A_569 = arith.addi %add3A_405, %add3A_568 : i32
        %get3A_570 = arith.index_cast %add3A_569 : i32 to index
        %get3A_571 = tpu.vector_load %arg6[%get3A_570] {strides = array<i32>} : memref<6400xf32, #tpu.memory_space<vmem>>, vector<16xf32>,
        %add3A_572 = arith.constant 144 : i32
        %add3A_573 = arith.addi %add3A_405, %add3A_572 : i32
        %get3A_574 = arith.index_cast %add3A_573 : i32 to index
        %get3A_575 = tpu.vector_load %arg7[%get3A_574] {strides = array<i32>} : memref<6400xf32, #tpu.memory_space<vmem>>, vector<16xf32>,
        %gt3A_576 = arith.constant 0.000000e+00 : f32
        %gt3A_577 = vector.broadcast %gt3A_576 : f32 to vector<16xf32>
        %gt3A_578 = arith.cmpf ogt, %get3A_575, %gt3A_577 : vector<16xf32>
        %jit3A_579 = arith.constant 0xFF800000 : f32
        %broadcast_in_dim3A_580 = vector.broadcast %jit3A_579 : f32 to vector<16xf32>
        %select_n3A_581 = arith.select %gt3A_578, %get3A_571, %broadcast_in_dim3A_580 : vector<16xi1>, vector<16xf32>
        %add3A_582 = arith.constant 2448 : i32
        %add3A_583 = arith.addi %add3A_582, %scan3A_402 : i32
        %add3A_584 = vector.broadcast %add3A_583 : i32 to vector<16xi32>
        %add3A_585 = arith.addi %mul3A_5, %add3A_584 : vector<16xi32>
        tpu.vector_store_idx %arg8[%add3A_585], %select_n3A_581 : memref<3400xf32, #tpu.memory_space<vmem>>[vector<16xi32>], vector<16xf32>,
        %add3A_586 = arith.constant 160 : i32
        %add3A_587 = arith.addi %add3A_405, %add3A_586 : i32
        %get3A_588 = arith.index_cast %add3A_587 : i32 to index
        %get3A_589 = tpu.vector_load %arg6[%get3A_588] {strides = array<i32>} : memref<6400xf32, #tpu.memory_space<vmem>>, vector<16xf32>,
        %add3A_590 = arith.constant 160 : i32
        %add3A_591 = arith.addi %add3A_405, %add3A_590 : i32
        %get3A_592 = arith.index_cast %add3A_591 : i32 to index
        %get3A_593 = tpu.vector_load %arg7[%get3A_592] {strides = array<i32>} : memref<6400xf32, #tpu.memory_space<vmem>>, vector<16xf32>,
        %gt3A_594 = arith.constant 0.000000e+00 : f32
        %gt3A_595 = vector.broadcast %gt3A_594 : f32 to vector<16xf32>
        %gt3A_596 = arith.cmpf ogt, %get3A_593, %gt3A_595 : vector<16xf32>
        %jit3A_597 = arith.constant 0xFF800000 : f32
        %broadcast_in_dim3A_598 = vector.broadcast %jit3A_597 : f32 to vector<16xf32>
        %select_n3A_599 = arith.select %gt3A_596, %get3A_589, %broadcast_in_dim3A_598 : vector<16xi1>, vector<16xf32>
        %add3A_600 = arith.constant 2720 : i32
        %add3A_601 = arith.addi %add3A_600, %scan3A_402 : i32
        %add3A_602 = vector.broadcast %add3A_601 : i32 to vector<16xi32>
        %add3A_603 = arith.addi %mul3A_5, %add3A_602 : vector<16xi32>
        tpu.vector_store_idx %arg8[%add3A_603], %select_n3A_599 : memref<3400xf32, #tpu.memory_space<vmem>>[vector<16xi32>], vector<16xf32>,
        %add3A_604 = arith.constant 176 : i32
        %add3A_605 = arith.addi %add3A_405, %add3A_604 : i32
        %get3A_606 = arith.index_cast %add3A_605 : i32 to index
        %get3A_607 = tpu.vector_load %arg6[%get3A_606] {strides = array<i32>} : memref<6400xf32, #tpu.memory_space<vmem>>, vector<16xf32>,
        %add3A_608 = arith.constant 176 : i32
        %add3A_609 = arith.addi %add3A_405, %add3A_608 : i32
        %get3A_610 = arith.index_cast %add3A_609 : i32 to index
        %get3A_611 = tpu.vector_load %arg7[%get3A_610] {strides = array<i32>} : memref<6400xf32, #tpu.memory_space<vmem>>, vector<16xf32>,
        %gt3A_612 = arith.constant 0.000000e+00 : f32
        %gt3A_613 = vector.broadcast %gt3A_612 : f32 to vector<16xf32>
        %gt3A_614 = arith.cmpf ogt, %get3A_611, %gt3A_613 : vector<16xf32>
        %jit3A_615 = arith.constant 0xFF800000 : f32
        %broadcast_in_dim3A_616 = vector.broadcast %jit3A_615 : f32 to vector<16xf32>
        %select_n3A_617 = arith.select %gt3A_614, %get3A_607, %broadcast_in_dim3A_616 : vector<16xi1>, vector<16xf32>
        %add3A_618 = arith.constant 2992 : i32
        %add3A_619 = arith.addi %add3A_618, %scan3A_402 : i32
        %add3A_620 = vector.broadcast %add3A_619 : i32 to vector<16xi32>
        %add3A_621 = arith.addi %mul3A_5, %add3A_620 : vector<16xi32>
        tpu.vector_store_idx %arg8[%add3A_621], %select_n3A_617 : memref<3400xf32, #tpu.memory_space<vmem>>[vector<16xi32>], vector<16xf32>,
        %add3A_622 = arith.constant 184 : i32
        %add3A_623 = arith.addi %add3A_405, %add3A_622 : i32
        %get3A_624 = arith.index_cast %add3A_623 : i32 to index
        %get3A_625 = tpu.vector_load %arg6[%get3A_624] {strides = array<i32>} : memref<6400xf32, #tpu.memory_space<vmem>>, vector<16xf32>,
        %add3A_626 = arith.constant 184 : i32
        %add3A_627 = arith.addi %add3A_405, %add3A_626 : i32
        %get3A_628 = arith.index_cast %add3A_627 : i32 to index
        %get3A_629 = tpu.vector_load %arg7[%get3A_628] {strides = array<i32>} : memref<6400xf32, #tpu.memory_space<vmem>>, vector<16xf32>,
        %gt3A_630 = arith.constant 0.000000e+00 : f32
        %gt3A_631 = vector.broadcast %gt3A_630 : f32 to vector<16xf32>
        %gt3A_632 = arith.cmpf ogt, %get3A_629, %gt3A_631 : vector<16xf32>
        %jit3A_633 = arith.constant 0xFF800000 : f32
        %broadcast_in_dim3A_634 = vector.broadcast %jit3A_633 : f32 to vector<16xf32>
        %select_n3A_635 = arith.select %gt3A_632, %get3A_625, %broadcast_in_dim3A_634 : vector<16xi1>, vector<16xf32>
        %add3A_636 = arith.constant 3128 : i32
        %add3A_637 = arith.addi %add3A_636, %scan3A_402 : i32
        %add3A_638 = vector.broadcast %add3A_637 : i32 to vector<16xi32>
        %add3A_639 = arith.addi %mul3A_5, %add3A_638 : vector<16xi32>
        tpu.vector_store_idx %arg8[%add3A_639], %select_n3A_635 : memref<3400xf32, #tpu.memory_space<vmem>>[vector<16xi32>], vector<16xf32>,
        %scan3A_640 = arith.constant 1 : i32
        %scan3A_641 = arith.addi %scan3A_402, %scan3A_640 : i32
        %mul3A_642 = arith.constant 200 : i32
        %mul3A_643 = arith.muli %scan3A_641, %mul3A_642 : i32
        %add3A_644 = arith.addi %mul3A_69, %mul3A_643 : i32
        %add3A_645 = arith.constant 0 : i32
        %add3A_646 = arith.addi %add3A_644, %add3A_645 : i32
        %get3A_647 = arith.index_cast %add3A_646 : i32 to index
        %get3A_648 = tpu.vector_load %arg6[%get3A_647] {strides = array<i32>} : memref<6400xf32, #tpu.memory_space<vmem>>, vector<16xf32>,
        %add3A_649 = arith.constant 0 : i32
        %add3A_650 = arith.addi %add3A_644, %add3A_649 : i32
        %get3A_651 = arith.index_cast %add3A_650 : i32 to index
        %get3A_652 = tpu.vector_load %arg7[%get3A_651] {strides = array<i32>} : memref<6400xf32, #tpu.memory_space<vmem>>, vector<16xf32>,
        %gt3A_653 = arith.constant 0.000000e+00 : f32
        %gt3A_654 = vector.broadcast %gt3A_653 : f32 to vector<16xf32>
        %gt3A_655 = arith.cmpf ogt, %get3A_652, %gt3A_654 : vector<16xf32>
        %jit3A_656 = arith.constant 0xFF800000 : f32
        %broadcast_in_dim3A_657 = vector.broadcast %jit3A_656 : f32 to vector<16xf32>
        %select_n3A_658 = arith.select %gt3A_655, %get3A_648, %broadcast_in_dim3A_657 : vector<16xi1>, vector<16xf32>
        %add3A_659 = arith.constant 0 : i32
        %add3A_660 = arith.addi %add3A_659, %scan3A_641 : i32
        %add3A_661 = vector.broadcast %add3A_660 : i32 to vector<16xi32>
        %add3A_662 = arith.addi %mul3A_5, %add3A_661 : vector<16xi32>
        tpu.vector_store_idx %arg8[%add3A_662], %select_n3A_658 : memref<3400xf32, #tpu.memory_space<vmem>>[vector<16xi32>], vector<16xf32>,
        %add3A_663 = arith.constant 16 : i32
        %add3A_664 = arith.addi %add3A_644, %add3A_663 : i32
        %get3A_665 = arith.index_cast %add3A_664 : i32 to index
        %get3A_666 = tpu.vector_load %arg6[%get3A_665] {strides = array<i32>} : memref<6400xf32, #tpu.memory_space<vmem>>, vector<16xf32>,
        %add3A_667 = arith.constant 16 : i32
        %add3A_668 = arith.addi %add3A_644, %add3A_667 : i32
        %get3A_669 = arith.index_cast %add3A_668 : i32 to index
        %get3A_670 = tpu.vector_load %arg7[%get3A_669] {strides = array<i32>} : memref<6400xf32, #tpu.memory_space<vmem>>, vector<16xf32>,
        %gt3A_671 = arith.constant 0.000000e+00 : f32
        %gt3A_672 = vector.broadcast %gt3A_671 : f32 to vector<16xf32>
        %gt3A_673 = arith.cmpf ogt, %get3A_670, %gt3A_672 : vector<16xf32>
        %jit3A_674 = arith.constant 0xFF800000 : f32
        %broadcast_in_dim3A_675 = vector.broadcast %jit3A_674 : f32 to vector<16xf32>
        %select_n3A_676 = arith.select %gt3A_673, %get3A_666, %broadcast_in_dim3A_675 : vector<16xi1>, vector<16xf32>
        %add3A_677 = arith.constant 272 : i32
        %add3A_678 = arith.addi %add3A_677, %scan3A_641 : i32
        %add3A_679 = vector.broadcast %add3A_678 : i32 to vector<16xi32>
        %add3A_680 = arith.addi %mul3A_5, %add3A_679 : vector<16xi32>
        tpu.vector_store_idx %arg8[%add3A_680], %select_n3A_676 : memref<3400xf32, #tpu.memory_space<vmem>>[vector<16xi32>], vector<16xf32>,
        %add3A_681 = arith.constant 32 : i32
        %add3A_682 = arith.addi %add3A_644, %add3A_681 : i32
        %get3A_683 = arith.index_cast %add3A_682 : i32 to index
        %get3A_684 = tpu.vector_load %arg6[%get3A_683] {strides = array<i32>} : memref<6400xf32, #tpu.memory_space<vmem>>, vector<16xf32>,
        %add3A_685 = arith.constant 32 : i32
        %add3A_686 = arith.addi %add3A_644, %add3A_685 : i32
        %get3A_687 = arith.index_cast %add3A_686 : i32 to index
        %get3A_688 = tpu.vector_load %arg7[%get3A_687] {strides = array<i32>} : memref<6400xf32, #tpu.memory_space<vmem>>, vector<16xf32>,
        %gt3A_689 = arith.constant 0.000000e+00 : f32
        %gt3A_690 = vector.broadcast %gt3A_689 : f32 to vector<16xf32>
        %gt3A_691 = arith.cmpf ogt, %get3A_688, %gt3A_690 : vector<16xf32>
        %jit3A_692 = arith.constant 0xFF800000 : f32
        %broadcast_in_dim3A_693 = vector.broadcast %jit3A_692 : f32 to vector<16xf32>
        %select_n3A_694 = arith.select %gt3A_691, %get3A_684, %broadcast_in_dim3A_693 : vector<16xi1>, vector<16xf32>
        %add3A_695 = arith.constant 544 : i32
        %add3A_696 = arith.addi %add3A_695, %scan3A_641 : i32
        %add3A_697 = vector.broadcast %add3A_696 : i32 to vector<16xi32>
        %add3A_698 = arith.addi %mul3A_5, %add3A_697 : vector<16xi32>
        tpu.vector_store_idx %arg8[%add3A_698], %select_n3A_694 : memref<3400xf32, #tpu.memory_space<vmem>>[vector<16xi32>], vector<16xf32>,
        %add3A_699 = arith.constant 48 : i32
        %add3A_700 = arith.addi %add3A_644, %add3A_699 : i32
        %get3A_701 = arith.index_cast %add3A_700 : i32 to index
        %get3A_702 = tpu.vector_load %arg6[%get3A_701] {strides = array<i32>} : memref<6400xf32, #tpu.memory_space<vmem>>, vector<16xf32>,
        %add3A_703 = arith.constant 48 : i32
        %add3A_704 = arith.addi %add3A_644, %add3A_703 : i32
        %get3A_705 = arith.index_cast %add3A_704 : i32 to index
        %get3A_706 = tpu.vector_load %arg7[%get3A_705] {strides = array<i32>} : memref<6400xf32, #tpu.memory_space<vmem>>, vector<16xf32>,
        %gt3A_707 = arith.constant 0.000000e+00 : f32
        %gt3A_708 = vector.broadcast %gt3A_707 : f32 to vector<16xf32>
        %gt3A_709 = arith.cmpf ogt, %get3A_706, %gt3A_708 : vector<16xf32>
        %jit3A_710 = arith.constant 0xFF800000 : f32
        %broadcast_in_dim3A_711 = vector.broadcast %jit3A_710 : f32 to vector<16xf32>
        %select_n3A_712 = arith.select %gt3A_709, %get3A_702, %broadcast_in_dim3A_711 : vector<16xi1>, vector<16xf32>
        %add3A_713 = arith.constant 816 : i32
        %add3A_714 = arith.addi %add3A_713, %scan3A_641 : i32
        %add3A_715 = vector.broadcast %add3A_714 : i32 to vector<16xi32>
        %add3A_716 = arith.addi %mul3A_5, %add3A_715 : vector<16xi32>
        tpu.vector_store_idx %arg8[%add3A_716], %select_n3A_712 : memref<3400xf32, #tpu.memory_space<vmem>>[vector<16xi32>], vector<16xf32>,
        %add3A_717 = arith.constant 64 : i32
        %add3A_718 = arith.addi %add3A_644, %add3A_717 : i32
        %get3A_719 = arith.index_cast %add3A_718 : i32 to index
        %get3A_720 = tpu.vector_load %arg6[%get3A_719] {strides = array<i32>} : memref<6400xf32, #tpu.memory_space<vmem>>, vector<16xf32>,
        %add3A_721 = arith.constant 64 : i32
        %add3A_722 = arith.addi %add3A_644, %add3A_721 : i32
        %get3A_723 = arith.index_cast %add3A_722 : i32 to index
        %get3A_724 = tpu.vector_load %arg7[%get3A_723] {strides = array<i32>} : memref<6400xf32, #tpu.memory_space<vmem>>, vector<16xf32>,
        %gt3A_725 = arith.constant 0.000000e+00 : f32
        %gt3A_726 = vector.broadcast %gt3A_725 : f32 to vector<16xf32>
        %gt3A_727 = arith.cmpf ogt, %get3A_724, %gt3A_726 : vector<16xf32>
        %jit3A_728 = arith.constant 0xFF800000 : f32
        %broadcast_in_dim3A_729 = vector.broadcast %jit3A_728 : f32 to vector<16xf32>
        %select_n3A_730 = arith.select %gt3A_727, %get3A_720, %broadcast_in_dim3A_729 : vector<16xi1>, vector<16xf32>
        %add3A_731 = arith.constant 1088 : i32
        %add3A_732 = arith.addi %add3A_731, %scan3A_641 : i32
        %add3A_733 = vector.broadcast %add3A_732 : i32 to vector<16xi32>
        %add3A_734 = arith.addi %mul3A_5, %add3A_733 : vector<16xi32>
        tpu.vector_store_idx %arg8[%add3A_734], %select_n3A_730 : memref<3400xf32, #tpu.memory_space<vmem>>[vector<16xi32>], vector<16xf32>,
        %add3A_735 = arith.constant 80 : i32
        %add3A_736 = arith.addi %add3A_644, %add3A_735 : i32
        %get3A_737 = arith.index_cast %add3A_736 : i32 to index
        %get3A_738 = tpu.vector_load %arg6[%get3A_737] {strides = array<i32>} : memref<6400xf32, #tpu.memory_space<vmem>>, vector<16xf32>,
        %add3A_739 = arith.constant 80 : i32
        %add3A_740 = arith.addi %add3A_644, %add3A_739 : i32
        %get3A_741 = arith.index_cast %add3A_740 : i32 to index
        %get3A_742 = tpu.vector_load %arg7[%get3A_741] {strides = array<i32>} : memref<6400xf32, #tpu.memory_space<vmem>>, vector<16xf32>,
        %gt3A_743 = arith.constant 0.000000e+00 : f32
        %gt3A_744 = vector.broadcast %gt3A_743 : f32 to vector<16xf32>
        %gt3A_745 = arith.cmpf ogt, %get3A_742, %gt3A_744 : vector<16xf32>
        %jit3A_746 = arith.constant 0xFF800000 : f32
        %broadcast_in_dim3A_747 = vector.broadcast %jit3A_746 : f32 to vector<16xf32>
        %select_n3A_748 = arith.select %gt3A_745, %get3A_738, %broadcast_in_dim3A_747 : vector<16xi1>, vector<16xf32>
        %add3A_749 = arith.constant 1360 : i32
        %add3A_750 = arith.addi %add3A_749, %scan3A_641 : i32
        %add3A_751 = vector.broadcast %add3A_750 : i32 to vector<16xi32>
        %add3A_752 = arith.addi %mul3A_5, %add3A_751 : vector<16xi32>
        tpu.vector_store_idx %arg8[%add3A_752], %select_n3A_748 : memref<3400xf32, #tpu.memory_space<vmem>>[vector<16xi32>], vector<16xf32>,
        %add3A_753 = arith.constant 96 : i32
        %add3A_754 = arith.addi %add3A_644, %add3A_753 : i32
        %get3A_755 = arith.index_cast %add3A_754 : i32 to index
        %get3A_756 = tpu.vector_load %arg6[%get3A_755] {strides = array<i32>} : memref<6400xf32, #tpu.memory_space<vmem>>, vector<16xf32>,
        %add3A_757 = arith.constant 96 : i32
        %add3A_758 = arith.addi %add3A_644, %add3A_757 : i32
        %get3A_759 = arith.index_cast %add3A_758 : i32 to index
        %get3A_760 = tpu.vector_load %arg7[%get3A_759] {strides = array<i32>} : memref<6400xf32, #tpu.memory_space<vmem>>, vector<16xf32>,
        %gt3A_761 = arith.constant 0.000000e+00 : f32
        %gt3A_762 = vector.broadcast %gt3A_761 : f32 to vector<16xf32>
        %gt3A_763 = arith.cmpf ogt, %get3A_760, %gt3A_762 : vector<16xf32>
        %jit3A_764 = arith.constant 0xFF800000 : f32
        %broadcast_in_dim3A_765 = vector.broadcast %jit3A_764 : f32 to vector<16xf32>
        %select_n3A_766 = arith.select %gt3A_763, %get3A_756, %broadcast_in_dim3A_765 : vector<16xi1>, vector<16xf32>
        %add3A_767 = arith.constant 1632 : i32
        %add3A_768 = arith.addi %add3A_767, %scan3A_641 : i32
        %add3A_769 = vector.broadcast %add3A_768 : i32 to vector<16xi32>
        %add3A_770 = arith.addi %mul3A_5, %add3A_769 : vector<16xi32>
        tpu.vector_store_idx %arg8[%add3A_770], %select_n3A_766 : memref<3400xf32, #tpu.memory_space<vmem>>[vector<16xi32>], vector<16xf32>,
        %add3A_771 = arith.constant 112 : i32
        %add3A_772 = arith.addi %add3A_644, %add3A_771 : i32
        %get3A_773 = arith.index_cast %add3A_772 : i32 to index
        %get3A_774 = tpu.vector_load %arg6[%get3A_773] {strides = array<i32>} : memref<6400xf32, #tpu.memory_space<vmem>>, vector<16xf32>,
        %add3A_775 = arith.constant 112 : i32
        %add3A_776 = arith.addi %add3A_644, %add3A_775 : i32
        %get3A_777 = arith.index_cast %add3A_776 : i32 to index
        %get3A_778 = tpu.vector_load %arg7[%get3A_777] {strides = array<i32>} : memref<6400xf32, #tpu.memory_space<vmem>>, vector<16xf32>,
        %gt3A_779 = arith.constant 0.000000e+00 : f32
        %gt3A_780 = vector.broadcast %gt3A_779 : f32 to vector<16xf32>
        %gt3A_781 = arith.cmpf ogt, %get3A_778, %gt3A_780 : vector<16xf32>
        %jit3A_782 = arith.constant 0xFF800000 : f32
        %broadcast_in_dim3A_783 = vector.broadcast %jit3A_782 : f32 to vector<16xf32>
        %select_n3A_784 = arith.select %gt3A_781, %get3A_774, %broadcast_in_dim3A_783 : vector<16xi1>, vector<16xf32>
        %add3A_785 = arith.constant 1904 : i32
        %add3A_786 = arith.addi %add3A_785, %scan3A_641 : i32
        %add3A_787 = vector.broadcast %add3A_786 : i32 to vector<16xi32>
        %add3A_788 = arith.addi %mul3A_5, %add3A_787 : vector<16xi32>
        tpu.vector_store_idx %arg8[%add3A_788], %select_n3A_784 : memref<3400xf32, #tpu.memory_space<vmem>>[vector<16xi32>], vector<16xf32>,
        %add3A_789 = arith.constant 128 : i32
        %add3A_790 = arith.addi %add3A_644, %add3A_789 : i32
        %get3A_791 = arith.index_cast %add3A_790 : i32 to index
        %get3A_792 = tpu.vector_load %arg6[%get3A_791] {strides = array<i32>} : memref<6400xf32, #tpu.memory_space<vmem>>, vector<16xf32>,
        %add3A_793 = arith.constant 128 : i32
        %add3A_794 = arith.addi %add3A_644, %add3A_793 : i32
        %get3A_795 = arith.index_cast %add3A_794 : i32 to index
        %get3A_796 = tpu.vector_load %arg7[%get3A_795] {strides = array<i32>} : memref<6400xf32, #tpu.memory_space<vmem>>, vector<16xf32>,
        %gt3A_797 = arith.constant 0.000000e+00 : f32
        %gt3A_798 = vector.broadcast %gt3A_797 : f32 to vector<16xf32>
        %gt3A_799 = arith.cmpf ogt, %get3A_796, %gt3A_798 : vector<16xf32>
        %jit3A_800 = arith.constant 0xFF800000 : f32
        %broadcast_in_dim3A_801 = vector.broadcast %jit3A_800 : f32 to vector<16xf32>
        %select_n3A_802 = arith.select %gt3A_799, %get3A_792, %broadcast_in_dim3A_801 : vector<16xi1>, vector<16xf32>
        %add3A_803 = arith.constant 2176 : i32
        %add3A_804 = arith.addi %add3A_803, %scan3A_641 : i32
        %add3A_805 = vector.broadcast %add3A_804 : i32 to vector<16xi32>
        %add3A_806 = arith.addi %mul3A_5, %add3A_805 : vector<16xi32>
        tpu.vector_store_idx %arg8[%add3A_806], %select_n3A_802 : memref<3400xf32, #tpu.memory_space<vmem>>[vector<16xi32>], vector<16xf32>,
        %add3A_807 = arith.constant 144 : i32
        %add3A_808 = arith.addi %add3A_644, %add3A_807 : i32
        %get3A_809 = arith.index_cast %add3A_808 : i32 to index
        %get3A_810 = tpu.vector_load %arg6[%get3A_809] {strides = array<i32>} : memref<6400xf32, #tpu.memory_space<vmem>>, vector<16xf32>,
        %add3A_811 = arith.constant 144 : i32
        %add3A_812 = arith.addi %add3A_644, %add3A_811 : i32
        %get3A_813 = arith.index_cast %add3A_812 : i32 to index
        %get3A_814 = tpu.vector_load %arg7[%get3A_813] {strides = array<i32>} : memref<6400xf32, #tpu.memory_space<vmem>>, vector<16xf32>,
        %gt3A_815 = arith.constant 0.000000e+00 : f32
        %gt3A_816 = vector.broadcast %gt3A_815 : f32 to vector<16xf32>
        %gt3A_817 = arith.cmpf ogt, %get3A_814, %gt3A_816 : vector<16xf32>
        %jit3A_818 = arith.constant 0xFF800000 : f32
        %broadcast_in_dim3A_819 = vector.broadcast %jit3A_818 : f32 to vector<16xf32>
        %select_n3A_820 = arith.select %gt3A_817, %get3A_810, %broadcast_in_dim3A_819 : vector<16xi1>, vector<16xf32>
        %add3A_821 = arith.constant 2448 : i32
        %add3A_822 = arith.addi %add3A_821, %scan3A_641 : i32
        %add3A_823 = vector.broadcast %add3A_822 : i32 to vector<16xi32>
        %add3A_824 = arith.addi %mul3A_5, %add3A_823 : vector<16xi32>
        tpu.vector_store_idx %arg8[%add3A_824], %select_n3A_820 : memref<3400xf32, #tpu.memory_space<vmem>>[vector<16xi32>], vector<16xf32>,
        %add3A_825 = arith.constant 160 : i32
        %add3A_826 = arith.addi %add3A_644, %add3A_825 : i32
        %get3A_827 = arith.index_cast %add3A_826 : i32 to index
        %get3A_828 = tpu.vector_load %arg6[%get3A_827] {strides = array<i32>} : memref<6400xf32, #tpu.memory_space<vmem>>, vector<16xf32>,
        %add3A_829 = arith.constant 160 : i32
        %add3A_830 = arith.addi %add3A_644, %add3A_829 : i32
        %get3A_831 = arith.index_cast %add3A_830 : i32 to index
        %get3A_832 = tpu.vector_load %arg7[%get3A_831] {strides = array<i32>} : memref<6400xf32, #tpu.memory_space<vmem>>, vector<16xf32>,
        %gt3A_833 = arith.constant 0.000000e+00 : f32
        %gt3A_834 = vector.broadcast %gt3A_833 : f32 to vector<16xf32>
        %gt3A_835 = arith.cmpf ogt, %get3A_832, %gt3A_834 : vector<16xf32>
        %jit3A_836 = arith.constant 0xFF800000 : f32
        %broadcast_in_dim3A_837 = vector.broadcast %jit3A_836 : f32 to vector<16xf32>
        %select_n3A_838 = arith.select %gt3A_835, %get3A_828, %broadcast_in_dim3A_837 : vector<16xi1>, vector<16xf32>
        %add3A_839 = arith.constant 2720 : i32
        %add3A_840 = arith.addi %add3A_839, %scan3A_641 : i32
        %add3A_841 = vector.broadcast %add3A_840 : i32 to vector<16xi32>
        %add3A_842 = arith.addi %mul3A_5, %add3A_841 : vector<16xi32>
        tpu.vector_store_idx %arg8[%add3A_842], %select_n3A_838 : memref<3400xf32, #tpu.memory_space<vmem>>[vector<16xi32>], vector<16xf32>,
        %add3A_843 = arith.constant 176 : i32
        %add3A_844 = arith.addi %add3A_644, %add3A_843 : i32
        %get3A_845 = arith.index_cast %add3A_844 : i32 to index
        %get3A_846 = tpu.vector_load %arg6[%get3A_845] {strides = array<i32>} : memref<6400xf32, #tpu.memory_space<vmem>>, vector<16xf32>,
        %add3A_847 = arith.constant 176 : i32
        %add3A_848 = arith.addi %add3A_644, %add3A_847 : i32
        %get3A_849 = arith.index_cast %add3A_848 : i32 to index
        %get3A_850 = tpu.vector_load %arg7[%get3A_849] {strides = array<i32>} : memref<6400xf32, #tpu.memory_space<vmem>>, vector<16xf32>,
        %gt3A_851 = arith.constant 0.000000e+00 : f32
        %gt3A_852 = vector.broadcast %gt3A_851 : f32 to vector<16xf32>
        %gt3A_853 = arith.cmpf ogt, %get3A_850, %gt3A_852 : vector<16xf32>
        %jit3A_854 = arith.constant 0xFF800000 : f32
        %broadcast_in_dim3A_855 = vector.broadcast %jit3A_854 : f32 to vector<16xf32>
        %select_n3A_856 = arith.select %gt3A_853, %get3A_846, %broadcast_in_dim3A_855 : vector<16xi1>, vector<16xf32>
        %add3A_857 = arith.constant 2992 : i32
        %add3A_858 = arith.addi %add3A_857, %scan3A_641 : i32
        %add3A_859 = vector.broadcast %add3A_858 : i32 to vector<16xi32>
        %add3A_860 = arith.addi %mul3A_5, %add3A_859 : vector<16xi32>
        tpu.vector_store_idx %arg8[%add3A_860], %select_n3A_856 : memref<3400xf32, #tpu.memory_space<vmem>>[vector<16xi32>], vector<16xf32>,
        %add3A_861 = arith.constant 184 : i32
        %add3A_862 = arith.addi %add3A_644, %add3A_861 : i32
        %get3A_863 = arith.index_cast %add3A_862 : i32 to index
        %get3A_864 = tpu.vector_load %arg6[%get3A_863] {strides = array<i32>} : memref<6400xf32, #tpu.memory_space<vmem>>, vector<16xf32>,
        %add3A_865 = arith.constant 184 : i32
        %add3A_866 = arith.addi %add3A_644, %add3A_865 : i32
        %get3A_867 = arith.index_cast %add3A_866 : i32 to index
        %get3A_868 = tpu.vector_load %arg7[%get3A_867] {strides = array<i32>} : memref<6400xf32, #tpu.memory_space<vmem>>, vector<16xf32>,
        %gt3A_869 = arith.constant 0.000000e+00 : f32
        %gt3A_870 = vector.broadcast %gt3A_869 : f32 to vector<16xf32>
        %gt3A_871 = arith.cmpf ogt, %get3A_868, %gt3A_870 : vector<16xf32>
        %jit3A_872 = arith.constant 0xFF800000 : f32
        %broadcast_in_dim3A_873 = vector.broadcast %jit3A_872 : f32 to vector<16xf32>
        %select_n3A_874 = arith.select %gt3A_871, %get3A_864, %broadcast_in_dim3A_873 : vector<16xi1>, vector<16xf32>
        %add3A_875 = arith.constant 3128 : i32
        %add3A_876 = arith.addi %add3A_875, %scan3A_641 : i32
        %add3A_877 = vector.broadcast %add3A_876 : i32 to vector<16xi32>
        %add3A_878 = arith.addi %mul3A_5, %add3A_877 : vector<16xi32>
        tpu.vector_store_idx %arg8[%add3A_878], %select_n3A_874 : memref<3400xf32, #tpu.memory_space<vmem>>[vector<16xi32>], vector<16xf32>,
      }
      %scan3A_93 = arith.constant 16 : i32
      %add3A_94 = arith.constant 0xFF800000 : f32
      %add3A_95 = vector.broadcast %add3A_94 : f32 to vector<16xf32>
      %add3A_96 = arith.addf %broadcast_in_dim3A_8, %add3A_95 : vector<16xf32>
      %add3A_97 = arith.constant 0xFF800000 : f32
      %add3A_98 = vector.broadcast %add3A_97 : f32 to vector<16xf32>
      %add3A_99 = arith.addf %broadcast_in_dim3A_8, %add3A_98 : vector<16xf32>
      %add3A_100 = arith.constant 0xFF800000 : f32
      %add3A_101 = vector.broadcast %add3A_100 : f32 to vector<16xf32>
      %add3A_102 = arith.addf %broadcast_in_dim3A_8, %add3A_101 : vector<16xf32>
      %add3A_103 = arith.constant 0xFF800000 : f32
      %add3A_104 = vector.broadcast %add3A_103 : f32 to vector<16xf32>
      %add3A_105 = arith.addf %broadcast_in_dim3A_8, %add3A_104 : vector<16xf32>
      %add3A_106 = arith.constant 0xFF800000 : f32
      %add3A_107 = vector.broadcast %add3A_106 : f32 to vector<16xf32>
      %add3A_108 = arith.addf %broadcast_in_dim3A_8, %add3A_107 : vector<16xf32>
      %add3A_109 = arith.constant 0xFF800000 : f32
      %add3A_110 = vector.broadcast %add3A_109 : f32 to vector<16xf32>
      %add3A_111 = arith.addf %broadcast_in_dim3A_8, %add3A_110 : vector<16xf32>
      %add3A_112 = arith.constant 0xFF800000 : f32
      %add3A_113 = vector.broadcast %add3A_112 : f32 to vector<16xf32>
      %add3A_114 = arith.addf %broadcast_in_dim3A_8, %add3A_113 : vector<16xf32>
      %add3A_115 = arith.constant 0xFF800000 : f32
      %add3A_116 = vector.broadcast %add3A_115 : f32 to vector<16xf32>
      %add3A_117 = arith.addf %broadcast_in_dim3A_8, %add3A_116 : vector<16xf32>
      %scan3A_118 = arith.constant 0 : i32
      %scan3A_119 = arith.constant 24 : i32
      %scan3A_120 = arith.addi %scan3A_118, %scan3A_119 : i32
      %scan3A_121 = arith.constant 2 : i32
      %scan3A_122:8 = scf.for %scan3A_402 = %scan3A_118 to %scan3A_120 step %scan3A_121 iter_args(%scan3A_403 = %add3A_96, %scan3A_404 = %add3A_99, %scan3A_405 = %add3A_102, %scan3A_406 = %add3A_105, %scan3A_407 = %add3A_108, %scan3A_408 = %add3A_111, %scan3A_409 = %add3A_114, %scan3A_410 = %add3A_117) -> (vector<16xf32>, vector<16xf32>, vector<16xf32>, vector<16xf32>, vector<16xf32>, vector<16xf32>, vector<16xf32>, vector<16xf32>)  : i32 {
        %mul3A_411 = arith.constant 136 : i32
        %mul3A_412 = arith.muli %scan3A_402, %mul3A_411 : i32
        %add3A_413 = arith.constant 0 : i32
        %add3A_414 = arith.addi %mul3A_412, %add3A_413 : i32
        %get3A_415 = arith.index_cast %add3A_414 : i32 to index
        %get3A_416 = tpu.vector_load %arg8[%get3A_415] {strides = array<i32>} : memref<3400xf32, #tpu.memory_space<vmem>>, vector<16xf32>,
        %mul3A_417 = arith.constant 136 : i32
        %mul3A_418 = arith.muli %scan3A_402, %mul3A_417 : i32
        %add3A_419 = arith.constant 17 : i32
        %add3A_420 = arith.addi %mul3A_418, %add3A_419 : i32
        %get3A_421 = arith.index_cast %add3A_420 : i32 to index
        %get3A_422 = tpu.vector_load %arg8[%get3A_421] {strides = array<i32>} : memref<3400xf32, #tpu.memory_space<vmem>>, vector<16xf32>,
        %mul3A_423 = arith.constant 136 : i32
        %mul3A_424 = arith.muli %scan3A_402, %mul3A_423 : i32
        %add3A_425 = arith.constant 34 : i32
        %add3A_426 = arith.addi %mul3A_424, %add3A_425 : i32
        %get3A_427 = arith.index_cast %add3A_426 : i32 to index
        %get3A_428 = tpu.vector_load %arg8[%get3A_427] {strides = array<i32>} : memref<3400xf32, #tpu.memory_space<vmem>>, vector<16xf32>,
        %mul3A_429 = arith.constant 136 : i32
        %mul3A_430 = arith.muli %scan3A_402, %mul3A_429 : i32
        %add3A_431 = arith.constant 51 : i32
        %add3A_432 = arith.addi %mul3A_430, %add3A_431 : i32
        %get3A_433 = arith.index_cast %add3A_432 : i32 to index
        %get3A_434 = tpu.vector_load %arg8[%get3A_433] {strides = array<i32>} : memref<3400xf32, #tpu.memory_space<vmem>>, vector<16xf32>,
        %mul3A_435 = arith.constant 136 : i32
        %mul3A_436 = arith.muli %scan3A_402, %mul3A_435 : i32
        %add3A_437 = arith.constant 68 : i32
        %add3A_438 = arith.addi %mul3A_436, %add3A_437 : i32
        %get3A_439 = arith.index_cast %add3A_438 : i32 to index
        %get3A_440 = tpu.vector_load %arg8[%get3A_439] {strides = array<i32>} : memref<3400xf32, #tpu.memory_space<vmem>>, vector<16xf32>,
        %mul3A_441 = arith.constant 136 : i32
        %mul3A_442 = arith.muli %scan3A_402, %mul3A_441 : i32
        %add3A_443 = arith.constant 85 : i32
        %add3A_444 = arith.addi %mul3A_442, %add3A_443 : i32
        %get3A_445 = arith.index_cast %add3A_444 : i32 to index
        %get3A_446 = tpu.vector_load %arg8[%get3A_445] {strides = array<i32>} : memref<3400xf32, #tpu.memory_space<vmem>>, vector<16xf32>,
        %mul3A_447 = arith.constant 136 : i32
        %mul3A_448 = arith.muli %scan3A_402, %mul3A_447 : i32
        %add3A_449 = arith.constant 102 : i32
        %add3A_450 = arith.addi %mul3A_448, %add3A_449 : i32
        %get3A_451 = arith.index_cast %add3A_450 : i32 to index
        %get3A_452 = tpu.vector_load %arg8[%get3A_451] {strides = array<i32>} : memref<3400xf32, #tpu.memory_space<vmem>>, vector<16xf32>,
        %mul3A_453 = arith.constant 136 : i32
        %mul3A_454 = arith.muli %scan3A_402, %mul3A_453 : i32
        %add3A_455 = arith.constant 119 : i32
        %add3A_456 = arith.addi %mul3A_454, %add3A_455 : i32
        %get3A_457 = arith.index_cast %add3A_456 : i32 to index
        %get3A_458 = tpu.vector_load %arg8[%get3A_457] {strides = array<i32>} : memref<3400xf32, #tpu.memory_space<vmem>>, vector<16xf32>,
        %max3A_459 = arith.maximumf %get3A_416, %get3A_422 : vector<16xf32>
        %min3A_460 = arith.minimumf %get3A_416, %get3A_422 : vector<16xf32>
        %max3A_461 = arith.maximumf %get3A_428, %get3A_434 : vector<16xf32>
        %min3A_462 = arith.minimumf %get3A_428, %get3A_434 : vector<16xf32>
        %max3A_463 = arith.maximumf %get3A_440, %get3A_446 : vector<16xf32>
        %min3A_464 = arith.minimumf %get3A_440, %get3A_446 : vector<16xf32>
        %max3A_465 = arith.maximumf %get3A_452, %get3A_458 : vector<16xf32>
        %min3A_466 = arith.minimumf %get3A_452, %get3A_458 : vector<16xf32>
        %max3A_467 = arith.maximumf %max3A_459, %max3A_461 : vector<16xf32>
        %min3A_468 = arith.minimumf %max3A_459, %max3A_461 : vector<16xf32>
        %max3A_469 = arith.maximumf %min3A_460, %min3A_462 : vector<16xf32>
        %min3A_470 = arith.minimumf %min3A_460, %min3A_462 : vector<16xf32>
        %max3A_471 = arith.maximumf %max3A_463, %max3A_465 : vector<16xf32>
        %min3A_472 = arith.minimumf %max3A_463, %max3A_465 : vector<16xf32>
        %max3A_473 = arith.maximumf %min3A_464, %min3A_466 : vector<16xf32>
        %min3A_474 = arith.minimumf %min3A_464, %min3A_466 : vector<16xf32>
        %max3A_475 = arith.maximumf %max3A_469, %min3A_468 : vector<16xf32>
        %min3A_476 = arith.minimumf %max3A_469, %min3A_468 : vector<16xf32>
        %max3A_477 = arith.maximumf %max3A_473, %min3A_472 : vector<16xf32>
        %min3A_478 = arith.minimumf %max3A_473, %min3A_472 : vector<16xf32>
        %max3A_479 = arith.maximumf %max3A_467, %max3A_471 : vector<16xf32>
        %min3A_480 = arith.minimumf %max3A_467, %max3A_471 : vector<16xf32>
        %max3A_481 = arith.maximumf %min3A_470, %min3A_474 : vector<16xf32>
        %min3A_482 = arith.minimumf %min3A_470, %min3A_474 : vector<16xf32>
        %max3A_483 = arith.maximumf %max3A_475, %max3A_477 : vector<16xf32>
        %min3A_484 = arith.minimumf %max3A_475, %max3A_477 : vector<16xf32>
        %max3A_485 = arith.maximumf %min3A_476, %min3A_478 : vector<16xf32>
        %min3A_486 = arith.minimumf %min3A_476, %min3A_478 : vector<16xf32>
        %max3A_487 = arith.maximumf %max3A_483, %min3A_480 : vector<16xf32>
        %min3A_488 = arith.minimumf %max3A_483, %min3A_480 : vector<16xf32>
        %max3A_489 = arith.maximumf %max3A_481, %min3A_486 : vector<16xf32>
        %min3A_490 = arith.minimumf %max3A_481, %min3A_486 : vector<16xf32>
        %max3A_491 = arith.maximumf %max3A_485, %min3A_488 : vector<16xf32>
        %min3A_492 = arith.minimumf %max3A_485, %min3A_488 : vector<16xf32>
        %max3A_493 = arith.maximumf %max3A_489, %min3A_484 : vector<16xf32>
        %min3A_494 = arith.minimumf %max3A_489, %min3A_484 : vector<16xf32>
        %max3A_495 = arith.maximumf %max3A_493, %min3A_492 : vector<16xf32>
        %min3A_496 = arith.minimumf %max3A_493, %min3A_492 : vector<16xf32>
        %max3A_497 = arith.maximumf %scan3A_403, %min3A_482 : vector<16xf32>
        %max3A_498 = arith.maximumf %scan3A_404, %min3A_490 : vector<16xf32>
        %max3A_499 = arith.maximumf %scan3A_405, %min3A_494 : vector<16xf32>
        %max3A_500 = arith.maximumf %scan3A_406, %min3A_496 : vector<16xf32>
        %max3A_501 = arith.maximumf %scan3A_407, %max3A_495 : vector<16xf32>
        %max3A_502 = arith.maximumf %scan3A_408, %max3A_491 : vector<16xf32>
        %max3A_503 = arith.maximumf %scan3A_409, %max3A_487 : vector<16xf32>
        %max3A_504 = arith.maximumf %scan3A_410, %max3A_479 : vector<16xf32>
        %max3A_505 = arith.maximumf %max3A_497, %max3A_501 : vector<16xf32>
        %min3A_506 = arith.minimumf %max3A_497, %max3A_501 : vector<16xf32>
        %max3A_507 = arith.maximumf %max3A_498, %max3A_502 : vector<16xf32>
        %min3A_508 = arith.minimumf %max3A_498, %max3A_502 : vector<16xf32>
        %max3A_509 = arith.maximumf %max3A_499, %max3A_503 : vector<16xf32>
        %min3A_510 = arith.minimumf %max3A_499, %max3A_503 : vector<16xf32>
        %max3A_511 = arith.maximumf %max3A_500, %max3A_504 : vector<16xf32>
        %min3A_512 = arith.minimumf %max3A_500, %max3A_504 : vector<16xf32>
        %max3A_513 = arith.maximumf %max3A_505, %max3A_509 : vector<16xf32>
        %min3A_514 = arith.minimumf %max3A_505, %max3A_509 : vector<16xf32>
        %max3A_515 = arith.maximumf %max3A_507, %max3A_511 : vector<16xf32>
        %min3A_516 = arith.minimumf %max3A_507, %max3A_511 : vector<16xf32>
        %max3A_517 = arith.maximumf %min3A_506, %min3A_510 : vector<16xf32>
        %min3A_518 = arith.minimumf %min3A_506, %min3A_510 : vector<16xf32>
        %max3A_519 = arith.maximumf %min3A_508, %min3A_512 : vector<16xf32>
        %min3A_520 = arith.minimumf %min3A_508, %min3A_512 : vector<16xf32>
        %max3A_521 = arith.maximumf %max3A_513, %max3A_515 : vector<16xf32>
        %min3A_522 = arith.minimumf %max3A_513, %max3A_515 : vector<16xf32>
        %max3A_523 = arith.maximumf %min3A_514, %min3A_516 : vector<16xf32>
        %min3A_524 = arith.minimumf %min3A_514, %min3A_516 : vector<16xf32>
        %max3A_525 = arith.maximumf %max3A_517, %max3A_519 : vector<16xf32>
        %min3A_526 = arith.minimumf %max3A_517, %max3A_519 : vector<16xf32>
        %max3A_527 = arith.maximumf %min3A_518, %min3A_520 : vector<16xf32>
        %min3A_528 = arith.minimumf %min3A_518, %min3A_520 : vector<16xf32>
        %scan3A_529 = arith.constant 1 : i32
        %scan3A_530 = arith.addi %scan3A_402, %scan3A_529 : i32
        %mul3A_531 = arith.constant 136 : i32
        %mul3A_532 = arith.muli %scan3A_530, %mul3A_531 : i32
        %add3A_533 = arith.constant 0 : i32
        %add3A_534 = arith.addi %mul3A_532, %add3A_533 : i32
        %get3A_535 = arith.index_cast %add3A_534 : i32 to index
        %get3A_536 = tpu.vector_load %arg8[%get3A_535] {strides = array<i32>} : memref<3400xf32, #tpu.memory_space<vmem>>, vector<16xf32>,
        %mul3A_537 = arith.constant 136 : i32
        %mul3A_538 = arith.muli %scan3A_530, %mul3A_537 : i32
        %add3A_539 = arith.constant 17 : i32
        %add3A_540 = arith.addi %mul3A_538, %add3A_539 : i32
        %get3A_541 = arith.index_cast %add3A_540 : i32 to index
        %get3A_542 = tpu.vector_load %arg8[%get3A_541] {strides = array<i32>} : memref<3400xf32, #tpu.memory_space<vmem>>, vector<16xf32>,
        %mul3A_543 = arith.constant 136 : i32
        %mul3A_544 = arith.muli %scan3A_530, %mul3A_543 : i32
        %add3A_545 = arith.constant 34 : i32
        %add3A_546 = arith.addi %mul3A_544, %add3A_545 : i32
        %get3A_547 = arith.index_cast %add3A_546 : i32 to index
        %get3A_548 = tpu.vector_load %arg8[%get3A_547] {strides = array<i32>} : memref<3400xf32, #tpu.memory_space<vmem>>, vector<16xf32>,
        %mul3A_549 = arith.constant 136 : i32
        %mul3A_550 = arith.muli %scan3A_530, %mul3A_549 : i32
        %add3A_551 = arith.constant 51 : i32
        %add3A_552 = arith.addi %mul3A_550, %add3A_551 : i32
        %get3A_553 = arith.index_cast %add3A_552 : i32 to index
        %get3A_554 = tpu.vector_load %arg8[%get3A_553] {strides = array<i32>} : memref<3400xf32, #tpu.memory_space<vmem>>, vector<16xf32>,
        %mul3A_555 = arith.constant 136 : i32
        %mul3A_556 = arith.muli %scan3A_530, %mul3A_555 : i32
        %add3A_557 = arith.constant 68 : i32
        %add3A_558 = arith.addi %mul3A_556, %add3A_557 : i32
        %get3A_559 = arith.index_cast %add3A_558 : i32 to index
        %get3A_560 = tpu.vector_load %arg8[%get3A_559] {strides = array<i32>} : memref<3400xf32, #tpu.memory_space<vmem>>, vector<16xf32>,
        %mul3A_561 = arith.constant 136 : i32
        %mul3A_562 = arith.muli %scan3A_530, %mul3A_561 : i32
        %add3A_563 = arith.constant 85 : i32
        %add3A_564 = arith.addi %mul3A_562, %add3A_563 : i32
        %get3A_565 = arith.index_cast %add3A_564 : i32 to index
        %get3A_566 = tpu.vector_load %arg8[%get3A_565] {strides = array<i32>} : memref<3400xf32, #tpu.memory_space<vmem>>, vector<16xf32>,
        %mul3A_567 = arith.constant 136 : i32
        %mul3A_568 = arith.muli %scan3A_530, %mul3A_567 : i32
        %add3A_569 = arith.constant 102 : i32
        %add3A_570 = arith.addi %mul3A_568, %add3A_569 : i32
        %get3A_571 = arith.index_cast %add3A_570 : i32 to index
        %get3A_572 = tpu.vector_load %arg8[%get3A_571] {strides = array<i32>} : memref<3400xf32, #tpu.memory_space<vmem>>, vector<16xf32>,
        %mul3A_573 = arith.constant 136 : i32
        %mul3A_574 = arith.muli %scan3A_530, %mul3A_573 : i32
        %add3A_575 = arith.constant 119 : i32
        %add3A_576 = arith.addi %mul3A_574, %add3A_575 : i32
        %get3A_577 = arith.index_cast %add3A_576 : i32 to index
        %get3A_578 = tpu.vector_load %arg8[%get3A_577] {strides = array<i32>} : memref<3400xf32, #tpu.memory_space<vmem>>, vector<16xf32>,
        %max3A_579 = arith.maximumf %get3A_536, %get3A_542 : vector<16xf32>
        %min3A_580 = arith.minimumf %get3A_536, %get3A_542 : vector<16xf32>
        %max3A_581 = arith.maximumf %get3A_548, %get3A_554 : vector<16xf32>
        %min3A_582 = arith.minimumf %get3A_548, %get3A_554 : vector<16xf32>
        %max3A_583 = arith.maximumf %get3A_560, %get3A_566 : vector<16xf32>
        %min3A_584 = arith.minimumf %get3A_560, %get3A_566 : vector<16xf32>
        %max3A_585 = arith.maximumf %get3A_572, %get3A_578 : vector<16xf32>
        %min3A_586 = arith.minimumf %get3A_572, %get3A_578 : vector<16xf32>
        %max3A_587 = arith.maximumf %max3A_579, %max3A_581 : vector<16xf32>
        %min3A_588 = arith.minimumf %max3A_579, %max3A_581 : vector<16xf32>
        %max3A_589 = arith.maximumf %min3A_580, %min3A_582 : vector<16xf32>
        %min3A_590 = arith.minimumf %min3A_580, %min3A_582 : vector<16xf32>
        %max3A_591 = arith.maximumf %max3A_583, %max3A_585 : vector<16xf32>
        %min3A_592 = arith.minimumf %max3A_583, %max3A_585 : vector<16xf32>
        %max3A_593 = arith.maximumf %min3A_584, %min3A_586 : vector<16xf32>
        %min3A_594 = arith.minimumf %min3A_584, %min3A_586 : vector<16xf32>
        %max3A_595 = arith.maximumf %max3A_589, %min3A_588 : vector<16xf32>
        %min3A_596 = arith.minimumf %max3A_589, %min3A_588 : vector<16xf32>
        %max3A_597 = arith.maximumf %max3A_593, %min3A_592 : vector<16xf32>
        %min3A_598 = arith.minimumf %max3A_593, %min3A_592 : vector<16xf32>
        %max3A_599 = arith.maximumf %max3A_587, %max3A_591 : vector<16xf32>
        %min3A_600 = arith.minimumf %max3A_587, %max3A_591 : vector<16xf32>
        %max3A_601 = arith.maximumf %min3A_590, %min3A_594 : vector<16xf32>
        %min3A_602 = arith.minimumf %min3A_590, %min3A_594 : vector<16xf32>
        %max3A_603 = arith.maximumf %max3A_595, %max3A_597 : vector<16xf32>
        %min3A_604 = arith.minimumf %max3A_595, %max3A_597 : vector<16xf32>
        %max3A_605 = arith.maximumf %min3A_596, %min3A_598 : vector<16xf32>
        %min3A_606 = arith.minimumf %min3A_596, %min3A_598 : vector<16xf32>
        %max3A_607 = arith.maximumf %max3A_603, %min3A_600 : vector<16xf32>
        %min3A_608 = arith.minimumf %max3A_603, %min3A_600 : vector<16xf32>
        %max3A_609 = arith.maximumf %max3A_601, %min3A_606 : vector<16xf32>
        %min3A_610 = arith.minimumf %max3A_601, %min3A_606 : vector<16xf32>
        %max3A_611 = arith.maximumf %max3A_605, %min3A_608 : vector<16xf32>
        %min3A_612 = arith.minimumf %max3A_605, %min3A_608 : vector<16xf32>
        %max3A_613 = arith.maximumf %max3A_609, %min3A_604 : vector<16xf32>
        %min3A_614 = arith.minimumf %max3A_609, %min3A_604 : vector<16xf32>
        %max3A_615 = arith.maximumf %max3A_613, %min3A_612 : vector<16xf32>
        %min3A_616 = arith.minimumf %max3A_613, %min3A_612 : vector<16xf32>
        %max3A_617 = arith.maximumf %max3A_521, %min3A_602 : vector<16xf32>
        %max3A_618 = arith.maximumf %min3A_522, %min3A_610 : vector<16xf32>
        %max3A_619 = arith.maximumf %max3A_523, %min3A_614 : vector<16xf32>
        %max3A_620 = arith.maximumf %min3A_524, %min3A_616 : vector<16xf32>
        %max3A_621 = arith.maximumf %max3A_525, %max3A_615 : vector<16xf32>
        %max3A_622 = arith.maximumf %min3A_526, %max3A_611 : vector<16xf32>
        %max3A_623 = arith.maximumf %max3A_527, %max3A_607 : vector<16xf32>
        %max3A_624 = arith.maximumf %min3A_528, %max3A_599 : vector<16xf32>
        %max3A_625 = arith.maximumf %max3A_617, %max3A_621 : vector<16xf32>
        %min3A_626 = arith.minimumf %max3A_617, %max3A_621 : vector<16xf32>
        %max3A_627 = arith.maximumf %max3A_618, %max3A_622 : vector<16xf32>
        %min3A_628 = arith.minimumf %max3A_618, %max3A_622 : vector<16xf32>
        %max3A_629 = arith.maximumf %max3A_619, %max3A_623 : vector<16xf32>
        %min3A_630 = arith.minimumf %max3A_619, %max3A_623 : vector<16xf32>
        %max3A_631 = arith.maximumf %max3A_620, %max3A_624 : vector<16xf32>
        %min3A_632 = arith.minimumf %max3A_620, %max3A_624 : vector<16xf32>
        %max3A_633 = arith.maximumf %max3A_625, %max3A_629 : vector<16xf32>
        %min3A_634 = arith.minimumf %max3A_625, %max3A_629 : vector<16xf32>
        %max3A_635 = arith.maximumf %max3A_627, %max3A_631 : vector<16xf32>
        %min3A_636 = arith.minimumf %max3A_627, %max3A_631 : vector<16xf32>
        %max3A_637 = arith.maximumf %min3A_626, %min3A_630 : vector<16xf32>
        %min3A_638 = arith.minimumf %min3A_626, %min3A_630 : vector<16xf32>
        %max3A_639 = arith.maximumf %min3A_628, %min3A_632 : vector<16xf32>
        %min3A_640 = arith.minimumf %min3A_628, %min3A_632 : vector<16xf32>
        %max3A_641 = arith.maximumf %max3A_633, %max3A_635 : vector<16xf32>
        %min3A_642 = arith.minimumf %max3A_633, %max3A_635 : vector<16xf32>
        %max3A_643 = arith.maximumf %min3A_634, %min3A_636 : vector<16xf32>
        %min3A_644 = arith.minimumf %min3A_634, %min3A_636 : vector<16xf32>
        %max3A_645 = arith.maximumf %max3A_637, %max3A_639 : vector<16xf32>
        %min3A_646 = arith.minimumf %max3A_637, %max3A_639 : vector<16xf32>
        %max3A_647 = arith.maximumf %min3A_638, %min3A_640 : vector<16xf32>
        %min3A_648 = arith.minimumf %min3A_638, %min3A_640 : vector<16xf32>
        scf.yield %max3A_641, %min3A_642, %max3A_643, %min3A_644, %max3A_645, %min3A_646, %max3A_647, %min3A_648 : vector<16xf32>, vector<16xf32>, vector<16xf32>, vector<16xf32>, vector<16xf32>, vector<16xf32>, vector<16xf32>, vector<16xf32>
      }
      %scan3A_123 = arith.constant 24 : i32
      %scan3A_124 = arith.addi %scan3A_118, %scan3A_123 : i32
      %mul3A_125 = arith.constant 136 : i32
      %mul3A_126 = arith.muli %scan3A_124, %mul3A_125 : i32
      %add3A_127 = arith.constant 0 : i32
      %add3A_128 = arith.addi %mul3A_126, %add3A_127 : i32
      %get3A = arith.index_cast %add3A_128 : i32 to index
      %get3A_129 = tpu.vector_load %arg8[%get3A] {strides = array<i32>} : memref<3400xf32, #tpu.memory_space<vmem>>, vector<16xf32>,
      %mul3A_130 = arith.constant 136 : i32
      %mul3A_131 = arith.muli %scan3A_124, %mul3A_130 : i32
      %add3A_132 = arith.constant 17 : i32
      %add3A_133 = arith.addi %mul3A_131, %add3A_132 : i32
      %get3A_134 = arith.index_cast %add3A_133 : i32 to index
      %get3A_135 = tpu.vector_load %arg8[%get3A_134] {strides = array<i32>} : memref<3400xf32, #tpu.memory_space<vmem>>, vector<16xf32>,
      %mul3A_136 = arith.constant 136 : i32
      %mul3A_137 = arith.muli %scan3A_124, %mul3A_136 : i32
      %add3A_138 = arith.constant 34 : i32
      %add3A_139 = arith.addi %mul3A_137, %add3A_138 : i32
      %get3A_140 = arith.index_cast %add3A_139 : i32 to index
      %get3A_141 = tpu.vector_load %arg8[%get3A_140] {strides = array<i32>} : memref<3400xf32, #tpu.memory_space<vmem>>, vector<16xf32>,
      %mul3A_142 = arith.constant 136 : i32
      %mul3A_143 = arith.muli %scan3A_124, %mul3A_142 : i32
      %add3A_144 = arith.constant 51 : i32
      %add3A_145 = arith.addi %mul3A_143, %add3A_144 : i32
      %get3A_146 = arith.index_cast %add3A_145 : i32 to index
      %get3A_147 = tpu.vector_load %arg8[%get3A_146] {strides = array<i32>} : memref<3400xf32, #tpu.memory_space<vmem>>, vector<16xf32>,
      %mul3A_148 = arith.constant 136 : i32
      %mul3A_149 = arith.muli %scan3A_124, %mul3A_148 : i32
      %add3A_150 = arith.constant 68 : i32
      %add3A_151 = arith.addi %mul3A_149, %add3A_150 : i32
      %get3A_152 = arith.index_cast %add3A_151 : i32 to index
      %get3A_153 = tpu.vector_load %arg8[%get3A_152] {strides = array<i32>} : memref<3400xf32, #tpu.memory_space<vmem>>, vector<16xf32>,
      %mul3A_154 = arith.constant 136 : i32
      %mul3A_155 = arith.muli %scan3A_124, %mul3A_154 : i32
      %add3A_156 = arith.constant 85 : i32
      %add3A_157 = arith.addi %mul3A_155, %add3A_156 : i32
      %get3A_158 = arith.index_cast %add3A_157 : i32 to index
      %get3A_159 = tpu.vector_load %arg8[%get3A_158] {strides = array<i32>} : memref<3400xf32, #tpu.memory_space<vmem>>, vector<16xf32>,
      %mul3A_160 = arith.constant 136 : i32
      %mul3A_161 = arith.muli %scan3A_124, %mul3A_160 : i32
      %add3A_162 = arith.constant 102 : i32
      %add3A_163 = arith.addi %mul3A_161, %add3A_162 : i32
      %get3A_164 = arith.index_cast %add3A_163 : i32 to index
      %get3A_165 = tpu.vector_load %arg8[%get3A_164] {strides = array<i32>} : memref<3400xf32, #tpu.memory_space<vmem>>, vector<16xf32>,
      %mul3A_166 = arith.constant 136 : i32
      %mul3A_167 = arith.muli %scan3A_124, %mul3A_166 : i32
      %add3A_168 = arith.constant 119 : i32
      %add3A_169 = arith.addi %mul3A_167, %add3A_168 : i32
      %get3A_170 = arith.index_cast %add3A_169 : i32 to index
      %get3A_171 = tpu.vector_load %arg8[%get3A_170] {strides = array<i32>} : memref<3400xf32, #tpu.memory_space<vmem>>, vector<16xf32>,
      %max3A = arith.maximumf %get3A_129, %get3A_135 : vector<16xf32>
      %min3A = arith.minimumf %get3A_129, %get3A_135 : vector<16xf32>
      %max3A_172 = arith.maximumf %get3A_141, %get3A_147 : vector<16xf32>
      %min3A_173 = arith.minimumf %get3A_141, %get3A_147 : vector<16xf32>
      %max3A_174 = arith.maximumf %get3A_153, %get3A_159 : vector<16xf32>
      %min3A_175 = arith.minimumf %get3A_153, %get3A_159 : vector<16xf32>
      %max3A_176 = arith.maximumf %get3A_165, %get3A_171 : vector<16xf32>
      %min3A_177 = arith.minimumf %get3A_165, %get3A_171 : vector<16xf32>
      %max3A_178 = arith.maximumf %max3A, %max3A_172 : vector<16xf32>
      %min3A_179 = arith.minimumf %max3A, %max3A_172 : vector<16xf32>
      %max3A_180 = arith.maximumf %min3A, %min3A_173 : vector<16xf32>
      %min3A_181 = arith.minimumf %min3A, %min3A_173 : vector<16xf32>
      %max3A_182 = arith.maximumf %max3A_174, %max3A_176 : vector<16xf32>
      %min3A_183 = arith.minimumf %max3A_174, %max3A_176 : vector<16xf32>
      %max3A_184 = arith.maximumf %min3A_175, %min3A_177 : vector<16xf32>
      %min3A_185 = arith.minimumf %min3A_175, %min3A_177 : vector<16xf32>
      %max3A_186 = arith.maximumf %max3A_180, %min3A_179 : vector<16xf32>
      %min3A_187 = arith.minimumf %max3A_180, %min3A_179 : vector<16xf32>
      %max3A_188 = arith.maximumf %max3A_184, %min3A_183 : vector<16xf32>
      %min3A_189 = arith.minimumf %max3A_184, %min3A_183 : vector<16xf32>
      %max3A_190 = arith.maximumf %max3A_178, %max3A_182 : vector<16xf32>
      %min3A_191 = arith.minimumf %max3A_178, %max3A_182 : vector<16xf32>
      %max3A_192 = arith.maximumf %min3A_181, %min3A_185 : vector<16xf32>
      %min3A_193 = arith.minimumf %min3A_181, %min3A_185 : vector<16xf32>
      %max3A_194 = arith.maximumf %max3A_186, %max3A_188 : vector<16xf32>
      %min3A_195 = arith.minimumf %max3A_186, %max3A_188 : vector<16xf32>
      %max3A_196 = arith.maximumf %min3A_187, %min3A_189 : vector<16xf32>
      %min3A_197 = arith.minimumf %min3A_187, %min3A_189 : vector<16xf32>
      %max3A_198 = arith.maximumf %max3A_194, %min3A_191 : vector<16xf32>
      %min3A_199 = arith.minimumf %max3A_194, %min3A_191 : vector<16xf32>
      %max3A_200 = arith.maximumf %max3A_192, %min3A_197 : vector<16xf32>
      %min3A_201 = arith.minimumf %max3A_192, %min3A_197 : vector<16xf32>
      %max3A_202 = arith.maximumf %max3A_196, %min3A_199 : vector<16xf32>
      %min3A_203 = arith.minimumf %max3A_196, %min3A_199 : vector<16xf32>
      %max3A_204 = arith.maximumf %max3A_200, %min3A_195 : vector<16xf32>
      %min3A_205 = arith.minimumf %max3A_200, %min3A_195 : vector<16xf32>
      %max3A_206 = arith.maximumf %max3A_204, %min3A_203 : vector<16xf32>
      %min3A_207 = arith.minimumf %max3A_204, %min3A_203 : vector<16xf32>
      %max3A_208 = arith.maximumf %scan3A_122#0, %min3A_193 : vector<16xf32>
      %max3A_209 = arith.maximumf %scan3A_122#1, %min3A_201 : vector<16xf32>
      %max3A_210 = arith.maximumf %scan3A_122#2, %min3A_205 : vector<16xf32>
      %max3A_211 = arith.maximumf %scan3A_122#3, %min3A_207 : vector<16xf32>
      %max3A_212 = arith.maximumf %scan3A_122#4, %max3A_206 : vector<16xf32>
      %max3A_213 = arith.maximumf %scan3A_122#5, %max3A_202 : vector<16xf32>
      %max3A_214 = arith.maximumf %scan3A_122#6, %max3A_198 : vector<16xf32>
      %max3A_215 = arith.maximumf %scan3A_122#7, %max3A_190 : vector<16xf32>
      %max3A_216 = arith.maximumf %max3A_208, %max3A_212 : vector<16xf32>
      %min3A_217 = arith.minimumf %max3A_208, %max3A_212 : vector<16xf32>
      %max3A_218 = arith.maximumf %max3A_209, %max3A_213 : vector<16xf32>
      %min3A_219 = arith.minimumf %max3A_209, %max3A_213 : vector<16xf32>
      %max3A_220 = arith.maximumf %max3A_210, %max3A_214 : vector<16xf32>
      %min3A_221 = arith.minimumf %max3A_210, %max3A_214 : vector<16xf32>
      %max3A_222 = arith.maximumf %max3A_211, %max3A_215 : vector<16xf32>
      %min3A_223 = arith.minimumf %max3A_211, %max3A_215 : vector<16xf32>
      %max3A_224 = arith.maximumf %max3A_216, %max3A_220 : vector<16xf32>
      %min3A_225 = arith.minimumf %max3A_216, %max3A_220 : vector<16xf32>
      %max3A_226 = arith.maximumf %max3A_218, %max3A_222 : vector<16xf32>
      %min3A_227 = arith.minimumf %max3A_218, %max3A_222 : vector<16xf32>
      %max3A_228 = arith.maximumf %min3A_217, %min3A_221 : vector<16xf32>
      %min3A_229 = arith.minimumf %min3A_217, %min3A_221 : vector<16xf32>
      %max3A_230 = arith.maximumf %min3A_219, %min3A_223 : vector<16xf32>
      %min3A_231 = arith.minimumf %min3A_219, %min3A_223 : vector<16xf32>
      %max3A_232 = arith.maximumf %max3A_224, %max3A_226 : vector<16xf32>
      %min3A_233 = arith.minimumf %max3A_224, %max3A_226 : vector<16xf32>
      %max3A_234 = arith.maximumf %min3A_225, %min3A_227 : vector<16xf32>
      %min3A_235 = arith.minimumf %min3A_225, %min3A_227 : vector<16xf32>
      %max3A_236 = arith.maximumf %max3A_228, %max3A_230 : vector<16xf32>
      %min3A_237 = arith.minimumf %max3A_228, %max3A_230 : vector<16xf32>
      %max3A_238 = arith.maximumf %min3A_229, %min3A_231 : vector<16xf32>
      %min3A_239 = arith.minimumf %min3A_229, %min3A_231 : vector<16xf32>
      %scan3A_240 = arith.constant 25 : i32
      %eq3A_241 = arith.constant 0xFF800000 : f32
      %eq3A_242 = vector.broadcast %eq3A_241 : f32 to vector<16xf32>
      %eq3A_243 = arith.cmpf oeq, %max3A_232, %eq3A_242 : vector<16xf32>
      %gt3A = arith.cmpf ogt, %max3A_232, %min3A_239 : vector<16xf32>
      %jit3A_244 = arith.constant 1 : i32
      %jit3A_245 = arith.constant 0 : i32
      %broadcast_in_dim3A_246 = vector.broadcast %jit3A_244 : i32 to vector<16xi32>
      %broadcast_in_dim3A_247 = vector.broadcast %jit3A_245 : i32 to vector<16xi32>
      %select_n3A_248 = arith.select %gt3A, %broadcast_in_dim3A_246, %broadcast_in_dim3A_247 : vector<16xi1>, vector<16xi32>
      %add3A_249 = arith.addi %broadcast_in_dim3A_6, %select_n3A_248 : vector<16xi32>
      %gt3A_250 = arith.cmpf ogt, %min3A_233, %min3A_239 : vector<16xf32>
      %jit3A_251 = arith.constant 1 : i32
      %jit3A_252 = arith.constant 0 : i32
      %broadcast_in_dim3A_253 = vector.broadcast %jit3A_251 : i32 to vector<16xi32>
      %broadcast_in_dim3A_254 = vector.broadcast %jit3A_252 : i32 to vector<16xi32>
      %select_n3A_255 = arith.select %gt3A_250, %broadcast_in_dim3A_253, %broadcast_in_dim3A_254 : vector<16xi1>, vector<16xi32>
      %add3A_256 = arith.addi %add3A_249, %select_n3A_255 : vector<16xi32>
      %gt3A_257 = arith.cmpf ogt, %max3A_234, %min3A_239 : vector<16xf32>
      %jit3A_258 = arith.constant 1 : i32
      %jit3A_259 = arith.constant 0 : i32
      %broadcast_in_dim3A_260 = vector.broadcast %jit3A_258 : i32 to vector<16xi32>
      %broadcast_in_dim3A_261 = vector.broadcast %jit3A_259 : i32 to vector<16xi32>
      %select_n3A_262 = arith.select %gt3A_257, %broadcast_in_dim3A_260, %broadcast_in_dim3A_261 : vector<16xi1>, vector<16xi32>
      %add3A_263 = arith.addi %add3A_256, %select_n3A_262 : vector<16xi32>
      %gt3A_264 = arith.cmpf ogt, %min3A_235, %min3A_239 : vector<16xf32>
      %jit3A_265 = arith.constant 1 : i32
      %jit3A_266 = arith.constant 0 : i32
      %broadcast_in_dim3A_267 = vector.broadcast %jit3A_265 : i32 to vector<16xi32>
      %broadcast_in_dim3A_268 = vector.broadcast %jit3A_266 : i32 to vector<16xi32>
      %select_n3A_269 = arith.select %gt3A_264, %broadcast_in_dim3A_267, %broadcast_in_dim3A_268 : vector<16xi1>, vector<16xi32>
      %add3A_270 = arith.addi %add3A_263, %select_n3A_269 : vector<16xi32>
      %gt3A_271 = arith.cmpf ogt, %max3A_236, %min3A_239 : vector<16xf32>
      %jit3A_272 = arith.constant 1 : i32
      %jit3A_273 = arith.constant 0 : i32
      %broadcast_in_dim3A_274 = vector.broadcast %jit3A_272 : i32 to vector<16xi32>
      %broadcast_in_dim3A_275 = vector.broadcast %jit3A_273 : i32 to vector<16xi32>
      %select_n3A_276 = arith.select %gt3A_271, %broadcast_in_dim3A_274, %broadcast_in_dim3A_275 : vector<16xi1>, vector<16xi32>
      %add3A_277 = arith.addi %add3A_270, %select_n3A_276 : vector<16xi32>
      %gt3A_278 = arith.cmpf ogt, %min3A_237, %min3A_239 : vector<16xf32>
      %jit3A_279 = arith.constant 1 : i32
      %jit3A_280 = arith.constant 0 : i32
      %broadcast_in_dim3A_281 = vector.broadcast %jit3A_279 : i32 to vector<16xi32>
      %broadcast_in_dim3A_282 = vector.broadcast %jit3A_280 : i32 to vector<16xi32>
      %select_n3A_283 = arith.select %gt3A_278, %broadcast_in_dim3A_281, %broadcast_in_dim3A_282 : vector<16xi1>, vector<16xi32>
      %add3A_284 = arith.addi %add3A_277, %select_n3A_283 : vector<16xi32>
      %gt3A_285 = arith.cmpf ogt, %max3A_238, %min3A_239 : vector<16xf32>
      %jit3A_286 = arith.constant 1 : i32
      %jit3A_287 = arith.constant 0 : i32
      %broadcast_in_dim3A_288 = vector.broadcast %jit3A_286 : i32 to vector<16xi32>
      %broadcast_in_dim3A_289 = vector.broadcast %jit3A_287 : i32 to vector<16xi32>
      %select_n3A_290 = arith.select %gt3A_285, %broadcast_in_dim3A_288, %broadcast_in_dim3A_289 : vector<16xi1>, vector<16xi32>
      %add3A_291 = arith.addi %add3A_284, %select_n3A_290 : vector<16xi32>
      %sub3A = arith.constant 8 : i32
      %sub3A_292 = vector.broadcast %sub3A : i32 to vector<16xi32>
      %sub3A_293 = arith.subi %sub3A_292, %add3A_291 : vector<16xi32>
      %jit3A_294 = arith.constant 0 : i32
      %broadcast_in_dim3A_295 = vector.broadcast %jit3A_294 : i32 to vector<16xi32>
      %select_n3A_296 = arith.select %eq3A_243, %broadcast_in_dim3A_295, %sub3A_293 : vector<16xi1>, vector<16xi32>
      %sub3A_297 = arith.subf %max3A_232, %max3A_232 : vector<16xf32>
      %exp3A = math.exp %sub3A_297 : vector<16xf32>
      %add3A_298 = arith.addf %broadcast_in_dim3A_8, %exp3A : vector<16xf32>
      %sub3A_299 = arith.subf %min3A_233, %max3A_232 : vector<16xf32>
      %exp3A_300 = math.exp %sub3A_299 : vector<16xf32>
      %add3A_301 = arith.addf %add3A_298, %exp3A_300 : vector<16xf32>
      %sub3A_302 = arith.subf %max3A_234, %max3A_232 : vector<16xf32>
      %exp3A_303 = math.exp %sub3A_302 : vector<16xf32>
      %add3A_304 = arith.addf %add3A_301, %exp3A_303 : vector<16xf32>
      %sub3A_305 = arith.subf %min3A_235, %max3A_232 : vector<16xf32>
      %exp3A_306 = math.exp %sub3A_305 : vector<16xf32>
      %add3A_307 = arith.addf %add3A_304, %exp3A_306 : vector<16xf32>
      %sub3A_308 = arith.subf %max3A_236, %max3A_232 : vector<16xf32>
      %exp3A_309 = math.exp %sub3A_308 : vector<16xf32>
      %add3A_310 = arith.addf %add3A_307, %exp3A_309 : vector<16xf32>
      %sub3A_311 = arith.subf %min3A_237, %max3A_232 : vector<16xf32>
      %exp3A_312 = math.exp %sub3A_311 : vector<16xf32>
      %add3A_313 = arith.addf %add3A_310, %exp3A_312 : vector<16xf32>
      %sub3A_314 = arith.subf %max3A_238, %max3A_232 : vector<16xf32>
      %exp3A_315 = math.exp %sub3A_314 : vector<16xf32>
      %add3A_316 = arith.addf %add3A_313, %exp3A_315 : vector<16xf32>
      %sub3A_317 = arith.subf %min3A_239, %max3A_232 : vector<16xf32>
      %exp3A_318 = math.exp %sub3A_317 : vector<16xf32>
      %add3A_319 = arith.addf %add3A_316, %exp3A_318 : vector<16xf32>
      %bitcast_convert_type3A = tpu.bitcast %add3A_319 : vector<16xf32> -> vector<16xi32>
      %shift_right_arithmetic3A = arith.constant 23 : i32
      %shift_right_arithmetic3A_320 = vector.broadcast %shift_right_arithmetic3A : i32 to vector<16xi32>
      %shift_right_arithmetic3A_321 = arith.shrsi %bitcast_convert_type3A, %shift_right_arithmetic3A_320 : vector<16xi32>
      %sub3A_322 = arith.constant 127 : i32
      %sub3A_323 = vector.broadcast %sub3A_322 : i32 to vector<16xi32>
      %sub3A_324 = arith.subi %shift_right_arithmetic3A_321, %sub3A_323 : vector<16xi32>
      %convert_element_type3A_325 = arith.sitofp %sub3A_324 : vector<16xi32> to vector<16xf32>
      %and3A_326 = arith.constant 8388607 : i32
      %and3A_327 = vector.broadcast %and3A_326 : i32 to vector<16xi32>
      %and3A_328 = arith.andi %bitcast_convert_type3A, %and3A_327 : vector<16xi32>
      %or3A = arith.constant 1065353216 : i32
      %or3A_329 = vector.broadcast %or3A : i32 to vector<16xi32>
      %or3A_330 = arith.ori %and3A_328, %or3A_329 : vector<16xi32>
      %bitcast_convert_type3A_331 = tpu.bitcast %or3A_330 : vector<16xi32> -> vector<16xf32>
      %sub3A_332 = arith.constant 1.000000e+00 : f32
      %sub3A_333 = vector.broadcast %sub3A_332 : f32 to vector<16xf32>
      %sub3A_334 = arith.subf %bitcast_convert_type3A_331, %sub3A_333 : vector<16xf32>
      %add3A_335 = arith.constant 1.000000e+00 : f32
      %add3A_336 = vector.broadcast %add3A_335 : f32 to vector<16xf32>
      %add3A_337 = arith.addf %bitcast_convert_type3A_331, %add3A_336 : vector<16xf32>
      %div3A = arith.divf %sub3A_334, %add3A_337 : vector<16xf32>
      %mul3A_338 = arith.mulf %div3A, %div3A : vector<16xf32>
      %mul3A_339 = arith.constant 0.0909090936 : f32
      %mul3A_340 = vector.broadcast %mul3A_339 : f32 to vector<16xf32>
      %mul3A_341 = arith.mulf %mul3A_338, %mul3A_340 : vector<16xf32>
      %add3A_342 = arith.constant 0.111111112 : f32
      %add3A_343 = vector.broadcast %add3A_342 : f32 to vector<16xf32>
      %add3A_344 = arith.addf %add3A_343, %mul3A_341 : vector<16xf32>
      %mul3A_345 = arith.mulf %mul3A_338, %add3A_344 : vector<16xf32>
      %add3A_346 = arith.constant 0.142857149 : f32
      %add3A_347 = vector.broadcast %add3A_346 : f32 to vector<16xf32>
      %add3A_348 = arith.addf %add3A_347, %mul3A_345 : vector<16xf32>
      %mul3A_349 = arith.mulf %mul3A_338, %add3A_348 : vector<16xf32>
      %add3A_350 = arith.constant 2.000000e-01 : f32
      %add3A_351 = vector.broadcast %add3A_350 : f32 to vector<16xf32>
      %add3A_352 = arith.addf %add3A_351, %mul3A_349 : vector<16xf32>
      %mul3A_353 = arith.mulf %mul3A_338, %add3A_352 : vector<16xf32>
      %add3A_354 = arith.constant 0.333333343 : f32
      %add3A_355 = vector.broadcast %add3A_354 : f32 to vector<16xf32>
      %add3A_356 = arith.addf %add3A_355, %mul3A_353 : vector<16xf32>
      %mul3A_357 = arith.mulf %mul3A_338, %add3A_356 : vector<16xf32>
      %add3A_358 = arith.constant 1.000000e+00 : f32
      %add3A_359 = vector.broadcast %add3A_358 : f32 to vector<16xf32>
      %add3A_360 = arith.addf %add3A_359, %mul3A_357 : vector<16xf32>
      %mul3A_361 = arith.constant 0.693147182 : f32
      %mul3A_362 = vector.broadcast %mul3A_361 : f32 to vector<16xf32>
      %mul3A_363 = arith.mulf %convert_element_type3A_325, %mul3A_362 : vector<16xf32>
      %mul3A_364 = arith.constant 2.000000e+00 : f32
      %mul3A_365 = vector.broadcast %mul3A_364 : f32 to vector<16xf32>
      %mul3A_366 = arith.mulf %mul3A_365, %div3A : vector<16xf32>
      %mul3A_367 = arith.mulf %mul3A_366, %add3A_360 : vector<16xf32>
      %add3A_368 = arith.addf %mul3A_363, %mul3A_367 : vector<16xf32>
      %add3A_369 = arith.addf %max3A_232, %add3A_368 : vector<16xf32>
      %sub3A_370 = arith.constant 2.07944155 : f32
      %sub3A_371 = vector.broadcast %sub3A_370 : f32 to vector<16xf32>
      %sub3A_372 = arith.subf %add3A_369, %sub3A_371 : vector<16xf32>
      %jit3A_373 = arith.constant 0.000000e+00 : f32
      %broadcast_in_dim3A_374 = vector.broadcast %jit3A_373 : f32 to vector<16xf32>
      %select_n3A_375 = arith.select %eq3A_243, %broadcast_in_dim3A_374, %sub3A_372 : vector<16xi1>, vector<16xf32>
      %mul3A_376 = arith.constant 16 : i32
      %mul3A_377 = arith.muli %scan3A_58, %mul3A_376 : i32
      %add3A_378 = vector.broadcast %mul3A_377 : i32 to vector<16xi32>
      %add3A_379 = arith.addi %add3A_378, %iota3A : vector<16xi32>
      tpu.vector_store_idx %arg10[%add3A_379], %select_n3A_375 : memref<128xf32, #tpu.memory_space<vmem>>[vector<16xi32>], vector<16xf32>,
      %ge3A = arith.constant 2 : i32
      %ge3A_380 = arith.cmpi sge, %scan3A_58, %ge3A : i32
      %convert_element_type3A_381 = arith.extui %ge3A_380 : i1 to i32
      %cond3A_382 = arith.constant 0 : i32
      %cond3A_383 = arith.cmpi ne, %convert_element_type3A_381, %cond3A_382 : i32
      scf.if %cond3A_383 {
        %dma_wait3A_402 = arith.constant 0 : i32
        %dma_wait3A_403 = arith.constant 0 : i32
        %dma_wait3A_404 = tpu.memref_slice %arg9[%select_n3A_67, %dma_wait3A_402, %dma_wait3A_403] : memref<2x200x16xf32, #tpu.memory_space<vmem>> -> memref<1x200x16xf32, #tpu.memory_space<vmem>>
        %dma_wait3A_405 = tpu.memref_squeeze %dma_wait3A_404 : memref<1x200x16xf32, #tpu.memory_space<vmem>> -> memref<200x16xf32, #tpu.memory_space<vmem>>
        %dma_wait3A_406 = arith.constant 0 : i32
        %dma_wait3A_407 = tpu.memref_slice %arg5[%dma_wait3A_406, %add3A_72] : memref<200x4096xf32, #tpu.memory_space<hbm>> -> memref<200x16xf32, #tpu.memory_space<hbm>>
        %dma_wait3A_408 = arith.constant 0 : i32
        %dma_wait3A_409 = tpu.memref_slice %arg5[%dma_wait3A_408, %add3A_72] : memref<200x4096xf32, #tpu.memory_space<hbm>> -> memref<200x16xf32, #tpu.memory_space<hbm>>
        %dma_wait3A_410 = arith.constant 0 : i32
        %dma_wait3A_411 = arith.constant 0 : i32
        %dma_wait3A_412 = tpu.memref_slice %arg9[%select_n3A_67, %dma_wait3A_410, %dma_wait3A_411] : memref<2x200x16xf32, #tpu.memory_space<vmem>> -> memref<1x200x16xf32, #tpu.memory_space<vmem>>
        %dma_wait3A_413 = tpu.memref_squeeze %dma_wait3A_412 : memref<1x200x16xf32, #tpu.memory_space<vmem>> -> memref<200x16xf32, #tpu.memory_space<vmem>>
        tpu.wait_dma2 semaphore(%arg12 : memref<!tpu.dma_semaphore, #tpu.memory_space<semaphore_mem>>) src(%dma_wait3A_413 : memref<200x16xf32, #tpu.memory_space<vmem>>) dst(%dma_wait3A_409 : memref<200x16xf32, #tpu.memory_space<hbm>>)
      } else {
      }
      %scan3A_384 = arith.constant 0 : i32
      %scan3A_385 = arith.constant 200 : i32
      %scan3A_386 = arith.addi %scan3A_384, %scan3A_385 : i32
      %scan3A_387 = arith.constant 8 : i32
      %scan3A_388 = scf.for %scan3A_402 = %scan3A_384 to %scan3A_386 step %scan3A_387 iter_args(%scan3A_403 = %broadcast_in_dim3A_6) -> (vector<16xi32>)  : i32 {
        %mul3A_404 = arith.constant 17 : i32
        %mul3A_405 = arith.muli %scan3A_402, %mul3A_404 : i32
        %get3A_406 = arith.index_cast %mul3A_405 : i32 to index
        %get3A_407 = tpu.vector_load %arg8[%get3A_406] {strides = array<i32>} : memref<3400xf32, #tpu.memory_space<vmem>>, vector<16xf32>,
        %eq3A_408 = arith.cmpf oeq, %get3A_407, %min3A_239 : vector<16xf32>
        %lt3A_409 = arith.cmpi slt, %scan3A_403, %select_n3A_296 : vector<16xi32>
        %and3A_410 = arith.andi %eq3A_408, %lt3A_409 : vector<16xi1>
        %gt3A_411 = arith.cmpf ogt, %get3A_407, %min3A_239 : vector<16xf32>
        %or3A_412 = arith.ori %gt3A_411, %and3A_410 : vector<16xi1>
        %jit3A_413 = arith.constant 1.250000e-01 : f32
        %jit3A_414 = arith.constant 0.000000e+00 : f32
        %broadcast_in_dim3A_415 = vector.broadcast %jit3A_413 : f32 to vector<16xf32>
        %broadcast_in_dim3A_416 = vector.broadcast %jit3A_414 : f32 to vector<16xf32>
        %select_n3A_417 = arith.select %or3A_412, %broadcast_in_dim3A_415, %broadcast_in_dim3A_416 : vector<16xi1>, vector<16xf32>
        %swap3A = arith.index_cast %select_n3A_67 : i32 to index
        %swap3A_418 = arith.index_cast %scan3A_402 : i32 to index
        %swap3A_419 = arith.constant 0 : index
        %swap3A_420 = tpu.vector_load %arg9[%swap3A, %swap3A_418, %swap3A_419] {strides = array<i32>} : memref<2x200x16xf32, #tpu.memory_space<vmem>>, vector<16xf32>,
        tpu.vector_store %arg9[%swap3A, %swap3A_418, %swap3A_419], %select_n3A_417 {strides = array<i32>} : memref<2x200x16xf32, #tpu.memory_space<vmem>>, vector<16xf32>,
        %jit3A_421 = arith.constant 1 : i32
        %jit3A_422 = arith.constant 0 : i32
        %broadcast_in_dim3A_423 = vector.broadcast %jit3A_421 : i32 to vector<16xi32>
        %broadcast_in_dim3A_424 = vector.broadcast %jit3A_422 : i32 to vector<16xi32>
        %select_n3A_425 = arith.select %and3A_410, %broadcast_in_dim3A_423, %broadcast_in_dim3A_424 : vector<16xi1>, vector<16xi32>
        %add3A_426 = arith.addi %scan3A_403, %select_n3A_425 : vector<16xi32>
        %scan3A_427 = arith.constant 1 : i32
        %scan3A_428 = arith.addi %scan3A_402, %scan3A_427 : i32
        %mul3A_429 = arith.constant 17 : i32
        %mul3A_430 = arith.muli %scan3A_428, %mul3A_429 : i32
        %get3A_431 = arith.index_cast %mul3A_430 : i32 to index
        %get3A_432 = tpu.vector_load %arg8[%get3A_431] {strides = array<i32>} : memref<3400xf32, #tpu.memory_space<vmem>>, vector<16xf32>,
        %eq3A_433 = arith.cmpf oeq, %get3A_432, %min3A_239 : vector<16xf32>
        %lt3A_434 = arith.cmpi slt, %add3A_426, %select_n3A_296 : vector<16xi32>
        %and3A_435 = arith.andi %eq3A_433, %lt3A_434 : vector<16xi1>
        %gt3A_436 = arith.cmpf ogt, %get3A_432, %min3A_239 : vector<16xf32>
        %or3A_437 = arith.ori %gt3A_436, %and3A_435 : vector<16xi1>
        %jit3A_438 = arith.constant 1.250000e-01 : f32
        %jit3A_439 = arith.constant 0.000000e+00 : f32
        %broadcast_in_dim3A_440 = vector.broadcast %jit3A_438 : f32 to vector<16xf32>
        %broadcast_in_dim3A_441 = vector.broadcast %jit3A_439 : f32 to vector<16xf32>
        %select_n3A_442 = arith.select %or3A_437, %broadcast_in_dim3A_440, %broadcast_in_dim3A_441 : vector<16xi1>, vector<16xf32>
        %swap3A_443 = arith.index_cast %select_n3A_67 : i32 to index
        %swap3A_444 = arith.index_cast %scan3A_428 : i32 to index
        %swap3A_445 = arith.constant 0 : index
        %swap3A_446 = tpu.vector_load %arg9[%swap3A_443, %swap3A_444, %swap3A_445] {strides = array<i32>} : memref<2x200x16xf32, #tpu.memory_space<vmem>>, vector<16xf32>,
        tpu.vector_store %arg9[%swap3A_443, %swap3A_444, %swap3A_445], %select_n3A_442 {strides = array<i32>} : memref<2x200x16xf32, #tpu.memory_space<vmem>>, vector<16xf32>,
        %jit3A_447 = arith.constant 1 : i32
        %jit3A_448 = arith.constant 0 : i32
        %broadcast_in_dim3A_449 = vector.broadcast %jit3A_447 : i32 to vector<16xi32>
        %broadcast_in_dim3A_450 = vector.broadcast %jit3A_448 : i32 to vector<16xi32>
        %select_n3A_451 = arith.select %and3A_435, %broadcast_in_dim3A_449, %broadcast_in_dim3A_450 : vector<16xi1>, vector<16xi32>
        %add3A_452 = arith.addi %add3A_426, %select_n3A_451 : vector<16xi32>
        %scan3A_453 = arith.constant 2 : i32
        %scan3A_454 = arith.addi %scan3A_402, %scan3A_453 : i32
        %mul3A_455 = arith.constant 17 : i32
        %mul3A_456 = arith.muli %scan3A_454, %mul3A_455 : i32
        %get3A_457 = arith.index_cast %mul3A_456 : i32 to index
        %get3A_458 = tpu.vector_load %arg8[%get3A_457] {strides = array<i32>} : memref<3400xf32, #tpu.memory_space<vmem>>, vector<16xf32>,
        %eq3A_459 = arith.cmpf oeq, %get3A_458, %min3A_239 : vector<16xf32>
        %lt3A_460 = arith.cmpi slt, %add3A_452, %select_n3A_296 : vector<16xi32>
        %and3A_461 = arith.andi %eq3A_459, %lt3A_460 : vector<16xi1>
        %gt3A_462 = arith.cmpf ogt, %get3A_458, %min3A_239 : vector<16xf32>
        %or3A_463 = arith.ori %gt3A_462, %and3A_461 : vector<16xi1>
        %jit3A_464 = arith.constant 1.250000e-01 : f32
        %jit3A_465 = arith.constant 0.000000e+00 : f32
        %broadcast_in_dim3A_466 = vector.broadcast %jit3A_464 : f32 to vector<16xf32>
        %broadcast_in_dim3A_467 = vector.broadcast %jit3A_465 : f32 to vector<16xf32>
        %select_n3A_468 = arith.select %or3A_463, %broadcast_in_dim3A_466, %broadcast_in_dim3A_467 : vector<16xi1>, vector<16xf32>
        %swap3A_469 = arith.index_cast %select_n3A_67 : i32 to index
        %swap3A_470 = arith.index_cast %scan3A_454 : i32 to index
        %swap3A_471 = arith.constant 0 : index
        %swap3A_472 = tpu.vector_load %arg9[%swap3A_469, %swap3A_470, %swap3A_471] {strides = array<i32>} : memref<2x200x16xf32, #tpu.memory_space<vmem>>, vector<16xf32>,
        tpu.vector_store %arg9[%swap3A_469, %swap3A_470, %swap3A_471], %select_n3A_468 {strides = array<i32>} : memref<2x200x16xf32, #tpu.memory_space<vmem>>, vector<16xf32>,
        %jit3A_473 = arith.constant 1 : i32
        %jit3A_474 = arith.constant 0 : i32
        %broadcast_in_dim3A_475 = vector.broadcast %jit3A_473 : i32 to vector<16xi32>
        %broadcast_in_dim3A_476 = vector.broadcast %jit3A_474 : i32 to vector<16xi32>
        %select_n3A_477 = arith.select %and3A_461, %broadcast_in_dim3A_475, %broadcast_in_dim3A_476 : vector<16xi1>, vector<16xi32>
        %add3A_478 = arith.addi %add3A_452, %select_n3A_477 : vector<16xi32>
        %scan3A_479 = arith.constant 3 : i32
        %scan3A_480 = arith.addi %scan3A_402, %scan3A_479 : i32
        %mul3A_481 = arith.constant 17 : i32
        %mul3A_482 = arith.muli %scan3A_480, %mul3A_481 : i32
        %get3A_483 = arith.index_cast %mul3A_482 : i32 to index
        %get3A_484 = tpu.vector_load %arg8[%get3A_483] {strides = array<i32>} : memref<3400xf32, #tpu.memory_space<vmem>>, vector<16xf32>,
        %eq3A_485 = arith.cmpf oeq, %get3A_484, %min3A_239 : vector<16xf32>
        %lt3A_486 = arith.cmpi slt, %add3A_478, %select_n3A_296 : vector<16xi32>
        %and3A_487 = arith.andi %eq3A_485, %lt3A_486 : vector<16xi1>
        %gt3A_488 = arith.cmpf ogt, %get3A_484, %min3A_239 : vector<16xf32>
        %or3A_489 = arith.ori %gt3A_488, %and3A_487 : vector<16xi1>
        %jit3A_490 = arith.constant 1.250000e-01 : f32
        %jit3A_491 = arith.constant 0.000000e+00 : f32
        %broadcast_in_dim3A_492 = vector.broadcast %jit3A_490 : f32 to vector<16xf32>
        %broadcast_in_dim3A_493 = vector.broadcast %jit3A_491 : f32 to vector<16xf32>
        %select_n3A_494 = arith.select %or3A_489, %broadcast_in_dim3A_492, %broadcast_in_dim3A_493 : vector<16xi1>, vector<16xf32>
        %swap3A_495 = arith.index_cast %select_n3A_67 : i32 to index
        %swap3A_496 = arith.index_cast %scan3A_480 : i32 to index
        %swap3A_497 = arith.constant 0 : index
        %swap3A_498 = tpu.vector_load %arg9[%swap3A_495, %swap3A_496, %swap3A_497] {strides = array<i32>} : memref<2x200x16xf32, #tpu.memory_space<vmem>>, vector<16xf32>,
        tpu.vector_store %arg9[%swap3A_495, %swap3A_496, %swap3A_497], %select_n3A_494 {strides = array<i32>} : memref<2x200x16xf32, #tpu.memory_space<vmem>>, vector<16xf32>,
        %jit3A_499 = arith.constant 1 : i32
        %jit3A_500 = arith.constant 0 : i32
        %broadcast_in_dim3A_501 = vector.broadcast %jit3A_499 : i32 to vector<16xi32>
        %broadcast_in_dim3A_502 = vector.broadcast %jit3A_500 : i32 to vector<16xi32>
        %select_n3A_503 = arith.select %and3A_487, %broadcast_in_dim3A_501, %broadcast_in_dim3A_502 : vector<16xi1>, vector<16xi32>
        %add3A_504 = arith.addi %add3A_478, %select_n3A_503 : vector<16xi32>
        %scan3A_505 = arith.constant 4 : i32
        %scan3A_506 = arith.addi %scan3A_402, %scan3A_505 : i32
        %mul3A_507 = arith.constant 17 : i32
        %mul3A_508 = arith.muli %scan3A_506, %mul3A_507 : i32
        %get3A_509 = arith.index_cast %mul3A_508 : i32 to index
        %get3A_510 = tpu.vector_load %arg8[%get3A_509] {strides = array<i32>} : memref<3400xf32, #tpu.memory_space<vmem>>, vector<16xf32>,
        %eq3A_511 = arith.cmpf oeq, %get3A_510, %min3A_239 : vector<16xf32>
        %lt3A_512 = arith.cmpi slt, %add3A_504, %select_n3A_296 : vector<16xi32>
        %and3A_513 = arith.andi %eq3A_511, %lt3A_512 : vector<16xi1>
        %gt3A_514 = arith.cmpf ogt, %get3A_510, %min3A_239 : vector<16xf32>
        %or3A_515 = arith.ori %gt3A_514, %and3A_513 : vector<16xi1>
        %jit3A_516 = arith.constant 1.250000e-01 : f32
        %jit3A_517 = arith.constant 0.000000e+00 : f32
        %broadcast_in_dim3A_518 = vector.broadcast %jit3A_516 : f32 to vector<16xf32>
        %broadcast_in_dim3A_519 = vector.broadcast %jit3A_517 : f32 to vector<16xf32>
        %select_n3A_520 = arith.select %or3A_515, %broadcast_in_dim3A_518, %broadcast_in_dim3A_519 : vector<16xi1>, vector<16xf32>
        %swap3A_521 = arith.index_cast %select_n3A_67 : i32 to index
        %swap3A_522 = arith.index_cast %scan3A_506 : i32 to index
        %swap3A_523 = arith.constant 0 : index
        %swap3A_524 = tpu.vector_load %arg9[%swap3A_521, %swap3A_522, %swap3A_523] {strides = array<i32>} : memref<2x200x16xf32, #tpu.memory_space<vmem>>, vector<16xf32>,
        tpu.vector_store %arg9[%swap3A_521, %swap3A_522, %swap3A_523], %select_n3A_520 {strides = array<i32>} : memref<2x200x16xf32, #tpu.memory_space<vmem>>, vector<16xf32>,
        %jit3A_525 = arith.constant 1 : i32
        %jit3A_526 = arith.constant 0 : i32
        %broadcast_in_dim3A_527 = vector.broadcast %jit3A_525 : i32 to vector<16xi32>
        %broadcast_in_dim3A_528 = vector.broadcast %jit3A_526 : i32 to vector<16xi32>
        %select_n3A_529 = arith.select %and3A_513, %broadcast_in_dim3A_527, %broadcast_in_dim3A_528 : vector<16xi1>, vector<16xi32>
        %add3A_530 = arith.addi %add3A_504, %select_n3A_529 : vector<16xi32>
        %scan3A_531 = arith.constant 5 : i32
        %scan3A_532 = arith.addi %scan3A_402, %scan3A_531 : i32
        %mul3A_533 = arith.constant 17 : i32
        %mul3A_534 = arith.muli %scan3A_532, %mul3A_533 : i32
        %get3A_535 = arith.index_cast %mul3A_534 : i32 to index
        %get3A_536 = tpu.vector_load %arg8[%get3A_535] {strides = array<i32>} : memref<3400xf32, #tpu.memory_space<vmem>>, vector<16xf32>,
        %eq3A_537 = arith.cmpf oeq, %get3A_536, %min3A_239 : vector<16xf32>
        %lt3A_538 = arith.cmpi slt, %add3A_530, %select_n3A_296 : vector<16xi32>
        %and3A_539 = arith.andi %eq3A_537, %lt3A_538 : vector<16xi1>
        %gt3A_540 = arith.cmpf ogt, %get3A_536, %min3A_239 : vector<16xf32>
        %or3A_541 = arith.ori %gt3A_540, %and3A_539 : vector<16xi1>
        %jit3A_542 = arith.constant 1.250000e-01 : f32
        %jit3A_543 = arith.constant 0.000000e+00 : f32
        %broadcast_in_dim3A_544 = vector.broadcast %jit3A_542 : f32 to vector<16xf32>
        %broadcast_in_dim3A_545 = vector.broadcast %jit3A_543 : f32 to vector<16xf32>
        %select_n3A_546 = arith.select %or3A_541, %broadcast_in_dim3A_544, %broadcast_in_dim3A_545 : vector<16xi1>, vector<16xf32>
        %swap3A_547 = arith.index_cast %select_n3A_67 : i32 to index
        %swap3A_548 = arith.index_cast %scan3A_532 : i32 to index
        %swap3A_549 = arith.constant 0 : index
        %swap3A_550 = tpu.vector_load %arg9[%swap3A_547, %swap3A_548, %swap3A_549] {strides = array<i32>} : memref<2x200x16xf32, #tpu.memory_space<vmem>>, vector<16xf32>,
        tpu.vector_store %arg9[%swap3A_547, %swap3A_548, %swap3A_549], %select_n3A_546 {strides = array<i32>} : memref<2x200x16xf32, #tpu.memory_space<vmem>>, vector<16xf32>,
        %jit3A_551 = arith.constant 1 : i32
        %jit3A_552 = arith.constant 0 : i32
        %broadcast_in_dim3A_553 = vector.broadcast %jit3A_551 : i32 to vector<16xi32>
        %broadcast_in_dim3A_554 = vector.broadcast %jit3A_552 : i32 to vector<16xi32>
        %select_n3A_555 = arith.select %and3A_539, %broadcast_in_dim3A_553, %broadcast_in_dim3A_554 : vector<16xi1>, vector<16xi32>
        %add3A_556 = arith.addi %add3A_530, %select_n3A_555 : vector<16xi32>
        %scan3A_557 = arith.constant 6 : i32
        %scan3A_558 = arith.addi %scan3A_402, %scan3A_557 : i32
        %mul3A_559 = arith.constant 17 : i32
        %mul3A_560 = arith.muli %scan3A_558, %mul3A_559 : i32
        %get3A_561 = arith.index_cast %mul3A_560 : i32 to index
        %get3A_562 = tpu.vector_load %arg8[%get3A_561] {strides = array<i32>} : memref<3400xf32, #tpu.memory_space<vmem>>, vector<16xf32>,
        %eq3A_563 = arith.cmpf oeq, %get3A_562, %min3A_239 : vector<16xf32>
        %lt3A_564 = arith.cmpi slt, %add3A_556, %select_n3A_296 : vector<16xi32>
        %and3A_565 = arith.andi %eq3A_563, %lt3A_564 : vector<16xi1>
        %gt3A_566 = arith.cmpf ogt, %get3A_562, %min3A_239 : vector<16xf32>
        %or3A_567 = arith.ori %gt3A_566, %and3A_565 : vector<16xi1>
        %jit3A_568 = arith.constant 1.250000e-01 : f32
        %jit3A_569 = arith.constant 0.000000e+00 : f32
        %broadcast_in_dim3A_570 = vector.broadcast %jit3A_568 : f32 to vector<16xf32>
        %broadcast_in_dim3A_571 = vector.broadcast %jit3A_569 : f32 to vector<16xf32>
        %select_n3A_572 = arith.select %or3A_567, %broadcast_in_dim3A_570, %broadcast_in_dim3A_571 : vector<16xi1>, vector<16xf32>
        %swap3A_573 = arith.index_cast %select_n3A_67 : i32 to index
        %swap3A_574 = arith.index_cast %scan3A_558 : i32 to index
        %swap3A_575 = arith.constant 0 : index
        %swap3A_576 = tpu.vector_load %arg9[%swap3A_573, %swap3A_574, %swap3A_575] {strides = array<i32>} : memref<2x200x16xf32, #tpu.memory_space<vmem>>, vector<16xf32>,
        tpu.vector_store %arg9[%swap3A_573, %swap3A_574, %swap3A_575], %select_n3A_572 {strides = array<i32>} : memref<2x200x16xf32, #tpu.memory_space<vmem>>, vector<16xf32>,
        %jit3A_577 = arith.constant 1 : i32
        %jit3A_578 = arith.constant 0 : i32
        %broadcast_in_dim3A_579 = vector.broadcast %jit3A_577 : i32 to vector<16xi32>
        %broadcast_in_dim3A_580 = vector.broadcast %jit3A_578 : i32 to vector<16xi32>
        %select_n3A_581 = arith.select %and3A_565, %broadcast_in_dim3A_579, %broadcast_in_dim3A_580 : vector<16xi1>, vector<16xi32>
        %add3A_582 = arith.addi %add3A_556, %select_n3A_581 : vector<16xi32>
        %scan3A_583 = arith.constant 7 : i32
        %scan3A_584 = arith.addi %scan3A_402, %scan3A_583 : i32
        %mul3A_585 = arith.constant 17 : i32
        %mul3A_586 = arith.muli %scan3A_584, %mul3A_585 : i32
        %get3A_587 = arith.index_cast %mul3A_586 : i32 to index
        %get3A_588 = tpu.vector_load %arg8[%get3A_587] {strides = array<i32>} : memref<3400xf32, #tpu.memory_space<vmem>>, vector<16xf32>,
        %eq3A_589 = arith.cmpf oeq, %get3A_588, %min3A_239 : vector<16xf32>
        %lt3A_590 = arith.cmpi slt, %add3A_582, %select_n3A_296 : vector<16xi32>
        %and3A_591 = arith.andi %eq3A_589, %lt3A_590 : vector<16xi1>
        %gt3A_592 = arith.cmpf ogt, %get3A_588, %min3A_239 : vector<16xf32>
        %or3A_593 = arith.ori %gt3A_592, %and3A_591 : vector<16xi1>
        %jit3A_594 = arith.constant 1.250000e-01 : f32
        %jit3A_595 = arith.constant 0.000000e+00 : f32
        %broadcast_in_dim3A_596 = vector.broadcast %jit3A_594 : f32 to vector<16xf32>
        %broadcast_in_dim3A_597 = vector.broadcast %jit3A_595 : f32 to vector<16xf32>
        %select_n3A_598 = arith.select %or3A_593, %broadcast_in_dim3A_596, %broadcast_in_dim3A_597 : vector<16xi1>, vector<16xf32>
        %swap3A_599 = arith.index_cast %select_n3A_67 : i32 to index
        %swap3A_600 = arith.index_cast %scan3A_584 : i32 to index
        %swap3A_601 = arith.constant 0 : index
        %swap3A_602 = tpu.vector_load %arg9[%swap3A_599, %swap3A_600, %swap3A_601] {strides = array<i32>} : memref<2x200x16xf32, #tpu.memory_space<vmem>>, vector<16xf32>,
        tpu.vector_store %arg9[%swap3A_599, %swap3A_600, %swap3A_601], %select_n3A_598 {strides = array<i32>} : memref<2x200x16xf32, #tpu.memory_space<vmem>>, vector<16xf32>,
        %jit3A_603 = arith.constant 1 : i32
        %jit3A_604 = arith.constant 0 : i32
        %broadcast_in_dim3A_605 = vector.broadcast %jit3A_603 : i32 to vector<16xi32>
        %broadcast_in_dim3A_606 = vector.broadcast %jit3A_604 : i32 to vector<16xi32>
        %select_n3A_607 = arith.select %and3A_591, %broadcast_in_dim3A_605, %broadcast_in_dim3A_606 : vector<16xi1>, vector<16xi32>
        %add3A_608 = arith.addi %add3A_582, %select_n3A_607 : vector<16xi32>
        scf.yield %add3A_608 : vector<16xi32>
      }
      %scan3A_389 = arith.constant 200 : i32
      %dma_start3A_390 = arith.constant 0 : i32
      %dma_start3A_391 = arith.constant 0 : i32
      %dma_start3A_392 = tpu.memref_slice %arg9[%select_n3A_67, %dma_start3A_390, %dma_start3A_391] : memref<2x200x16xf32, #tpu.memory_space<vmem>> -> memref<1x200x16xf32, #tpu.memory_space<vmem>>
      %dma_start3A_393 = tpu.memref_squeeze %dma_start3A_392 : memref<1x200x16xf32, #tpu.memory_space<vmem>> -> memref<200x16xf32, #tpu.memory_space<vmem>>
      %dma_start3A_394 = arith.constant 0 : i32
      %dma_start3A_395 = tpu.memref_slice %arg5[%dma_start3A_394, %add3A_72] : memref<200x4096xf32, #tpu.memory_space<hbm>> -> memref<200x16xf32, #tpu.memory_space<hbm>>
      %dma_start3A_396 = arith.constant 0 : i32
      %dma_start3A_397 = tpu.memref_slice %arg5[%dma_start3A_396, %add3A_72] : memref<200x4096xf32, #tpu.memory_space<hbm>> -> memref<200x16xf32, #tpu.memory_space<hbm>>
      %dma_start3A_398 = arith.constant 0 : i32
      %dma_start3A_399 = arith.constant 0 : i32
      %dma_start3A_400 = tpu.memref_slice %arg9[%select_n3A_67, %dma_start3A_398, %dma_start3A_399] : memref<2x200x16xf32, #tpu.memory_space<vmem>> -> memref<1x200x16xf32, #tpu.memory_space<vmem>>
      %dma_start3A_401 = tpu.memref_squeeze %dma_start3A_400 : memref<1x200x16xf32, #tpu.memory_space<vmem>> -> memref<200x16xf32, #tpu.memory_space<vmem>>
      tpu.enqueue_dma source(%dma_start3A_401 : memref<200x16xf32, #tpu.memory_space<vmem>>) target(%dma_start3A_397 : memref<200x16xf32, #tpu.memory_space<hbm>>) target_semaphore(%arg12 : memref<!tpu.dma_semaphore, #tpu.memory_space<semaphore_mem>>)
    }
    %scan3A_28 = arith.constant 8 : i32
    %add3A_29 = arith.constant 96 : i32
    %add3A_30 = arith.addi %mul3A_2, %add3A_29 : i32
    %dma_wait3A = arith.constant 0 : i32
    %dma_wait3A_31 = arith.constant 0 : i32
    %dma_wait3A_32 = arith.constant 0 : i32
    %dma_wait3A_33 = tpu.memref_slice %arg9[%dma_wait3A, %dma_wait3A_31, %dma_wait3A_32] : memref<2x200x16xf32, #tpu.memory_space<vmem>> -> memref<1x200x16xf32, #tpu.memory_space<vmem>>
    %dma_wait3A_34 = tpu.memref_squeeze %dma_wait3A_33 : memref<1x200x16xf32, #tpu.memory_space<vmem>> -> memref<200x16xf32, #tpu.memory_space<vmem>>
    %dma_wait3A_35 = arith.constant 0 : i32
    %dma_wait3A_36 = tpu.memref_slice %arg5[%dma_wait3A_35, %add3A_30] : memref<200x4096xf32, #tpu.memory_space<hbm>> -> memref<200x16xf32, #tpu.memory_space<hbm>>
    %dma_wait3A_37 = arith.constant 0 : i32
    %dma_wait3A_38 = tpu.memref_slice %arg5[%dma_wait3A_37, %add3A_30] : memref<200x4096xf32, #tpu.memory_space<hbm>> -> memref<200x16xf32, #tpu.memory_space<hbm>>
    %dma_wait3A_39 = arith.constant 0 : i32
    %dma_wait3A_40 = arith.constant 0 : i32
    %dma_wait3A_41 = tpu.memref_slice %arg9[%dma_wait3A, %dma_wait3A_39, %dma_wait3A_40] : memref<2x200x16xf32, #tpu.memory_space<vmem>> -> memref<1x200x16xf32, #tpu.memory_space<vmem>>
    %dma_wait3A_42 = tpu.memref_squeeze %dma_wait3A_41 : memref<1x200x16xf32, #tpu.memory_space<vmem>> -> memref<200x16xf32, #tpu.memory_space<vmem>>
    tpu.wait_dma2 semaphore(%arg12 : memref<!tpu.dma_semaphore, #tpu.memory_space<semaphore_mem>>) src(%dma_wait3A_42 : memref<200x16xf32, #tpu.memory_space<vmem>>) dst(%dma_wait3A_38 : memref<200x16xf32, #tpu.memory_space<hbm>>)
    %add3A_43 = arith.constant 112 : i32
    %add3A_44 = arith.addi %mul3A_2, %add3A_43 : i32
    %dma_wait3A_45 = arith.constant 1 : i32
    %dma_wait3A_46 = arith.constant 0 : i32
    %dma_wait3A_47 = arith.constant 0 : i32
    %dma_wait3A_48 = tpu.memref_slice %arg9[%dma_wait3A_45, %dma_wait3A_46, %dma_wait3A_47] : memref<2x200x16xf32, #tpu.memory_space<vmem>> -> memref<1x200x16xf32, #tpu.memory_space<vmem>>
    %dma_wait3A_49 = tpu.memref_squeeze %dma_wait3A_48 : memref<1x200x16xf32, #tpu.memory_space<vmem>> -> memref<200x16xf32, #tpu.memory_space<vmem>>
    %dma_wait3A_50 = arith.constant 0 : i32
    %dma_wait3A_51 = tpu.memref_slice %arg5[%dma_wait3A_50, %add3A_44] : memref<200x4096xf32, #tpu.memory_space<hbm>> -> memref<200x16xf32, #tpu.memory_space<hbm>>
    %dma_wait3A_52 = arith.constant 0 : i32
    %dma_wait3A_53 = tpu.memref_slice %arg5[%dma_wait3A_52, %add3A_44] : memref<200x4096xf32, #tpu.memory_space<hbm>> -> memref<200x16xf32, #tpu.memory_space<hbm>>
    %dma_wait3A_54 = arith.constant 0 : i32
    %dma_wait3A_55 = arith.constant 0 : i32
    %dma_wait3A_56 = tpu.memref_slice %arg9[%dma_wait3A_45, %dma_wait3A_54, %dma_wait3A_55] : memref<2x200x16xf32, #tpu.memory_space<vmem>> -> memref<1x200x16xf32, #tpu.memory_space<vmem>>
    %dma_wait3A_57 = tpu.memref_squeeze %dma_wait3A_56 : memref<1x200x16xf32, #tpu.memory_space<vmem>> -> memref<200x16xf32, #tpu.memory_space<vmem>>
    tpu.wait_dma2 semaphore(%arg12 : memref<!tpu.dma_semaphore, #tpu.memory_space<semaphore_mem>>) src(%dma_wait3A_57 : memref<200x16xf32, #tpu.memory_space<vmem>>) dst(%dma_wait3A_53 : memref<200x16xf32, #tpu.memory_space<hbm>>)
    "tpu.region"() ({
      %run_scoped3A = tpu.sem_alloc : memref<!tpu.dma_semaphore, #tpu.memory_space<semaphore_mem>>
      %dma_start3A_58 = tpu.memref_slice %arg4[%mul3A_2] : memref<4096xf32, #tpu.memory_space<hbm>> -> memref<128xf32, #tpu.memory_space<hbm>>
      %dma_start3A_59 = tpu.memref_slice %arg4[%mul3A_2] : memref<4096xf32, #tpu.memory_space<hbm>> -> memref<128xf32, #tpu.memory_space<hbm>>
      tpu.enqueue_dma source(%arg10 : memref<128xf32, #tpu.memory_space<vmem>>) target(%dma_start3A_59 : memref<128xf32, #tpu.memory_space<hbm>>) target_semaphore(%run_scoped3A : memref<!tpu.dma_semaphore, #tpu.memory_space<semaphore_mem>>)
      %dma_wait3A_60 = tpu.memref_slice %arg4[%mul3A_2] : memref<4096xf32, #tpu.memory_space<hbm>> -> memref<128xf32, #tpu.memory_space<hbm>>
      %dma_wait3A_61 = tpu.memref_slice %arg4[%mul3A_2] : memref<4096xf32, #tpu.memory_space<hbm>> -> memref<128xf32, #tpu.memory_space<hbm>>
      tpu.wait_dma2 semaphore(%run_scoped3A : memref<!tpu.dma_semaphore, #tpu.memory_space<semaphore_mem>>) src(%arg10 : memref<128xf32, #tpu.memory_space<vmem>>) dst(%dma_wait3A_61 : memref<128xf32, #tpu.memory_space<hbm>>)
      tpu.yield
    }) : () -> ()
    return
  }
}

module attributes {stable_mosaic.version = 14 : i64} {
  func.func @_tc_pool_kernel(%arg0: i32, %arg1: memref<200x256xf32, #tpu.memory_space<vmem>>, %arg2: memref<200x64x256xf32, #tpu.memory_space<vmem>>, %arg3: memref<64x256xf32, #tpu.memory_space<vmem>>) attributes {dimension_semantics = [#tpu.dimension_semantics<arbitrary>], iteration_bounds = array<i64: 16>, scalar_prefetch = 0 : i64, scratch_operands = 0 : i64, tpu.core_type = #tpu.core_type<tc>, window_params = [{transform_indices = @transform_0, window_bounds = array<i64: 200, 256>}, {transform_indices = @transform_1, window_bounds = array<i64: 200, 64, 256>}, {transform_indices = @transform_2, window_bounds = array<i64: 64, 256>}]} {
    %get3A = arith.constant 0 : index
    %get3A_0 = arith.constant 0 : index
    %get3A_1 = vector.load %arg1[%get3A, %get3A_0] : memref<200x256xf32, #tpu.memory_space<vmem>>, vector<1x256xf32>
    %get3A_2 = vector.shape_cast %get3A_1 : vector<1x256xf32> to vector<256xf32>
    %broadcast_in_dim3A = vector.shape_cast %get3A_2 : vector<256xf32> to vector<1x256xf32>
    %get3A_3 = arith.constant 0 : index
    %get3A_4 = arith.constant 0 : index
    %get3A_5 = arith.constant 0 : index
    %get3A_6 = vector.load %arg2[%get3A_3, %get3A_4, %get3A_5] : memref<200x64x256xf32, #tpu.memory_space<vmem>>, vector<1x64x256xf32>
    %get3A_7 = vector.shape_cast %get3A_6 : vector<1x64x256xf32> to vector<64x256xf32>
    %mul3A = vector.broadcast %broadcast_in_dim3A : vector<1x256xf32> to vector<64x256xf32>
    %mul3A_8 = arith.mulf %mul3A, %get3A_7 : vector<64x256xf32>
    %get3A_9 = arith.constant 1 : index
    %get3A_10 = arith.constant 0 : index
    %get3A_11 = vector.load %arg1[%get3A_9, %get3A_10] : memref<200x256xf32, #tpu.memory_space<vmem>>, vector<1x256xf32>
    %get3A_12 = vector.shape_cast %get3A_11 : vector<1x256xf32> to vector<256xf32>
    %broadcast_in_dim3A_13 = vector.shape_cast %get3A_12 : vector<256xf32> to vector<1x256xf32>
    %get3A_14 = arith.constant 1 : index
    %get3A_15 = arith.constant 0 : index
    %get3A_16 = arith.constant 0 : index
    %get3A_17 = vector.load %arg2[%get3A_14, %get3A_15, %get3A_16] : memref<200x64x256xf32, #tpu.memory_space<vmem>>, vector<1x64x256xf32>
    %get3A_18 = vector.shape_cast %get3A_17 : vector<1x64x256xf32> to vector<64x256xf32>
    %mul3A_19 = vector.broadcast %broadcast_in_dim3A_13 : vector<1x256xf32> to vector<64x256xf32>
    %mul3A_20 = arith.mulf %mul3A_19, %get3A_18 : vector<64x256xf32>
    %add3A = arith.addf %mul3A_8, %mul3A_20 : vector<64x256xf32>
    %get3A_21 = arith.constant 2 : index
    %get3A_22 = arith.constant 0 : index
    %get3A_23 = vector.load %arg1[%get3A_21, %get3A_22] : memref<200x256xf32, #tpu.memory_space<vmem>>, vector<1x256xf32>
    %get3A_24 = vector.shape_cast %get3A_23 : vector<1x256xf32> to vector<256xf32>
    %broadcast_in_dim3A_25 = vector.shape_cast %get3A_24 : vector<256xf32> to vector<1x256xf32>
    %get3A_26 = arith.constant 2 : index
    %get3A_27 = arith.constant 0 : index
    %get3A_28 = arith.constant 0 : index
    %get3A_29 = vector.load %arg2[%get3A_26, %get3A_27, %get3A_28] : memref<200x64x256xf32, #tpu.memory_space<vmem>>, vector<1x64x256xf32>
    %get3A_30 = vector.shape_cast %get3A_29 : vector<1x64x256xf32> to vector<64x256xf32>
    %mul3A_31 = vector.broadcast %broadcast_in_dim3A_25 : vector<1x256xf32> to vector<64x256xf32>
    %mul3A_32 = arith.mulf %mul3A_31, %get3A_30 : vector<64x256xf32>
    %add3A_33 = arith.addf %add3A, %mul3A_32 : vector<64x256xf32>
    %get3A_34 = arith.constant 3 : index
    %get3A_35 = arith.constant 0 : index
    %get3A_36 = vector.load %arg1[%get3A_34, %get3A_35] : memref<200x256xf32, #tpu.memory_space<vmem>>, vector<1x256xf32>
    %get3A_37 = vector.shape_cast %get3A_36 : vector<1x256xf32> to vector<256xf32>
    %broadcast_in_dim3A_38 = vector.shape_cast %get3A_37 : vector<256xf32> to vector<1x256xf32>
    %get3A_39 = arith.constant 3 : index
    %get3A_40 = arith.constant 0 : index
    %get3A_41 = arith.constant 0 : index
    %get3A_42 = vector.load %arg2[%get3A_39, %get3A_40, %get3A_41] : memref<200x64x256xf32, #tpu.memory_space<vmem>>, vector<1x64x256xf32>
    %get3A_43 = vector.shape_cast %get3A_42 : vector<1x64x256xf32> to vector<64x256xf32>
    %mul3A_44 = vector.broadcast %broadcast_in_dim3A_38 : vector<1x256xf32> to vector<64x256xf32>
    %mul3A_45 = arith.mulf %mul3A_44, %get3A_43 : vector<64x256xf32>
    %add3A_46 = arith.addf %add3A_33, %mul3A_45 : vector<64x256xf32>
    %get3A_47 = arith.constant 4 : index
    %get3A_48 = arith.constant 0 : index
    %get3A_49 = vector.load %arg1[%get3A_47, %get3A_48] : memref<200x256xf32, #tpu.memory_space<vmem>>, vector<1x256xf32>
    %get3A_50 = vector.shape_cast %get3A_49 : vector<1x256xf32> to vector<256xf32>
    %broadcast_in_dim3A_51 = vector.shape_cast %get3A_50 : vector<256xf32> to vector<1x256xf32>
    %get3A_52 = arith.constant 4 : index
    %get3A_53 = arith.constant 0 : index
    %get3A_54 = arith.constant 0 : index
    %get3A_55 = vector.load %arg2[%get3A_52, %get3A_53, %get3A_54] : memref<200x64x256xf32, #tpu.memory_space<vmem>>, vector<1x64x256xf32>
    %get3A_56 = vector.shape_cast %get3A_55 : vector<1x64x256xf32> to vector<64x256xf32>
    %mul3A_57 = vector.broadcast %broadcast_in_dim3A_51 : vector<1x256xf32> to vector<64x256xf32>
    %mul3A_58 = arith.mulf %mul3A_57, %get3A_56 : vector<64x256xf32>
    %add3A_59 = arith.addf %add3A_46, %mul3A_58 : vector<64x256xf32>
    %get3A_60 = arith.constant 5 : index
    %get3A_61 = arith.constant 0 : index
    %get3A_62 = vector.load %arg1[%get3A_60, %get3A_61] : memref<200x256xf32, #tpu.memory_space<vmem>>, vector<1x256xf32>
    %get3A_63 = vector.shape_cast %get3A_62 : vector<1x256xf32> to vector<256xf32>
    %broadcast_in_dim3A_64 = vector.shape_cast %get3A_63 : vector<256xf32> to vector<1x256xf32>
    %get3A_65 = arith.constant 5 : index
    %get3A_66 = arith.constant 0 : index
    %get3A_67 = arith.constant 0 : index
    %get3A_68 = vector.load %arg2[%get3A_65, %get3A_66, %get3A_67] : memref<200x64x256xf32, #tpu.memory_space<vmem>>, vector<1x64x256xf32>
    %get3A_69 = vector.shape_cast %get3A_68 : vector<1x64x256xf32> to vector<64x256xf32>
    %mul3A_70 = vector.broadcast %broadcast_in_dim3A_64 : vector<1x256xf32> to vector<64x256xf32>
    %mul3A_71 = arith.mulf %mul3A_70, %get3A_69 : vector<64x256xf32>
    %add3A_72 = arith.addf %add3A_59, %mul3A_71 : vector<64x256xf32>
    %get3A_73 = arith.constant 6 : index
    %get3A_74 = arith.constant 0 : index
    %get3A_75 = vector.load %arg1[%get3A_73, %get3A_74] : memref<200x256xf32, #tpu.memory_space<vmem>>, vector<1x256xf32>
    %get3A_76 = vector.shape_cast %get3A_75 : vector<1x256xf32> to vector<256xf32>
    %broadcast_in_dim3A_77 = vector.shape_cast %get3A_76 : vector<256xf32> to vector<1x256xf32>
    %get3A_78 = arith.constant 6 : index
    %get3A_79 = arith.constant 0 : index
    %get3A_80 = arith.constant 0 : index
    %get3A_81 = vector.load %arg2[%get3A_78, %get3A_79, %get3A_80] : memref<200x64x256xf32, #tpu.memory_space<vmem>>, vector<1x64x256xf32>
    %get3A_82 = vector.shape_cast %get3A_81 : vector<1x64x256xf32> to vector<64x256xf32>
    %mul3A_83 = vector.broadcast %broadcast_in_dim3A_77 : vector<1x256xf32> to vector<64x256xf32>
    %mul3A_84 = arith.mulf %mul3A_83, %get3A_82 : vector<64x256xf32>
    %add3A_85 = arith.addf %add3A_72, %mul3A_84 : vector<64x256xf32>
    %get3A_86 = arith.constant 7 : index
    %get3A_87 = arith.constant 0 : index
    %get3A_88 = vector.load %arg1[%get3A_86, %get3A_87] : memref<200x256xf32, #tpu.memory_space<vmem>>, vector<1x256xf32>
    %get3A_89 = vector.shape_cast %get3A_88 : vector<1x256xf32> to vector<256xf32>
    %broadcast_in_dim3A_90 = vector.shape_cast %get3A_89 : vector<256xf32> to vector<1x256xf32>
    %get3A_91 = arith.constant 7 : index
    %get3A_92 = arith.constant 0 : index
    %get3A_93 = arith.constant 0 : index
    %get3A_94 = vector.load %arg2[%get3A_91, %get3A_92, %get3A_93] : memref<200x64x256xf32, #tpu.memory_space<vmem>>, vector<1x64x256xf32>
    %get3A_95 = vector.shape_cast %get3A_94 : vector<1x64x256xf32> to vector<64x256xf32>
    %mul3A_96 = vector.broadcast %broadcast_in_dim3A_90 : vector<1x256xf32> to vector<64x256xf32>
    %mul3A_97 = arith.mulf %mul3A_96, %get3A_95 : vector<64x256xf32>
    %add3A_98 = arith.addf %add3A_85, %mul3A_97 : vector<64x256xf32>
    %get3A_99 = arith.constant 8 : index
    %get3A_100 = arith.constant 0 : index
    %get3A_101 = vector.load %arg1[%get3A_99, %get3A_100] : memref<200x256xf32, #tpu.memory_space<vmem>>, vector<1x256xf32>
    %get3A_102 = vector.shape_cast %get3A_101 : vector<1x256xf32> to vector<256xf32>
    %broadcast_in_dim3A_103 = vector.shape_cast %get3A_102 : vector<256xf32> to vector<1x256xf32>
    %get3A_104 = arith.constant 8 : index
    %get3A_105 = arith.constant 0 : index
    %get3A_106 = arith.constant 0 : index
    %get3A_107 = vector.load %arg2[%get3A_104, %get3A_105, %get3A_106] : memref<200x64x256xf32, #tpu.memory_space<vmem>>, vector<1x64x256xf32>
    %get3A_108 = vector.shape_cast %get3A_107 : vector<1x64x256xf32> to vector<64x256xf32>
    %mul3A_109 = vector.broadcast %broadcast_in_dim3A_103 : vector<1x256xf32> to vector<64x256xf32>
    %mul3A_110 = arith.mulf %mul3A_109, %get3A_108 : vector<64x256xf32>
    %add3A_111 = arith.addf %add3A_98, %mul3A_110 : vector<64x256xf32>
    %get3A_112 = arith.constant 9 : index
    %get3A_113 = arith.constant 0 : index
    %get3A_114 = vector.load %arg1[%get3A_112, %get3A_113] : memref<200x256xf32, #tpu.memory_space<vmem>>, vector<1x256xf32>
    %get3A_115 = vector.shape_cast %get3A_114 : vector<1x256xf32> to vector<256xf32>
    %broadcast_in_dim3A_116 = vector.shape_cast %get3A_115 : vector<256xf32> to vector<1x256xf32>
    %get3A_117 = arith.constant 9 : index
    %get3A_118 = arith.constant 0 : index
    %get3A_119 = arith.constant 0 : index
    %get3A_120 = vector.load %arg2[%get3A_117, %get3A_118, %get3A_119] : memref<200x64x256xf32, #tpu.memory_space<vmem>>, vector<1x64x256xf32>
    %get3A_121 = vector.shape_cast %get3A_120 : vector<1x64x256xf32> to vector<64x256xf32>
    %mul3A_122 = vector.broadcast %broadcast_in_dim3A_116 : vector<1x256xf32> to vector<64x256xf32>
    %mul3A_123 = arith.mulf %mul3A_122, %get3A_121 : vector<64x256xf32>
    %add3A_124 = arith.addf %add3A_111, %mul3A_123 : vector<64x256xf32>
    %get3A_125 = arith.constant 10 : index
    %get3A_126 = arith.constant 0 : index
    %get3A_127 = vector.load %arg1[%get3A_125, %get3A_126] : memref<200x256xf32, #tpu.memory_space<vmem>>, vector<1x256xf32>
    %get3A_128 = vector.shape_cast %get3A_127 : vector<1x256xf32> to vector<256xf32>
    %broadcast_in_dim3A_129 = vector.shape_cast %get3A_128 : vector<256xf32> to vector<1x256xf32>
    %get3A_130 = arith.constant 10 : index
    %get3A_131 = arith.constant 0 : index
    %get3A_132 = arith.constant 0 : index
    %get3A_133 = vector.load %arg2[%get3A_130, %get3A_131, %get3A_132] : memref<200x64x256xf32, #tpu.memory_space<vmem>>, vector<1x64x256xf32>
    %get3A_134 = vector.shape_cast %get3A_133 : vector<1x64x256xf32> to vector<64x256xf32>
    %mul3A_135 = vector.broadcast %broadcast_in_dim3A_129 : vector<1x256xf32> to vector<64x256xf32>
    %mul3A_136 = arith.mulf %mul3A_135, %get3A_134 : vector<64x256xf32>
    %add3A_137 = arith.addf %add3A_124, %mul3A_136 : vector<64x256xf32>
    %get3A_138 = arith.constant 11 : index
    %get3A_139 = arith.constant 0 : index
    %get3A_140 = vector.load %arg1[%get3A_138, %get3A_139] : memref<200x256xf32, #tpu.memory_space<vmem>>, vector<1x256xf32>
    %get3A_141 = vector.shape_cast %get3A_140 : vector<1x256xf32> to vector<256xf32>
    %broadcast_in_dim3A_142 = vector.shape_cast %get3A_141 : vector<256xf32> to vector<1x256xf32>
    %get3A_143 = arith.constant 11 : index
    %get3A_144 = arith.constant 0 : index
    %get3A_145 = arith.constant 0 : index
    %get3A_146 = vector.load %arg2[%get3A_143, %get3A_144, %get3A_145] : memref<200x64x256xf32, #tpu.memory_space<vmem>>, vector<1x64x256xf32>
    %get3A_147 = vector.shape_cast %get3A_146 : vector<1x64x256xf32> to vector<64x256xf32>
    %mul3A_148 = vector.broadcast %broadcast_in_dim3A_142 : vector<1x256xf32> to vector<64x256xf32>
    %mul3A_149 = arith.mulf %mul3A_148, %get3A_147 : vector<64x256xf32>
    %add3A_150 = arith.addf %add3A_137, %mul3A_149 : vector<64x256xf32>
    %get3A_151 = arith.constant 12 : index
    %get3A_152 = arith.constant 0 : index
    %get3A_153 = vector.load %arg1[%get3A_151, %get3A_152] : memref<200x256xf32, #tpu.memory_space<vmem>>, vector<1x256xf32>
    %get3A_154 = vector.shape_cast %get3A_153 : vector<1x256xf32> to vector<256xf32>
    %broadcast_in_dim3A_155 = vector.shape_cast %get3A_154 : vector<256xf32> to vector<1x256xf32>
    %get3A_156 = arith.constant 12 : index
    %get3A_157 = arith.constant 0 : index
    %get3A_158 = arith.constant 0 : index
    %get3A_159 = vector.load %arg2[%get3A_156, %get3A_157, %get3A_158] : memref<200x64x256xf32, #tpu.memory_space<vmem>>, vector<1x64x256xf32>
    %get3A_160 = vector.shape_cast %get3A_159 : vector<1x64x256xf32> to vector<64x256xf32>
    %mul3A_161 = vector.broadcast %broadcast_in_dim3A_155 : vector<1x256xf32> to vector<64x256xf32>
    %mul3A_162 = arith.mulf %mul3A_161, %get3A_160 : vector<64x256xf32>
    %add3A_163 = arith.addf %add3A_150, %mul3A_162 : vector<64x256xf32>
    %get3A_164 = arith.constant 13 : index
    %get3A_165 = arith.constant 0 : index
    %get3A_166 = vector.load %arg1[%get3A_164, %get3A_165] : memref<200x256xf32, #tpu.memory_space<vmem>>, vector<1x256xf32>
    %get3A_167 = vector.shape_cast %get3A_166 : vector<1x256xf32> to vector<256xf32>
    %broadcast_in_dim3A_168 = vector.shape_cast %get3A_167 : vector<256xf32> to vector<1x256xf32>
    %get3A_169 = arith.constant 13 : index
    %get3A_170 = arith.constant 0 : index
    %get3A_171 = arith.constant 0 : index
    %get3A_172 = vector.load %arg2[%get3A_169, %get3A_170, %get3A_171] : memref<200x64x256xf32, #tpu.memory_space<vmem>>, vector<1x64x256xf32>
    %get3A_173 = vector.shape_cast %get3A_172 : vector<1x64x256xf32> to vector<64x256xf32>
    %mul3A_174 = vector.broadcast %broadcast_in_dim3A_168 : vector<1x256xf32> to vector<64x256xf32>
    %mul3A_175 = arith.mulf %mul3A_174, %get3A_173 : vector<64x256xf32>
    %add3A_176 = arith.addf %add3A_163, %mul3A_175 : vector<64x256xf32>
    %get3A_177 = arith.constant 14 : index
    %get3A_178 = arith.constant 0 : index
    %get3A_179 = vector.load %arg1[%get3A_177, %get3A_178] : memref<200x256xf32, #tpu.memory_space<vmem>>, vector<1x256xf32>
    %get3A_180 = vector.shape_cast %get3A_179 : vector<1x256xf32> to vector<256xf32>
    %broadcast_in_dim3A_181 = vector.shape_cast %get3A_180 : vector<256xf32> to vector<1x256xf32>
    %get3A_182 = arith.constant 14 : index
    %get3A_183 = arith.constant 0 : index
    %get3A_184 = arith.constant 0 : index
    %get3A_185 = vector.load %arg2[%get3A_182, %get3A_183, %get3A_184] : memref<200x64x256xf32, #tpu.memory_space<vmem>>, vector<1x64x256xf32>
    %get3A_186 = vector.shape_cast %get3A_185 : vector<1x64x256xf32> to vector<64x256xf32>
    %mul3A_187 = vector.broadcast %broadcast_in_dim3A_181 : vector<1x256xf32> to vector<64x256xf32>
    %mul3A_188 = arith.mulf %mul3A_187, %get3A_186 : vector<64x256xf32>
    %add3A_189 = arith.addf %add3A_176, %mul3A_188 : vector<64x256xf32>
    %get3A_190 = arith.constant 15 : index
    %get3A_191 = arith.constant 0 : index
    %get3A_192 = vector.load %arg1[%get3A_190, %get3A_191] : memref<200x256xf32, #tpu.memory_space<vmem>>, vector<1x256xf32>
    %get3A_193 = vector.shape_cast %get3A_192 : vector<1x256xf32> to vector<256xf32>
    %broadcast_in_dim3A_194 = vector.shape_cast %get3A_193 : vector<256xf32> to vector<1x256xf32>
    %get3A_195 = arith.constant 15 : index
    %get3A_196 = arith.constant 0 : index
    %get3A_197 = arith.constant 0 : index
    %get3A_198 = vector.load %arg2[%get3A_195, %get3A_196, %get3A_197] : memref<200x64x256xf32, #tpu.memory_space<vmem>>, vector<1x64x256xf32>
    %get3A_199 = vector.shape_cast %get3A_198 : vector<1x64x256xf32> to vector<64x256xf32>
    %mul3A_200 = vector.broadcast %broadcast_in_dim3A_194 : vector<1x256xf32> to vector<64x256xf32>
    %mul3A_201 = arith.mulf %mul3A_200, %get3A_199 : vector<64x256xf32>
    %add3A_202 = arith.addf %add3A_189, %mul3A_201 : vector<64x256xf32>
    %get3A_203 = arith.constant 16 : index
    %get3A_204 = arith.constant 0 : index
    %get3A_205 = vector.load %arg1[%get3A_203, %get3A_204] : memref<200x256xf32, #tpu.memory_space<vmem>>, vector<1x256xf32>
    %get3A_206 = vector.shape_cast %get3A_205 : vector<1x256xf32> to vector<256xf32>
    %broadcast_in_dim3A_207 = vector.shape_cast %get3A_206 : vector<256xf32> to vector<1x256xf32>
    %get3A_208 = arith.constant 16 : index
    %get3A_209 = arith.constant 0 : index
    %get3A_210 = arith.constant 0 : index
    %get3A_211 = vector.load %arg2[%get3A_208, %get3A_209, %get3A_210] : memref<200x64x256xf32, #tpu.memory_space<vmem>>, vector<1x64x256xf32>
    %get3A_212 = vector.shape_cast %get3A_211 : vector<1x64x256xf32> to vector<64x256xf32>
    %mul3A_213 = vector.broadcast %broadcast_in_dim3A_207 : vector<1x256xf32> to vector<64x256xf32>
    %mul3A_214 = arith.mulf %mul3A_213, %get3A_212 : vector<64x256xf32>
    %add3A_215 = arith.addf %add3A_202, %mul3A_214 : vector<64x256xf32>
    %get3A_216 = arith.constant 17 : index
    %get3A_217 = arith.constant 0 : index
    %get3A_218 = vector.load %arg1[%get3A_216, %get3A_217] : memref<200x256xf32, #tpu.memory_space<vmem>>, vector<1x256xf32>
    %get3A_219 = vector.shape_cast %get3A_218 : vector<1x256xf32> to vector<256xf32>
    %broadcast_in_dim3A_220 = vector.shape_cast %get3A_219 : vector<256xf32> to vector<1x256xf32>
    %get3A_221 = arith.constant 17 : index
    %get3A_222 = arith.constant 0 : index
    %get3A_223 = arith.constant 0 : index
    %get3A_224 = vector.load %arg2[%get3A_221, %get3A_222, %get3A_223] : memref<200x64x256xf32, #tpu.memory_space<vmem>>, vector<1x64x256xf32>
    %get3A_225 = vector.shape_cast %get3A_224 : vector<1x64x256xf32> to vector<64x256xf32>
    %mul3A_226 = vector.broadcast %broadcast_in_dim3A_220 : vector<1x256xf32> to vector<64x256xf32>
    %mul3A_227 = arith.mulf %mul3A_226, %get3A_225 : vector<64x256xf32>
    %add3A_228 = arith.addf %add3A_215, %mul3A_227 : vector<64x256xf32>
    %get3A_229 = arith.constant 18 : index
    %get3A_230 = arith.constant 0 : index
    %get3A_231 = vector.load %arg1[%get3A_229, %get3A_230] : memref<200x256xf32, #tpu.memory_space<vmem>>, vector<1x256xf32>
    %get3A_232 = vector.shape_cast %get3A_231 : vector<1x256xf32> to vector<256xf32>
    %broadcast_in_dim3A_233 = vector.shape_cast %get3A_232 : vector<256xf32> to vector<1x256xf32>
    %get3A_234 = arith.constant 18 : index
    %get3A_235 = arith.constant 0 : index
    %get3A_236 = arith.constant 0 : index
    %get3A_237 = vector.load %arg2[%get3A_234, %get3A_235, %get3A_236] : memref<200x64x256xf32, #tpu.memory_space<vmem>>, vector<1x64x256xf32>
    %get3A_238 = vector.shape_cast %get3A_237 : vector<1x64x256xf32> to vector<64x256xf32>
    %mul3A_239 = vector.broadcast %broadcast_in_dim3A_233 : vector<1x256xf32> to vector<64x256xf32>
    %mul3A_240 = arith.mulf %mul3A_239, %get3A_238 : vector<64x256xf32>
    %add3A_241 = arith.addf %add3A_228, %mul3A_240 : vector<64x256xf32>
    %get3A_242 = arith.constant 19 : index
    %get3A_243 = arith.constant 0 : index
    %get3A_244 = vector.load %arg1[%get3A_242, %get3A_243] : memref<200x256xf32, #tpu.memory_space<vmem>>, vector<1x256xf32>
    %get3A_245 = vector.shape_cast %get3A_244 : vector<1x256xf32> to vector<256xf32>
    %broadcast_in_dim3A_246 = vector.shape_cast %get3A_245 : vector<256xf32> to vector<1x256xf32>
    %get3A_247 = arith.constant 19 : index
    %get3A_248 = arith.constant 0 : index
    %get3A_249 = arith.constant 0 : index
    %get3A_250 = vector.load %arg2[%get3A_247, %get3A_248, %get3A_249] : memref<200x64x256xf32, #tpu.memory_space<vmem>>, vector<1x64x256xf32>
    %get3A_251 = vector.shape_cast %get3A_250 : vector<1x64x256xf32> to vector<64x256xf32>
    %mul3A_252 = vector.broadcast %broadcast_in_dim3A_246 : vector<1x256xf32> to vector<64x256xf32>
    %mul3A_253 = arith.mulf %mul3A_252, %get3A_251 : vector<64x256xf32>
    %add3A_254 = arith.addf %add3A_241, %mul3A_253 : vector<64x256xf32>
    %get3A_255 = arith.constant 20 : index
    %get3A_256 = arith.constant 0 : index
    %get3A_257 = vector.load %arg1[%get3A_255, %get3A_256] : memref<200x256xf32, #tpu.memory_space<vmem>>, vector<1x256xf32>
    %get3A_258 = vector.shape_cast %get3A_257 : vector<1x256xf32> to vector<256xf32>
    %broadcast_in_dim3A_259 = vector.shape_cast %get3A_258 : vector<256xf32> to vector<1x256xf32>
    %get3A_260 = arith.constant 20 : index
    %get3A_261 = arith.constant 0 : index
    %get3A_262 = arith.constant 0 : index
    %get3A_263 = vector.load %arg2[%get3A_260, %get3A_261, %get3A_262] : memref<200x64x256xf32, #tpu.memory_space<vmem>>, vector<1x64x256xf32>
    %get3A_264 = vector.shape_cast %get3A_263 : vector<1x64x256xf32> to vector<64x256xf32>
    %mul3A_265 = vector.broadcast %broadcast_in_dim3A_259 : vector<1x256xf32> to vector<64x256xf32>
    %mul3A_266 = arith.mulf %mul3A_265, %get3A_264 : vector<64x256xf32>
    %add3A_267 = arith.addf %add3A_254, %mul3A_266 : vector<64x256xf32>
    %get3A_268 = arith.constant 21 : index
    %get3A_269 = arith.constant 0 : index
    %get3A_270 = vector.load %arg1[%get3A_268, %get3A_269] : memref<200x256xf32, #tpu.memory_space<vmem>>, vector<1x256xf32>
    %get3A_271 = vector.shape_cast %get3A_270 : vector<1x256xf32> to vector<256xf32>
    %broadcast_in_dim3A_272 = vector.shape_cast %get3A_271 : vector<256xf32> to vector<1x256xf32>
    %get3A_273 = arith.constant 21 : index
    %get3A_274 = arith.constant 0 : index
    %get3A_275 = arith.constant 0 : index
    %get3A_276 = vector.load %arg2[%get3A_273, %get3A_274, %get3A_275] : memref<200x64x256xf32, #tpu.memory_space<vmem>>, vector<1x64x256xf32>
    %get3A_277 = vector.shape_cast %get3A_276 : vector<1x64x256xf32> to vector<64x256xf32>
    %mul3A_278 = vector.broadcast %broadcast_in_dim3A_272 : vector<1x256xf32> to vector<64x256xf32>
    %mul3A_279 = arith.mulf %mul3A_278, %get3A_277 : vector<64x256xf32>
    %add3A_280 = arith.addf %add3A_267, %mul3A_279 : vector<64x256xf32>
    %get3A_281 = arith.constant 22 : index
    %get3A_282 = arith.constant 0 : index
    %get3A_283 = vector.load %arg1[%get3A_281, %get3A_282] : memref<200x256xf32, #tpu.memory_space<vmem>>, vector<1x256xf32>
    %get3A_284 = vector.shape_cast %get3A_283 : vector<1x256xf32> to vector<256xf32>
    %broadcast_in_dim3A_285 = vector.shape_cast %get3A_284 : vector<256xf32> to vector<1x256xf32>
    %get3A_286 = arith.constant 22 : index
    %get3A_287 = arith.constant 0 : index
    %get3A_288 = arith.constant 0 : index
    %get3A_289 = vector.load %arg2[%get3A_286, %get3A_287, %get3A_288] : memref<200x64x256xf32, #tpu.memory_space<vmem>>, vector<1x64x256xf32>
    %get3A_290 = vector.shape_cast %get3A_289 : vector<1x64x256xf32> to vector<64x256xf32>
    %mul3A_291 = vector.broadcast %broadcast_in_dim3A_285 : vector<1x256xf32> to vector<64x256xf32>
    %mul3A_292 = arith.mulf %mul3A_291, %get3A_290 : vector<64x256xf32>
    %add3A_293 = arith.addf %add3A_280, %mul3A_292 : vector<64x256xf32>
    %get3A_294 = arith.constant 23 : index
    %get3A_295 = arith.constant 0 : index
    %get3A_296 = vector.load %arg1[%get3A_294, %get3A_295] : memref<200x256xf32, #tpu.memory_space<vmem>>, vector<1x256xf32>
    %get3A_297 = vector.shape_cast %get3A_296 : vector<1x256xf32> to vector<256xf32>
    %broadcast_in_dim3A_298 = vector.shape_cast %get3A_297 : vector<256xf32> to vector<1x256xf32>
    %get3A_299 = arith.constant 23 : index
    %get3A_300 = arith.constant 0 : index
    %get3A_301 = arith.constant 0 : index
    %get3A_302 = vector.load %arg2[%get3A_299, %get3A_300, %get3A_301] : memref<200x64x256xf32, #tpu.memory_space<vmem>>, vector<1x64x256xf32>
    %get3A_303 = vector.shape_cast %get3A_302 : vector<1x64x256xf32> to vector<64x256xf32>
    %mul3A_304 = vector.broadcast %broadcast_in_dim3A_298 : vector<1x256xf32> to vector<64x256xf32>
    %mul3A_305 = arith.mulf %mul3A_304, %get3A_303 : vector<64x256xf32>
    %add3A_306 = arith.addf %add3A_293, %mul3A_305 : vector<64x256xf32>
    %get3A_307 = arith.constant 24 : index
    %get3A_308 = arith.constant 0 : index
    %get3A_309 = vector.load %arg1[%get3A_307, %get3A_308] : memref<200x256xf32, #tpu.memory_space<vmem>>, vector<1x256xf32>
    %get3A_310 = vector.shape_cast %get3A_309 : vector<1x256xf32> to vector<256xf32>
    %broadcast_in_dim3A_311 = vector.shape_cast %get3A_310 : vector<256xf32> to vector<1x256xf32>
    %get3A_312 = arith.constant 24 : index
    %get3A_313 = arith.constant 0 : index
    %get3A_314 = arith.constant 0 : index
    %get3A_315 = vector.load %arg2[%get3A_312, %get3A_313, %get3A_314] : memref<200x64x256xf32, #tpu.memory_space<vmem>>, vector<1x64x256xf32>
    %get3A_316 = vector.shape_cast %get3A_315 : vector<1x64x256xf32> to vector<64x256xf32>
    %mul3A_317 = vector.broadcast %broadcast_in_dim3A_311 : vector<1x256xf32> to vector<64x256xf32>
    %mul3A_318 = arith.mulf %mul3A_317, %get3A_316 : vector<64x256xf32>
    %add3A_319 = arith.addf %add3A_306, %mul3A_318 : vector<64x256xf32>
    %get3A_320 = arith.constant 25 : index
    %get3A_321 = arith.constant 0 : index
    %get3A_322 = vector.load %arg1[%get3A_320, %get3A_321] : memref<200x256xf32, #tpu.memory_space<vmem>>, vector<1x256xf32>
    %get3A_323 = vector.shape_cast %get3A_322 : vector<1x256xf32> to vector<256xf32>
    %broadcast_in_dim3A_324 = vector.shape_cast %get3A_323 : vector<256xf32> to vector<1x256xf32>
    %get3A_325 = arith.constant 25 : index
    %get3A_326 = arith.constant 0 : index
    %get3A_327 = arith.constant 0 : index
    %get3A_328 = vector.load %arg2[%get3A_325, %get3A_326, %get3A_327] : memref<200x64x256xf32, #tpu.memory_space<vmem>>, vector<1x64x256xf32>
    %get3A_329 = vector.shape_cast %get3A_328 : vector<1x64x256xf32> to vector<64x256xf32>
    %mul3A_330 = vector.broadcast %broadcast_in_dim3A_324 : vector<1x256xf32> to vector<64x256xf32>
    %mul3A_331 = arith.mulf %mul3A_330, %get3A_329 : vector<64x256xf32>
    %add3A_332 = arith.addf %add3A_319, %mul3A_331 : vector<64x256xf32>
    %get3A_333 = arith.constant 26 : index
    %get3A_334 = arith.constant 0 : index
    %get3A_335 = vector.load %arg1[%get3A_333, %get3A_334] : memref<200x256xf32, #tpu.memory_space<vmem>>, vector<1x256xf32>
    %get3A_336 = vector.shape_cast %get3A_335 : vector<1x256xf32> to vector<256xf32>
    %broadcast_in_dim3A_337 = vector.shape_cast %get3A_336 : vector<256xf32> to vector<1x256xf32>
    %get3A_338 = arith.constant 26 : index
    %get3A_339 = arith.constant 0 : index
    %get3A_340 = arith.constant 0 : index
    %get3A_341 = vector.load %arg2[%get3A_338, %get3A_339, %get3A_340] : memref<200x64x256xf32, #tpu.memory_space<vmem>>, vector<1x64x256xf32>
    %get3A_342 = vector.shape_cast %get3A_341 : vector<1x64x256xf32> to vector<64x256xf32>
    %mul3A_343 = vector.broadcast %broadcast_in_dim3A_337 : vector<1x256xf32> to vector<64x256xf32>
    %mul3A_344 = arith.mulf %mul3A_343, %get3A_342 : vector<64x256xf32>
    %add3A_345 = arith.addf %add3A_332, %mul3A_344 : vector<64x256xf32>
    %get3A_346 = arith.constant 27 : index
    %get3A_347 = arith.constant 0 : index
    %get3A_348 = vector.load %arg1[%get3A_346, %get3A_347] : memref<200x256xf32, #tpu.memory_space<vmem>>, vector<1x256xf32>
    %get3A_349 = vector.shape_cast %get3A_348 : vector<1x256xf32> to vector<256xf32>
    %broadcast_in_dim3A_350 = vector.shape_cast %get3A_349 : vector<256xf32> to vector<1x256xf32>
    %get3A_351 = arith.constant 27 : index
    %get3A_352 = arith.constant 0 : index
    %get3A_353 = arith.constant 0 : index
    %get3A_354 = vector.load %arg2[%get3A_351, %get3A_352, %get3A_353] : memref<200x64x256xf32, #tpu.memory_space<vmem>>, vector<1x64x256xf32>
    %get3A_355 = vector.shape_cast %get3A_354 : vector<1x64x256xf32> to vector<64x256xf32>
    %mul3A_356 = vector.broadcast %broadcast_in_dim3A_350 : vector<1x256xf32> to vector<64x256xf32>
    %mul3A_357 = arith.mulf %mul3A_356, %get3A_355 : vector<64x256xf32>
    %add3A_358 = arith.addf %add3A_345, %mul3A_357 : vector<64x256xf32>
    %get3A_359 = arith.constant 28 : index
    %get3A_360 = arith.constant 0 : index
    %get3A_361 = vector.load %arg1[%get3A_359, %get3A_360] : memref<200x256xf32, #tpu.memory_space<vmem>>, vector<1x256xf32>
    %get3A_362 = vector.shape_cast %get3A_361 : vector<1x256xf32> to vector<256xf32>
    %broadcast_in_dim3A_363 = vector.shape_cast %get3A_362 : vector<256xf32> to vector<1x256xf32>
    %get3A_364 = arith.constant 28 : index
    %get3A_365 = arith.constant 0 : index
    %get3A_366 = arith.constant 0 : index
    %get3A_367 = vector.load %arg2[%get3A_364, %get3A_365, %get3A_366] : memref<200x64x256xf32, #tpu.memory_space<vmem>>, vector<1x64x256xf32>
    %get3A_368 = vector.shape_cast %get3A_367 : vector<1x64x256xf32> to vector<64x256xf32>
    %mul3A_369 = vector.broadcast %broadcast_in_dim3A_363 : vector<1x256xf32> to vector<64x256xf32>
    %mul3A_370 = arith.mulf %mul3A_369, %get3A_368 : vector<64x256xf32>
    %add3A_371 = arith.addf %add3A_358, %mul3A_370 : vector<64x256xf32>
    %get3A_372 = arith.constant 29 : index
    %get3A_373 = arith.constant 0 : index
    %get3A_374 = vector.load %arg1[%get3A_372, %get3A_373] : memref<200x256xf32, #tpu.memory_space<vmem>>, vector<1x256xf32>
    %get3A_375 = vector.shape_cast %get3A_374 : vector<1x256xf32> to vector<256xf32>
    %broadcast_in_dim3A_376 = vector.shape_cast %get3A_375 : vector<256xf32> to vector<1x256xf32>
    %get3A_377 = arith.constant 29 : index
    %get3A_378 = arith.constant 0 : index
    %get3A_379 = arith.constant 0 : index
    %get3A_380 = vector.load %arg2[%get3A_377, %get3A_378, %get3A_379] : memref<200x64x256xf32, #tpu.memory_space<vmem>>, vector<1x64x256xf32>
    %get3A_381 = vector.shape_cast %get3A_380 : vector<1x64x256xf32> to vector<64x256xf32>
    %mul3A_382 = vector.broadcast %broadcast_in_dim3A_376 : vector<1x256xf32> to vector<64x256xf32>
    %mul3A_383 = arith.mulf %mul3A_382, %get3A_381 : vector<64x256xf32>
    %add3A_384 = arith.addf %add3A_371, %mul3A_383 : vector<64x256xf32>
    %get3A_385 = arith.constant 30 : index
    %get3A_386 = arith.constant 0 : index
    %get3A_387 = vector.load %arg1[%get3A_385, %get3A_386] : memref<200x256xf32, #tpu.memory_space<vmem>>, vector<1x256xf32>
    %get3A_388 = vector.shape_cast %get3A_387 : vector<1x256xf32> to vector<256xf32>
    %broadcast_in_dim3A_389 = vector.shape_cast %get3A_388 : vector<256xf32> to vector<1x256xf32>
    %get3A_390 = arith.constant 30 : index
    %get3A_391 = arith.constant 0 : index
    %get3A_392 = arith.constant 0 : index
    %get3A_393 = vector.load %arg2[%get3A_390, %get3A_391, %get3A_392] : memref<200x64x256xf32, #tpu.memory_space<vmem>>, vector<1x64x256xf32>
    %get3A_394 = vector.shape_cast %get3A_393 : vector<1x64x256xf32> to vector<64x256xf32>
    %mul3A_395 = vector.broadcast %broadcast_in_dim3A_389 : vector<1x256xf32> to vector<64x256xf32>
    %mul3A_396 = arith.mulf %mul3A_395, %get3A_394 : vector<64x256xf32>
    %add3A_397 = arith.addf %add3A_384, %mul3A_396 : vector<64x256xf32>
    %get3A_398 = arith.constant 31 : index
    %get3A_399 = arith.constant 0 : index
    %get3A_400 = vector.load %arg1[%get3A_398, %get3A_399] : memref<200x256xf32, #tpu.memory_space<vmem>>, vector<1x256xf32>
    %get3A_401 = vector.shape_cast %get3A_400 : vector<1x256xf32> to vector<256xf32>
    %broadcast_in_dim3A_402 = vector.shape_cast %get3A_401 : vector<256xf32> to vector<1x256xf32>
    %get3A_403 = arith.constant 31 : index
    %get3A_404 = arith.constant 0 : index
    %get3A_405 = arith.constant 0 : index
    %get3A_406 = vector.load %arg2[%get3A_403, %get3A_404, %get3A_405] : memref<200x64x256xf32, #tpu.memory_space<vmem>>, vector<1x64x256xf32>
    %get3A_407 = vector.shape_cast %get3A_406 : vector<1x64x256xf32> to vector<64x256xf32>
    %mul3A_408 = vector.broadcast %broadcast_in_dim3A_402 : vector<1x256xf32> to vector<64x256xf32>
    %mul3A_409 = arith.mulf %mul3A_408, %get3A_407 : vector<64x256xf32>
    %add3A_410 = arith.addf %add3A_397, %mul3A_409 : vector<64x256xf32>
    %get3A_411 = arith.constant 32 : index
    %get3A_412 = arith.constant 0 : index
    %get3A_413 = vector.load %arg1[%get3A_411, %get3A_412] : memref<200x256xf32, #tpu.memory_space<vmem>>, vector<1x256xf32>
    %get3A_414 = vector.shape_cast %get3A_413 : vector<1x256xf32> to vector<256xf32>
    %broadcast_in_dim3A_415 = vector.shape_cast %get3A_414 : vector<256xf32> to vector<1x256xf32>
    %get3A_416 = arith.constant 32 : index
    %get3A_417 = arith.constant 0 : index
    %get3A_418 = arith.constant 0 : index
    %get3A_419 = vector.load %arg2[%get3A_416, %get3A_417, %get3A_418] : memref<200x64x256xf32, #tpu.memory_space<vmem>>, vector<1x64x256xf32>
    %get3A_420 = vector.shape_cast %get3A_419 : vector<1x64x256xf32> to vector<64x256xf32>
    %mul3A_421 = vector.broadcast %broadcast_in_dim3A_415 : vector<1x256xf32> to vector<64x256xf32>
    %mul3A_422 = arith.mulf %mul3A_421, %get3A_420 : vector<64x256xf32>
    %add3A_423 = arith.addf %add3A_410, %mul3A_422 : vector<64x256xf32>
    %get3A_424 = arith.constant 33 : index
    %get3A_425 = arith.constant 0 : index
    %get3A_426 = vector.load %arg1[%get3A_424, %get3A_425] : memref<200x256xf32, #tpu.memory_space<vmem>>, vector<1x256xf32>
    %get3A_427 = vector.shape_cast %get3A_426 : vector<1x256xf32> to vector<256xf32>
    %broadcast_in_dim3A_428 = vector.shape_cast %get3A_427 : vector<256xf32> to vector<1x256xf32>
    %get3A_429 = arith.constant 33 : index
    %get3A_430 = arith.constant 0 : index
    %get3A_431 = arith.constant 0 : index
    %get3A_432 = vector.load %arg2[%get3A_429, %get3A_430, %get3A_431] : memref<200x64x256xf32, #tpu.memory_space<vmem>>, vector<1x64x256xf32>
    %get3A_433 = vector.shape_cast %get3A_432 : vector<1x64x256xf32> to vector<64x256xf32>
    %mul3A_434 = vector.broadcast %broadcast_in_dim3A_428 : vector<1x256xf32> to vector<64x256xf32>
    %mul3A_435 = arith.mulf %mul3A_434, %get3A_433 : vector<64x256xf32>
    %add3A_436 = arith.addf %add3A_423, %mul3A_435 : vector<64x256xf32>
    %get3A_437 = arith.constant 34 : index
    %get3A_438 = arith.constant 0 : index
    %get3A_439 = vector.load %arg1[%get3A_437, %get3A_438] : memref<200x256xf32, #tpu.memory_space<vmem>>, vector<1x256xf32>
    %get3A_440 = vector.shape_cast %get3A_439 : vector<1x256xf32> to vector<256xf32>
    %broadcast_in_dim3A_441 = vector.shape_cast %get3A_440 : vector<256xf32> to vector<1x256xf32>
    %get3A_442 = arith.constant 34 : index
    %get3A_443 = arith.constant 0 : index
    %get3A_444 = arith.constant 0 : index
    %get3A_445 = vector.load %arg2[%get3A_442, %get3A_443, %get3A_444] : memref<200x64x256xf32, #tpu.memory_space<vmem>>, vector<1x64x256xf32>
    %get3A_446 = vector.shape_cast %get3A_445 : vector<1x64x256xf32> to vector<64x256xf32>
    %mul3A_447 = vector.broadcast %broadcast_in_dim3A_441 : vector<1x256xf32> to vector<64x256xf32>
    %mul3A_448 = arith.mulf %mul3A_447, %get3A_446 : vector<64x256xf32>
    %add3A_449 = arith.addf %add3A_436, %mul3A_448 : vector<64x256xf32>
    %get3A_450 = arith.constant 35 : index
    %get3A_451 = arith.constant 0 : index
    %get3A_452 = vector.load %arg1[%get3A_450, %get3A_451] : memref<200x256xf32, #tpu.memory_space<vmem>>, vector<1x256xf32>
    %get3A_453 = vector.shape_cast %get3A_452 : vector<1x256xf32> to vector<256xf32>
    %broadcast_in_dim3A_454 = vector.shape_cast %get3A_453 : vector<256xf32> to vector<1x256xf32>
    %get3A_455 = arith.constant 35 : index
    %get3A_456 = arith.constant 0 : index
    %get3A_457 = arith.constant 0 : index
    %get3A_458 = vector.load %arg2[%get3A_455, %get3A_456, %get3A_457] : memref<200x64x256xf32, #tpu.memory_space<vmem>>, vector<1x64x256xf32>
    %get3A_459 = vector.shape_cast %get3A_458 : vector<1x64x256xf32> to vector<64x256xf32>
    %mul3A_460 = vector.broadcast %broadcast_in_dim3A_454 : vector<1x256xf32> to vector<64x256xf32>
    %mul3A_461 = arith.mulf %mul3A_460, %get3A_459 : vector<64x256xf32>
    %add3A_462 = arith.addf %add3A_449, %mul3A_461 : vector<64x256xf32>
    %get3A_463 = arith.constant 36 : index
    %get3A_464 = arith.constant 0 : index
    %get3A_465 = vector.load %arg1[%get3A_463, %get3A_464] : memref<200x256xf32, #tpu.memory_space<vmem>>, vector<1x256xf32>
    %get3A_466 = vector.shape_cast %get3A_465 : vector<1x256xf32> to vector<256xf32>
    %broadcast_in_dim3A_467 = vector.shape_cast %get3A_466 : vector<256xf32> to vector<1x256xf32>
    %get3A_468 = arith.constant 36 : index
    %get3A_469 = arith.constant 0 : index
    %get3A_470 = arith.constant 0 : index
    %get3A_471 = vector.load %arg2[%get3A_468, %get3A_469, %get3A_470] : memref<200x64x256xf32, #tpu.memory_space<vmem>>, vector<1x64x256xf32>
    %get3A_472 = vector.shape_cast %get3A_471 : vector<1x64x256xf32> to vector<64x256xf32>
    %mul3A_473 = vector.broadcast %broadcast_in_dim3A_467 : vector<1x256xf32> to vector<64x256xf32>
    %mul3A_474 = arith.mulf %mul3A_473, %get3A_472 : vector<64x256xf32>
    %add3A_475 = arith.addf %add3A_462, %mul3A_474 : vector<64x256xf32>
    %get3A_476 = arith.constant 37 : index
    %get3A_477 = arith.constant 0 : index
    %get3A_478 = vector.load %arg1[%get3A_476, %get3A_477] : memref<200x256xf32, #tpu.memory_space<vmem>>, vector<1x256xf32>
    %get3A_479 = vector.shape_cast %get3A_478 : vector<1x256xf32> to vector<256xf32>
    %broadcast_in_dim3A_480 = vector.shape_cast %get3A_479 : vector<256xf32> to vector<1x256xf32>
    %get3A_481 = arith.constant 37 : index
    %get3A_482 = arith.constant 0 : index
    %get3A_483 = arith.constant 0 : index
    %get3A_484 = vector.load %arg2[%get3A_481, %get3A_482, %get3A_483] : memref<200x64x256xf32, #tpu.memory_space<vmem>>, vector<1x64x256xf32>
    %get3A_485 = vector.shape_cast %get3A_484 : vector<1x64x256xf32> to vector<64x256xf32>
    %mul3A_486 = vector.broadcast %broadcast_in_dim3A_480 : vector<1x256xf32> to vector<64x256xf32>
    %mul3A_487 = arith.mulf %mul3A_486, %get3A_485 : vector<64x256xf32>
    %add3A_488 = arith.addf %add3A_475, %mul3A_487 : vector<64x256xf32>
    %get3A_489 = arith.constant 38 : index
    %get3A_490 = arith.constant 0 : index
    %get3A_491 = vector.load %arg1[%get3A_489, %get3A_490] : memref<200x256xf32, #tpu.memory_space<vmem>>, vector<1x256xf32>
    %get3A_492 = vector.shape_cast %get3A_491 : vector<1x256xf32> to vector<256xf32>
    %broadcast_in_dim3A_493 = vector.shape_cast %get3A_492 : vector<256xf32> to vector<1x256xf32>
    %get3A_494 = arith.constant 38 : index
    %get3A_495 = arith.constant 0 : index
    %get3A_496 = arith.constant 0 : index
    %get3A_497 = vector.load %arg2[%get3A_494, %get3A_495, %get3A_496] : memref<200x64x256xf32, #tpu.memory_space<vmem>>, vector<1x64x256xf32>
    %get3A_498 = vector.shape_cast %get3A_497 : vector<1x64x256xf32> to vector<64x256xf32>
    %mul3A_499 = vector.broadcast %broadcast_in_dim3A_493 : vector<1x256xf32> to vector<64x256xf32>
    %mul3A_500 = arith.mulf %mul3A_499, %get3A_498 : vector<64x256xf32>
    %add3A_501 = arith.addf %add3A_488, %mul3A_500 : vector<64x256xf32>
    %get3A_502 = arith.constant 39 : index
    %get3A_503 = arith.constant 0 : index
    %get3A_504 = vector.load %arg1[%get3A_502, %get3A_503] : memref<200x256xf32, #tpu.memory_space<vmem>>, vector<1x256xf32>
    %get3A_505 = vector.shape_cast %get3A_504 : vector<1x256xf32> to vector<256xf32>
    %broadcast_in_dim3A_506 = vector.shape_cast %get3A_505 : vector<256xf32> to vector<1x256xf32>
    %get3A_507 = arith.constant 39 : index
    %get3A_508 = arith.constant 0 : index
    %get3A_509 = arith.constant 0 : index
    %get3A_510 = vector.load %arg2[%get3A_507, %get3A_508, %get3A_509] : memref<200x64x256xf32, #tpu.memory_space<vmem>>, vector<1x64x256xf32>
    %get3A_511 = vector.shape_cast %get3A_510 : vector<1x64x256xf32> to vector<64x256xf32>
    %mul3A_512 = vector.broadcast %broadcast_in_dim3A_506 : vector<1x256xf32> to vector<64x256xf32>
    %mul3A_513 = arith.mulf %mul3A_512, %get3A_511 : vector<64x256xf32>
    %add3A_514 = arith.addf %add3A_501, %mul3A_513 : vector<64x256xf32>
    %get3A_515 = arith.constant 40 : index
    %get3A_516 = arith.constant 0 : index
    %get3A_517 = vector.load %arg1[%get3A_515, %get3A_516] : memref<200x256xf32, #tpu.memory_space<vmem>>, vector<1x256xf32>
    %get3A_518 = vector.shape_cast %get3A_517 : vector<1x256xf32> to vector<256xf32>
    %broadcast_in_dim3A_519 = vector.shape_cast %get3A_518 : vector<256xf32> to vector<1x256xf32>
    %get3A_520 = arith.constant 40 : index
    %get3A_521 = arith.constant 0 : index
    %get3A_522 = arith.constant 0 : index
    %get3A_523 = vector.load %arg2[%get3A_520, %get3A_521, %get3A_522] : memref<200x64x256xf32, #tpu.memory_space<vmem>>, vector<1x64x256xf32>
    %get3A_524 = vector.shape_cast %get3A_523 : vector<1x64x256xf32> to vector<64x256xf32>
    %mul3A_525 = vector.broadcast %broadcast_in_dim3A_519 : vector<1x256xf32> to vector<64x256xf32>
    %mul3A_526 = arith.mulf %mul3A_525, %get3A_524 : vector<64x256xf32>
    %add3A_527 = arith.addf %add3A_514, %mul3A_526 : vector<64x256xf32>
    %get3A_528 = arith.constant 41 : index
    %get3A_529 = arith.constant 0 : index
    %get3A_530 = vector.load %arg1[%get3A_528, %get3A_529] : memref<200x256xf32, #tpu.memory_space<vmem>>, vector<1x256xf32>
    %get3A_531 = vector.shape_cast %get3A_530 : vector<1x256xf32> to vector<256xf32>
    %broadcast_in_dim3A_532 = vector.shape_cast %get3A_531 : vector<256xf32> to vector<1x256xf32>
    %get3A_533 = arith.constant 41 : index
    %get3A_534 = arith.constant 0 : index
    %get3A_535 = arith.constant 0 : index
    %get3A_536 = vector.load %arg2[%get3A_533, %get3A_534, %get3A_535] : memref<200x64x256xf32, #tpu.memory_space<vmem>>, vector<1x64x256xf32>
    %get3A_537 = vector.shape_cast %get3A_536 : vector<1x64x256xf32> to vector<64x256xf32>
    %mul3A_538 = vector.broadcast %broadcast_in_dim3A_532 : vector<1x256xf32> to vector<64x256xf32>
    %mul3A_539 = arith.mulf %mul3A_538, %get3A_537 : vector<64x256xf32>
    %add3A_540 = arith.addf %add3A_527, %mul3A_539 : vector<64x256xf32>
    %get3A_541 = arith.constant 42 : index
    %get3A_542 = arith.constant 0 : index
    %get3A_543 = vector.load %arg1[%get3A_541, %get3A_542] : memref<200x256xf32, #tpu.memory_space<vmem>>, vector<1x256xf32>
    %get3A_544 = vector.shape_cast %get3A_543 : vector<1x256xf32> to vector<256xf32>
    %broadcast_in_dim3A_545 = vector.shape_cast %get3A_544 : vector<256xf32> to vector<1x256xf32>
    %get3A_546 = arith.constant 42 : index
    %get3A_547 = arith.constant 0 : index
    %get3A_548 = arith.constant 0 : index
    %get3A_549 = vector.load %arg2[%get3A_546, %get3A_547, %get3A_548] : memref<200x64x256xf32, #tpu.memory_space<vmem>>, vector<1x64x256xf32>
    %get3A_550 = vector.shape_cast %get3A_549 : vector<1x64x256xf32> to vector<64x256xf32>
    %mul3A_551 = vector.broadcast %broadcast_in_dim3A_545 : vector<1x256xf32> to vector<64x256xf32>
    %mul3A_552 = arith.mulf %mul3A_551, %get3A_550 : vector<64x256xf32>
    %add3A_553 = arith.addf %add3A_540, %mul3A_552 : vector<64x256xf32>
    %get3A_554 = arith.constant 43 : index
    %get3A_555 = arith.constant 0 : index
    %get3A_556 = vector.load %arg1[%get3A_554, %get3A_555] : memref<200x256xf32, #tpu.memory_space<vmem>>, vector<1x256xf32>
    %get3A_557 = vector.shape_cast %get3A_556 : vector<1x256xf32> to vector<256xf32>
    %broadcast_in_dim3A_558 = vector.shape_cast %get3A_557 : vector<256xf32> to vector<1x256xf32>
    %get3A_559 = arith.constant 43 : index
    %get3A_560 = arith.constant 0 : index
    %get3A_561 = arith.constant 0 : index
    %get3A_562 = vector.load %arg2[%get3A_559, %get3A_560, %get3A_561] : memref<200x64x256xf32, #tpu.memory_space<vmem>>, vector<1x64x256xf32>
    %get3A_563 = vector.shape_cast %get3A_562 : vector<1x64x256xf32> to vector<64x256xf32>
    %mul3A_564 = vector.broadcast %broadcast_in_dim3A_558 : vector<1x256xf32> to vector<64x256xf32>
    %mul3A_565 = arith.mulf %mul3A_564, %get3A_563 : vector<64x256xf32>
    %add3A_566 = arith.addf %add3A_553, %mul3A_565 : vector<64x256xf32>
    %get3A_567 = arith.constant 44 : index
    %get3A_568 = arith.constant 0 : index
    %get3A_569 = vector.load %arg1[%get3A_567, %get3A_568] : memref<200x256xf32, #tpu.memory_space<vmem>>, vector<1x256xf32>
    %get3A_570 = vector.shape_cast %get3A_569 : vector<1x256xf32> to vector<256xf32>
    %broadcast_in_dim3A_571 = vector.shape_cast %get3A_570 : vector<256xf32> to vector<1x256xf32>
    %get3A_572 = arith.constant 44 : index
    %get3A_573 = arith.constant 0 : index
    %get3A_574 = arith.constant 0 : index
    %get3A_575 = vector.load %arg2[%get3A_572, %get3A_573, %get3A_574] : memref<200x64x256xf32, #tpu.memory_space<vmem>>, vector<1x64x256xf32>
    %get3A_576 = vector.shape_cast %get3A_575 : vector<1x64x256xf32> to vector<64x256xf32>
    %mul3A_577 = vector.broadcast %broadcast_in_dim3A_571 : vector<1x256xf32> to vector<64x256xf32>
    %mul3A_578 = arith.mulf %mul3A_577, %get3A_576 : vector<64x256xf32>
    %add3A_579 = arith.addf %add3A_566, %mul3A_578 : vector<64x256xf32>
    %get3A_580 = arith.constant 45 : index
    %get3A_581 = arith.constant 0 : index
    %get3A_582 = vector.load %arg1[%get3A_580, %get3A_581] : memref<200x256xf32, #tpu.memory_space<vmem>>, vector<1x256xf32>
    %get3A_583 = vector.shape_cast %get3A_582 : vector<1x256xf32> to vector<256xf32>
    %broadcast_in_dim3A_584 = vector.shape_cast %get3A_583 : vector<256xf32> to vector<1x256xf32>
    %get3A_585 = arith.constant 45 : index
    %get3A_586 = arith.constant 0 : index
    %get3A_587 = arith.constant 0 : index
    %get3A_588 = vector.load %arg2[%get3A_585, %get3A_586, %get3A_587] : memref<200x64x256xf32, #tpu.memory_space<vmem>>, vector<1x64x256xf32>
    %get3A_589 = vector.shape_cast %get3A_588 : vector<1x64x256xf32> to vector<64x256xf32>
    %mul3A_590 = vector.broadcast %broadcast_in_dim3A_584 : vector<1x256xf32> to vector<64x256xf32>
    %mul3A_591 = arith.mulf %mul3A_590, %get3A_589 : vector<64x256xf32>
    %add3A_592 = arith.addf %add3A_579, %mul3A_591 : vector<64x256xf32>
    %get3A_593 = arith.constant 46 : index
    %get3A_594 = arith.constant 0 : index
    %get3A_595 = vector.load %arg1[%get3A_593, %get3A_594] : memref<200x256xf32, #tpu.memory_space<vmem>>, vector<1x256xf32>
    %get3A_596 = vector.shape_cast %get3A_595 : vector<1x256xf32> to vector<256xf32>
    %broadcast_in_dim3A_597 = vector.shape_cast %get3A_596 : vector<256xf32> to vector<1x256xf32>
    %get3A_598 = arith.constant 46 : index
    %get3A_599 = arith.constant 0 : index
    %get3A_600 = arith.constant 0 : index
    %get3A_601 = vector.load %arg2[%get3A_598, %get3A_599, %get3A_600] : memref<200x64x256xf32, #tpu.memory_space<vmem>>, vector<1x64x256xf32>
    %get3A_602 = vector.shape_cast %get3A_601 : vector<1x64x256xf32> to vector<64x256xf32>
    %mul3A_603 = vector.broadcast %broadcast_in_dim3A_597 : vector<1x256xf32> to vector<64x256xf32>
    %mul3A_604 = arith.mulf %mul3A_603, %get3A_602 : vector<64x256xf32>
    %add3A_605 = arith.addf %add3A_592, %mul3A_604 : vector<64x256xf32>
    %get3A_606 = arith.constant 47 : index
    %get3A_607 = arith.constant 0 : index
    %get3A_608 = vector.load %arg1[%get3A_606, %get3A_607] : memref<200x256xf32, #tpu.memory_space<vmem>>, vector<1x256xf32>
    %get3A_609 = vector.shape_cast %get3A_608 : vector<1x256xf32> to vector<256xf32>
    %broadcast_in_dim3A_610 = vector.shape_cast %get3A_609 : vector<256xf32> to vector<1x256xf32>
    %get3A_611 = arith.constant 47 : index
    %get3A_612 = arith.constant 0 : index
    %get3A_613 = arith.constant 0 : index
    %get3A_614 = vector.load %arg2[%get3A_611, %get3A_612, %get3A_613] : memref<200x64x256xf32, #tpu.memory_space<vmem>>, vector<1x64x256xf32>
    %get3A_615 = vector.shape_cast %get3A_614 : vector<1x64x256xf32> to vector<64x256xf32>
    %mul3A_616 = vector.broadcast %broadcast_in_dim3A_610 : vector<1x256xf32> to vector<64x256xf32>
    %mul3A_617 = arith.mulf %mul3A_616, %get3A_615 : vector<64x256xf32>
    %add3A_618 = arith.addf %add3A_605, %mul3A_617 : vector<64x256xf32>
    %get3A_619 = arith.constant 48 : index
    %get3A_620 = arith.constant 0 : index
    %get3A_621 = vector.load %arg1[%get3A_619, %get3A_620] : memref<200x256xf32, #tpu.memory_space<vmem>>, vector<1x256xf32>
    %get3A_622 = vector.shape_cast %get3A_621 : vector<1x256xf32> to vector<256xf32>
    %broadcast_in_dim3A_623 = vector.shape_cast %get3A_622 : vector<256xf32> to vector<1x256xf32>
    %get3A_624 = arith.constant 48 : index
    %get3A_625 = arith.constant 0 : index
    %get3A_626 = arith.constant 0 : index
    %get3A_627 = vector.load %arg2[%get3A_624, %get3A_625, %get3A_626] : memref<200x64x256xf32, #tpu.memory_space<vmem>>, vector<1x64x256xf32>
    %get3A_628 = vector.shape_cast %get3A_627 : vector<1x64x256xf32> to vector<64x256xf32>
    %mul3A_629 = vector.broadcast %broadcast_in_dim3A_623 : vector<1x256xf32> to vector<64x256xf32>
    %mul3A_630 = arith.mulf %mul3A_629, %get3A_628 : vector<64x256xf32>
    %add3A_631 = arith.addf %add3A_618, %mul3A_630 : vector<64x256xf32>
    %get3A_632 = arith.constant 49 : index
    %get3A_633 = arith.constant 0 : index
    %get3A_634 = vector.load %arg1[%get3A_632, %get3A_633] : memref<200x256xf32, #tpu.memory_space<vmem>>, vector<1x256xf32>
    %get3A_635 = vector.shape_cast %get3A_634 : vector<1x256xf32> to vector<256xf32>
    %broadcast_in_dim3A_636 = vector.shape_cast %get3A_635 : vector<256xf32> to vector<1x256xf32>
    %get3A_637 = arith.constant 49 : index
    %get3A_638 = arith.constant 0 : index
    %get3A_639 = arith.constant 0 : index
    %get3A_640 = vector.load %arg2[%get3A_637, %get3A_638, %get3A_639] : memref<200x64x256xf32, #tpu.memory_space<vmem>>, vector<1x64x256xf32>
    %get3A_641 = vector.shape_cast %get3A_640 : vector<1x64x256xf32> to vector<64x256xf32>
    %mul3A_642 = vector.broadcast %broadcast_in_dim3A_636 : vector<1x256xf32> to vector<64x256xf32>
    %mul3A_643 = arith.mulf %mul3A_642, %get3A_641 : vector<64x256xf32>
    %add3A_644 = arith.addf %add3A_631, %mul3A_643 : vector<64x256xf32>
    %get3A_645 = arith.constant 50 : index
    %get3A_646 = arith.constant 0 : index
    %get3A_647 = vector.load %arg1[%get3A_645, %get3A_646] : memref<200x256xf32, #tpu.memory_space<vmem>>, vector<1x256xf32>
    %get3A_648 = vector.shape_cast %get3A_647 : vector<1x256xf32> to vector<256xf32>
    %broadcast_in_dim3A_649 = vector.shape_cast %get3A_648 : vector<256xf32> to vector<1x256xf32>
    %get3A_650 = arith.constant 50 : index
    %get3A_651 = arith.constant 0 : index
    %get3A_652 = arith.constant 0 : index
    %get3A_653 = vector.load %arg2[%get3A_650, %get3A_651, %get3A_652] : memref<200x64x256xf32, #tpu.memory_space<vmem>>, vector<1x64x256xf32>
    %get3A_654 = vector.shape_cast %get3A_653 : vector<1x64x256xf32> to vector<64x256xf32>
    %mul3A_655 = vector.broadcast %broadcast_in_dim3A_649 : vector<1x256xf32> to vector<64x256xf32>
    %mul3A_656 = arith.mulf %mul3A_655, %get3A_654 : vector<64x256xf32>
    %add3A_657 = arith.addf %add3A_644, %mul3A_656 : vector<64x256xf32>
    %get3A_658 = arith.constant 51 : index
    %get3A_659 = arith.constant 0 : index
    %get3A_660 = vector.load %arg1[%get3A_658, %get3A_659] : memref<200x256xf32, #tpu.memory_space<vmem>>, vector<1x256xf32>
    %get3A_661 = vector.shape_cast %get3A_660 : vector<1x256xf32> to vector<256xf32>
    %broadcast_in_dim3A_662 = vector.shape_cast %get3A_661 : vector<256xf32> to vector<1x256xf32>
    %get3A_663 = arith.constant 51 : index
    %get3A_664 = arith.constant 0 : index
    %get3A_665 = arith.constant 0 : index
    %get3A_666 = vector.load %arg2[%get3A_663, %get3A_664, %get3A_665] : memref<200x64x256xf32, #tpu.memory_space<vmem>>, vector<1x64x256xf32>
    %get3A_667 = vector.shape_cast %get3A_666 : vector<1x64x256xf32> to vector<64x256xf32>
    %mul3A_668 = vector.broadcast %broadcast_in_dim3A_662 : vector<1x256xf32> to vector<64x256xf32>
    %mul3A_669 = arith.mulf %mul3A_668, %get3A_667 : vector<64x256xf32>
    %add3A_670 = arith.addf %add3A_657, %mul3A_669 : vector<64x256xf32>
    %get3A_671 = arith.constant 52 : index
    %get3A_672 = arith.constant 0 : index
    %get3A_673 = vector.load %arg1[%get3A_671, %get3A_672] : memref<200x256xf32, #tpu.memory_space<vmem>>, vector<1x256xf32>
    %get3A_674 = vector.shape_cast %get3A_673 : vector<1x256xf32> to vector<256xf32>
    %broadcast_in_dim3A_675 = vector.shape_cast %get3A_674 : vector<256xf32> to vector<1x256xf32>
    %get3A_676 = arith.constant 52 : index
    %get3A_677 = arith.constant 0 : index
    %get3A_678 = arith.constant 0 : index
    %get3A_679 = vector.load %arg2[%get3A_676, %get3A_677, %get3A_678] : memref<200x64x256xf32, #tpu.memory_space<vmem>>, vector<1x64x256xf32>
    %get3A_680 = vector.shape_cast %get3A_679 : vector<1x64x256xf32> to vector<64x256xf32>
    %mul3A_681 = vector.broadcast %broadcast_in_dim3A_675 : vector<1x256xf32> to vector<64x256xf32>
    %mul3A_682 = arith.mulf %mul3A_681, %get3A_680 : vector<64x256xf32>
    %add3A_683 = arith.addf %add3A_670, %mul3A_682 : vector<64x256xf32>
    %get3A_684 = arith.constant 53 : index
    %get3A_685 = arith.constant 0 : index
    %get3A_686 = vector.load %arg1[%get3A_684, %get3A_685] : memref<200x256xf32, #tpu.memory_space<vmem>>, vector<1x256xf32>
    %get3A_687 = vector.shape_cast %get3A_686 : vector<1x256xf32> to vector<256xf32>
    %broadcast_in_dim3A_688 = vector.shape_cast %get3A_687 : vector<256xf32> to vector<1x256xf32>
    %get3A_689 = arith.constant 53 : index
    %get3A_690 = arith.constant 0 : index
    %get3A_691 = arith.constant 0 : index
    %get3A_692 = vector.load %arg2[%get3A_689, %get3A_690, %get3A_691] : memref<200x64x256xf32, #tpu.memory_space<vmem>>, vector<1x64x256xf32>
    %get3A_693 = vector.shape_cast %get3A_692 : vector<1x64x256xf32> to vector<64x256xf32>
    %mul3A_694 = vector.broadcast %broadcast_in_dim3A_688 : vector<1x256xf32> to vector<64x256xf32>
    %mul3A_695 = arith.mulf %mul3A_694, %get3A_693 : vector<64x256xf32>
    %add3A_696 = arith.addf %add3A_683, %mul3A_695 : vector<64x256xf32>
    %get3A_697 = arith.constant 54 : index
    %get3A_698 = arith.constant 0 : index
    %get3A_699 = vector.load %arg1[%get3A_697, %get3A_698] : memref<200x256xf32, #tpu.memory_space<vmem>>, vector<1x256xf32>
    %get3A_700 = vector.shape_cast %get3A_699 : vector<1x256xf32> to vector<256xf32>
    %broadcast_in_dim3A_701 = vector.shape_cast %get3A_700 : vector<256xf32> to vector<1x256xf32>
    %get3A_702 = arith.constant 54 : index
    %get3A_703 = arith.constant 0 : index
    %get3A_704 = arith.constant 0 : index
    %get3A_705 = vector.load %arg2[%get3A_702, %get3A_703, %get3A_704] : memref<200x64x256xf32, #tpu.memory_space<vmem>>, vector<1x64x256xf32>
    %get3A_706 = vector.shape_cast %get3A_705 : vector<1x64x256xf32> to vector<64x256xf32>
    %mul3A_707 = vector.broadcast %broadcast_in_dim3A_701 : vector<1x256xf32> to vector<64x256xf32>
    %mul3A_708 = arith.mulf %mul3A_707, %get3A_706 : vector<64x256xf32>
    %add3A_709 = arith.addf %add3A_696, %mul3A_708 : vector<64x256xf32>
    %get3A_710 = arith.constant 55 : index
    %get3A_711 = arith.constant 0 : index
    %get3A_712 = vector.load %arg1[%get3A_710, %get3A_711] : memref<200x256xf32, #tpu.memory_space<vmem>>, vector<1x256xf32>
    %get3A_713 = vector.shape_cast %get3A_712 : vector<1x256xf32> to vector<256xf32>
    %broadcast_in_dim3A_714 = vector.shape_cast %get3A_713 : vector<256xf32> to vector<1x256xf32>
    %get3A_715 = arith.constant 55 : index
    %get3A_716 = arith.constant 0 : index
    %get3A_717 = arith.constant 0 : index
    %get3A_718 = vector.load %arg2[%get3A_715, %get3A_716, %get3A_717] : memref<200x64x256xf32, #tpu.memory_space<vmem>>, vector<1x64x256xf32>
    %get3A_719 = vector.shape_cast %get3A_718 : vector<1x64x256xf32> to vector<64x256xf32>
    %mul3A_720 = vector.broadcast %broadcast_in_dim3A_714 : vector<1x256xf32> to vector<64x256xf32>
    %mul3A_721 = arith.mulf %mul3A_720, %get3A_719 : vector<64x256xf32>
    %add3A_722 = arith.addf %add3A_709, %mul3A_721 : vector<64x256xf32>
    %get3A_723 = arith.constant 56 : index
    %get3A_724 = arith.constant 0 : index
    %get3A_725 = vector.load %arg1[%get3A_723, %get3A_724] : memref<200x256xf32, #tpu.memory_space<vmem>>, vector<1x256xf32>
    %get3A_726 = vector.shape_cast %get3A_725 : vector<1x256xf32> to vector<256xf32>
    %broadcast_in_dim3A_727 = vector.shape_cast %get3A_726 : vector<256xf32> to vector<1x256xf32>
    %get3A_728 = arith.constant 56 : index
    %get3A_729 = arith.constant 0 : index
    %get3A_730 = arith.constant 0 : index
    %get3A_731 = vector.load %arg2[%get3A_728, %get3A_729, %get3A_730] : memref<200x64x256xf32, #tpu.memory_space<vmem>>, vector<1x64x256xf32>
    %get3A_732 = vector.shape_cast %get3A_731 : vector<1x64x256xf32> to vector<64x256xf32>
    %mul3A_733 = vector.broadcast %broadcast_in_dim3A_727 : vector<1x256xf32> to vector<64x256xf32>
    %mul3A_734 = arith.mulf %mul3A_733, %get3A_732 : vector<64x256xf32>
    %add3A_735 = arith.addf %add3A_722, %mul3A_734 : vector<64x256xf32>
    %get3A_736 = arith.constant 57 : index
    %get3A_737 = arith.constant 0 : index
    %get3A_738 = vector.load %arg1[%get3A_736, %get3A_737] : memref<200x256xf32, #tpu.memory_space<vmem>>, vector<1x256xf32>
    %get3A_739 = vector.shape_cast %get3A_738 : vector<1x256xf32> to vector<256xf32>
    %broadcast_in_dim3A_740 = vector.shape_cast %get3A_739 : vector<256xf32> to vector<1x256xf32>
    %get3A_741 = arith.constant 57 : index
    %get3A_742 = arith.constant 0 : index
    %get3A_743 = arith.constant 0 : index
    %get3A_744 = vector.load %arg2[%get3A_741, %get3A_742, %get3A_743] : memref<200x64x256xf32, #tpu.memory_space<vmem>>, vector<1x64x256xf32>
    %get3A_745 = vector.shape_cast %get3A_744 : vector<1x64x256xf32> to vector<64x256xf32>
    %mul3A_746 = vector.broadcast %broadcast_in_dim3A_740 : vector<1x256xf32> to vector<64x256xf32>
    %mul3A_747 = arith.mulf %mul3A_746, %get3A_745 : vector<64x256xf32>
    %add3A_748 = arith.addf %add3A_735, %mul3A_747 : vector<64x256xf32>
    %get3A_749 = arith.constant 58 : index
    %get3A_750 = arith.constant 0 : index
    %get3A_751 = vector.load %arg1[%get3A_749, %get3A_750] : memref<200x256xf32, #tpu.memory_space<vmem>>, vector<1x256xf32>
    %get3A_752 = vector.shape_cast %get3A_751 : vector<1x256xf32> to vector<256xf32>
    %broadcast_in_dim3A_753 = vector.shape_cast %get3A_752 : vector<256xf32> to vector<1x256xf32>
    %get3A_754 = arith.constant 58 : index
    %get3A_755 = arith.constant 0 : index
    %get3A_756 = arith.constant 0 : index
    %get3A_757 = vector.load %arg2[%get3A_754, %get3A_755, %get3A_756] : memref<200x64x256xf32, #tpu.memory_space<vmem>>, vector<1x64x256xf32>
    %get3A_758 = vector.shape_cast %get3A_757 : vector<1x64x256xf32> to vector<64x256xf32>
    %mul3A_759 = vector.broadcast %broadcast_in_dim3A_753 : vector<1x256xf32> to vector<64x256xf32>
    %mul3A_760 = arith.mulf %mul3A_759, %get3A_758 : vector<64x256xf32>
    %add3A_761 = arith.addf %add3A_748, %mul3A_760 : vector<64x256xf32>
    %get3A_762 = arith.constant 59 : index
    %get3A_763 = arith.constant 0 : index
    %get3A_764 = vector.load %arg1[%get3A_762, %get3A_763] : memref<200x256xf32, #tpu.memory_space<vmem>>, vector<1x256xf32>
    %get3A_765 = vector.shape_cast %get3A_764 : vector<1x256xf32> to vector<256xf32>
    %broadcast_in_dim3A_766 = vector.shape_cast %get3A_765 : vector<256xf32> to vector<1x256xf32>
    %get3A_767 = arith.constant 59 : index
    %get3A_768 = arith.constant 0 : index
    %get3A_769 = arith.constant 0 : index
    %get3A_770 = vector.load %arg2[%get3A_767, %get3A_768, %get3A_769] : memref<200x64x256xf32, #tpu.memory_space<vmem>>, vector<1x64x256xf32>
    %get3A_771 = vector.shape_cast %get3A_770 : vector<1x64x256xf32> to vector<64x256xf32>
    %mul3A_772 = vector.broadcast %broadcast_in_dim3A_766 : vector<1x256xf32> to vector<64x256xf32>
    %mul3A_773 = arith.mulf %mul3A_772, %get3A_771 : vector<64x256xf32>
    %add3A_774 = arith.addf %add3A_761, %mul3A_773 : vector<64x256xf32>
    %get3A_775 = arith.constant 60 : index
    %get3A_776 = arith.constant 0 : index
    %get3A_777 = vector.load %arg1[%get3A_775, %get3A_776] : memref<200x256xf32, #tpu.memory_space<vmem>>, vector<1x256xf32>
    %get3A_778 = vector.shape_cast %get3A_777 : vector<1x256xf32> to vector<256xf32>
    %broadcast_in_dim3A_779 = vector.shape_cast %get3A_778 : vector<256xf32> to vector<1x256xf32>
    %get3A_780 = arith.constant 60 : index
    %get3A_781 = arith.constant 0 : index
    %get3A_782 = arith.constant 0 : index
    %get3A_783 = vector.load %arg2[%get3A_780, %get3A_781, %get3A_782] : memref<200x64x256xf32, #tpu.memory_space<vmem>>, vector<1x64x256xf32>
    %get3A_784 = vector.shape_cast %get3A_783 : vector<1x64x256xf32> to vector<64x256xf32>
    %mul3A_785 = vector.broadcast %broadcast_in_dim3A_779 : vector<1x256xf32> to vector<64x256xf32>
    %mul3A_786 = arith.mulf %mul3A_785, %get3A_784 : vector<64x256xf32>
    %add3A_787 = arith.addf %add3A_774, %mul3A_786 : vector<64x256xf32>
    %get3A_788 = arith.constant 61 : index
    %get3A_789 = arith.constant 0 : index
    %get3A_790 = vector.load %arg1[%get3A_788, %get3A_789] : memref<200x256xf32, #tpu.memory_space<vmem>>, vector<1x256xf32>
    %get3A_791 = vector.shape_cast %get3A_790 : vector<1x256xf32> to vector<256xf32>
    %broadcast_in_dim3A_792 = vector.shape_cast %get3A_791 : vector<256xf32> to vector<1x256xf32>
    %get3A_793 = arith.constant 61 : index
    %get3A_794 = arith.constant 0 : index
    %get3A_795 = arith.constant 0 : index
    %get3A_796 = vector.load %arg2[%get3A_793, %get3A_794, %get3A_795] : memref<200x64x256xf32, #tpu.memory_space<vmem>>, vector<1x64x256xf32>
    %get3A_797 = vector.shape_cast %get3A_796 : vector<1x64x256xf32> to vector<64x256xf32>
    %mul3A_798 = vector.broadcast %broadcast_in_dim3A_792 : vector<1x256xf32> to vector<64x256xf32>
    %mul3A_799 = arith.mulf %mul3A_798, %get3A_797 : vector<64x256xf32>
    %add3A_800 = arith.addf %add3A_787, %mul3A_799 : vector<64x256xf32>
    %get3A_801 = arith.constant 62 : index
    %get3A_802 = arith.constant 0 : index
    %get3A_803 = vector.load %arg1[%get3A_801, %get3A_802] : memref<200x256xf32, #tpu.memory_space<vmem>>, vector<1x256xf32>
    %get3A_804 = vector.shape_cast %get3A_803 : vector<1x256xf32> to vector<256xf32>
    %broadcast_in_dim3A_805 = vector.shape_cast %get3A_804 : vector<256xf32> to vector<1x256xf32>
    %get3A_806 = arith.constant 62 : index
    %get3A_807 = arith.constant 0 : index
    %get3A_808 = arith.constant 0 : index
    %get3A_809 = vector.load %arg2[%get3A_806, %get3A_807, %get3A_808] : memref<200x64x256xf32, #tpu.memory_space<vmem>>, vector<1x64x256xf32>
    %get3A_810 = vector.shape_cast %get3A_809 : vector<1x64x256xf32> to vector<64x256xf32>
    %mul3A_811 = vector.broadcast %broadcast_in_dim3A_805 : vector<1x256xf32> to vector<64x256xf32>
    %mul3A_812 = arith.mulf %mul3A_811, %get3A_810 : vector<64x256xf32>
    %add3A_813 = arith.addf %add3A_800, %mul3A_812 : vector<64x256xf32>
    %get3A_814 = arith.constant 63 : index
    %get3A_815 = arith.constant 0 : index
    %get3A_816 = vector.load %arg1[%get3A_814, %get3A_815] : memref<200x256xf32, #tpu.memory_space<vmem>>, vector<1x256xf32>
    %get3A_817 = vector.shape_cast %get3A_816 : vector<1x256xf32> to vector<256xf32>
    %broadcast_in_dim3A_818 = vector.shape_cast %get3A_817 : vector<256xf32> to vector<1x256xf32>
    %get3A_819 = arith.constant 63 : index
    %get3A_820 = arith.constant 0 : index
    %get3A_821 = arith.constant 0 : index
    %get3A_822 = vector.load %arg2[%get3A_819, %get3A_820, %get3A_821] : memref<200x64x256xf32, #tpu.memory_space<vmem>>, vector<1x64x256xf32>
    %get3A_823 = vector.shape_cast %get3A_822 : vector<1x64x256xf32> to vector<64x256xf32>
    %mul3A_824 = vector.broadcast %broadcast_in_dim3A_818 : vector<1x256xf32> to vector<64x256xf32>
    %mul3A_825 = arith.mulf %mul3A_824, %get3A_823 : vector<64x256xf32>
    %add3A_826 = arith.addf %add3A_813, %mul3A_825 : vector<64x256xf32>
    %get3A_827 = arith.constant 64 : index
    %get3A_828 = arith.constant 0 : index
    %get3A_829 = vector.load %arg1[%get3A_827, %get3A_828] : memref<200x256xf32, #tpu.memory_space<vmem>>, vector<1x256xf32>
    %get3A_830 = vector.shape_cast %get3A_829 : vector<1x256xf32> to vector<256xf32>
    %broadcast_in_dim3A_831 = vector.shape_cast %get3A_830 : vector<256xf32> to vector<1x256xf32>
    %get3A_832 = arith.constant 64 : index
    %get3A_833 = arith.constant 0 : index
    %get3A_834 = arith.constant 0 : index
    %get3A_835 = vector.load %arg2[%get3A_832, %get3A_833, %get3A_834] : memref<200x64x256xf32, #tpu.memory_space<vmem>>, vector<1x64x256xf32>
    %get3A_836 = vector.shape_cast %get3A_835 : vector<1x64x256xf32> to vector<64x256xf32>
    %mul3A_837 = vector.broadcast %broadcast_in_dim3A_831 : vector<1x256xf32> to vector<64x256xf32>
    %mul3A_838 = arith.mulf %mul3A_837, %get3A_836 : vector<64x256xf32>
    %add3A_839 = arith.addf %add3A_826, %mul3A_838 : vector<64x256xf32>
    %get3A_840 = arith.constant 65 : index
    %get3A_841 = arith.constant 0 : index
    %get3A_842 = vector.load %arg1[%get3A_840, %get3A_841] : memref<200x256xf32, #tpu.memory_space<vmem>>, vector<1x256xf32>
    %get3A_843 = vector.shape_cast %get3A_842 : vector<1x256xf32> to vector<256xf32>
    %broadcast_in_dim3A_844 = vector.shape_cast %get3A_843 : vector<256xf32> to vector<1x256xf32>
    %get3A_845 = arith.constant 65 : index
    %get3A_846 = arith.constant 0 : index
    %get3A_847 = arith.constant 0 : index
    %get3A_848 = vector.load %arg2[%get3A_845, %get3A_846, %get3A_847] : memref<200x64x256xf32, #tpu.memory_space<vmem>>, vector<1x64x256xf32>
    %get3A_849 = vector.shape_cast %get3A_848 : vector<1x64x256xf32> to vector<64x256xf32>
    %mul3A_850 = vector.broadcast %broadcast_in_dim3A_844 : vector<1x256xf32> to vector<64x256xf32>
    %mul3A_851 = arith.mulf %mul3A_850, %get3A_849 : vector<64x256xf32>
    %add3A_852 = arith.addf %add3A_839, %mul3A_851 : vector<64x256xf32>
    %get3A_853 = arith.constant 66 : index
    %get3A_854 = arith.constant 0 : index
    %get3A_855 = vector.load %arg1[%get3A_853, %get3A_854] : memref<200x256xf32, #tpu.memory_space<vmem>>, vector<1x256xf32>
    %get3A_856 = vector.shape_cast %get3A_855 : vector<1x256xf32> to vector<256xf32>
    %broadcast_in_dim3A_857 = vector.shape_cast %get3A_856 : vector<256xf32> to vector<1x256xf32>
    %get3A_858 = arith.constant 66 : index
    %get3A_859 = arith.constant 0 : index
    %get3A_860 = arith.constant 0 : index
    %get3A_861 = vector.load %arg2[%get3A_858, %get3A_859, %get3A_860] : memref<200x64x256xf32, #tpu.memory_space<vmem>>, vector<1x64x256xf32>
    %get3A_862 = vector.shape_cast %get3A_861 : vector<1x64x256xf32> to vector<64x256xf32>
    %mul3A_863 = vector.broadcast %broadcast_in_dim3A_857 : vector<1x256xf32> to vector<64x256xf32>
    %mul3A_864 = arith.mulf %mul3A_863, %get3A_862 : vector<64x256xf32>
    %add3A_865 = arith.addf %add3A_852, %mul3A_864 : vector<64x256xf32>
    %get3A_866 = arith.constant 67 : index
    %get3A_867 = arith.constant 0 : index
    %get3A_868 = vector.load %arg1[%get3A_866, %get3A_867] : memref<200x256xf32, #tpu.memory_space<vmem>>, vector<1x256xf32>
    %get3A_869 = vector.shape_cast %get3A_868 : vector<1x256xf32> to vector<256xf32>
    %broadcast_in_dim3A_870 = vector.shape_cast %get3A_869 : vector<256xf32> to vector<1x256xf32>
    %get3A_871 = arith.constant 67 : index
    %get3A_872 = arith.constant 0 : index
    %get3A_873 = arith.constant 0 : index
    %get3A_874 = vector.load %arg2[%get3A_871, %get3A_872, %get3A_873] : memref<200x64x256xf32, #tpu.memory_space<vmem>>, vector<1x64x256xf32>
    %get3A_875 = vector.shape_cast %get3A_874 : vector<1x64x256xf32> to vector<64x256xf32>
    %mul3A_876 = vector.broadcast %broadcast_in_dim3A_870 : vector<1x256xf32> to vector<64x256xf32>
    %mul3A_877 = arith.mulf %mul3A_876, %get3A_875 : vector<64x256xf32>
    %add3A_878 = arith.addf %add3A_865, %mul3A_877 : vector<64x256xf32>
    %get3A_879 = arith.constant 68 : index
    %get3A_880 = arith.constant 0 : index
    %get3A_881 = vector.load %arg1[%get3A_879, %get3A_880] : memref<200x256xf32, #tpu.memory_space<vmem>>, vector<1x256xf32>
    %get3A_882 = vector.shape_cast %get3A_881 : vector<1x256xf32> to vector<256xf32>
    %broadcast_in_dim3A_883 = vector.shape_cast %get3A_882 : vector<256xf32> to vector<1x256xf32>
    %get3A_884 = arith.constant 68 : index
    %get3A_885 = arith.constant 0 : index
    %get3A_886 = arith.constant 0 : index
    %get3A_887 = vector.load %arg2[%get3A_884, %get3A_885, %get3A_886] : memref<200x64x256xf32, #tpu.memory_space<vmem>>, vector<1x64x256xf32>
    %get3A_888 = vector.shape_cast %get3A_887 : vector<1x64x256xf32> to vector<64x256xf32>
    %mul3A_889 = vector.broadcast %broadcast_in_dim3A_883 : vector<1x256xf32> to vector<64x256xf32>
    %mul3A_890 = arith.mulf %mul3A_889, %get3A_888 : vector<64x256xf32>
    %add3A_891 = arith.addf %add3A_878, %mul3A_890 : vector<64x256xf32>
    %get3A_892 = arith.constant 69 : index
    %get3A_893 = arith.constant 0 : index
    %get3A_894 = vector.load %arg1[%get3A_892, %get3A_893] : memref<200x256xf32, #tpu.memory_space<vmem>>, vector<1x256xf32>
    %get3A_895 = vector.shape_cast %get3A_894 : vector<1x256xf32> to vector<256xf32>
    %broadcast_in_dim3A_896 = vector.shape_cast %get3A_895 : vector<256xf32> to vector<1x256xf32>
    %get3A_897 = arith.constant 69 : index
    %get3A_898 = arith.constant 0 : index
    %get3A_899 = arith.constant 0 : index
    %get3A_900 = vector.load %arg2[%get3A_897, %get3A_898, %get3A_899] : memref<200x64x256xf32, #tpu.memory_space<vmem>>, vector<1x64x256xf32>
    %get3A_901 = vector.shape_cast %get3A_900 : vector<1x64x256xf32> to vector<64x256xf32>
    %mul3A_902 = vector.broadcast %broadcast_in_dim3A_896 : vector<1x256xf32> to vector<64x256xf32>
    %mul3A_903 = arith.mulf %mul3A_902, %get3A_901 : vector<64x256xf32>
    %add3A_904 = arith.addf %add3A_891, %mul3A_903 : vector<64x256xf32>
    %get3A_905 = arith.constant 70 : index
    %get3A_906 = arith.constant 0 : index
    %get3A_907 = vector.load %arg1[%get3A_905, %get3A_906] : memref<200x256xf32, #tpu.memory_space<vmem>>, vector<1x256xf32>
    %get3A_908 = vector.shape_cast %get3A_907 : vector<1x256xf32> to vector<256xf32>
    %broadcast_in_dim3A_909 = vector.shape_cast %get3A_908 : vector<256xf32> to vector<1x256xf32>
    %get3A_910 = arith.constant 70 : index
    %get3A_911 = arith.constant 0 : index
    %get3A_912 = arith.constant 0 : index
    %get3A_913 = vector.load %arg2[%get3A_910, %get3A_911, %get3A_912] : memref<200x64x256xf32, #tpu.memory_space<vmem>>, vector<1x64x256xf32>
    %get3A_914 = vector.shape_cast %get3A_913 : vector<1x64x256xf32> to vector<64x256xf32>
    %mul3A_915 = vector.broadcast %broadcast_in_dim3A_909 : vector<1x256xf32> to vector<64x256xf32>
    %mul3A_916 = arith.mulf %mul3A_915, %get3A_914 : vector<64x256xf32>
    %add3A_917 = arith.addf %add3A_904, %mul3A_916 : vector<64x256xf32>
    %get3A_918 = arith.constant 71 : index
    %get3A_919 = arith.constant 0 : index
    %get3A_920 = vector.load %arg1[%get3A_918, %get3A_919] : memref<200x256xf32, #tpu.memory_space<vmem>>, vector<1x256xf32>
    %get3A_921 = vector.shape_cast %get3A_920 : vector<1x256xf32> to vector<256xf32>
    %broadcast_in_dim3A_922 = vector.shape_cast %get3A_921 : vector<256xf32> to vector<1x256xf32>
    %get3A_923 = arith.constant 71 : index
    %get3A_924 = arith.constant 0 : index
    %get3A_925 = arith.constant 0 : index
    %get3A_926 = vector.load %arg2[%get3A_923, %get3A_924, %get3A_925] : memref<200x64x256xf32, #tpu.memory_space<vmem>>, vector<1x64x256xf32>
    %get3A_927 = vector.shape_cast %get3A_926 : vector<1x64x256xf32> to vector<64x256xf32>
    %mul3A_928 = vector.broadcast %broadcast_in_dim3A_922 : vector<1x256xf32> to vector<64x256xf32>
    %mul3A_929 = arith.mulf %mul3A_928, %get3A_927 : vector<64x256xf32>
    %add3A_930 = arith.addf %add3A_917, %mul3A_929 : vector<64x256xf32>
    %get3A_931 = arith.constant 72 : index
    %get3A_932 = arith.constant 0 : index
    %get3A_933 = vector.load %arg1[%get3A_931, %get3A_932] : memref<200x256xf32, #tpu.memory_space<vmem>>, vector<1x256xf32>
    %get3A_934 = vector.shape_cast %get3A_933 : vector<1x256xf32> to vector<256xf32>
    %broadcast_in_dim3A_935 = vector.shape_cast %get3A_934 : vector<256xf32> to vector<1x256xf32>
    %get3A_936 = arith.constant 72 : index
    %get3A_937 = arith.constant 0 : index
    %get3A_938 = arith.constant 0 : index
    %get3A_939 = vector.load %arg2[%get3A_936, %get3A_937, %get3A_938] : memref<200x64x256xf32, #tpu.memory_space<vmem>>, vector<1x64x256xf32>
    %get3A_940 = vector.shape_cast %get3A_939 : vector<1x64x256xf32> to vector<64x256xf32>
    %mul3A_941 = vector.broadcast %broadcast_in_dim3A_935 : vector<1x256xf32> to vector<64x256xf32>
    %mul3A_942 = arith.mulf %mul3A_941, %get3A_940 : vector<64x256xf32>
    %add3A_943 = arith.addf %add3A_930, %mul3A_942 : vector<64x256xf32>
    %get3A_944 = arith.constant 73 : index
    %get3A_945 = arith.constant 0 : index
    %get3A_946 = vector.load %arg1[%get3A_944, %get3A_945] : memref<200x256xf32, #tpu.memory_space<vmem>>, vector<1x256xf32>
    %get3A_947 = vector.shape_cast %get3A_946 : vector<1x256xf32> to vector<256xf32>
    %broadcast_in_dim3A_948 = vector.shape_cast %get3A_947 : vector<256xf32> to vector<1x256xf32>
    %get3A_949 = arith.constant 73 : index
    %get3A_950 = arith.constant 0 : index
    %get3A_951 = arith.constant 0 : index
    %get3A_952 = vector.load %arg2[%get3A_949, %get3A_950, %get3A_951] : memref<200x64x256xf32, #tpu.memory_space<vmem>>, vector<1x64x256xf32>
    %get3A_953 = vector.shape_cast %get3A_952 : vector<1x64x256xf32> to vector<64x256xf32>
    %mul3A_954 = vector.broadcast %broadcast_in_dim3A_948 : vector<1x256xf32> to vector<64x256xf32>
    %mul3A_955 = arith.mulf %mul3A_954, %get3A_953 : vector<64x256xf32>
    %add3A_956 = arith.addf %add3A_943, %mul3A_955 : vector<64x256xf32>
    %get3A_957 = arith.constant 74 : index
    %get3A_958 = arith.constant 0 : index
    %get3A_959 = vector.load %arg1[%get3A_957, %get3A_958] : memref<200x256xf32, #tpu.memory_space<vmem>>, vector<1x256xf32>
    %get3A_960 = vector.shape_cast %get3A_959 : vector<1x256xf32> to vector<256xf32>
    %broadcast_in_dim3A_961 = vector.shape_cast %get3A_960 : vector<256xf32> to vector<1x256xf32>
    %get3A_962 = arith.constant 74 : index
    %get3A_963 = arith.constant 0 : index
    %get3A_964 = arith.constant 0 : index
    %get3A_965 = vector.load %arg2[%get3A_962, %get3A_963, %get3A_964] : memref<200x64x256xf32, #tpu.memory_space<vmem>>, vector<1x64x256xf32>
    %get3A_966 = vector.shape_cast %get3A_965 : vector<1x64x256xf32> to vector<64x256xf32>
    %mul3A_967 = vector.broadcast %broadcast_in_dim3A_961 : vector<1x256xf32> to vector<64x256xf32>
    %mul3A_968 = arith.mulf %mul3A_967, %get3A_966 : vector<64x256xf32>
    %add3A_969 = arith.addf %add3A_956, %mul3A_968 : vector<64x256xf32>
    %get3A_970 = arith.constant 75 : index
    %get3A_971 = arith.constant 0 : index
    %get3A_972 = vector.load %arg1[%get3A_970, %get3A_971] : memref<200x256xf32, #tpu.memory_space<vmem>>, vector<1x256xf32>
    %get3A_973 = vector.shape_cast %get3A_972 : vector<1x256xf32> to vector<256xf32>
    %broadcast_in_dim3A_974 = vector.shape_cast %get3A_973 : vector<256xf32> to vector<1x256xf32>
    %get3A_975 = arith.constant 75 : index
    %get3A_976 = arith.constant 0 : index
    %get3A_977 = arith.constant 0 : index
    %get3A_978 = vector.load %arg2[%get3A_975, %get3A_976, %get3A_977] : memref<200x64x256xf32, #tpu.memory_space<vmem>>, vector<1x64x256xf32>
    %get3A_979 = vector.shape_cast %get3A_978 : vector<1x64x256xf32> to vector<64x256xf32>
    %mul3A_980 = vector.broadcast %broadcast_in_dim3A_974 : vector<1x256xf32> to vector<64x256xf32>
    %mul3A_981 = arith.mulf %mul3A_980, %get3A_979 : vector<64x256xf32>
    %add3A_982 = arith.addf %add3A_969, %mul3A_981 : vector<64x256xf32>
    %get3A_983 = arith.constant 76 : index
    %get3A_984 = arith.constant 0 : index
    %get3A_985 = vector.load %arg1[%get3A_983, %get3A_984] : memref<200x256xf32, #tpu.memory_space<vmem>>, vector<1x256xf32>
    %get3A_986 = vector.shape_cast %get3A_985 : vector<1x256xf32> to vector<256xf32>
    %broadcast_in_dim3A_987 = vector.shape_cast %get3A_986 : vector<256xf32> to vector<1x256xf32>
    %get3A_988 = arith.constant 76 : index
    %get3A_989 = arith.constant 0 : index
    %get3A_990 = arith.constant 0 : index
    %get3A_991 = vector.load %arg2[%get3A_988, %get3A_989, %get3A_990] : memref<200x64x256xf32, #tpu.memory_space<vmem>>, vector<1x64x256xf32>
    %get3A_992 = vector.shape_cast %get3A_991 : vector<1x64x256xf32> to vector<64x256xf32>
    %mul3A_993 = vector.broadcast %broadcast_in_dim3A_987 : vector<1x256xf32> to vector<64x256xf32>
    %mul3A_994 = arith.mulf %mul3A_993, %get3A_992 : vector<64x256xf32>
    %add3A_995 = arith.addf %add3A_982, %mul3A_994 : vector<64x256xf32>
    %get3A_996 = arith.constant 77 : index
    %get3A_997 = arith.constant 0 : index
    %get3A_998 = vector.load %arg1[%get3A_996, %get3A_997] : memref<200x256xf32, #tpu.memory_space<vmem>>, vector<1x256xf32>
    %get3A_999 = vector.shape_cast %get3A_998 : vector<1x256xf32> to vector<256xf32>
    %broadcast_in_dim3A_1000 = vector.shape_cast %get3A_999 : vector<256xf32> to vector<1x256xf32>
    %get3A_1001 = arith.constant 77 : index
    %get3A_1002 = arith.constant 0 : index
    %get3A_1003 = arith.constant 0 : index
    %get3A_1004 = vector.load %arg2[%get3A_1001, %get3A_1002, %get3A_1003] : memref<200x64x256xf32, #tpu.memory_space<vmem>>, vector<1x64x256xf32>
    %get3A_1005 = vector.shape_cast %get3A_1004 : vector<1x64x256xf32> to vector<64x256xf32>
    %mul3A_1006 = vector.broadcast %broadcast_in_dim3A_1000 : vector<1x256xf32> to vector<64x256xf32>
    %mul3A_1007 = arith.mulf %mul3A_1006, %get3A_1005 : vector<64x256xf32>
    %add3A_1008 = arith.addf %add3A_995, %mul3A_1007 : vector<64x256xf32>
    %get3A_1009 = arith.constant 78 : index
    %get3A_1010 = arith.constant 0 : index
    %get3A_1011 = vector.load %arg1[%get3A_1009, %get3A_1010] : memref<200x256xf32, #tpu.memory_space<vmem>>, vector<1x256xf32>
    %get3A_1012 = vector.shape_cast %get3A_1011 : vector<1x256xf32> to vector<256xf32>
    %broadcast_in_dim3A_1013 = vector.shape_cast %get3A_1012 : vector<256xf32> to vector<1x256xf32>
    %get3A_1014 = arith.constant 78 : index
    %get3A_1015 = arith.constant 0 : index
    %get3A_1016 = arith.constant 0 : index
    %get3A_1017 = vector.load %arg2[%get3A_1014, %get3A_1015, %get3A_1016] : memref<200x64x256xf32, #tpu.memory_space<vmem>>, vector<1x64x256xf32>
    %get3A_1018 = vector.shape_cast %get3A_1017 : vector<1x64x256xf32> to vector<64x256xf32>
    %mul3A_1019 = vector.broadcast %broadcast_in_dim3A_1013 : vector<1x256xf32> to vector<64x256xf32>
    %mul3A_1020 = arith.mulf %mul3A_1019, %get3A_1018 : vector<64x256xf32>
    %add3A_1021 = arith.addf %add3A_1008, %mul3A_1020 : vector<64x256xf32>
    %get3A_1022 = arith.constant 79 : index
    %get3A_1023 = arith.constant 0 : index
    %get3A_1024 = vector.load %arg1[%get3A_1022, %get3A_1023] : memref<200x256xf32, #tpu.memory_space<vmem>>, vector<1x256xf32>
    %get3A_1025 = vector.shape_cast %get3A_1024 : vector<1x256xf32> to vector<256xf32>
    %broadcast_in_dim3A_1026 = vector.shape_cast %get3A_1025 : vector<256xf32> to vector<1x256xf32>
    %get3A_1027 = arith.constant 79 : index
    %get3A_1028 = arith.constant 0 : index
    %get3A_1029 = arith.constant 0 : index
    %get3A_1030 = vector.load %arg2[%get3A_1027, %get3A_1028, %get3A_1029] : memref<200x64x256xf32, #tpu.memory_space<vmem>>, vector<1x64x256xf32>
    %get3A_1031 = vector.shape_cast %get3A_1030 : vector<1x64x256xf32> to vector<64x256xf32>
    %mul3A_1032 = vector.broadcast %broadcast_in_dim3A_1026 : vector<1x256xf32> to vector<64x256xf32>
    %mul3A_1033 = arith.mulf %mul3A_1032, %get3A_1031 : vector<64x256xf32>
    %add3A_1034 = arith.addf %add3A_1021, %mul3A_1033 : vector<64x256xf32>
    %get3A_1035 = arith.constant 80 : index
    %get3A_1036 = arith.constant 0 : index
    %get3A_1037 = vector.load %arg1[%get3A_1035, %get3A_1036] : memref<200x256xf32, #tpu.memory_space<vmem>>, vector<1x256xf32>
    %get3A_1038 = vector.shape_cast %get3A_1037 : vector<1x256xf32> to vector<256xf32>
    %broadcast_in_dim3A_1039 = vector.shape_cast %get3A_1038 : vector<256xf32> to vector<1x256xf32>
    %get3A_1040 = arith.constant 80 : index
    %get3A_1041 = arith.constant 0 : index
    %get3A_1042 = arith.constant 0 : index
    %get3A_1043 = vector.load %arg2[%get3A_1040, %get3A_1041, %get3A_1042] : memref<200x64x256xf32, #tpu.memory_space<vmem>>, vector<1x64x256xf32>
    %get3A_1044 = vector.shape_cast %get3A_1043 : vector<1x64x256xf32> to vector<64x256xf32>
    %mul3A_1045 = vector.broadcast %broadcast_in_dim3A_1039 : vector<1x256xf32> to vector<64x256xf32>
    %mul3A_1046 = arith.mulf %mul3A_1045, %get3A_1044 : vector<64x256xf32>
    %add3A_1047 = arith.addf %add3A_1034, %mul3A_1046 : vector<64x256xf32>
    %get3A_1048 = arith.constant 81 : index
    %get3A_1049 = arith.constant 0 : index
    %get3A_1050 = vector.load %arg1[%get3A_1048, %get3A_1049] : memref<200x256xf32, #tpu.memory_space<vmem>>, vector<1x256xf32>
    %get3A_1051 = vector.shape_cast %get3A_1050 : vector<1x256xf32> to vector<256xf32>
    %broadcast_in_dim3A_1052 = vector.shape_cast %get3A_1051 : vector<256xf32> to vector<1x256xf32>
    %get3A_1053 = arith.constant 81 : index
    %get3A_1054 = arith.constant 0 : index
    %get3A_1055 = arith.constant 0 : index
    %get3A_1056 = vector.load %arg2[%get3A_1053, %get3A_1054, %get3A_1055] : memref<200x64x256xf32, #tpu.memory_space<vmem>>, vector<1x64x256xf32>
    %get3A_1057 = vector.shape_cast %get3A_1056 : vector<1x64x256xf32> to vector<64x256xf32>
    %mul3A_1058 = vector.broadcast %broadcast_in_dim3A_1052 : vector<1x256xf32> to vector<64x256xf32>
    %mul3A_1059 = arith.mulf %mul3A_1058, %get3A_1057 : vector<64x256xf32>
    %add3A_1060 = arith.addf %add3A_1047, %mul3A_1059 : vector<64x256xf32>
    %get3A_1061 = arith.constant 82 : index
    %get3A_1062 = arith.constant 0 : index
    %get3A_1063 = vector.load %arg1[%get3A_1061, %get3A_1062] : memref<200x256xf32, #tpu.memory_space<vmem>>, vector<1x256xf32>
    %get3A_1064 = vector.shape_cast %get3A_1063 : vector<1x256xf32> to vector<256xf32>
    %broadcast_in_dim3A_1065 = vector.shape_cast %get3A_1064 : vector<256xf32> to vector<1x256xf32>
    %get3A_1066 = arith.constant 82 : index
    %get3A_1067 = arith.constant 0 : index
    %get3A_1068 = arith.constant 0 : index
    %get3A_1069 = vector.load %arg2[%get3A_1066, %get3A_1067, %get3A_1068] : memref<200x64x256xf32, #tpu.memory_space<vmem>>, vector<1x64x256xf32>
    %get3A_1070 = vector.shape_cast %get3A_1069 : vector<1x64x256xf32> to vector<64x256xf32>
    %mul3A_1071 = vector.broadcast %broadcast_in_dim3A_1065 : vector<1x256xf32> to vector<64x256xf32>
    %mul3A_1072 = arith.mulf %mul3A_1071, %get3A_1070 : vector<64x256xf32>
    %add3A_1073 = arith.addf %add3A_1060, %mul3A_1072 : vector<64x256xf32>
    %get3A_1074 = arith.constant 83 : index
    %get3A_1075 = arith.constant 0 : index
    %get3A_1076 = vector.load %arg1[%get3A_1074, %get3A_1075] : memref<200x256xf32, #tpu.memory_space<vmem>>, vector<1x256xf32>
    %get3A_1077 = vector.shape_cast %get3A_1076 : vector<1x256xf32> to vector<256xf32>
    %broadcast_in_dim3A_1078 = vector.shape_cast %get3A_1077 : vector<256xf32> to vector<1x256xf32>
    %get3A_1079 = arith.constant 83 : index
    %get3A_1080 = arith.constant 0 : index
    %get3A_1081 = arith.constant 0 : index
    %get3A_1082 = vector.load %arg2[%get3A_1079, %get3A_1080, %get3A_1081] : memref<200x64x256xf32, #tpu.memory_space<vmem>>, vector<1x64x256xf32>
    %get3A_1083 = vector.shape_cast %get3A_1082 : vector<1x64x256xf32> to vector<64x256xf32>
    %mul3A_1084 = vector.broadcast %broadcast_in_dim3A_1078 : vector<1x256xf32> to vector<64x256xf32>
    %mul3A_1085 = arith.mulf %mul3A_1084, %get3A_1083 : vector<64x256xf32>
    %add3A_1086 = arith.addf %add3A_1073, %mul3A_1085 : vector<64x256xf32>
    %get3A_1087 = arith.constant 84 : index
    %get3A_1088 = arith.constant 0 : index
    %get3A_1089 = vector.load %arg1[%get3A_1087, %get3A_1088] : memref<200x256xf32, #tpu.memory_space<vmem>>, vector<1x256xf32>
    %get3A_1090 = vector.shape_cast %get3A_1089 : vector<1x256xf32> to vector<256xf32>
    %broadcast_in_dim3A_1091 = vector.shape_cast %get3A_1090 : vector<256xf32> to vector<1x256xf32>
    %get3A_1092 = arith.constant 84 : index
    %get3A_1093 = arith.constant 0 : index
    %get3A_1094 = arith.constant 0 : index
    %get3A_1095 = vector.load %arg2[%get3A_1092, %get3A_1093, %get3A_1094] : memref<200x64x256xf32, #tpu.memory_space<vmem>>, vector<1x64x256xf32>
    %get3A_1096 = vector.shape_cast %get3A_1095 : vector<1x64x256xf32> to vector<64x256xf32>
    %mul3A_1097 = vector.broadcast %broadcast_in_dim3A_1091 : vector<1x256xf32> to vector<64x256xf32>
    %mul3A_1098 = arith.mulf %mul3A_1097, %get3A_1096 : vector<64x256xf32>
    %add3A_1099 = arith.addf %add3A_1086, %mul3A_1098 : vector<64x256xf32>
    %get3A_1100 = arith.constant 85 : index
    %get3A_1101 = arith.constant 0 : index
    %get3A_1102 = vector.load %arg1[%get3A_1100, %get3A_1101] : memref<200x256xf32, #tpu.memory_space<vmem>>, vector<1x256xf32>
    %get3A_1103 = vector.shape_cast %get3A_1102 : vector<1x256xf32> to vector<256xf32>
    %broadcast_in_dim3A_1104 = vector.shape_cast %get3A_1103 : vector<256xf32> to vector<1x256xf32>
    %get3A_1105 = arith.constant 85 : index
    %get3A_1106 = arith.constant 0 : index
    %get3A_1107 = arith.constant 0 : index
    %get3A_1108 = vector.load %arg2[%get3A_1105, %get3A_1106, %get3A_1107] : memref<200x64x256xf32, #tpu.memory_space<vmem>>, vector<1x64x256xf32>
    %get3A_1109 = vector.shape_cast %get3A_1108 : vector<1x64x256xf32> to vector<64x256xf32>
    %mul3A_1110 = vector.broadcast %broadcast_in_dim3A_1104 : vector<1x256xf32> to vector<64x256xf32>
    %mul3A_1111 = arith.mulf %mul3A_1110, %get3A_1109 : vector<64x256xf32>
    %add3A_1112 = arith.addf %add3A_1099, %mul3A_1111 : vector<64x256xf32>
    %get3A_1113 = arith.constant 86 : index
    %get3A_1114 = arith.constant 0 : index
    %get3A_1115 = vector.load %arg1[%get3A_1113, %get3A_1114] : memref<200x256xf32, #tpu.memory_space<vmem>>, vector<1x256xf32>
    %get3A_1116 = vector.shape_cast %get3A_1115 : vector<1x256xf32> to vector<256xf32>
    %broadcast_in_dim3A_1117 = vector.shape_cast %get3A_1116 : vector<256xf32> to vector<1x256xf32>
    %get3A_1118 = arith.constant 86 : index
    %get3A_1119 = arith.constant 0 : index
    %get3A_1120 = arith.constant 0 : index
    %get3A_1121 = vector.load %arg2[%get3A_1118, %get3A_1119, %get3A_1120] : memref<200x64x256xf32, #tpu.memory_space<vmem>>, vector<1x64x256xf32>
    %get3A_1122 = vector.shape_cast %get3A_1121 : vector<1x64x256xf32> to vector<64x256xf32>
    %mul3A_1123 = vector.broadcast %broadcast_in_dim3A_1117 : vector<1x256xf32> to vector<64x256xf32>
    %mul3A_1124 = arith.mulf %mul3A_1123, %get3A_1122 : vector<64x256xf32>
    %add3A_1125 = arith.addf %add3A_1112, %mul3A_1124 : vector<64x256xf32>
    %get3A_1126 = arith.constant 87 : index
    %get3A_1127 = arith.constant 0 : index
    %get3A_1128 = vector.load %arg1[%get3A_1126, %get3A_1127] : memref<200x256xf32, #tpu.memory_space<vmem>>, vector<1x256xf32>
    %get3A_1129 = vector.shape_cast %get3A_1128 : vector<1x256xf32> to vector<256xf32>
    %broadcast_in_dim3A_1130 = vector.shape_cast %get3A_1129 : vector<256xf32> to vector<1x256xf32>
    %get3A_1131 = arith.constant 87 : index
    %get3A_1132 = arith.constant 0 : index
    %get3A_1133 = arith.constant 0 : index
    %get3A_1134 = vector.load %arg2[%get3A_1131, %get3A_1132, %get3A_1133] : memref<200x64x256xf32, #tpu.memory_space<vmem>>, vector<1x64x256xf32>
    %get3A_1135 = vector.shape_cast %get3A_1134 : vector<1x64x256xf32> to vector<64x256xf32>
    %mul3A_1136 = vector.broadcast %broadcast_in_dim3A_1130 : vector<1x256xf32> to vector<64x256xf32>
    %mul3A_1137 = arith.mulf %mul3A_1136, %get3A_1135 : vector<64x256xf32>
    %add3A_1138 = arith.addf %add3A_1125, %mul3A_1137 : vector<64x256xf32>
    %get3A_1139 = arith.constant 88 : index
    %get3A_1140 = arith.constant 0 : index
    %get3A_1141 = vector.load %arg1[%get3A_1139, %get3A_1140] : memref<200x256xf32, #tpu.memory_space<vmem>>, vector<1x256xf32>
    %get3A_1142 = vector.shape_cast %get3A_1141 : vector<1x256xf32> to vector<256xf32>
    %broadcast_in_dim3A_1143 = vector.shape_cast %get3A_1142 : vector<256xf32> to vector<1x256xf32>
    %get3A_1144 = arith.constant 88 : index
    %get3A_1145 = arith.constant 0 : index
    %get3A_1146 = arith.constant 0 : index
    %get3A_1147 = vector.load %arg2[%get3A_1144, %get3A_1145, %get3A_1146] : memref<200x64x256xf32, #tpu.memory_space<vmem>>, vector<1x64x256xf32>
    %get3A_1148 = vector.shape_cast %get3A_1147 : vector<1x64x256xf32> to vector<64x256xf32>
    %mul3A_1149 = vector.broadcast %broadcast_in_dim3A_1143 : vector<1x256xf32> to vector<64x256xf32>
    %mul3A_1150 = arith.mulf %mul3A_1149, %get3A_1148 : vector<64x256xf32>
    %add3A_1151 = arith.addf %add3A_1138, %mul3A_1150 : vector<64x256xf32>
    %get3A_1152 = arith.constant 89 : index
    %get3A_1153 = arith.constant 0 : index
    %get3A_1154 = vector.load %arg1[%get3A_1152, %get3A_1153] : memref<200x256xf32, #tpu.memory_space<vmem>>, vector<1x256xf32>
    %get3A_1155 = vector.shape_cast %get3A_1154 : vector<1x256xf32> to vector<256xf32>
    %broadcast_in_dim3A_1156 = vector.shape_cast %get3A_1155 : vector<256xf32> to vector<1x256xf32>
    %get3A_1157 = arith.constant 89 : index
    %get3A_1158 = arith.constant 0 : index
    %get3A_1159 = arith.constant 0 : index
    %get3A_1160 = vector.load %arg2[%get3A_1157, %get3A_1158, %get3A_1159] : memref<200x64x256xf32, #tpu.memory_space<vmem>>, vector<1x64x256xf32>
    %get3A_1161 = vector.shape_cast %get3A_1160 : vector<1x64x256xf32> to vector<64x256xf32>
    %mul3A_1162 = vector.broadcast %broadcast_in_dim3A_1156 : vector<1x256xf32> to vector<64x256xf32>
    %mul3A_1163 = arith.mulf %mul3A_1162, %get3A_1161 : vector<64x256xf32>
    %add3A_1164 = arith.addf %add3A_1151, %mul3A_1163 : vector<64x256xf32>
    %get3A_1165 = arith.constant 90 : index
    %get3A_1166 = arith.constant 0 : index
    %get3A_1167 = vector.load %arg1[%get3A_1165, %get3A_1166] : memref<200x256xf32, #tpu.memory_space<vmem>>, vector<1x256xf32>
    %get3A_1168 = vector.shape_cast %get3A_1167 : vector<1x256xf32> to vector<256xf32>
    %broadcast_in_dim3A_1169 = vector.shape_cast %get3A_1168 : vector<256xf32> to vector<1x256xf32>
    %get3A_1170 = arith.constant 90 : index
    %get3A_1171 = arith.constant 0 : index
    %get3A_1172 = arith.constant 0 : index
    %get3A_1173 = vector.load %arg2[%get3A_1170, %get3A_1171, %get3A_1172] : memref<200x64x256xf32, #tpu.memory_space<vmem>>, vector<1x64x256xf32>
    %get3A_1174 = vector.shape_cast %get3A_1173 : vector<1x64x256xf32> to vector<64x256xf32>
    %mul3A_1175 = vector.broadcast %broadcast_in_dim3A_1169 : vector<1x256xf32> to vector<64x256xf32>
    %mul3A_1176 = arith.mulf %mul3A_1175, %get3A_1174 : vector<64x256xf32>
    %add3A_1177 = arith.addf %add3A_1164, %mul3A_1176 : vector<64x256xf32>
    %get3A_1178 = arith.constant 91 : index
    %get3A_1179 = arith.constant 0 : index
    %get3A_1180 = vector.load %arg1[%get3A_1178, %get3A_1179] : memref<200x256xf32, #tpu.memory_space<vmem>>, vector<1x256xf32>
    %get3A_1181 = vector.shape_cast %get3A_1180 : vector<1x256xf32> to vector<256xf32>
    %broadcast_in_dim3A_1182 = vector.shape_cast %get3A_1181 : vector<256xf32> to vector<1x256xf32>
    %get3A_1183 = arith.constant 91 : index
    %get3A_1184 = arith.constant 0 : index
    %get3A_1185 = arith.constant 0 : index
    %get3A_1186 = vector.load %arg2[%get3A_1183, %get3A_1184, %get3A_1185] : memref<200x64x256xf32, #tpu.memory_space<vmem>>, vector<1x64x256xf32>
    %get3A_1187 = vector.shape_cast %get3A_1186 : vector<1x64x256xf32> to vector<64x256xf32>
    %mul3A_1188 = vector.broadcast %broadcast_in_dim3A_1182 : vector<1x256xf32> to vector<64x256xf32>
    %mul3A_1189 = arith.mulf %mul3A_1188, %get3A_1187 : vector<64x256xf32>
    %add3A_1190 = arith.addf %add3A_1177, %mul3A_1189 : vector<64x256xf32>
    %get3A_1191 = arith.constant 92 : index
    %get3A_1192 = arith.constant 0 : index
    %get3A_1193 = vector.load %arg1[%get3A_1191, %get3A_1192] : memref<200x256xf32, #tpu.memory_space<vmem>>, vector<1x256xf32>
    %get3A_1194 = vector.shape_cast %get3A_1193 : vector<1x256xf32> to vector<256xf32>
    %broadcast_in_dim3A_1195 = vector.shape_cast %get3A_1194 : vector<256xf32> to vector<1x256xf32>
    %get3A_1196 = arith.constant 92 : index
    %get3A_1197 = arith.constant 0 : index
    %get3A_1198 = arith.constant 0 : index
    %get3A_1199 = vector.load %arg2[%get3A_1196, %get3A_1197, %get3A_1198] : memref<200x64x256xf32, #tpu.memory_space<vmem>>, vector<1x64x256xf32>
    %get3A_1200 = vector.shape_cast %get3A_1199 : vector<1x64x256xf32> to vector<64x256xf32>
    %mul3A_1201 = vector.broadcast %broadcast_in_dim3A_1195 : vector<1x256xf32> to vector<64x256xf32>
    %mul3A_1202 = arith.mulf %mul3A_1201, %get3A_1200 : vector<64x256xf32>
    %add3A_1203 = arith.addf %add3A_1190, %mul3A_1202 : vector<64x256xf32>
    %get3A_1204 = arith.constant 93 : index
    %get3A_1205 = arith.constant 0 : index
    %get3A_1206 = vector.load %arg1[%get3A_1204, %get3A_1205] : memref<200x256xf32, #tpu.memory_space<vmem>>, vector<1x256xf32>
    %get3A_1207 = vector.shape_cast %get3A_1206 : vector<1x256xf32> to vector<256xf32>
    %broadcast_in_dim3A_1208 = vector.shape_cast %get3A_1207 : vector<256xf32> to vector<1x256xf32>
    %get3A_1209 = arith.constant 93 : index
    %get3A_1210 = arith.constant 0 : index
    %get3A_1211 = arith.constant 0 : index
    %get3A_1212 = vector.load %arg2[%get3A_1209, %get3A_1210, %get3A_1211] : memref<200x64x256xf32, #tpu.memory_space<vmem>>, vector<1x64x256xf32>
    %get3A_1213 = vector.shape_cast %get3A_1212 : vector<1x64x256xf32> to vector<64x256xf32>
    %mul3A_1214 = vector.broadcast %broadcast_in_dim3A_1208 : vector<1x256xf32> to vector<64x256xf32>
    %mul3A_1215 = arith.mulf %mul3A_1214, %get3A_1213 : vector<64x256xf32>
    %add3A_1216 = arith.addf %add3A_1203, %mul3A_1215 : vector<64x256xf32>
    %get3A_1217 = arith.constant 94 : index
    %get3A_1218 = arith.constant 0 : index
    %get3A_1219 = vector.load %arg1[%get3A_1217, %get3A_1218] : memref<200x256xf32, #tpu.memory_space<vmem>>, vector<1x256xf32>
    %get3A_1220 = vector.shape_cast %get3A_1219 : vector<1x256xf32> to vector<256xf32>
    %broadcast_in_dim3A_1221 = vector.shape_cast %get3A_1220 : vector<256xf32> to vector<1x256xf32>
    %get3A_1222 = arith.constant 94 : index
    %get3A_1223 = arith.constant 0 : index
    %get3A_1224 = arith.constant 0 : index
    %get3A_1225 = vector.load %arg2[%get3A_1222, %get3A_1223, %get3A_1224] : memref<200x64x256xf32, #tpu.memory_space<vmem>>, vector<1x64x256xf32>
    %get3A_1226 = vector.shape_cast %get3A_1225 : vector<1x64x256xf32> to vector<64x256xf32>
    %mul3A_1227 = vector.broadcast %broadcast_in_dim3A_1221 : vector<1x256xf32> to vector<64x256xf32>
    %mul3A_1228 = arith.mulf %mul3A_1227, %get3A_1226 : vector<64x256xf32>
    %add3A_1229 = arith.addf %add3A_1216, %mul3A_1228 : vector<64x256xf32>
    %get3A_1230 = arith.constant 95 : index
    %get3A_1231 = arith.constant 0 : index
    %get3A_1232 = vector.load %arg1[%get3A_1230, %get3A_1231] : memref<200x256xf32, #tpu.memory_space<vmem>>, vector<1x256xf32>
    %get3A_1233 = vector.shape_cast %get3A_1232 : vector<1x256xf32> to vector<256xf32>
    %broadcast_in_dim3A_1234 = vector.shape_cast %get3A_1233 : vector<256xf32> to vector<1x256xf32>
    %get3A_1235 = arith.constant 95 : index
    %get3A_1236 = arith.constant 0 : index
    %get3A_1237 = arith.constant 0 : index
    %get3A_1238 = vector.load %arg2[%get3A_1235, %get3A_1236, %get3A_1237] : memref<200x64x256xf32, #tpu.memory_space<vmem>>, vector<1x64x256xf32>
    %get3A_1239 = vector.shape_cast %get3A_1238 : vector<1x64x256xf32> to vector<64x256xf32>
    %mul3A_1240 = vector.broadcast %broadcast_in_dim3A_1234 : vector<1x256xf32> to vector<64x256xf32>
    %mul3A_1241 = arith.mulf %mul3A_1240, %get3A_1239 : vector<64x256xf32>
    %add3A_1242 = arith.addf %add3A_1229, %mul3A_1241 : vector<64x256xf32>
    %get3A_1243 = arith.constant 96 : index
    %get3A_1244 = arith.constant 0 : index
    %get3A_1245 = vector.load %arg1[%get3A_1243, %get3A_1244] : memref<200x256xf32, #tpu.memory_space<vmem>>, vector<1x256xf32>
    %get3A_1246 = vector.shape_cast %get3A_1245 : vector<1x256xf32> to vector<256xf32>
    %broadcast_in_dim3A_1247 = vector.shape_cast %get3A_1246 : vector<256xf32> to vector<1x256xf32>
    %get3A_1248 = arith.constant 96 : index
    %get3A_1249 = arith.constant 0 : index
    %get3A_1250 = arith.constant 0 : index
    %get3A_1251 = vector.load %arg2[%get3A_1248, %get3A_1249, %get3A_1250] : memref<200x64x256xf32, #tpu.memory_space<vmem>>, vector<1x64x256xf32>
    %get3A_1252 = vector.shape_cast %get3A_1251 : vector<1x64x256xf32> to vector<64x256xf32>
    %mul3A_1253 = vector.broadcast %broadcast_in_dim3A_1247 : vector<1x256xf32> to vector<64x256xf32>
    %mul3A_1254 = arith.mulf %mul3A_1253, %get3A_1252 : vector<64x256xf32>
    %add3A_1255 = arith.addf %add3A_1242, %mul3A_1254 : vector<64x256xf32>
    %get3A_1256 = arith.constant 97 : index
    %get3A_1257 = arith.constant 0 : index
    %get3A_1258 = vector.load %arg1[%get3A_1256, %get3A_1257] : memref<200x256xf32, #tpu.memory_space<vmem>>, vector<1x256xf32>
    %get3A_1259 = vector.shape_cast %get3A_1258 : vector<1x256xf32> to vector<256xf32>
    %broadcast_in_dim3A_1260 = vector.shape_cast %get3A_1259 : vector<256xf32> to vector<1x256xf32>
    %get3A_1261 = arith.constant 97 : index
    %get3A_1262 = arith.constant 0 : index
    %get3A_1263 = arith.constant 0 : index
    %get3A_1264 = vector.load %arg2[%get3A_1261, %get3A_1262, %get3A_1263] : memref<200x64x256xf32, #tpu.memory_space<vmem>>, vector<1x64x256xf32>
    %get3A_1265 = vector.shape_cast %get3A_1264 : vector<1x64x256xf32> to vector<64x256xf32>
    %mul3A_1266 = vector.broadcast %broadcast_in_dim3A_1260 : vector<1x256xf32> to vector<64x256xf32>
    %mul3A_1267 = arith.mulf %mul3A_1266, %get3A_1265 : vector<64x256xf32>
    %add3A_1268 = arith.addf %add3A_1255, %mul3A_1267 : vector<64x256xf32>
    %get3A_1269 = arith.constant 98 : index
    %get3A_1270 = arith.constant 0 : index
    %get3A_1271 = vector.load %arg1[%get3A_1269, %get3A_1270] : memref<200x256xf32, #tpu.memory_space<vmem>>, vector<1x256xf32>
    %get3A_1272 = vector.shape_cast %get3A_1271 : vector<1x256xf32> to vector<256xf32>
    %broadcast_in_dim3A_1273 = vector.shape_cast %get3A_1272 : vector<256xf32> to vector<1x256xf32>
    %get3A_1274 = arith.constant 98 : index
    %get3A_1275 = arith.constant 0 : index
    %get3A_1276 = arith.constant 0 : index
    %get3A_1277 = vector.load %arg2[%get3A_1274, %get3A_1275, %get3A_1276] : memref<200x64x256xf32, #tpu.memory_space<vmem>>, vector<1x64x256xf32>
    %get3A_1278 = vector.shape_cast %get3A_1277 : vector<1x64x256xf32> to vector<64x256xf32>
    %mul3A_1279 = vector.broadcast %broadcast_in_dim3A_1273 : vector<1x256xf32> to vector<64x256xf32>
    %mul3A_1280 = arith.mulf %mul3A_1279, %get3A_1278 : vector<64x256xf32>
    %add3A_1281 = arith.addf %add3A_1268, %mul3A_1280 : vector<64x256xf32>
    %get3A_1282 = arith.constant 99 : index
    %get3A_1283 = arith.constant 0 : index
    %get3A_1284 = vector.load %arg1[%get3A_1282, %get3A_1283] : memref<200x256xf32, #tpu.memory_space<vmem>>, vector<1x256xf32>
    %get3A_1285 = vector.shape_cast %get3A_1284 : vector<1x256xf32> to vector<256xf32>
    %broadcast_in_dim3A_1286 = vector.shape_cast %get3A_1285 : vector<256xf32> to vector<1x256xf32>
    %get3A_1287 = arith.constant 99 : index
    %get3A_1288 = arith.constant 0 : index
    %get3A_1289 = arith.constant 0 : index
    %get3A_1290 = vector.load %arg2[%get3A_1287, %get3A_1288, %get3A_1289] : memref<200x64x256xf32, #tpu.memory_space<vmem>>, vector<1x64x256xf32>
    %get3A_1291 = vector.shape_cast %get3A_1290 : vector<1x64x256xf32> to vector<64x256xf32>
    %mul3A_1292 = vector.broadcast %broadcast_in_dim3A_1286 : vector<1x256xf32> to vector<64x256xf32>
    %mul3A_1293 = arith.mulf %mul3A_1292, %get3A_1291 : vector<64x256xf32>
    %add3A_1294 = arith.addf %add3A_1281, %mul3A_1293 : vector<64x256xf32>
    %get3A_1295 = arith.constant 100 : index
    %get3A_1296 = arith.constant 0 : index
    %get3A_1297 = vector.load %arg1[%get3A_1295, %get3A_1296] : memref<200x256xf32, #tpu.memory_space<vmem>>, vector<1x256xf32>
    %get3A_1298 = vector.shape_cast %get3A_1297 : vector<1x256xf32> to vector<256xf32>
    %broadcast_in_dim3A_1299 = vector.shape_cast %get3A_1298 : vector<256xf32> to vector<1x256xf32>
    %get3A_1300 = arith.constant 100 : index
    %get3A_1301 = arith.constant 0 : index
    %get3A_1302 = arith.constant 0 : index
    %get3A_1303 = vector.load %arg2[%get3A_1300, %get3A_1301, %get3A_1302] : memref<200x64x256xf32, #tpu.memory_space<vmem>>, vector<1x64x256xf32>
    %get3A_1304 = vector.shape_cast %get3A_1303 : vector<1x64x256xf32> to vector<64x256xf32>
    %mul3A_1305 = vector.broadcast %broadcast_in_dim3A_1299 : vector<1x256xf32> to vector<64x256xf32>
    %mul3A_1306 = arith.mulf %mul3A_1305, %get3A_1304 : vector<64x256xf32>
    %add3A_1307 = arith.addf %add3A_1294, %mul3A_1306 : vector<64x256xf32>
    %get3A_1308 = arith.constant 101 : index
    %get3A_1309 = arith.constant 0 : index
    %get3A_1310 = vector.load %arg1[%get3A_1308, %get3A_1309] : memref<200x256xf32, #tpu.memory_space<vmem>>, vector<1x256xf32>
    %get3A_1311 = vector.shape_cast %get3A_1310 : vector<1x256xf32> to vector<256xf32>
    %broadcast_in_dim3A_1312 = vector.shape_cast %get3A_1311 : vector<256xf32> to vector<1x256xf32>
    %get3A_1313 = arith.constant 101 : index
    %get3A_1314 = arith.constant 0 : index
    %get3A_1315 = arith.constant 0 : index
    %get3A_1316 = vector.load %arg2[%get3A_1313, %get3A_1314, %get3A_1315] : memref<200x64x256xf32, #tpu.memory_space<vmem>>, vector<1x64x256xf32>
    %get3A_1317 = vector.shape_cast %get3A_1316 : vector<1x64x256xf32> to vector<64x256xf32>
    %mul3A_1318 = vector.broadcast %broadcast_in_dim3A_1312 : vector<1x256xf32> to vector<64x256xf32>
    %mul3A_1319 = arith.mulf %mul3A_1318, %get3A_1317 : vector<64x256xf32>
    %add3A_1320 = arith.addf %add3A_1307, %mul3A_1319 : vector<64x256xf32>
    %get3A_1321 = arith.constant 102 : index
    %get3A_1322 = arith.constant 0 : index
    %get3A_1323 = vector.load %arg1[%get3A_1321, %get3A_1322] : memref<200x256xf32, #tpu.memory_space<vmem>>, vector<1x256xf32>
    %get3A_1324 = vector.shape_cast %get3A_1323 : vector<1x256xf32> to vector<256xf32>
    %broadcast_in_dim3A_1325 = vector.shape_cast %get3A_1324 : vector<256xf32> to vector<1x256xf32>
    %get3A_1326 = arith.constant 102 : index
    %get3A_1327 = arith.constant 0 : index
    %get3A_1328 = arith.constant 0 : index
    %get3A_1329 = vector.load %arg2[%get3A_1326, %get3A_1327, %get3A_1328] : memref<200x64x256xf32, #tpu.memory_space<vmem>>, vector<1x64x256xf32>
    %get3A_1330 = vector.shape_cast %get3A_1329 : vector<1x64x256xf32> to vector<64x256xf32>
    %mul3A_1331 = vector.broadcast %broadcast_in_dim3A_1325 : vector<1x256xf32> to vector<64x256xf32>
    %mul3A_1332 = arith.mulf %mul3A_1331, %get3A_1330 : vector<64x256xf32>
    %add3A_1333 = arith.addf %add3A_1320, %mul3A_1332 : vector<64x256xf32>
    %get3A_1334 = arith.constant 103 : index
    %get3A_1335 = arith.constant 0 : index
    %get3A_1336 = vector.load %arg1[%get3A_1334, %get3A_1335] : memref<200x256xf32, #tpu.memory_space<vmem>>, vector<1x256xf32>
    %get3A_1337 = vector.shape_cast %get3A_1336 : vector<1x256xf32> to vector<256xf32>
    %broadcast_in_dim3A_1338 = vector.shape_cast %get3A_1337 : vector<256xf32> to vector<1x256xf32>
    %get3A_1339 = arith.constant 103 : index
    %get3A_1340 = arith.constant 0 : index
    %get3A_1341 = arith.constant 0 : index
    %get3A_1342 = vector.load %arg2[%get3A_1339, %get3A_1340, %get3A_1341] : memref<200x64x256xf32, #tpu.memory_space<vmem>>, vector<1x64x256xf32>
    %get3A_1343 = vector.shape_cast %get3A_1342 : vector<1x64x256xf32> to vector<64x256xf32>
    %mul3A_1344 = vector.broadcast %broadcast_in_dim3A_1338 : vector<1x256xf32> to vector<64x256xf32>
    %mul3A_1345 = arith.mulf %mul3A_1344, %get3A_1343 : vector<64x256xf32>
    %add3A_1346 = arith.addf %add3A_1333, %mul3A_1345 : vector<64x256xf32>
    %get3A_1347 = arith.constant 104 : index
    %get3A_1348 = arith.constant 0 : index
    %get3A_1349 = vector.load %arg1[%get3A_1347, %get3A_1348] : memref<200x256xf32, #tpu.memory_space<vmem>>, vector<1x256xf32>
    %get3A_1350 = vector.shape_cast %get3A_1349 : vector<1x256xf32> to vector<256xf32>
    %broadcast_in_dim3A_1351 = vector.shape_cast %get3A_1350 : vector<256xf32> to vector<1x256xf32>
    %get3A_1352 = arith.constant 104 : index
    %get3A_1353 = arith.constant 0 : index
    %get3A_1354 = arith.constant 0 : index
    %get3A_1355 = vector.load %arg2[%get3A_1352, %get3A_1353, %get3A_1354] : memref<200x64x256xf32, #tpu.memory_space<vmem>>, vector<1x64x256xf32>
    %get3A_1356 = vector.shape_cast %get3A_1355 : vector<1x64x256xf32> to vector<64x256xf32>
    %mul3A_1357 = vector.broadcast %broadcast_in_dim3A_1351 : vector<1x256xf32> to vector<64x256xf32>
    %mul3A_1358 = arith.mulf %mul3A_1357, %get3A_1356 : vector<64x256xf32>
    %add3A_1359 = arith.addf %add3A_1346, %mul3A_1358 : vector<64x256xf32>
    %get3A_1360 = arith.constant 105 : index
    %get3A_1361 = arith.constant 0 : index
    %get3A_1362 = vector.load %arg1[%get3A_1360, %get3A_1361] : memref<200x256xf32, #tpu.memory_space<vmem>>, vector<1x256xf32>
    %get3A_1363 = vector.shape_cast %get3A_1362 : vector<1x256xf32> to vector<256xf32>
    %broadcast_in_dim3A_1364 = vector.shape_cast %get3A_1363 : vector<256xf32> to vector<1x256xf32>
    %get3A_1365 = arith.constant 105 : index
    %get3A_1366 = arith.constant 0 : index
    %get3A_1367 = arith.constant 0 : index
    %get3A_1368 = vector.load %arg2[%get3A_1365, %get3A_1366, %get3A_1367] : memref<200x64x256xf32, #tpu.memory_space<vmem>>, vector<1x64x256xf32>
    %get3A_1369 = vector.shape_cast %get3A_1368 : vector<1x64x256xf32> to vector<64x256xf32>
    %mul3A_1370 = vector.broadcast %broadcast_in_dim3A_1364 : vector<1x256xf32> to vector<64x256xf32>
    %mul3A_1371 = arith.mulf %mul3A_1370, %get3A_1369 : vector<64x256xf32>
    %add3A_1372 = arith.addf %add3A_1359, %mul3A_1371 : vector<64x256xf32>
    %get3A_1373 = arith.constant 106 : index
    %get3A_1374 = arith.constant 0 : index
    %get3A_1375 = vector.load %arg1[%get3A_1373, %get3A_1374] : memref<200x256xf32, #tpu.memory_space<vmem>>, vector<1x256xf32>
    %get3A_1376 = vector.shape_cast %get3A_1375 : vector<1x256xf32> to vector<256xf32>
    %broadcast_in_dim3A_1377 = vector.shape_cast %get3A_1376 : vector<256xf32> to vector<1x256xf32>
    %get3A_1378 = arith.constant 106 : index
    %get3A_1379 = arith.constant 0 : index
    %get3A_1380 = arith.constant 0 : index
    %get3A_1381 = vector.load %arg2[%get3A_1378, %get3A_1379, %get3A_1380] : memref<200x64x256xf32, #tpu.memory_space<vmem>>, vector<1x64x256xf32>
    %get3A_1382 = vector.shape_cast %get3A_1381 : vector<1x64x256xf32> to vector<64x256xf32>
    %mul3A_1383 = vector.broadcast %broadcast_in_dim3A_1377 : vector<1x256xf32> to vector<64x256xf32>
    %mul3A_1384 = arith.mulf %mul3A_1383, %get3A_1382 : vector<64x256xf32>
    %add3A_1385 = arith.addf %add3A_1372, %mul3A_1384 : vector<64x256xf32>
    %get3A_1386 = arith.constant 107 : index
    %get3A_1387 = arith.constant 0 : index
    %get3A_1388 = vector.load %arg1[%get3A_1386, %get3A_1387] : memref<200x256xf32, #tpu.memory_space<vmem>>, vector<1x256xf32>
    %get3A_1389 = vector.shape_cast %get3A_1388 : vector<1x256xf32> to vector<256xf32>
    %broadcast_in_dim3A_1390 = vector.shape_cast %get3A_1389 : vector<256xf32> to vector<1x256xf32>
    %get3A_1391 = arith.constant 107 : index
    %get3A_1392 = arith.constant 0 : index
    %get3A_1393 = arith.constant 0 : index
    %get3A_1394 = vector.load %arg2[%get3A_1391, %get3A_1392, %get3A_1393] : memref<200x64x256xf32, #tpu.memory_space<vmem>>, vector<1x64x256xf32>
    %get3A_1395 = vector.shape_cast %get3A_1394 : vector<1x64x256xf32> to vector<64x256xf32>
    %mul3A_1396 = vector.broadcast %broadcast_in_dim3A_1390 : vector<1x256xf32> to vector<64x256xf32>
    %mul3A_1397 = arith.mulf %mul3A_1396, %get3A_1395 : vector<64x256xf32>
    %add3A_1398 = arith.addf %add3A_1385, %mul3A_1397 : vector<64x256xf32>
    %get3A_1399 = arith.constant 108 : index
    %get3A_1400 = arith.constant 0 : index
    %get3A_1401 = vector.load %arg1[%get3A_1399, %get3A_1400] : memref<200x256xf32, #tpu.memory_space<vmem>>, vector<1x256xf32>
    %get3A_1402 = vector.shape_cast %get3A_1401 : vector<1x256xf32> to vector<256xf32>
    %broadcast_in_dim3A_1403 = vector.shape_cast %get3A_1402 : vector<256xf32> to vector<1x256xf32>
    %get3A_1404 = arith.constant 108 : index
    %get3A_1405 = arith.constant 0 : index
    %get3A_1406 = arith.constant 0 : index
    %get3A_1407 = vector.load %arg2[%get3A_1404, %get3A_1405, %get3A_1406] : memref<200x64x256xf32, #tpu.memory_space<vmem>>, vector<1x64x256xf32>
    %get3A_1408 = vector.shape_cast %get3A_1407 : vector<1x64x256xf32> to vector<64x256xf32>
    %mul3A_1409 = vector.broadcast %broadcast_in_dim3A_1403 : vector<1x256xf32> to vector<64x256xf32>
    %mul3A_1410 = arith.mulf %mul3A_1409, %get3A_1408 : vector<64x256xf32>
    %add3A_1411 = arith.addf %add3A_1398, %mul3A_1410 : vector<64x256xf32>
    %get3A_1412 = arith.constant 109 : index
    %get3A_1413 = arith.constant 0 : index
    %get3A_1414 = vector.load %arg1[%get3A_1412, %get3A_1413] : memref<200x256xf32, #tpu.memory_space<vmem>>, vector<1x256xf32>
    %get3A_1415 = vector.shape_cast %get3A_1414 : vector<1x256xf32> to vector<256xf32>
    %broadcast_in_dim3A_1416 = vector.shape_cast %get3A_1415 : vector<256xf32> to vector<1x256xf32>
    %get3A_1417 = arith.constant 109 : index
    %get3A_1418 = arith.constant 0 : index
    %get3A_1419 = arith.constant 0 : index
    %get3A_1420 = vector.load %arg2[%get3A_1417, %get3A_1418, %get3A_1419] : memref<200x64x256xf32, #tpu.memory_space<vmem>>, vector<1x64x256xf32>
    %get3A_1421 = vector.shape_cast %get3A_1420 : vector<1x64x256xf32> to vector<64x256xf32>
    %mul3A_1422 = vector.broadcast %broadcast_in_dim3A_1416 : vector<1x256xf32> to vector<64x256xf32>
    %mul3A_1423 = arith.mulf %mul3A_1422, %get3A_1421 : vector<64x256xf32>
    %add3A_1424 = arith.addf %add3A_1411, %mul3A_1423 : vector<64x256xf32>
    %get3A_1425 = arith.constant 110 : index
    %get3A_1426 = arith.constant 0 : index
    %get3A_1427 = vector.load %arg1[%get3A_1425, %get3A_1426] : memref<200x256xf32, #tpu.memory_space<vmem>>, vector<1x256xf32>
    %get3A_1428 = vector.shape_cast %get3A_1427 : vector<1x256xf32> to vector<256xf32>
    %broadcast_in_dim3A_1429 = vector.shape_cast %get3A_1428 : vector<256xf32> to vector<1x256xf32>
    %get3A_1430 = arith.constant 110 : index
    %get3A_1431 = arith.constant 0 : index
    %get3A_1432 = arith.constant 0 : index
    %get3A_1433 = vector.load %arg2[%get3A_1430, %get3A_1431, %get3A_1432] : memref<200x64x256xf32, #tpu.memory_space<vmem>>, vector<1x64x256xf32>
    %get3A_1434 = vector.shape_cast %get3A_1433 : vector<1x64x256xf32> to vector<64x256xf32>
    %mul3A_1435 = vector.broadcast %broadcast_in_dim3A_1429 : vector<1x256xf32> to vector<64x256xf32>
    %mul3A_1436 = arith.mulf %mul3A_1435, %get3A_1434 : vector<64x256xf32>
    %add3A_1437 = arith.addf %add3A_1424, %mul3A_1436 : vector<64x256xf32>
    %get3A_1438 = arith.constant 111 : index
    %get3A_1439 = arith.constant 0 : index
    %get3A_1440 = vector.load %arg1[%get3A_1438, %get3A_1439] : memref<200x256xf32, #tpu.memory_space<vmem>>, vector<1x256xf32>
    %get3A_1441 = vector.shape_cast %get3A_1440 : vector<1x256xf32> to vector<256xf32>
    %broadcast_in_dim3A_1442 = vector.shape_cast %get3A_1441 : vector<256xf32> to vector<1x256xf32>
    %get3A_1443 = arith.constant 111 : index
    %get3A_1444 = arith.constant 0 : index
    %get3A_1445 = arith.constant 0 : index
    %get3A_1446 = vector.load %arg2[%get3A_1443, %get3A_1444, %get3A_1445] : memref<200x64x256xf32, #tpu.memory_space<vmem>>, vector<1x64x256xf32>
    %get3A_1447 = vector.shape_cast %get3A_1446 : vector<1x64x256xf32> to vector<64x256xf32>
    %mul3A_1448 = vector.broadcast %broadcast_in_dim3A_1442 : vector<1x256xf32> to vector<64x256xf32>
    %mul3A_1449 = arith.mulf %mul3A_1448, %get3A_1447 : vector<64x256xf32>
    %add3A_1450 = arith.addf %add3A_1437, %mul3A_1449 : vector<64x256xf32>
    %get3A_1451 = arith.constant 112 : index
    %get3A_1452 = arith.constant 0 : index
    %get3A_1453 = vector.load %arg1[%get3A_1451, %get3A_1452] : memref<200x256xf32, #tpu.memory_space<vmem>>, vector<1x256xf32>
    %get3A_1454 = vector.shape_cast %get3A_1453 : vector<1x256xf32> to vector<256xf32>
    %broadcast_in_dim3A_1455 = vector.shape_cast %get3A_1454 : vector<256xf32> to vector<1x256xf32>
    %get3A_1456 = arith.constant 112 : index
    %get3A_1457 = arith.constant 0 : index
    %get3A_1458 = arith.constant 0 : index
    %get3A_1459 = vector.load %arg2[%get3A_1456, %get3A_1457, %get3A_1458] : memref<200x64x256xf32, #tpu.memory_space<vmem>>, vector<1x64x256xf32>
    %get3A_1460 = vector.shape_cast %get3A_1459 : vector<1x64x256xf32> to vector<64x256xf32>
    %mul3A_1461 = vector.broadcast %broadcast_in_dim3A_1455 : vector<1x256xf32> to vector<64x256xf32>
    %mul3A_1462 = arith.mulf %mul3A_1461, %get3A_1460 : vector<64x256xf32>
    %add3A_1463 = arith.addf %add3A_1450, %mul3A_1462 : vector<64x256xf32>
    %get3A_1464 = arith.constant 113 : index
    %get3A_1465 = arith.constant 0 : index
    %get3A_1466 = vector.load %arg1[%get3A_1464, %get3A_1465] : memref<200x256xf32, #tpu.memory_space<vmem>>, vector<1x256xf32>
    %get3A_1467 = vector.shape_cast %get3A_1466 : vector<1x256xf32> to vector<256xf32>
    %broadcast_in_dim3A_1468 = vector.shape_cast %get3A_1467 : vector<256xf32> to vector<1x256xf32>
    %get3A_1469 = arith.constant 113 : index
    %get3A_1470 = arith.constant 0 : index
    %get3A_1471 = arith.constant 0 : index
    %get3A_1472 = vector.load %arg2[%get3A_1469, %get3A_1470, %get3A_1471] : memref<200x64x256xf32, #tpu.memory_space<vmem>>, vector<1x64x256xf32>
    %get3A_1473 = vector.shape_cast %get3A_1472 : vector<1x64x256xf32> to vector<64x256xf32>
    %mul3A_1474 = vector.broadcast %broadcast_in_dim3A_1468 : vector<1x256xf32> to vector<64x256xf32>
    %mul3A_1475 = arith.mulf %mul3A_1474, %get3A_1473 : vector<64x256xf32>
    %add3A_1476 = arith.addf %add3A_1463, %mul3A_1475 : vector<64x256xf32>
    %get3A_1477 = arith.constant 114 : index
    %get3A_1478 = arith.constant 0 : index
    %get3A_1479 = vector.load %arg1[%get3A_1477, %get3A_1478] : memref<200x256xf32, #tpu.memory_space<vmem>>, vector<1x256xf32>
    %get3A_1480 = vector.shape_cast %get3A_1479 : vector<1x256xf32> to vector<256xf32>
    %broadcast_in_dim3A_1481 = vector.shape_cast %get3A_1480 : vector<256xf32> to vector<1x256xf32>
    %get3A_1482 = arith.constant 114 : index
    %get3A_1483 = arith.constant 0 : index
    %get3A_1484 = arith.constant 0 : index
    %get3A_1485 = vector.load %arg2[%get3A_1482, %get3A_1483, %get3A_1484] : memref<200x64x256xf32, #tpu.memory_space<vmem>>, vector<1x64x256xf32>
    %get3A_1486 = vector.shape_cast %get3A_1485 : vector<1x64x256xf32> to vector<64x256xf32>
    %mul3A_1487 = vector.broadcast %broadcast_in_dim3A_1481 : vector<1x256xf32> to vector<64x256xf32>
    %mul3A_1488 = arith.mulf %mul3A_1487, %get3A_1486 : vector<64x256xf32>
    %add3A_1489 = arith.addf %add3A_1476, %mul3A_1488 : vector<64x256xf32>
    %get3A_1490 = arith.constant 115 : index
    %get3A_1491 = arith.constant 0 : index
    %get3A_1492 = vector.load %arg1[%get3A_1490, %get3A_1491] : memref<200x256xf32, #tpu.memory_space<vmem>>, vector<1x256xf32>
    %get3A_1493 = vector.shape_cast %get3A_1492 : vector<1x256xf32> to vector<256xf32>
    %broadcast_in_dim3A_1494 = vector.shape_cast %get3A_1493 : vector<256xf32> to vector<1x256xf32>
    %get3A_1495 = arith.constant 115 : index
    %get3A_1496 = arith.constant 0 : index
    %get3A_1497 = arith.constant 0 : index
    %get3A_1498 = vector.load %arg2[%get3A_1495, %get3A_1496, %get3A_1497] : memref<200x64x256xf32, #tpu.memory_space<vmem>>, vector<1x64x256xf32>
    %get3A_1499 = vector.shape_cast %get3A_1498 : vector<1x64x256xf32> to vector<64x256xf32>
    %mul3A_1500 = vector.broadcast %broadcast_in_dim3A_1494 : vector<1x256xf32> to vector<64x256xf32>
    %mul3A_1501 = arith.mulf %mul3A_1500, %get3A_1499 : vector<64x256xf32>
    %add3A_1502 = arith.addf %add3A_1489, %mul3A_1501 : vector<64x256xf32>
    %get3A_1503 = arith.constant 116 : index
    %get3A_1504 = arith.constant 0 : index
    %get3A_1505 = vector.load %arg1[%get3A_1503, %get3A_1504] : memref<200x256xf32, #tpu.memory_space<vmem>>, vector<1x256xf32>
    %get3A_1506 = vector.shape_cast %get3A_1505 : vector<1x256xf32> to vector<256xf32>
    %broadcast_in_dim3A_1507 = vector.shape_cast %get3A_1506 : vector<256xf32> to vector<1x256xf32>
    %get3A_1508 = arith.constant 116 : index
    %get3A_1509 = arith.constant 0 : index
    %get3A_1510 = arith.constant 0 : index
    %get3A_1511 = vector.load %arg2[%get3A_1508, %get3A_1509, %get3A_1510] : memref<200x64x256xf32, #tpu.memory_space<vmem>>, vector<1x64x256xf32>
    %get3A_1512 = vector.shape_cast %get3A_1511 : vector<1x64x256xf32> to vector<64x256xf32>
    %mul3A_1513 = vector.broadcast %broadcast_in_dim3A_1507 : vector<1x256xf32> to vector<64x256xf32>
    %mul3A_1514 = arith.mulf %mul3A_1513, %get3A_1512 : vector<64x256xf32>
    %add3A_1515 = arith.addf %add3A_1502, %mul3A_1514 : vector<64x256xf32>
    %get3A_1516 = arith.constant 117 : index
    %get3A_1517 = arith.constant 0 : index
    %get3A_1518 = vector.load %arg1[%get3A_1516, %get3A_1517] : memref<200x256xf32, #tpu.memory_space<vmem>>, vector<1x256xf32>
    %get3A_1519 = vector.shape_cast %get3A_1518 : vector<1x256xf32> to vector<256xf32>
    %broadcast_in_dim3A_1520 = vector.shape_cast %get3A_1519 : vector<256xf32> to vector<1x256xf32>
    %get3A_1521 = arith.constant 117 : index
    %get3A_1522 = arith.constant 0 : index
    %get3A_1523 = arith.constant 0 : index
    %get3A_1524 = vector.load %arg2[%get3A_1521, %get3A_1522, %get3A_1523] : memref<200x64x256xf32, #tpu.memory_space<vmem>>, vector<1x64x256xf32>
    %get3A_1525 = vector.shape_cast %get3A_1524 : vector<1x64x256xf32> to vector<64x256xf32>
    %mul3A_1526 = vector.broadcast %broadcast_in_dim3A_1520 : vector<1x256xf32> to vector<64x256xf32>
    %mul3A_1527 = arith.mulf %mul3A_1526, %get3A_1525 : vector<64x256xf32>
    %add3A_1528 = arith.addf %add3A_1515, %mul3A_1527 : vector<64x256xf32>
    %get3A_1529 = arith.constant 118 : index
    %get3A_1530 = arith.constant 0 : index
    %get3A_1531 = vector.load %arg1[%get3A_1529, %get3A_1530] : memref<200x256xf32, #tpu.memory_space<vmem>>, vector<1x256xf32>
    %get3A_1532 = vector.shape_cast %get3A_1531 : vector<1x256xf32> to vector<256xf32>
    %broadcast_in_dim3A_1533 = vector.shape_cast %get3A_1532 : vector<256xf32> to vector<1x256xf32>
    %get3A_1534 = arith.constant 118 : index
    %get3A_1535 = arith.constant 0 : index
    %get3A_1536 = arith.constant 0 : index
    %get3A_1537 = vector.load %arg2[%get3A_1534, %get3A_1535, %get3A_1536] : memref<200x64x256xf32, #tpu.memory_space<vmem>>, vector<1x64x256xf32>
    %get3A_1538 = vector.shape_cast %get3A_1537 : vector<1x64x256xf32> to vector<64x256xf32>
    %mul3A_1539 = vector.broadcast %broadcast_in_dim3A_1533 : vector<1x256xf32> to vector<64x256xf32>
    %mul3A_1540 = arith.mulf %mul3A_1539, %get3A_1538 : vector<64x256xf32>
    %add3A_1541 = arith.addf %add3A_1528, %mul3A_1540 : vector<64x256xf32>
    %get3A_1542 = arith.constant 119 : index
    %get3A_1543 = arith.constant 0 : index
    %get3A_1544 = vector.load %arg1[%get3A_1542, %get3A_1543] : memref<200x256xf32, #tpu.memory_space<vmem>>, vector<1x256xf32>
    %get3A_1545 = vector.shape_cast %get3A_1544 : vector<1x256xf32> to vector<256xf32>
    %broadcast_in_dim3A_1546 = vector.shape_cast %get3A_1545 : vector<256xf32> to vector<1x256xf32>
    %get3A_1547 = arith.constant 119 : index
    %get3A_1548 = arith.constant 0 : index
    %get3A_1549 = arith.constant 0 : index
    %get3A_1550 = vector.load %arg2[%get3A_1547, %get3A_1548, %get3A_1549] : memref<200x64x256xf32, #tpu.memory_space<vmem>>, vector<1x64x256xf32>
    %get3A_1551 = vector.shape_cast %get3A_1550 : vector<1x64x256xf32> to vector<64x256xf32>
    %mul3A_1552 = vector.broadcast %broadcast_in_dim3A_1546 : vector<1x256xf32> to vector<64x256xf32>
    %mul3A_1553 = arith.mulf %mul3A_1552, %get3A_1551 : vector<64x256xf32>
    %add3A_1554 = arith.addf %add3A_1541, %mul3A_1553 : vector<64x256xf32>
    %get3A_1555 = arith.constant 120 : index
    %get3A_1556 = arith.constant 0 : index
    %get3A_1557 = vector.load %arg1[%get3A_1555, %get3A_1556] : memref<200x256xf32, #tpu.memory_space<vmem>>, vector<1x256xf32>
    %get3A_1558 = vector.shape_cast %get3A_1557 : vector<1x256xf32> to vector<256xf32>
    %broadcast_in_dim3A_1559 = vector.shape_cast %get3A_1558 : vector<256xf32> to vector<1x256xf32>
    %get3A_1560 = arith.constant 120 : index
    %get3A_1561 = arith.constant 0 : index
    %get3A_1562 = arith.constant 0 : index
    %get3A_1563 = vector.load %arg2[%get3A_1560, %get3A_1561, %get3A_1562] : memref<200x64x256xf32, #tpu.memory_space<vmem>>, vector<1x64x256xf32>
    %get3A_1564 = vector.shape_cast %get3A_1563 : vector<1x64x256xf32> to vector<64x256xf32>
    %mul3A_1565 = vector.broadcast %broadcast_in_dim3A_1559 : vector<1x256xf32> to vector<64x256xf32>
    %mul3A_1566 = arith.mulf %mul3A_1565, %get3A_1564 : vector<64x256xf32>
    %add3A_1567 = arith.addf %add3A_1554, %mul3A_1566 : vector<64x256xf32>
    %get3A_1568 = arith.constant 121 : index
    %get3A_1569 = arith.constant 0 : index
    %get3A_1570 = vector.load %arg1[%get3A_1568, %get3A_1569] : memref<200x256xf32, #tpu.memory_space<vmem>>, vector<1x256xf32>
    %get3A_1571 = vector.shape_cast %get3A_1570 : vector<1x256xf32> to vector<256xf32>
    %broadcast_in_dim3A_1572 = vector.shape_cast %get3A_1571 : vector<256xf32> to vector<1x256xf32>
    %get3A_1573 = arith.constant 121 : index
    %get3A_1574 = arith.constant 0 : index
    %get3A_1575 = arith.constant 0 : index
    %get3A_1576 = vector.load %arg2[%get3A_1573, %get3A_1574, %get3A_1575] : memref<200x64x256xf32, #tpu.memory_space<vmem>>, vector<1x64x256xf32>
    %get3A_1577 = vector.shape_cast %get3A_1576 : vector<1x64x256xf32> to vector<64x256xf32>
    %mul3A_1578 = vector.broadcast %broadcast_in_dim3A_1572 : vector<1x256xf32> to vector<64x256xf32>
    %mul3A_1579 = arith.mulf %mul3A_1578, %get3A_1577 : vector<64x256xf32>
    %add3A_1580 = arith.addf %add3A_1567, %mul3A_1579 : vector<64x256xf32>
    %get3A_1581 = arith.constant 122 : index
    %get3A_1582 = arith.constant 0 : index
    %get3A_1583 = vector.load %arg1[%get3A_1581, %get3A_1582] : memref<200x256xf32, #tpu.memory_space<vmem>>, vector<1x256xf32>
    %get3A_1584 = vector.shape_cast %get3A_1583 : vector<1x256xf32> to vector<256xf32>
    %broadcast_in_dim3A_1585 = vector.shape_cast %get3A_1584 : vector<256xf32> to vector<1x256xf32>
    %get3A_1586 = arith.constant 122 : index
    %get3A_1587 = arith.constant 0 : index
    %get3A_1588 = arith.constant 0 : index
    %get3A_1589 = vector.load %arg2[%get3A_1586, %get3A_1587, %get3A_1588] : memref<200x64x256xf32, #tpu.memory_space<vmem>>, vector<1x64x256xf32>
    %get3A_1590 = vector.shape_cast %get3A_1589 : vector<1x64x256xf32> to vector<64x256xf32>
    %mul3A_1591 = vector.broadcast %broadcast_in_dim3A_1585 : vector<1x256xf32> to vector<64x256xf32>
    %mul3A_1592 = arith.mulf %mul3A_1591, %get3A_1590 : vector<64x256xf32>
    %add3A_1593 = arith.addf %add3A_1580, %mul3A_1592 : vector<64x256xf32>
    %get3A_1594 = arith.constant 123 : index
    %get3A_1595 = arith.constant 0 : index
    %get3A_1596 = vector.load %arg1[%get3A_1594, %get3A_1595] : memref<200x256xf32, #tpu.memory_space<vmem>>, vector<1x256xf32>
    %get3A_1597 = vector.shape_cast %get3A_1596 : vector<1x256xf32> to vector<256xf32>
    %broadcast_in_dim3A_1598 = vector.shape_cast %get3A_1597 : vector<256xf32> to vector<1x256xf32>
    %get3A_1599 = arith.constant 123 : index
    %get3A_1600 = arith.constant 0 : index
    %get3A_1601 = arith.constant 0 : index
    %get3A_1602 = vector.load %arg2[%get3A_1599, %get3A_1600, %get3A_1601] : memref<200x64x256xf32, #tpu.memory_space<vmem>>, vector<1x64x256xf32>
    %get3A_1603 = vector.shape_cast %get3A_1602 : vector<1x64x256xf32> to vector<64x256xf32>
    %mul3A_1604 = vector.broadcast %broadcast_in_dim3A_1598 : vector<1x256xf32> to vector<64x256xf32>
    %mul3A_1605 = arith.mulf %mul3A_1604, %get3A_1603 : vector<64x256xf32>
    %add3A_1606 = arith.addf %add3A_1593, %mul3A_1605 : vector<64x256xf32>
    %get3A_1607 = arith.constant 124 : index
    %get3A_1608 = arith.constant 0 : index
    %get3A_1609 = vector.load %arg1[%get3A_1607, %get3A_1608] : memref<200x256xf32, #tpu.memory_space<vmem>>, vector<1x256xf32>
    %get3A_1610 = vector.shape_cast %get3A_1609 : vector<1x256xf32> to vector<256xf32>
    %broadcast_in_dim3A_1611 = vector.shape_cast %get3A_1610 : vector<256xf32> to vector<1x256xf32>
    %get3A_1612 = arith.constant 124 : index
    %get3A_1613 = arith.constant 0 : index
    %get3A_1614 = arith.constant 0 : index
    %get3A_1615 = vector.load %arg2[%get3A_1612, %get3A_1613, %get3A_1614] : memref<200x64x256xf32, #tpu.memory_space<vmem>>, vector<1x64x256xf32>
    %get3A_1616 = vector.shape_cast %get3A_1615 : vector<1x64x256xf32> to vector<64x256xf32>
    %mul3A_1617 = vector.broadcast %broadcast_in_dim3A_1611 : vector<1x256xf32> to vector<64x256xf32>
    %mul3A_1618 = arith.mulf %mul3A_1617, %get3A_1616 : vector<64x256xf32>
    %add3A_1619 = arith.addf %add3A_1606, %mul3A_1618 : vector<64x256xf32>
    %get3A_1620 = arith.constant 125 : index
    %get3A_1621 = arith.constant 0 : index
    %get3A_1622 = vector.load %arg1[%get3A_1620, %get3A_1621] : memref<200x256xf32, #tpu.memory_space<vmem>>, vector<1x256xf32>
    %get3A_1623 = vector.shape_cast %get3A_1622 : vector<1x256xf32> to vector<256xf32>
    %broadcast_in_dim3A_1624 = vector.shape_cast %get3A_1623 : vector<256xf32> to vector<1x256xf32>
    %get3A_1625 = arith.constant 125 : index
    %get3A_1626 = arith.constant 0 : index
    %get3A_1627 = arith.constant 0 : index
    %get3A_1628 = vector.load %arg2[%get3A_1625, %get3A_1626, %get3A_1627] : memref<200x64x256xf32, #tpu.memory_space<vmem>>, vector<1x64x256xf32>
    %get3A_1629 = vector.shape_cast %get3A_1628 : vector<1x64x256xf32> to vector<64x256xf32>
    %mul3A_1630 = vector.broadcast %broadcast_in_dim3A_1624 : vector<1x256xf32> to vector<64x256xf32>
    %mul3A_1631 = arith.mulf %mul3A_1630, %get3A_1629 : vector<64x256xf32>
    %add3A_1632 = arith.addf %add3A_1619, %mul3A_1631 : vector<64x256xf32>
    %get3A_1633 = arith.constant 126 : index
    %get3A_1634 = arith.constant 0 : index
    %get3A_1635 = vector.load %arg1[%get3A_1633, %get3A_1634] : memref<200x256xf32, #tpu.memory_space<vmem>>, vector<1x256xf32>
    %get3A_1636 = vector.shape_cast %get3A_1635 : vector<1x256xf32> to vector<256xf32>
    %broadcast_in_dim3A_1637 = vector.shape_cast %get3A_1636 : vector<256xf32> to vector<1x256xf32>
    %get3A_1638 = arith.constant 126 : index
    %get3A_1639 = arith.constant 0 : index
    %get3A_1640 = arith.constant 0 : index
    %get3A_1641 = vector.load %arg2[%get3A_1638, %get3A_1639, %get3A_1640] : memref<200x64x256xf32, #tpu.memory_space<vmem>>, vector<1x64x256xf32>
    %get3A_1642 = vector.shape_cast %get3A_1641 : vector<1x64x256xf32> to vector<64x256xf32>
    %mul3A_1643 = vector.broadcast %broadcast_in_dim3A_1637 : vector<1x256xf32> to vector<64x256xf32>
    %mul3A_1644 = arith.mulf %mul3A_1643, %get3A_1642 : vector<64x256xf32>
    %add3A_1645 = arith.addf %add3A_1632, %mul3A_1644 : vector<64x256xf32>
    %get3A_1646 = arith.constant 127 : index
    %get3A_1647 = arith.constant 0 : index
    %get3A_1648 = vector.load %arg1[%get3A_1646, %get3A_1647] : memref<200x256xf32, #tpu.memory_space<vmem>>, vector<1x256xf32>
    %get3A_1649 = vector.shape_cast %get3A_1648 : vector<1x256xf32> to vector<256xf32>
    %broadcast_in_dim3A_1650 = vector.shape_cast %get3A_1649 : vector<256xf32> to vector<1x256xf32>
    %get3A_1651 = arith.constant 127 : index
    %get3A_1652 = arith.constant 0 : index
    %get3A_1653 = arith.constant 0 : index
    %get3A_1654 = vector.load %arg2[%get3A_1651, %get3A_1652, %get3A_1653] : memref<200x64x256xf32, #tpu.memory_space<vmem>>, vector<1x64x256xf32>
    %get3A_1655 = vector.shape_cast %get3A_1654 : vector<1x64x256xf32> to vector<64x256xf32>
    %mul3A_1656 = vector.broadcast %broadcast_in_dim3A_1650 : vector<1x256xf32> to vector<64x256xf32>
    %mul3A_1657 = arith.mulf %mul3A_1656, %get3A_1655 : vector<64x256xf32>
    %add3A_1658 = arith.addf %add3A_1645, %mul3A_1657 : vector<64x256xf32>
    %get3A_1659 = arith.constant 128 : index
    %get3A_1660 = arith.constant 0 : index
    %get3A_1661 = vector.load %arg1[%get3A_1659, %get3A_1660] : memref<200x256xf32, #tpu.memory_space<vmem>>, vector<1x256xf32>
    %get3A_1662 = vector.shape_cast %get3A_1661 : vector<1x256xf32> to vector<256xf32>
    %broadcast_in_dim3A_1663 = vector.shape_cast %get3A_1662 : vector<256xf32> to vector<1x256xf32>
    %get3A_1664 = arith.constant 128 : index
    %get3A_1665 = arith.constant 0 : index
    %get3A_1666 = arith.constant 0 : index
    %get3A_1667 = vector.load %arg2[%get3A_1664, %get3A_1665, %get3A_1666] : memref<200x64x256xf32, #tpu.memory_space<vmem>>, vector<1x64x256xf32>
    %get3A_1668 = vector.shape_cast %get3A_1667 : vector<1x64x256xf32> to vector<64x256xf32>
    %mul3A_1669 = vector.broadcast %broadcast_in_dim3A_1663 : vector<1x256xf32> to vector<64x256xf32>
    %mul3A_1670 = arith.mulf %mul3A_1669, %get3A_1668 : vector<64x256xf32>
    %add3A_1671 = arith.addf %add3A_1658, %mul3A_1670 : vector<64x256xf32>
    %get3A_1672 = arith.constant 129 : index
    %get3A_1673 = arith.constant 0 : index
    %get3A_1674 = vector.load %arg1[%get3A_1672, %get3A_1673] : memref<200x256xf32, #tpu.memory_space<vmem>>, vector<1x256xf32>
    %get3A_1675 = vector.shape_cast %get3A_1674 : vector<1x256xf32> to vector<256xf32>
    %broadcast_in_dim3A_1676 = vector.shape_cast %get3A_1675 : vector<256xf32> to vector<1x256xf32>
    %get3A_1677 = arith.constant 129 : index
    %get3A_1678 = arith.constant 0 : index
    %get3A_1679 = arith.constant 0 : index
    %get3A_1680 = vector.load %arg2[%get3A_1677, %get3A_1678, %get3A_1679] : memref<200x64x256xf32, #tpu.memory_space<vmem>>, vector<1x64x256xf32>
    %get3A_1681 = vector.shape_cast %get3A_1680 : vector<1x64x256xf32> to vector<64x256xf32>
    %mul3A_1682 = vector.broadcast %broadcast_in_dim3A_1676 : vector<1x256xf32> to vector<64x256xf32>
    %mul3A_1683 = arith.mulf %mul3A_1682, %get3A_1681 : vector<64x256xf32>
    %add3A_1684 = arith.addf %add3A_1671, %mul3A_1683 : vector<64x256xf32>
    %get3A_1685 = arith.constant 130 : index
    %get3A_1686 = arith.constant 0 : index
    %get3A_1687 = vector.load %arg1[%get3A_1685, %get3A_1686] : memref<200x256xf32, #tpu.memory_space<vmem>>, vector<1x256xf32>
    %get3A_1688 = vector.shape_cast %get3A_1687 : vector<1x256xf32> to vector<256xf32>
    %broadcast_in_dim3A_1689 = vector.shape_cast %get3A_1688 : vector<256xf32> to vector<1x256xf32>
    %get3A_1690 = arith.constant 130 : index
    %get3A_1691 = arith.constant 0 : index
    %get3A_1692 = arith.constant 0 : index
    %get3A_1693 = vector.load %arg2[%get3A_1690, %get3A_1691, %get3A_1692] : memref<200x64x256xf32, #tpu.memory_space<vmem>>, vector<1x64x256xf32>
    %get3A_1694 = vector.shape_cast %get3A_1693 : vector<1x64x256xf32> to vector<64x256xf32>
    %mul3A_1695 = vector.broadcast %broadcast_in_dim3A_1689 : vector<1x256xf32> to vector<64x256xf32>
    %mul3A_1696 = arith.mulf %mul3A_1695, %get3A_1694 : vector<64x256xf32>
    %add3A_1697 = arith.addf %add3A_1684, %mul3A_1696 : vector<64x256xf32>
    %get3A_1698 = arith.constant 131 : index
    %get3A_1699 = arith.constant 0 : index
    %get3A_1700 = vector.load %arg1[%get3A_1698, %get3A_1699] : memref<200x256xf32, #tpu.memory_space<vmem>>, vector<1x256xf32>
    %get3A_1701 = vector.shape_cast %get3A_1700 : vector<1x256xf32> to vector<256xf32>
    %broadcast_in_dim3A_1702 = vector.shape_cast %get3A_1701 : vector<256xf32> to vector<1x256xf32>
    %get3A_1703 = arith.constant 131 : index
    %get3A_1704 = arith.constant 0 : index
    %get3A_1705 = arith.constant 0 : index
    %get3A_1706 = vector.load %arg2[%get3A_1703, %get3A_1704, %get3A_1705] : memref<200x64x256xf32, #tpu.memory_space<vmem>>, vector<1x64x256xf32>
    %get3A_1707 = vector.shape_cast %get3A_1706 : vector<1x64x256xf32> to vector<64x256xf32>
    %mul3A_1708 = vector.broadcast %broadcast_in_dim3A_1702 : vector<1x256xf32> to vector<64x256xf32>
    %mul3A_1709 = arith.mulf %mul3A_1708, %get3A_1707 : vector<64x256xf32>
    %add3A_1710 = arith.addf %add3A_1697, %mul3A_1709 : vector<64x256xf32>
    %get3A_1711 = arith.constant 132 : index
    %get3A_1712 = arith.constant 0 : index
    %get3A_1713 = vector.load %arg1[%get3A_1711, %get3A_1712] : memref<200x256xf32, #tpu.memory_space<vmem>>, vector<1x256xf32>
    %get3A_1714 = vector.shape_cast %get3A_1713 : vector<1x256xf32> to vector<256xf32>
    %broadcast_in_dim3A_1715 = vector.shape_cast %get3A_1714 : vector<256xf32> to vector<1x256xf32>
    %get3A_1716 = arith.constant 132 : index
    %get3A_1717 = arith.constant 0 : index
    %get3A_1718 = arith.constant 0 : index
    %get3A_1719 = vector.load %arg2[%get3A_1716, %get3A_1717, %get3A_1718] : memref<200x64x256xf32, #tpu.memory_space<vmem>>, vector<1x64x256xf32>
    %get3A_1720 = vector.shape_cast %get3A_1719 : vector<1x64x256xf32> to vector<64x256xf32>
    %mul3A_1721 = vector.broadcast %broadcast_in_dim3A_1715 : vector<1x256xf32> to vector<64x256xf32>
    %mul3A_1722 = arith.mulf %mul3A_1721, %get3A_1720 : vector<64x256xf32>
    %add3A_1723 = arith.addf %add3A_1710, %mul3A_1722 : vector<64x256xf32>
    %get3A_1724 = arith.constant 133 : index
    %get3A_1725 = arith.constant 0 : index
    %get3A_1726 = vector.load %arg1[%get3A_1724, %get3A_1725] : memref<200x256xf32, #tpu.memory_space<vmem>>, vector<1x256xf32>
    %get3A_1727 = vector.shape_cast %get3A_1726 : vector<1x256xf32> to vector<256xf32>
    %broadcast_in_dim3A_1728 = vector.shape_cast %get3A_1727 : vector<256xf32> to vector<1x256xf32>
    %get3A_1729 = arith.constant 133 : index
    %get3A_1730 = arith.constant 0 : index
    %get3A_1731 = arith.constant 0 : index
    %get3A_1732 = vector.load %arg2[%get3A_1729, %get3A_1730, %get3A_1731] : memref<200x64x256xf32, #tpu.memory_space<vmem>>, vector<1x64x256xf32>
    %get3A_1733 = vector.shape_cast %get3A_1732 : vector<1x64x256xf32> to vector<64x256xf32>
    %mul3A_1734 = vector.broadcast %broadcast_in_dim3A_1728 : vector<1x256xf32> to vector<64x256xf32>
    %mul3A_1735 = arith.mulf %mul3A_1734, %get3A_1733 : vector<64x256xf32>
    %add3A_1736 = arith.addf %add3A_1723, %mul3A_1735 : vector<64x256xf32>
    %get3A_1737 = arith.constant 134 : index
    %get3A_1738 = arith.constant 0 : index
    %get3A_1739 = vector.load %arg1[%get3A_1737, %get3A_1738] : memref<200x256xf32, #tpu.memory_space<vmem>>, vector<1x256xf32>
    %get3A_1740 = vector.shape_cast %get3A_1739 : vector<1x256xf32> to vector<256xf32>
    %broadcast_in_dim3A_1741 = vector.shape_cast %get3A_1740 : vector<256xf32> to vector<1x256xf32>
    %get3A_1742 = arith.constant 134 : index
    %get3A_1743 = arith.constant 0 : index
    %get3A_1744 = arith.constant 0 : index
    %get3A_1745 = vector.load %arg2[%get3A_1742, %get3A_1743, %get3A_1744] : memref<200x64x256xf32, #tpu.memory_space<vmem>>, vector<1x64x256xf32>
    %get3A_1746 = vector.shape_cast %get3A_1745 : vector<1x64x256xf32> to vector<64x256xf32>
    %mul3A_1747 = vector.broadcast %broadcast_in_dim3A_1741 : vector<1x256xf32> to vector<64x256xf32>
    %mul3A_1748 = arith.mulf %mul3A_1747, %get3A_1746 : vector<64x256xf32>
    %add3A_1749 = arith.addf %add3A_1736, %mul3A_1748 : vector<64x256xf32>
    %get3A_1750 = arith.constant 135 : index
    %get3A_1751 = arith.constant 0 : index
    %get3A_1752 = vector.load %arg1[%get3A_1750, %get3A_1751] : memref<200x256xf32, #tpu.memory_space<vmem>>, vector<1x256xf32>
    %get3A_1753 = vector.shape_cast %get3A_1752 : vector<1x256xf32> to vector<256xf32>
    %broadcast_in_dim3A_1754 = vector.shape_cast %get3A_1753 : vector<256xf32> to vector<1x256xf32>
    %get3A_1755 = arith.constant 135 : index
    %get3A_1756 = arith.constant 0 : index
    %get3A_1757 = arith.constant 0 : index
    %get3A_1758 = vector.load %arg2[%get3A_1755, %get3A_1756, %get3A_1757] : memref<200x64x256xf32, #tpu.memory_space<vmem>>, vector<1x64x256xf32>
    %get3A_1759 = vector.shape_cast %get3A_1758 : vector<1x64x256xf32> to vector<64x256xf32>
    %mul3A_1760 = vector.broadcast %broadcast_in_dim3A_1754 : vector<1x256xf32> to vector<64x256xf32>
    %mul3A_1761 = arith.mulf %mul3A_1760, %get3A_1759 : vector<64x256xf32>
    %add3A_1762 = arith.addf %add3A_1749, %mul3A_1761 : vector<64x256xf32>
    %get3A_1763 = arith.constant 136 : index
    %get3A_1764 = arith.constant 0 : index
    %get3A_1765 = vector.load %arg1[%get3A_1763, %get3A_1764] : memref<200x256xf32, #tpu.memory_space<vmem>>, vector<1x256xf32>
    %get3A_1766 = vector.shape_cast %get3A_1765 : vector<1x256xf32> to vector<256xf32>
    %broadcast_in_dim3A_1767 = vector.shape_cast %get3A_1766 : vector<256xf32> to vector<1x256xf32>
    %get3A_1768 = arith.constant 136 : index
    %get3A_1769 = arith.constant 0 : index
    %get3A_1770 = arith.constant 0 : index
    %get3A_1771 = vector.load %arg2[%get3A_1768, %get3A_1769, %get3A_1770] : memref<200x64x256xf32, #tpu.memory_space<vmem>>, vector<1x64x256xf32>
    %get3A_1772 = vector.shape_cast %get3A_1771 : vector<1x64x256xf32> to vector<64x256xf32>
    %mul3A_1773 = vector.broadcast %broadcast_in_dim3A_1767 : vector<1x256xf32> to vector<64x256xf32>
    %mul3A_1774 = arith.mulf %mul3A_1773, %get3A_1772 : vector<64x256xf32>
    %add3A_1775 = arith.addf %add3A_1762, %mul3A_1774 : vector<64x256xf32>
    %get3A_1776 = arith.constant 137 : index
    %get3A_1777 = arith.constant 0 : index
    %get3A_1778 = vector.load %arg1[%get3A_1776, %get3A_1777] : memref<200x256xf32, #tpu.memory_space<vmem>>, vector<1x256xf32>
    %get3A_1779 = vector.shape_cast %get3A_1778 : vector<1x256xf32> to vector<256xf32>
    %broadcast_in_dim3A_1780 = vector.shape_cast %get3A_1779 : vector<256xf32> to vector<1x256xf32>
    %get3A_1781 = arith.constant 137 : index
    %get3A_1782 = arith.constant 0 : index
    %get3A_1783 = arith.constant 0 : index
    %get3A_1784 = vector.load %arg2[%get3A_1781, %get3A_1782, %get3A_1783] : memref<200x64x256xf32, #tpu.memory_space<vmem>>, vector<1x64x256xf32>
    %get3A_1785 = vector.shape_cast %get3A_1784 : vector<1x64x256xf32> to vector<64x256xf32>
    %mul3A_1786 = vector.broadcast %broadcast_in_dim3A_1780 : vector<1x256xf32> to vector<64x256xf32>
    %mul3A_1787 = arith.mulf %mul3A_1786, %get3A_1785 : vector<64x256xf32>
    %add3A_1788 = arith.addf %add3A_1775, %mul3A_1787 : vector<64x256xf32>
    %get3A_1789 = arith.constant 138 : index
    %get3A_1790 = arith.constant 0 : index
    %get3A_1791 = vector.load %arg1[%get3A_1789, %get3A_1790] : memref<200x256xf32, #tpu.memory_space<vmem>>, vector<1x256xf32>
    %get3A_1792 = vector.shape_cast %get3A_1791 : vector<1x256xf32> to vector<256xf32>
    %broadcast_in_dim3A_1793 = vector.shape_cast %get3A_1792 : vector<256xf32> to vector<1x256xf32>
    %get3A_1794 = arith.constant 138 : index
    %get3A_1795 = arith.constant 0 : index
    %get3A_1796 = arith.constant 0 : index
    %get3A_1797 = vector.load %arg2[%get3A_1794, %get3A_1795, %get3A_1796] : memref<200x64x256xf32, #tpu.memory_space<vmem>>, vector<1x64x256xf32>
    %get3A_1798 = vector.shape_cast %get3A_1797 : vector<1x64x256xf32> to vector<64x256xf32>
    %mul3A_1799 = vector.broadcast %broadcast_in_dim3A_1793 : vector<1x256xf32> to vector<64x256xf32>
    %mul3A_1800 = arith.mulf %mul3A_1799, %get3A_1798 : vector<64x256xf32>
    %add3A_1801 = arith.addf %add3A_1788, %mul3A_1800 : vector<64x256xf32>
    %get3A_1802 = arith.constant 139 : index
    %get3A_1803 = arith.constant 0 : index
    %get3A_1804 = vector.load %arg1[%get3A_1802, %get3A_1803] : memref<200x256xf32, #tpu.memory_space<vmem>>, vector<1x256xf32>
    %get3A_1805 = vector.shape_cast %get3A_1804 : vector<1x256xf32> to vector<256xf32>
    %broadcast_in_dim3A_1806 = vector.shape_cast %get3A_1805 : vector<256xf32> to vector<1x256xf32>
    %get3A_1807 = arith.constant 139 : index
    %get3A_1808 = arith.constant 0 : index
    %get3A_1809 = arith.constant 0 : index
    %get3A_1810 = vector.load %arg2[%get3A_1807, %get3A_1808, %get3A_1809] : memref<200x64x256xf32, #tpu.memory_space<vmem>>, vector<1x64x256xf32>
    %get3A_1811 = vector.shape_cast %get3A_1810 : vector<1x64x256xf32> to vector<64x256xf32>
    %mul3A_1812 = vector.broadcast %broadcast_in_dim3A_1806 : vector<1x256xf32> to vector<64x256xf32>
    %mul3A_1813 = arith.mulf %mul3A_1812, %get3A_1811 : vector<64x256xf32>
    %add3A_1814 = arith.addf %add3A_1801, %mul3A_1813 : vector<64x256xf32>
    %get3A_1815 = arith.constant 140 : index
    %get3A_1816 = arith.constant 0 : index
    %get3A_1817 = vector.load %arg1[%get3A_1815, %get3A_1816] : memref<200x256xf32, #tpu.memory_space<vmem>>, vector<1x256xf32>
    %get3A_1818 = vector.shape_cast %get3A_1817 : vector<1x256xf32> to vector<256xf32>
    %broadcast_in_dim3A_1819 = vector.shape_cast %get3A_1818 : vector<256xf32> to vector<1x256xf32>
    %get3A_1820 = arith.constant 140 : index
    %get3A_1821 = arith.constant 0 : index
    %get3A_1822 = arith.constant 0 : index
    %get3A_1823 = vector.load %arg2[%get3A_1820, %get3A_1821, %get3A_1822] : memref<200x64x256xf32, #tpu.memory_space<vmem>>, vector<1x64x256xf32>
    %get3A_1824 = vector.shape_cast %get3A_1823 : vector<1x64x256xf32> to vector<64x256xf32>
    %mul3A_1825 = vector.broadcast %broadcast_in_dim3A_1819 : vector<1x256xf32> to vector<64x256xf32>
    %mul3A_1826 = arith.mulf %mul3A_1825, %get3A_1824 : vector<64x256xf32>
    %add3A_1827 = arith.addf %add3A_1814, %mul3A_1826 : vector<64x256xf32>
    %get3A_1828 = arith.constant 141 : index
    %get3A_1829 = arith.constant 0 : index
    %get3A_1830 = vector.load %arg1[%get3A_1828, %get3A_1829] : memref<200x256xf32, #tpu.memory_space<vmem>>, vector<1x256xf32>
    %get3A_1831 = vector.shape_cast %get3A_1830 : vector<1x256xf32> to vector<256xf32>
    %broadcast_in_dim3A_1832 = vector.shape_cast %get3A_1831 : vector<256xf32> to vector<1x256xf32>
    %get3A_1833 = arith.constant 141 : index
    %get3A_1834 = arith.constant 0 : index
    %get3A_1835 = arith.constant 0 : index
    %get3A_1836 = vector.load %arg2[%get3A_1833, %get3A_1834, %get3A_1835] : memref<200x64x256xf32, #tpu.memory_space<vmem>>, vector<1x64x256xf32>
    %get3A_1837 = vector.shape_cast %get3A_1836 : vector<1x64x256xf32> to vector<64x256xf32>
    %mul3A_1838 = vector.broadcast %broadcast_in_dim3A_1832 : vector<1x256xf32> to vector<64x256xf32>
    %mul3A_1839 = arith.mulf %mul3A_1838, %get3A_1837 : vector<64x256xf32>
    %add3A_1840 = arith.addf %add3A_1827, %mul3A_1839 : vector<64x256xf32>
    %get3A_1841 = arith.constant 142 : index
    %get3A_1842 = arith.constant 0 : index
    %get3A_1843 = vector.load %arg1[%get3A_1841, %get3A_1842] : memref<200x256xf32, #tpu.memory_space<vmem>>, vector<1x256xf32>
    %get3A_1844 = vector.shape_cast %get3A_1843 : vector<1x256xf32> to vector<256xf32>
    %broadcast_in_dim3A_1845 = vector.shape_cast %get3A_1844 : vector<256xf32> to vector<1x256xf32>
    %get3A_1846 = arith.constant 142 : index
    %get3A_1847 = arith.constant 0 : index
    %get3A_1848 = arith.constant 0 : index
    %get3A_1849 = vector.load %arg2[%get3A_1846, %get3A_1847, %get3A_1848] : memref<200x64x256xf32, #tpu.memory_space<vmem>>, vector<1x64x256xf32>
    %get3A_1850 = vector.shape_cast %get3A_1849 : vector<1x64x256xf32> to vector<64x256xf32>
    %mul3A_1851 = vector.broadcast %broadcast_in_dim3A_1845 : vector<1x256xf32> to vector<64x256xf32>
    %mul3A_1852 = arith.mulf %mul3A_1851, %get3A_1850 : vector<64x256xf32>
    %add3A_1853 = arith.addf %add3A_1840, %mul3A_1852 : vector<64x256xf32>
    %get3A_1854 = arith.constant 143 : index
    %get3A_1855 = arith.constant 0 : index
    %get3A_1856 = vector.load %arg1[%get3A_1854, %get3A_1855] : memref<200x256xf32, #tpu.memory_space<vmem>>, vector<1x256xf32>
    %get3A_1857 = vector.shape_cast %get3A_1856 : vector<1x256xf32> to vector<256xf32>
    %broadcast_in_dim3A_1858 = vector.shape_cast %get3A_1857 : vector<256xf32> to vector<1x256xf32>
    %get3A_1859 = arith.constant 143 : index
    %get3A_1860 = arith.constant 0 : index
    %get3A_1861 = arith.constant 0 : index
    %get3A_1862 = vector.load %arg2[%get3A_1859, %get3A_1860, %get3A_1861] : memref<200x64x256xf32, #tpu.memory_space<vmem>>, vector<1x64x256xf32>
    %get3A_1863 = vector.shape_cast %get3A_1862 : vector<1x64x256xf32> to vector<64x256xf32>
    %mul3A_1864 = vector.broadcast %broadcast_in_dim3A_1858 : vector<1x256xf32> to vector<64x256xf32>
    %mul3A_1865 = arith.mulf %mul3A_1864, %get3A_1863 : vector<64x256xf32>
    %add3A_1866 = arith.addf %add3A_1853, %mul3A_1865 : vector<64x256xf32>
    %get3A_1867 = arith.constant 144 : index
    %get3A_1868 = arith.constant 0 : index
    %get3A_1869 = vector.load %arg1[%get3A_1867, %get3A_1868] : memref<200x256xf32, #tpu.memory_space<vmem>>, vector<1x256xf32>
    %get3A_1870 = vector.shape_cast %get3A_1869 : vector<1x256xf32> to vector<256xf32>
    %broadcast_in_dim3A_1871 = vector.shape_cast %get3A_1870 : vector<256xf32> to vector<1x256xf32>
    %get3A_1872 = arith.constant 144 : index
    %get3A_1873 = arith.constant 0 : index
    %get3A_1874 = arith.constant 0 : index
    %get3A_1875 = vector.load %arg2[%get3A_1872, %get3A_1873, %get3A_1874] : memref<200x64x256xf32, #tpu.memory_space<vmem>>, vector<1x64x256xf32>
    %get3A_1876 = vector.shape_cast %get3A_1875 : vector<1x64x256xf32> to vector<64x256xf32>
    %mul3A_1877 = vector.broadcast %broadcast_in_dim3A_1871 : vector<1x256xf32> to vector<64x256xf32>
    %mul3A_1878 = arith.mulf %mul3A_1877, %get3A_1876 : vector<64x256xf32>
    %add3A_1879 = arith.addf %add3A_1866, %mul3A_1878 : vector<64x256xf32>
    %get3A_1880 = arith.constant 145 : index
    %get3A_1881 = arith.constant 0 : index
    %get3A_1882 = vector.load %arg1[%get3A_1880, %get3A_1881] : memref<200x256xf32, #tpu.memory_space<vmem>>, vector<1x256xf32>
    %get3A_1883 = vector.shape_cast %get3A_1882 : vector<1x256xf32> to vector<256xf32>
    %broadcast_in_dim3A_1884 = vector.shape_cast %get3A_1883 : vector<256xf32> to vector<1x256xf32>
    %get3A_1885 = arith.constant 145 : index
    %get3A_1886 = arith.constant 0 : index
    %get3A_1887 = arith.constant 0 : index
    %get3A_1888 = vector.load %arg2[%get3A_1885, %get3A_1886, %get3A_1887] : memref<200x64x256xf32, #tpu.memory_space<vmem>>, vector<1x64x256xf32>
    %get3A_1889 = vector.shape_cast %get3A_1888 : vector<1x64x256xf32> to vector<64x256xf32>
    %mul3A_1890 = vector.broadcast %broadcast_in_dim3A_1884 : vector<1x256xf32> to vector<64x256xf32>
    %mul3A_1891 = arith.mulf %mul3A_1890, %get3A_1889 : vector<64x256xf32>
    %add3A_1892 = arith.addf %add3A_1879, %mul3A_1891 : vector<64x256xf32>
    %get3A_1893 = arith.constant 146 : index
    %get3A_1894 = arith.constant 0 : index
    %get3A_1895 = vector.load %arg1[%get3A_1893, %get3A_1894] : memref<200x256xf32, #tpu.memory_space<vmem>>, vector<1x256xf32>
    %get3A_1896 = vector.shape_cast %get3A_1895 : vector<1x256xf32> to vector<256xf32>
    %broadcast_in_dim3A_1897 = vector.shape_cast %get3A_1896 : vector<256xf32> to vector<1x256xf32>
    %get3A_1898 = arith.constant 146 : index
    %get3A_1899 = arith.constant 0 : index
    %get3A_1900 = arith.constant 0 : index
    %get3A_1901 = vector.load %arg2[%get3A_1898, %get3A_1899, %get3A_1900] : memref<200x64x256xf32, #tpu.memory_space<vmem>>, vector<1x64x256xf32>
    %get3A_1902 = vector.shape_cast %get3A_1901 : vector<1x64x256xf32> to vector<64x256xf32>
    %mul3A_1903 = vector.broadcast %broadcast_in_dim3A_1897 : vector<1x256xf32> to vector<64x256xf32>
    %mul3A_1904 = arith.mulf %mul3A_1903, %get3A_1902 : vector<64x256xf32>
    %add3A_1905 = arith.addf %add3A_1892, %mul3A_1904 : vector<64x256xf32>
    %get3A_1906 = arith.constant 147 : index
    %get3A_1907 = arith.constant 0 : index
    %get3A_1908 = vector.load %arg1[%get3A_1906, %get3A_1907] : memref<200x256xf32, #tpu.memory_space<vmem>>, vector<1x256xf32>
    %get3A_1909 = vector.shape_cast %get3A_1908 : vector<1x256xf32> to vector<256xf32>
    %broadcast_in_dim3A_1910 = vector.shape_cast %get3A_1909 : vector<256xf32> to vector<1x256xf32>
    %get3A_1911 = arith.constant 147 : index
    %get3A_1912 = arith.constant 0 : index
    %get3A_1913 = arith.constant 0 : index
    %get3A_1914 = vector.load %arg2[%get3A_1911, %get3A_1912, %get3A_1913] : memref<200x64x256xf32, #tpu.memory_space<vmem>>, vector<1x64x256xf32>
    %get3A_1915 = vector.shape_cast %get3A_1914 : vector<1x64x256xf32> to vector<64x256xf32>
    %mul3A_1916 = vector.broadcast %broadcast_in_dim3A_1910 : vector<1x256xf32> to vector<64x256xf32>
    %mul3A_1917 = arith.mulf %mul3A_1916, %get3A_1915 : vector<64x256xf32>
    %add3A_1918 = arith.addf %add3A_1905, %mul3A_1917 : vector<64x256xf32>
    %get3A_1919 = arith.constant 148 : index
    %get3A_1920 = arith.constant 0 : index
    %get3A_1921 = vector.load %arg1[%get3A_1919, %get3A_1920] : memref<200x256xf32, #tpu.memory_space<vmem>>, vector<1x256xf32>
    %get3A_1922 = vector.shape_cast %get3A_1921 : vector<1x256xf32> to vector<256xf32>
    %broadcast_in_dim3A_1923 = vector.shape_cast %get3A_1922 : vector<256xf32> to vector<1x256xf32>
    %get3A_1924 = arith.constant 148 : index
    %get3A_1925 = arith.constant 0 : index
    %get3A_1926 = arith.constant 0 : index
    %get3A_1927 = vector.load %arg2[%get3A_1924, %get3A_1925, %get3A_1926] : memref<200x64x256xf32, #tpu.memory_space<vmem>>, vector<1x64x256xf32>
    %get3A_1928 = vector.shape_cast %get3A_1927 : vector<1x64x256xf32> to vector<64x256xf32>
    %mul3A_1929 = vector.broadcast %broadcast_in_dim3A_1923 : vector<1x256xf32> to vector<64x256xf32>
    %mul3A_1930 = arith.mulf %mul3A_1929, %get3A_1928 : vector<64x256xf32>
    %add3A_1931 = arith.addf %add3A_1918, %mul3A_1930 : vector<64x256xf32>
    %get3A_1932 = arith.constant 149 : index
    %get3A_1933 = arith.constant 0 : index
    %get3A_1934 = vector.load %arg1[%get3A_1932, %get3A_1933] : memref<200x256xf32, #tpu.memory_space<vmem>>, vector<1x256xf32>
    %get3A_1935 = vector.shape_cast %get3A_1934 : vector<1x256xf32> to vector<256xf32>
    %broadcast_in_dim3A_1936 = vector.shape_cast %get3A_1935 : vector<256xf32> to vector<1x256xf32>
    %get3A_1937 = arith.constant 149 : index
    %get3A_1938 = arith.constant 0 : index
    %get3A_1939 = arith.constant 0 : index
    %get3A_1940 = vector.load %arg2[%get3A_1937, %get3A_1938, %get3A_1939] : memref<200x64x256xf32, #tpu.memory_space<vmem>>, vector<1x64x256xf32>
    %get3A_1941 = vector.shape_cast %get3A_1940 : vector<1x64x256xf32> to vector<64x256xf32>
    %mul3A_1942 = vector.broadcast %broadcast_in_dim3A_1936 : vector<1x256xf32> to vector<64x256xf32>
    %mul3A_1943 = arith.mulf %mul3A_1942, %get3A_1941 : vector<64x256xf32>
    %add3A_1944 = arith.addf %add3A_1931, %mul3A_1943 : vector<64x256xf32>
    %get3A_1945 = arith.constant 150 : index
    %get3A_1946 = arith.constant 0 : index
    %get3A_1947 = vector.load %arg1[%get3A_1945, %get3A_1946] : memref<200x256xf32, #tpu.memory_space<vmem>>, vector<1x256xf32>
    %get3A_1948 = vector.shape_cast %get3A_1947 : vector<1x256xf32> to vector<256xf32>
    %broadcast_in_dim3A_1949 = vector.shape_cast %get3A_1948 : vector<256xf32> to vector<1x256xf32>
    %get3A_1950 = arith.constant 150 : index
    %get3A_1951 = arith.constant 0 : index
    %get3A_1952 = arith.constant 0 : index
    %get3A_1953 = vector.load %arg2[%get3A_1950, %get3A_1951, %get3A_1952] : memref<200x64x256xf32, #tpu.memory_space<vmem>>, vector<1x64x256xf32>
    %get3A_1954 = vector.shape_cast %get3A_1953 : vector<1x64x256xf32> to vector<64x256xf32>
    %mul3A_1955 = vector.broadcast %broadcast_in_dim3A_1949 : vector<1x256xf32> to vector<64x256xf32>
    %mul3A_1956 = arith.mulf %mul3A_1955, %get3A_1954 : vector<64x256xf32>
    %add3A_1957 = arith.addf %add3A_1944, %mul3A_1956 : vector<64x256xf32>
    %get3A_1958 = arith.constant 151 : index
    %get3A_1959 = arith.constant 0 : index
    %get3A_1960 = vector.load %arg1[%get3A_1958, %get3A_1959] : memref<200x256xf32, #tpu.memory_space<vmem>>, vector<1x256xf32>
    %get3A_1961 = vector.shape_cast %get3A_1960 : vector<1x256xf32> to vector<256xf32>
    %broadcast_in_dim3A_1962 = vector.shape_cast %get3A_1961 : vector<256xf32> to vector<1x256xf32>
    %get3A_1963 = arith.constant 151 : index
    %get3A_1964 = arith.constant 0 : index
    %get3A_1965 = arith.constant 0 : index
    %get3A_1966 = vector.load %arg2[%get3A_1963, %get3A_1964, %get3A_1965] : memref<200x64x256xf32, #tpu.memory_space<vmem>>, vector<1x64x256xf32>
    %get3A_1967 = vector.shape_cast %get3A_1966 : vector<1x64x256xf32> to vector<64x256xf32>
    %mul3A_1968 = vector.broadcast %broadcast_in_dim3A_1962 : vector<1x256xf32> to vector<64x256xf32>
    %mul3A_1969 = arith.mulf %mul3A_1968, %get3A_1967 : vector<64x256xf32>
    %add3A_1970 = arith.addf %add3A_1957, %mul3A_1969 : vector<64x256xf32>
    %get3A_1971 = arith.constant 152 : index
    %get3A_1972 = arith.constant 0 : index
    %get3A_1973 = vector.load %arg1[%get3A_1971, %get3A_1972] : memref<200x256xf32, #tpu.memory_space<vmem>>, vector<1x256xf32>
    %get3A_1974 = vector.shape_cast %get3A_1973 : vector<1x256xf32> to vector<256xf32>
    %broadcast_in_dim3A_1975 = vector.shape_cast %get3A_1974 : vector<256xf32> to vector<1x256xf32>
    %get3A_1976 = arith.constant 152 : index
    %get3A_1977 = arith.constant 0 : index
    %get3A_1978 = arith.constant 0 : index
    %get3A_1979 = vector.load %arg2[%get3A_1976, %get3A_1977, %get3A_1978] : memref<200x64x256xf32, #tpu.memory_space<vmem>>, vector<1x64x256xf32>
    %get3A_1980 = vector.shape_cast %get3A_1979 : vector<1x64x256xf32> to vector<64x256xf32>
    %mul3A_1981 = vector.broadcast %broadcast_in_dim3A_1975 : vector<1x256xf32> to vector<64x256xf32>
    %mul3A_1982 = arith.mulf %mul3A_1981, %get3A_1980 : vector<64x256xf32>
    %add3A_1983 = arith.addf %add3A_1970, %mul3A_1982 : vector<64x256xf32>
    %get3A_1984 = arith.constant 153 : index
    %get3A_1985 = arith.constant 0 : index
    %get3A_1986 = vector.load %arg1[%get3A_1984, %get3A_1985] : memref<200x256xf32, #tpu.memory_space<vmem>>, vector<1x256xf32>
    %get3A_1987 = vector.shape_cast %get3A_1986 : vector<1x256xf32> to vector<256xf32>
    %broadcast_in_dim3A_1988 = vector.shape_cast %get3A_1987 : vector<256xf32> to vector<1x256xf32>
    %get3A_1989 = arith.constant 153 : index
    %get3A_1990 = arith.constant 0 : index
    %get3A_1991 = arith.constant 0 : index
    %get3A_1992 = vector.load %arg2[%get3A_1989, %get3A_1990, %get3A_1991] : memref<200x64x256xf32, #tpu.memory_space<vmem>>, vector<1x64x256xf32>
    %get3A_1993 = vector.shape_cast %get3A_1992 : vector<1x64x256xf32> to vector<64x256xf32>
    %mul3A_1994 = vector.broadcast %broadcast_in_dim3A_1988 : vector<1x256xf32> to vector<64x256xf32>
    %mul3A_1995 = arith.mulf %mul3A_1994, %get3A_1993 : vector<64x256xf32>
    %add3A_1996 = arith.addf %add3A_1983, %mul3A_1995 : vector<64x256xf32>
    %get3A_1997 = arith.constant 154 : index
    %get3A_1998 = arith.constant 0 : index
    %get3A_1999 = vector.load %arg1[%get3A_1997, %get3A_1998] : memref<200x256xf32, #tpu.memory_space<vmem>>, vector<1x256xf32>
    %get3A_2000 = vector.shape_cast %get3A_1999 : vector<1x256xf32> to vector<256xf32>
    %broadcast_in_dim3A_2001 = vector.shape_cast %get3A_2000 : vector<256xf32> to vector<1x256xf32>
    %get3A_2002 = arith.constant 154 : index
    %get3A_2003 = arith.constant 0 : index
    %get3A_2004 = arith.constant 0 : index
    %get3A_2005 = vector.load %arg2[%get3A_2002, %get3A_2003, %get3A_2004] : memref<200x64x256xf32, #tpu.memory_space<vmem>>, vector<1x64x256xf32>
    %get3A_2006 = vector.shape_cast %get3A_2005 : vector<1x64x256xf32> to vector<64x256xf32>
    %mul3A_2007 = vector.broadcast %broadcast_in_dim3A_2001 : vector<1x256xf32> to vector<64x256xf32>
    %mul3A_2008 = arith.mulf %mul3A_2007, %get3A_2006 : vector<64x256xf32>
    %add3A_2009 = arith.addf %add3A_1996, %mul3A_2008 : vector<64x256xf32>
    %get3A_2010 = arith.constant 155 : index
    %get3A_2011 = arith.constant 0 : index
    %get3A_2012 = vector.load %arg1[%get3A_2010, %get3A_2011] : memref<200x256xf32, #tpu.memory_space<vmem>>, vector<1x256xf32>
    %get3A_2013 = vector.shape_cast %get3A_2012 : vector<1x256xf32> to vector<256xf32>
    %broadcast_in_dim3A_2014 = vector.shape_cast %get3A_2013 : vector<256xf32> to vector<1x256xf32>
    %get3A_2015 = arith.constant 155 : index
    %get3A_2016 = arith.constant 0 : index
    %get3A_2017 = arith.constant 0 : index
    %get3A_2018 = vector.load %arg2[%get3A_2015, %get3A_2016, %get3A_2017] : memref<200x64x256xf32, #tpu.memory_space<vmem>>, vector<1x64x256xf32>
    %get3A_2019 = vector.shape_cast %get3A_2018 : vector<1x64x256xf32> to vector<64x256xf32>
    %mul3A_2020 = vector.broadcast %broadcast_in_dim3A_2014 : vector<1x256xf32> to vector<64x256xf32>
    %mul3A_2021 = arith.mulf %mul3A_2020, %get3A_2019 : vector<64x256xf32>
    %add3A_2022 = arith.addf %add3A_2009, %mul3A_2021 : vector<64x256xf32>
    %get3A_2023 = arith.constant 156 : index
    %get3A_2024 = arith.constant 0 : index
    %get3A_2025 = vector.load %arg1[%get3A_2023, %get3A_2024] : memref<200x256xf32, #tpu.memory_space<vmem>>, vector<1x256xf32>
    %get3A_2026 = vector.shape_cast %get3A_2025 : vector<1x256xf32> to vector<256xf32>
    %broadcast_in_dim3A_2027 = vector.shape_cast %get3A_2026 : vector<256xf32> to vector<1x256xf32>
    %get3A_2028 = arith.constant 156 : index
    %get3A_2029 = arith.constant 0 : index
    %get3A_2030 = arith.constant 0 : index
    %get3A_2031 = vector.load %arg2[%get3A_2028, %get3A_2029, %get3A_2030] : memref<200x64x256xf32, #tpu.memory_space<vmem>>, vector<1x64x256xf32>
    %get3A_2032 = vector.shape_cast %get3A_2031 : vector<1x64x256xf32> to vector<64x256xf32>
    %mul3A_2033 = vector.broadcast %broadcast_in_dim3A_2027 : vector<1x256xf32> to vector<64x256xf32>
    %mul3A_2034 = arith.mulf %mul3A_2033, %get3A_2032 : vector<64x256xf32>
    %add3A_2035 = arith.addf %add3A_2022, %mul3A_2034 : vector<64x256xf32>
    %get3A_2036 = arith.constant 157 : index
    %get3A_2037 = arith.constant 0 : index
    %get3A_2038 = vector.load %arg1[%get3A_2036, %get3A_2037] : memref<200x256xf32, #tpu.memory_space<vmem>>, vector<1x256xf32>
    %get3A_2039 = vector.shape_cast %get3A_2038 : vector<1x256xf32> to vector<256xf32>
    %broadcast_in_dim3A_2040 = vector.shape_cast %get3A_2039 : vector<256xf32> to vector<1x256xf32>
    %get3A_2041 = arith.constant 157 : index
    %get3A_2042 = arith.constant 0 : index
    %get3A_2043 = arith.constant 0 : index
    %get3A_2044 = vector.load %arg2[%get3A_2041, %get3A_2042, %get3A_2043] : memref<200x64x256xf32, #tpu.memory_space<vmem>>, vector<1x64x256xf32>
    %get3A_2045 = vector.shape_cast %get3A_2044 : vector<1x64x256xf32> to vector<64x256xf32>
    %mul3A_2046 = vector.broadcast %broadcast_in_dim3A_2040 : vector<1x256xf32> to vector<64x256xf32>
    %mul3A_2047 = arith.mulf %mul3A_2046, %get3A_2045 : vector<64x256xf32>
    %add3A_2048 = arith.addf %add3A_2035, %mul3A_2047 : vector<64x256xf32>
    %get3A_2049 = arith.constant 158 : index
    %get3A_2050 = arith.constant 0 : index
    %get3A_2051 = vector.load %arg1[%get3A_2049, %get3A_2050] : memref<200x256xf32, #tpu.memory_space<vmem>>, vector<1x256xf32>
    %get3A_2052 = vector.shape_cast %get3A_2051 : vector<1x256xf32> to vector<256xf32>
    %broadcast_in_dim3A_2053 = vector.shape_cast %get3A_2052 : vector<256xf32> to vector<1x256xf32>
    %get3A_2054 = arith.constant 158 : index
    %get3A_2055 = arith.constant 0 : index
    %get3A_2056 = arith.constant 0 : index
    %get3A_2057 = vector.load %arg2[%get3A_2054, %get3A_2055, %get3A_2056] : memref<200x64x256xf32, #tpu.memory_space<vmem>>, vector<1x64x256xf32>
    %get3A_2058 = vector.shape_cast %get3A_2057 : vector<1x64x256xf32> to vector<64x256xf32>
    %mul3A_2059 = vector.broadcast %broadcast_in_dim3A_2053 : vector<1x256xf32> to vector<64x256xf32>
    %mul3A_2060 = arith.mulf %mul3A_2059, %get3A_2058 : vector<64x256xf32>
    %add3A_2061 = arith.addf %add3A_2048, %mul3A_2060 : vector<64x256xf32>
    %get3A_2062 = arith.constant 159 : index
    %get3A_2063 = arith.constant 0 : index
    %get3A_2064 = vector.load %arg1[%get3A_2062, %get3A_2063] : memref<200x256xf32, #tpu.memory_space<vmem>>, vector<1x256xf32>
    %get3A_2065 = vector.shape_cast %get3A_2064 : vector<1x256xf32> to vector<256xf32>
    %broadcast_in_dim3A_2066 = vector.shape_cast %get3A_2065 : vector<256xf32> to vector<1x256xf32>
    %get3A_2067 = arith.constant 159 : index
    %get3A_2068 = arith.constant 0 : index
    %get3A_2069 = arith.constant 0 : index
    %get3A_2070 = vector.load %arg2[%get3A_2067, %get3A_2068, %get3A_2069] : memref<200x64x256xf32, #tpu.memory_space<vmem>>, vector<1x64x256xf32>
    %get3A_2071 = vector.shape_cast %get3A_2070 : vector<1x64x256xf32> to vector<64x256xf32>
    %mul3A_2072 = vector.broadcast %broadcast_in_dim3A_2066 : vector<1x256xf32> to vector<64x256xf32>
    %mul3A_2073 = arith.mulf %mul3A_2072, %get3A_2071 : vector<64x256xf32>
    %add3A_2074 = arith.addf %add3A_2061, %mul3A_2073 : vector<64x256xf32>
    %get3A_2075 = arith.constant 160 : index
    %get3A_2076 = arith.constant 0 : index
    %get3A_2077 = vector.load %arg1[%get3A_2075, %get3A_2076] : memref<200x256xf32, #tpu.memory_space<vmem>>, vector<1x256xf32>
    %get3A_2078 = vector.shape_cast %get3A_2077 : vector<1x256xf32> to vector<256xf32>
    %broadcast_in_dim3A_2079 = vector.shape_cast %get3A_2078 : vector<256xf32> to vector<1x256xf32>
    %get3A_2080 = arith.constant 160 : index
    %get3A_2081 = arith.constant 0 : index
    %get3A_2082 = arith.constant 0 : index
    %get3A_2083 = vector.load %arg2[%get3A_2080, %get3A_2081, %get3A_2082] : memref<200x64x256xf32, #tpu.memory_space<vmem>>, vector<1x64x256xf32>
    %get3A_2084 = vector.shape_cast %get3A_2083 : vector<1x64x256xf32> to vector<64x256xf32>
    %mul3A_2085 = vector.broadcast %broadcast_in_dim3A_2079 : vector<1x256xf32> to vector<64x256xf32>
    %mul3A_2086 = arith.mulf %mul3A_2085, %get3A_2084 : vector<64x256xf32>
    %add3A_2087 = arith.addf %add3A_2074, %mul3A_2086 : vector<64x256xf32>
    %get3A_2088 = arith.constant 161 : index
    %get3A_2089 = arith.constant 0 : index
    %get3A_2090 = vector.load %arg1[%get3A_2088, %get3A_2089] : memref<200x256xf32, #tpu.memory_space<vmem>>, vector<1x256xf32>
    %get3A_2091 = vector.shape_cast %get3A_2090 : vector<1x256xf32> to vector<256xf32>
    %broadcast_in_dim3A_2092 = vector.shape_cast %get3A_2091 : vector<256xf32> to vector<1x256xf32>
    %get3A_2093 = arith.constant 161 : index
    %get3A_2094 = arith.constant 0 : index
    %get3A_2095 = arith.constant 0 : index
    %get3A_2096 = vector.load %arg2[%get3A_2093, %get3A_2094, %get3A_2095] : memref<200x64x256xf32, #tpu.memory_space<vmem>>, vector<1x64x256xf32>
    %get3A_2097 = vector.shape_cast %get3A_2096 : vector<1x64x256xf32> to vector<64x256xf32>
    %mul3A_2098 = vector.broadcast %broadcast_in_dim3A_2092 : vector<1x256xf32> to vector<64x256xf32>
    %mul3A_2099 = arith.mulf %mul3A_2098, %get3A_2097 : vector<64x256xf32>
    %add3A_2100 = arith.addf %add3A_2087, %mul3A_2099 : vector<64x256xf32>
    %get3A_2101 = arith.constant 162 : index
    %get3A_2102 = arith.constant 0 : index
    %get3A_2103 = vector.load %arg1[%get3A_2101, %get3A_2102] : memref<200x256xf32, #tpu.memory_space<vmem>>, vector<1x256xf32>
    %get3A_2104 = vector.shape_cast %get3A_2103 : vector<1x256xf32> to vector<256xf32>
    %broadcast_in_dim3A_2105 = vector.shape_cast %get3A_2104 : vector<256xf32> to vector<1x256xf32>
    %get3A_2106 = arith.constant 162 : index
    %get3A_2107 = arith.constant 0 : index
    %get3A_2108 = arith.constant 0 : index
    %get3A_2109 = vector.load %arg2[%get3A_2106, %get3A_2107, %get3A_2108] : memref<200x64x256xf32, #tpu.memory_space<vmem>>, vector<1x64x256xf32>
    %get3A_2110 = vector.shape_cast %get3A_2109 : vector<1x64x256xf32> to vector<64x256xf32>
    %mul3A_2111 = vector.broadcast %broadcast_in_dim3A_2105 : vector<1x256xf32> to vector<64x256xf32>
    %mul3A_2112 = arith.mulf %mul3A_2111, %get3A_2110 : vector<64x256xf32>
    %add3A_2113 = arith.addf %add3A_2100, %mul3A_2112 : vector<64x256xf32>
    %get3A_2114 = arith.constant 163 : index
    %get3A_2115 = arith.constant 0 : index
    %get3A_2116 = vector.load %arg1[%get3A_2114, %get3A_2115] : memref<200x256xf32, #tpu.memory_space<vmem>>, vector<1x256xf32>
    %get3A_2117 = vector.shape_cast %get3A_2116 : vector<1x256xf32> to vector<256xf32>
    %broadcast_in_dim3A_2118 = vector.shape_cast %get3A_2117 : vector<256xf32> to vector<1x256xf32>
    %get3A_2119 = arith.constant 163 : index
    %get3A_2120 = arith.constant 0 : index
    %get3A_2121 = arith.constant 0 : index
    %get3A_2122 = vector.load %arg2[%get3A_2119, %get3A_2120, %get3A_2121] : memref<200x64x256xf32, #tpu.memory_space<vmem>>, vector<1x64x256xf32>
    %get3A_2123 = vector.shape_cast %get3A_2122 : vector<1x64x256xf32> to vector<64x256xf32>
    %mul3A_2124 = vector.broadcast %broadcast_in_dim3A_2118 : vector<1x256xf32> to vector<64x256xf32>
    %mul3A_2125 = arith.mulf %mul3A_2124, %get3A_2123 : vector<64x256xf32>
    %add3A_2126 = arith.addf %add3A_2113, %mul3A_2125 : vector<64x256xf32>
    %get3A_2127 = arith.constant 164 : index
    %get3A_2128 = arith.constant 0 : index
    %get3A_2129 = vector.load %arg1[%get3A_2127, %get3A_2128] : memref<200x256xf32, #tpu.memory_space<vmem>>, vector<1x256xf32>
    %get3A_2130 = vector.shape_cast %get3A_2129 : vector<1x256xf32> to vector<256xf32>
    %broadcast_in_dim3A_2131 = vector.shape_cast %get3A_2130 : vector<256xf32> to vector<1x256xf32>
    %get3A_2132 = arith.constant 164 : index
    %get3A_2133 = arith.constant 0 : index
    %get3A_2134 = arith.constant 0 : index
    %get3A_2135 = vector.load %arg2[%get3A_2132, %get3A_2133, %get3A_2134] : memref<200x64x256xf32, #tpu.memory_space<vmem>>, vector<1x64x256xf32>
    %get3A_2136 = vector.shape_cast %get3A_2135 : vector<1x64x256xf32> to vector<64x256xf32>
    %mul3A_2137 = vector.broadcast %broadcast_in_dim3A_2131 : vector<1x256xf32> to vector<64x256xf32>
    %mul3A_2138 = arith.mulf %mul3A_2137, %get3A_2136 : vector<64x256xf32>
    %add3A_2139 = arith.addf %add3A_2126, %mul3A_2138 : vector<64x256xf32>
    %get3A_2140 = arith.constant 165 : index
    %get3A_2141 = arith.constant 0 : index
    %get3A_2142 = vector.load %arg1[%get3A_2140, %get3A_2141] : memref<200x256xf32, #tpu.memory_space<vmem>>, vector<1x256xf32>
    %get3A_2143 = vector.shape_cast %get3A_2142 : vector<1x256xf32> to vector<256xf32>
    %broadcast_in_dim3A_2144 = vector.shape_cast %get3A_2143 : vector<256xf32> to vector<1x256xf32>
    %get3A_2145 = arith.constant 165 : index
    %get3A_2146 = arith.constant 0 : index
    %get3A_2147 = arith.constant 0 : index
    %get3A_2148 = vector.load %arg2[%get3A_2145, %get3A_2146, %get3A_2147] : memref<200x64x256xf32, #tpu.memory_space<vmem>>, vector<1x64x256xf32>
    %get3A_2149 = vector.shape_cast %get3A_2148 : vector<1x64x256xf32> to vector<64x256xf32>
    %mul3A_2150 = vector.broadcast %broadcast_in_dim3A_2144 : vector<1x256xf32> to vector<64x256xf32>
    %mul3A_2151 = arith.mulf %mul3A_2150, %get3A_2149 : vector<64x256xf32>
    %add3A_2152 = arith.addf %add3A_2139, %mul3A_2151 : vector<64x256xf32>
    %get3A_2153 = arith.constant 166 : index
    %get3A_2154 = arith.constant 0 : index
    %get3A_2155 = vector.load %arg1[%get3A_2153, %get3A_2154] : memref<200x256xf32, #tpu.memory_space<vmem>>, vector<1x256xf32>
    %get3A_2156 = vector.shape_cast %get3A_2155 : vector<1x256xf32> to vector<256xf32>
    %broadcast_in_dim3A_2157 = vector.shape_cast %get3A_2156 : vector<256xf32> to vector<1x256xf32>
    %get3A_2158 = arith.constant 166 : index
    %get3A_2159 = arith.constant 0 : index
    %get3A_2160 = arith.constant 0 : index
    %get3A_2161 = vector.load %arg2[%get3A_2158, %get3A_2159, %get3A_2160] : memref<200x64x256xf32, #tpu.memory_space<vmem>>, vector<1x64x256xf32>
    %get3A_2162 = vector.shape_cast %get3A_2161 : vector<1x64x256xf32> to vector<64x256xf32>
    %mul3A_2163 = vector.broadcast %broadcast_in_dim3A_2157 : vector<1x256xf32> to vector<64x256xf32>
    %mul3A_2164 = arith.mulf %mul3A_2163, %get3A_2162 : vector<64x256xf32>
    %add3A_2165 = arith.addf %add3A_2152, %mul3A_2164 : vector<64x256xf32>
    %get3A_2166 = arith.constant 167 : index
    %get3A_2167 = arith.constant 0 : index
    %get3A_2168 = vector.load %arg1[%get3A_2166, %get3A_2167] : memref<200x256xf32, #tpu.memory_space<vmem>>, vector<1x256xf32>
    %get3A_2169 = vector.shape_cast %get3A_2168 : vector<1x256xf32> to vector<256xf32>
    %broadcast_in_dim3A_2170 = vector.shape_cast %get3A_2169 : vector<256xf32> to vector<1x256xf32>
    %get3A_2171 = arith.constant 167 : index
    %get3A_2172 = arith.constant 0 : index
    %get3A_2173 = arith.constant 0 : index
    %get3A_2174 = vector.load %arg2[%get3A_2171, %get3A_2172, %get3A_2173] : memref<200x64x256xf32, #tpu.memory_space<vmem>>, vector<1x64x256xf32>
    %get3A_2175 = vector.shape_cast %get3A_2174 : vector<1x64x256xf32> to vector<64x256xf32>
    %mul3A_2176 = vector.broadcast %broadcast_in_dim3A_2170 : vector<1x256xf32> to vector<64x256xf32>
    %mul3A_2177 = arith.mulf %mul3A_2176, %get3A_2175 : vector<64x256xf32>
    %add3A_2178 = arith.addf %add3A_2165, %mul3A_2177 : vector<64x256xf32>
    %get3A_2179 = arith.constant 168 : index
    %get3A_2180 = arith.constant 0 : index
    %get3A_2181 = vector.load %arg1[%get3A_2179, %get3A_2180] : memref<200x256xf32, #tpu.memory_space<vmem>>, vector<1x256xf32>
    %get3A_2182 = vector.shape_cast %get3A_2181 : vector<1x256xf32> to vector<256xf32>
    %broadcast_in_dim3A_2183 = vector.shape_cast %get3A_2182 : vector<256xf32> to vector<1x256xf32>
    %get3A_2184 = arith.constant 168 : index
    %get3A_2185 = arith.constant 0 : index
    %get3A_2186 = arith.constant 0 : index
    %get3A_2187 = vector.load %arg2[%get3A_2184, %get3A_2185, %get3A_2186] : memref<200x64x256xf32, #tpu.memory_space<vmem>>, vector<1x64x256xf32>
    %get3A_2188 = vector.shape_cast %get3A_2187 : vector<1x64x256xf32> to vector<64x256xf32>
    %mul3A_2189 = vector.broadcast %broadcast_in_dim3A_2183 : vector<1x256xf32> to vector<64x256xf32>
    %mul3A_2190 = arith.mulf %mul3A_2189, %get3A_2188 : vector<64x256xf32>
    %add3A_2191 = arith.addf %add3A_2178, %mul3A_2190 : vector<64x256xf32>
    %get3A_2192 = arith.constant 169 : index
    %get3A_2193 = arith.constant 0 : index
    %get3A_2194 = vector.load %arg1[%get3A_2192, %get3A_2193] : memref<200x256xf32, #tpu.memory_space<vmem>>, vector<1x256xf32>
    %get3A_2195 = vector.shape_cast %get3A_2194 : vector<1x256xf32> to vector<256xf32>
    %broadcast_in_dim3A_2196 = vector.shape_cast %get3A_2195 : vector<256xf32> to vector<1x256xf32>
    %get3A_2197 = arith.constant 169 : index
    %get3A_2198 = arith.constant 0 : index
    %get3A_2199 = arith.constant 0 : index
    %get3A_2200 = vector.load %arg2[%get3A_2197, %get3A_2198, %get3A_2199] : memref<200x64x256xf32, #tpu.memory_space<vmem>>, vector<1x64x256xf32>
    %get3A_2201 = vector.shape_cast %get3A_2200 : vector<1x64x256xf32> to vector<64x256xf32>
    %mul3A_2202 = vector.broadcast %broadcast_in_dim3A_2196 : vector<1x256xf32> to vector<64x256xf32>
    %mul3A_2203 = arith.mulf %mul3A_2202, %get3A_2201 : vector<64x256xf32>
    %add3A_2204 = arith.addf %add3A_2191, %mul3A_2203 : vector<64x256xf32>
    %get3A_2205 = arith.constant 170 : index
    %get3A_2206 = arith.constant 0 : index
    %get3A_2207 = vector.load %arg1[%get3A_2205, %get3A_2206] : memref<200x256xf32, #tpu.memory_space<vmem>>, vector<1x256xf32>
    %get3A_2208 = vector.shape_cast %get3A_2207 : vector<1x256xf32> to vector<256xf32>
    %broadcast_in_dim3A_2209 = vector.shape_cast %get3A_2208 : vector<256xf32> to vector<1x256xf32>
    %get3A_2210 = arith.constant 170 : index
    %get3A_2211 = arith.constant 0 : index
    %get3A_2212 = arith.constant 0 : index
    %get3A_2213 = vector.load %arg2[%get3A_2210, %get3A_2211, %get3A_2212] : memref<200x64x256xf32, #tpu.memory_space<vmem>>, vector<1x64x256xf32>
    %get3A_2214 = vector.shape_cast %get3A_2213 : vector<1x64x256xf32> to vector<64x256xf32>
    %mul3A_2215 = vector.broadcast %broadcast_in_dim3A_2209 : vector<1x256xf32> to vector<64x256xf32>
    %mul3A_2216 = arith.mulf %mul3A_2215, %get3A_2214 : vector<64x256xf32>
    %add3A_2217 = arith.addf %add3A_2204, %mul3A_2216 : vector<64x256xf32>
    %get3A_2218 = arith.constant 171 : index
    %get3A_2219 = arith.constant 0 : index
    %get3A_2220 = vector.load %arg1[%get3A_2218, %get3A_2219] : memref<200x256xf32, #tpu.memory_space<vmem>>, vector<1x256xf32>
    %get3A_2221 = vector.shape_cast %get3A_2220 : vector<1x256xf32> to vector<256xf32>
    %broadcast_in_dim3A_2222 = vector.shape_cast %get3A_2221 : vector<256xf32> to vector<1x256xf32>
    %get3A_2223 = arith.constant 171 : index
    %get3A_2224 = arith.constant 0 : index
    %get3A_2225 = arith.constant 0 : index
    %get3A_2226 = vector.load %arg2[%get3A_2223, %get3A_2224, %get3A_2225] : memref<200x64x256xf32, #tpu.memory_space<vmem>>, vector<1x64x256xf32>
    %get3A_2227 = vector.shape_cast %get3A_2226 : vector<1x64x256xf32> to vector<64x256xf32>
    %mul3A_2228 = vector.broadcast %broadcast_in_dim3A_2222 : vector<1x256xf32> to vector<64x256xf32>
    %mul3A_2229 = arith.mulf %mul3A_2228, %get3A_2227 : vector<64x256xf32>
    %add3A_2230 = arith.addf %add3A_2217, %mul3A_2229 : vector<64x256xf32>
    %get3A_2231 = arith.constant 172 : index
    %get3A_2232 = arith.constant 0 : index
    %get3A_2233 = vector.load %arg1[%get3A_2231, %get3A_2232] : memref<200x256xf32, #tpu.memory_space<vmem>>, vector<1x256xf32>
    %get3A_2234 = vector.shape_cast %get3A_2233 : vector<1x256xf32> to vector<256xf32>
    %broadcast_in_dim3A_2235 = vector.shape_cast %get3A_2234 : vector<256xf32> to vector<1x256xf32>
    %get3A_2236 = arith.constant 172 : index
    %get3A_2237 = arith.constant 0 : index
    %get3A_2238 = arith.constant 0 : index
    %get3A_2239 = vector.load %arg2[%get3A_2236, %get3A_2237, %get3A_2238] : memref<200x64x256xf32, #tpu.memory_space<vmem>>, vector<1x64x256xf32>
    %get3A_2240 = vector.shape_cast %get3A_2239 : vector<1x64x256xf32> to vector<64x256xf32>
    %mul3A_2241 = vector.broadcast %broadcast_in_dim3A_2235 : vector<1x256xf32> to vector<64x256xf32>
    %mul3A_2242 = arith.mulf %mul3A_2241, %get3A_2240 : vector<64x256xf32>
    %add3A_2243 = arith.addf %add3A_2230, %mul3A_2242 : vector<64x256xf32>
    %get3A_2244 = arith.constant 173 : index
    %get3A_2245 = arith.constant 0 : index
    %get3A_2246 = vector.load %arg1[%get3A_2244, %get3A_2245] : memref<200x256xf32, #tpu.memory_space<vmem>>, vector<1x256xf32>
    %get3A_2247 = vector.shape_cast %get3A_2246 : vector<1x256xf32> to vector<256xf32>
    %broadcast_in_dim3A_2248 = vector.shape_cast %get3A_2247 : vector<256xf32> to vector<1x256xf32>
    %get3A_2249 = arith.constant 173 : index
    %get3A_2250 = arith.constant 0 : index
    %get3A_2251 = arith.constant 0 : index
    %get3A_2252 = vector.load %arg2[%get3A_2249, %get3A_2250, %get3A_2251] : memref<200x64x256xf32, #tpu.memory_space<vmem>>, vector<1x64x256xf32>
    %get3A_2253 = vector.shape_cast %get3A_2252 : vector<1x64x256xf32> to vector<64x256xf32>
    %mul3A_2254 = vector.broadcast %broadcast_in_dim3A_2248 : vector<1x256xf32> to vector<64x256xf32>
    %mul3A_2255 = arith.mulf %mul3A_2254, %get3A_2253 : vector<64x256xf32>
    %add3A_2256 = arith.addf %add3A_2243, %mul3A_2255 : vector<64x256xf32>
    %get3A_2257 = arith.constant 174 : index
    %get3A_2258 = arith.constant 0 : index
    %get3A_2259 = vector.load %arg1[%get3A_2257, %get3A_2258] : memref<200x256xf32, #tpu.memory_space<vmem>>, vector<1x256xf32>
    %get3A_2260 = vector.shape_cast %get3A_2259 : vector<1x256xf32> to vector<256xf32>
    %broadcast_in_dim3A_2261 = vector.shape_cast %get3A_2260 : vector<256xf32> to vector<1x256xf32>
    %get3A_2262 = arith.constant 174 : index
    %get3A_2263 = arith.constant 0 : index
    %get3A_2264 = arith.constant 0 : index
    %get3A_2265 = vector.load %arg2[%get3A_2262, %get3A_2263, %get3A_2264] : memref<200x64x256xf32, #tpu.memory_space<vmem>>, vector<1x64x256xf32>
    %get3A_2266 = vector.shape_cast %get3A_2265 : vector<1x64x256xf32> to vector<64x256xf32>
    %mul3A_2267 = vector.broadcast %broadcast_in_dim3A_2261 : vector<1x256xf32> to vector<64x256xf32>
    %mul3A_2268 = arith.mulf %mul3A_2267, %get3A_2266 : vector<64x256xf32>
    %add3A_2269 = arith.addf %add3A_2256, %mul3A_2268 : vector<64x256xf32>
    %get3A_2270 = arith.constant 175 : index
    %get3A_2271 = arith.constant 0 : index
    %get3A_2272 = vector.load %arg1[%get3A_2270, %get3A_2271] : memref<200x256xf32, #tpu.memory_space<vmem>>, vector<1x256xf32>
    %get3A_2273 = vector.shape_cast %get3A_2272 : vector<1x256xf32> to vector<256xf32>
    %broadcast_in_dim3A_2274 = vector.shape_cast %get3A_2273 : vector<256xf32> to vector<1x256xf32>
    %get3A_2275 = arith.constant 175 : index
    %get3A_2276 = arith.constant 0 : index
    %get3A_2277 = arith.constant 0 : index
    %get3A_2278 = vector.load %arg2[%get3A_2275, %get3A_2276, %get3A_2277] : memref<200x64x256xf32, #tpu.memory_space<vmem>>, vector<1x64x256xf32>
    %get3A_2279 = vector.shape_cast %get3A_2278 : vector<1x64x256xf32> to vector<64x256xf32>
    %mul3A_2280 = vector.broadcast %broadcast_in_dim3A_2274 : vector<1x256xf32> to vector<64x256xf32>
    %mul3A_2281 = arith.mulf %mul3A_2280, %get3A_2279 : vector<64x256xf32>
    %add3A_2282 = arith.addf %add3A_2269, %mul3A_2281 : vector<64x256xf32>
    %get3A_2283 = arith.constant 176 : index
    %get3A_2284 = arith.constant 0 : index
    %get3A_2285 = vector.load %arg1[%get3A_2283, %get3A_2284] : memref<200x256xf32, #tpu.memory_space<vmem>>, vector<1x256xf32>
    %get3A_2286 = vector.shape_cast %get3A_2285 : vector<1x256xf32> to vector<256xf32>
    %broadcast_in_dim3A_2287 = vector.shape_cast %get3A_2286 : vector<256xf32> to vector<1x256xf32>
    %get3A_2288 = arith.constant 176 : index
    %get3A_2289 = arith.constant 0 : index
    %get3A_2290 = arith.constant 0 : index
    %get3A_2291 = vector.load %arg2[%get3A_2288, %get3A_2289, %get3A_2290] : memref<200x64x256xf32, #tpu.memory_space<vmem>>, vector<1x64x256xf32>
    %get3A_2292 = vector.shape_cast %get3A_2291 : vector<1x64x256xf32> to vector<64x256xf32>
    %mul3A_2293 = vector.broadcast %broadcast_in_dim3A_2287 : vector<1x256xf32> to vector<64x256xf32>
    %mul3A_2294 = arith.mulf %mul3A_2293, %get3A_2292 : vector<64x256xf32>
    %add3A_2295 = arith.addf %add3A_2282, %mul3A_2294 : vector<64x256xf32>
    %get3A_2296 = arith.constant 177 : index
    %get3A_2297 = arith.constant 0 : index
    %get3A_2298 = vector.load %arg1[%get3A_2296, %get3A_2297] : memref<200x256xf32, #tpu.memory_space<vmem>>, vector<1x256xf32>
    %get3A_2299 = vector.shape_cast %get3A_2298 : vector<1x256xf32> to vector<256xf32>
    %broadcast_in_dim3A_2300 = vector.shape_cast %get3A_2299 : vector<256xf32> to vector<1x256xf32>
    %get3A_2301 = arith.constant 177 : index
    %get3A_2302 = arith.constant 0 : index
    %get3A_2303 = arith.constant 0 : index
    %get3A_2304 = vector.load %arg2[%get3A_2301, %get3A_2302, %get3A_2303] : memref<200x64x256xf32, #tpu.memory_space<vmem>>, vector<1x64x256xf32>
    %get3A_2305 = vector.shape_cast %get3A_2304 : vector<1x64x256xf32> to vector<64x256xf32>
    %mul3A_2306 = vector.broadcast %broadcast_in_dim3A_2300 : vector<1x256xf32> to vector<64x256xf32>
    %mul3A_2307 = arith.mulf %mul3A_2306, %get3A_2305 : vector<64x256xf32>
    %add3A_2308 = arith.addf %add3A_2295, %mul3A_2307 : vector<64x256xf32>
    %get3A_2309 = arith.constant 178 : index
    %get3A_2310 = arith.constant 0 : index
    %get3A_2311 = vector.load %arg1[%get3A_2309, %get3A_2310] : memref<200x256xf32, #tpu.memory_space<vmem>>, vector<1x256xf32>
    %get3A_2312 = vector.shape_cast %get3A_2311 : vector<1x256xf32> to vector<256xf32>
    %broadcast_in_dim3A_2313 = vector.shape_cast %get3A_2312 : vector<256xf32> to vector<1x256xf32>
    %get3A_2314 = arith.constant 178 : index
    %get3A_2315 = arith.constant 0 : index
    %get3A_2316 = arith.constant 0 : index
    %get3A_2317 = vector.load %arg2[%get3A_2314, %get3A_2315, %get3A_2316] : memref<200x64x256xf32, #tpu.memory_space<vmem>>, vector<1x64x256xf32>
    %get3A_2318 = vector.shape_cast %get3A_2317 : vector<1x64x256xf32> to vector<64x256xf32>
    %mul3A_2319 = vector.broadcast %broadcast_in_dim3A_2313 : vector<1x256xf32> to vector<64x256xf32>
    %mul3A_2320 = arith.mulf %mul3A_2319, %get3A_2318 : vector<64x256xf32>
    %add3A_2321 = arith.addf %add3A_2308, %mul3A_2320 : vector<64x256xf32>
    %get3A_2322 = arith.constant 179 : index
    %get3A_2323 = arith.constant 0 : index
    %get3A_2324 = vector.load %arg1[%get3A_2322, %get3A_2323] : memref<200x256xf32, #tpu.memory_space<vmem>>, vector<1x256xf32>
    %get3A_2325 = vector.shape_cast %get3A_2324 : vector<1x256xf32> to vector<256xf32>
    %broadcast_in_dim3A_2326 = vector.shape_cast %get3A_2325 : vector<256xf32> to vector<1x256xf32>
    %get3A_2327 = arith.constant 179 : index
    %get3A_2328 = arith.constant 0 : index
    %get3A_2329 = arith.constant 0 : index
    %get3A_2330 = vector.load %arg2[%get3A_2327, %get3A_2328, %get3A_2329] : memref<200x64x256xf32, #tpu.memory_space<vmem>>, vector<1x64x256xf32>
    %get3A_2331 = vector.shape_cast %get3A_2330 : vector<1x64x256xf32> to vector<64x256xf32>
    %mul3A_2332 = vector.broadcast %broadcast_in_dim3A_2326 : vector<1x256xf32> to vector<64x256xf32>
    %mul3A_2333 = arith.mulf %mul3A_2332, %get3A_2331 : vector<64x256xf32>
    %add3A_2334 = arith.addf %add3A_2321, %mul3A_2333 : vector<64x256xf32>
    %get3A_2335 = arith.constant 180 : index
    %get3A_2336 = arith.constant 0 : index
    %get3A_2337 = vector.load %arg1[%get3A_2335, %get3A_2336] : memref<200x256xf32, #tpu.memory_space<vmem>>, vector<1x256xf32>
    %get3A_2338 = vector.shape_cast %get3A_2337 : vector<1x256xf32> to vector<256xf32>
    %broadcast_in_dim3A_2339 = vector.shape_cast %get3A_2338 : vector<256xf32> to vector<1x256xf32>
    %get3A_2340 = arith.constant 180 : index
    %get3A_2341 = arith.constant 0 : index
    %get3A_2342 = arith.constant 0 : index
    %get3A_2343 = vector.load %arg2[%get3A_2340, %get3A_2341, %get3A_2342] : memref<200x64x256xf32, #tpu.memory_space<vmem>>, vector<1x64x256xf32>
    %get3A_2344 = vector.shape_cast %get3A_2343 : vector<1x64x256xf32> to vector<64x256xf32>
    %mul3A_2345 = vector.broadcast %broadcast_in_dim3A_2339 : vector<1x256xf32> to vector<64x256xf32>
    %mul3A_2346 = arith.mulf %mul3A_2345, %get3A_2344 : vector<64x256xf32>
    %add3A_2347 = arith.addf %add3A_2334, %mul3A_2346 : vector<64x256xf32>
    %get3A_2348 = arith.constant 181 : index
    %get3A_2349 = arith.constant 0 : index
    %get3A_2350 = vector.load %arg1[%get3A_2348, %get3A_2349] : memref<200x256xf32, #tpu.memory_space<vmem>>, vector<1x256xf32>
    %get3A_2351 = vector.shape_cast %get3A_2350 : vector<1x256xf32> to vector<256xf32>
    %broadcast_in_dim3A_2352 = vector.shape_cast %get3A_2351 : vector<256xf32> to vector<1x256xf32>
    %get3A_2353 = arith.constant 181 : index
    %get3A_2354 = arith.constant 0 : index
    %get3A_2355 = arith.constant 0 : index
    %get3A_2356 = vector.load %arg2[%get3A_2353, %get3A_2354, %get3A_2355] : memref<200x64x256xf32, #tpu.memory_space<vmem>>, vector<1x64x256xf32>
    %get3A_2357 = vector.shape_cast %get3A_2356 : vector<1x64x256xf32> to vector<64x256xf32>
    %mul3A_2358 = vector.broadcast %broadcast_in_dim3A_2352 : vector<1x256xf32> to vector<64x256xf32>
    %mul3A_2359 = arith.mulf %mul3A_2358, %get3A_2357 : vector<64x256xf32>
    %add3A_2360 = arith.addf %add3A_2347, %mul3A_2359 : vector<64x256xf32>
    %get3A_2361 = arith.constant 182 : index
    %get3A_2362 = arith.constant 0 : index
    %get3A_2363 = vector.load %arg1[%get3A_2361, %get3A_2362] : memref<200x256xf32, #tpu.memory_space<vmem>>, vector<1x256xf32>
    %get3A_2364 = vector.shape_cast %get3A_2363 : vector<1x256xf32> to vector<256xf32>
    %broadcast_in_dim3A_2365 = vector.shape_cast %get3A_2364 : vector<256xf32> to vector<1x256xf32>
    %get3A_2366 = arith.constant 182 : index
    %get3A_2367 = arith.constant 0 : index
    %get3A_2368 = arith.constant 0 : index
    %get3A_2369 = vector.load %arg2[%get3A_2366, %get3A_2367, %get3A_2368] : memref<200x64x256xf32, #tpu.memory_space<vmem>>, vector<1x64x256xf32>
    %get3A_2370 = vector.shape_cast %get3A_2369 : vector<1x64x256xf32> to vector<64x256xf32>
    %mul3A_2371 = vector.broadcast %broadcast_in_dim3A_2365 : vector<1x256xf32> to vector<64x256xf32>
    %mul3A_2372 = arith.mulf %mul3A_2371, %get3A_2370 : vector<64x256xf32>
    %add3A_2373 = arith.addf %add3A_2360, %mul3A_2372 : vector<64x256xf32>
    %get3A_2374 = arith.constant 183 : index
    %get3A_2375 = arith.constant 0 : index
    %get3A_2376 = vector.load %arg1[%get3A_2374, %get3A_2375] : memref<200x256xf32, #tpu.memory_space<vmem>>, vector<1x256xf32>
    %get3A_2377 = vector.shape_cast %get3A_2376 : vector<1x256xf32> to vector<256xf32>
    %broadcast_in_dim3A_2378 = vector.shape_cast %get3A_2377 : vector<256xf32> to vector<1x256xf32>
    %get3A_2379 = arith.constant 183 : index
    %get3A_2380 = arith.constant 0 : index
    %get3A_2381 = arith.constant 0 : index
    %get3A_2382 = vector.load %arg2[%get3A_2379, %get3A_2380, %get3A_2381] : memref<200x64x256xf32, #tpu.memory_space<vmem>>, vector<1x64x256xf32>
    %get3A_2383 = vector.shape_cast %get3A_2382 : vector<1x64x256xf32> to vector<64x256xf32>
    %mul3A_2384 = vector.broadcast %broadcast_in_dim3A_2378 : vector<1x256xf32> to vector<64x256xf32>
    %mul3A_2385 = arith.mulf %mul3A_2384, %get3A_2383 : vector<64x256xf32>
    %add3A_2386 = arith.addf %add3A_2373, %mul3A_2385 : vector<64x256xf32>
    %get3A_2387 = arith.constant 184 : index
    %get3A_2388 = arith.constant 0 : index
    %get3A_2389 = vector.load %arg1[%get3A_2387, %get3A_2388] : memref<200x256xf32, #tpu.memory_space<vmem>>, vector<1x256xf32>
    %get3A_2390 = vector.shape_cast %get3A_2389 : vector<1x256xf32> to vector<256xf32>
    %broadcast_in_dim3A_2391 = vector.shape_cast %get3A_2390 : vector<256xf32> to vector<1x256xf32>
    %get3A_2392 = arith.constant 184 : index
    %get3A_2393 = arith.constant 0 : index
    %get3A_2394 = arith.constant 0 : index
    %get3A_2395 = vector.load %arg2[%get3A_2392, %get3A_2393, %get3A_2394] : memref<200x64x256xf32, #tpu.memory_space<vmem>>, vector<1x64x256xf32>
    %get3A_2396 = vector.shape_cast %get3A_2395 : vector<1x64x256xf32> to vector<64x256xf32>
    %mul3A_2397 = vector.broadcast %broadcast_in_dim3A_2391 : vector<1x256xf32> to vector<64x256xf32>
    %mul3A_2398 = arith.mulf %mul3A_2397, %get3A_2396 : vector<64x256xf32>
    %add3A_2399 = arith.addf %add3A_2386, %mul3A_2398 : vector<64x256xf32>
    %get3A_2400 = arith.constant 185 : index
    %get3A_2401 = arith.constant 0 : index
    %get3A_2402 = vector.load %arg1[%get3A_2400, %get3A_2401] : memref<200x256xf32, #tpu.memory_space<vmem>>, vector<1x256xf32>
    %get3A_2403 = vector.shape_cast %get3A_2402 : vector<1x256xf32> to vector<256xf32>
    %broadcast_in_dim3A_2404 = vector.shape_cast %get3A_2403 : vector<256xf32> to vector<1x256xf32>
    %get3A_2405 = arith.constant 185 : index
    %get3A_2406 = arith.constant 0 : index
    %get3A_2407 = arith.constant 0 : index
    %get3A_2408 = vector.load %arg2[%get3A_2405, %get3A_2406, %get3A_2407] : memref<200x64x256xf32, #tpu.memory_space<vmem>>, vector<1x64x256xf32>
    %get3A_2409 = vector.shape_cast %get3A_2408 : vector<1x64x256xf32> to vector<64x256xf32>
    %mul3A_2410 = vector.broadcast %broadcast_in_dim3A_2404 : vector<1x256xf32> to vector<64x256xf32>
    %mul3A_2411 = arith.mulf %mul3A_2410, %get3A_2409 : vector<64x256xf32>
    %add3A_2412 = arith.addf %add3A_2399, %mul3A_2411 : vector<64x256xf32>
    %get3A_2413 = arith.constant 186 : index
    %get3A_2414 = arith.constant 0 : index
    %get3A_2415 = vector.load %arg1[%get3A_2413, %get3A_2414] : memref<200x256xf32, #tpu.memory_space<vmem>>, vector<1x256xf32>
    %get3A_2416 = vector.shape_cast %get3A_2415 : vector<1x256xf32> to vector<256xf32>
    %broadcast_in_dim3A_2417 = vector.shape_cast %get3A_2416 : vector<256xf32> to vector<1x256xf32>
    %get3A_2418 = arith.constant 186 : index
    %get3A_2419 = arith.constant 0 : index
    %get3A_2420 = arith.constant 0 : index
    %get3A_2421 = vector.load %arg2[%get3A_2418, %get3A_2419, %get3A_2420] : memref<200x64x256xf32, #tpu.memory_space<vmem>>, vector<1x64x256xf32>
    %get3A_2422 = vector.shape_cast %get3A_2421 : vector<1x64x256xf32> to vector<64x256xf32>
    %mul3A_2423 = vector.broadcast %broadcast_in_dim3A_2417 : vector<1x256xf32> to vector<64x256xf32>
    %mul3A_2424 = arith.mulf %mul3A_2423, %get3A_2422 : vector<64x256xf32>
    %add3A_2425 = arith.addf %add3A_2412, %mul3A_2424 : vector<64x256xf32>
    %get3A_2426 = arith.constant 187 : index
    %get3A_2427 = arith.constant 0 : index
    %get3A_2428 = vector.load %arg1[%get3A_2426, %get3A_2427] : memref<200x256xf32, #tpu.memory_space<vmem>>, vector<1x256xf32>
    %get3A_2429 = vector.shape_cast %get3A_2428 : vector<1x256xf32> to vector<256xf32>
    %broadcast_in_dim3A_2430 = vector.shape_cast %get3A_2429 : vector<256xf32> to vector<1x256xf32>
    %get3A_2431 = arith.constant 187 : index
    %get3A_2432 = arith.constant 0 : index
    %get3A_2433 = arith.constant 0 : index
    %get3A_2434 = vector.load %arg2[%get3A_2431, %get3A_2432, %get3A_2433] : memref<200x64x256xf32, #tpu.memory_space<vmem>>, vector<1x64x256xf32>
    %get3A_2435 = vector.shape_cast %get3A_2434 : vector<1x64x256xf32> to vector<64x256xf32>
    %mul3A_2436 = vector.broadcast %broadcast_in_dim3A_2430 : vector<1x256xf32> to vector<64x256xf32>
    %mul3A_2437 = arith.mulf %mul3A_2436, %get3A_2435 : vector<64x256xf32>
    %add3A_2438 = arith.addf %add3A_2425, %mul3A_2437 : vector<64x256xf32>
    %get3A_2439 = arith.constant 188 : index
    %get3A_2440 = arith.constant 0 : index
    %get3A_2441 = vector.load %arg1[%get3A_2439, %get3A_2440] : memref<200x256xf32, #tpu.memory_space<vmem>>, vector<1x256xf32>
    %get3A_2442 = vector.shape_cast %get3A_2441 : vector<1x256xf32> to vector<256xf32>
    %broadcast_in_dim3A_2443 = vector.shape_cast %get3A_2442 : vector<256xf32> to vector<1x256xf32>
    %get3A_2444 = arith.constant 188 : index
    %get3A_2445 = arith.constant 0 : index
    %get3A_2446 = arith.constant 0 : index
    %get3A_2447 = vector.load %arg2[%get3A_2444, %get3A_2445, %get3A_2446] : memref<200x64x256xf32, #tpu.memory_space<vmem>>, vector<1x64x256xf32>
    %get3A_2448 = vector.shape_cast %get3A_2447 : vector<1x64x256xf32> to vector<64x256xf32>
    %mul3A_2449 = vector.broadcast %broadcast_in_dim3A_2443 : vector<1x256xf32> to vector<64x256xf32>
    %mul3A_2450 = arith.mulf %mul3A_2449, %get3A_2448 : vector<64x256xf32>
    %add3A_2451 = arith.addf %add3A_2438, %mul3A_2450 : vector<64x256xf32>
    %get3A_2452 = arith.constant 189 : index
    %get3A_2453 = arith.constant 0 : index
    %get3A_2454 = vector.load %arg1[%get3A_2452, %get3A_2453] : memref<200x256xf32, #tpu.memory_space<vmem>>, vector<1x256xf32>
    %get3A_2455 = vector.shape_cast %get3A_2454 : vector<1x256xf32> to vector<256xf32>
    %broadcast_in_dim3A_2456 = vector.shape_cast %get3A_2455 : vector<256xf32> to vector<1x256xf32>
    %get3A_2457 = arith.constant 189 : index
    %get3A_2458 = arith.constant 0 : index
    %get3A_2459 = arith.constant 0 : index
    %get3A_2460 = vector.load %arg2[%get3A_2457, %get3A_2458, %get3A_2459] : memref<200x64x256xf32, #tpu.memory_space<vmem>>, vector<1x64x256xf32>
    %get3A_2461 = vector.shape_cast %get3A_2460 : vector<1x64x256xf32> to vector<64x256xf32>
    %mul3A_2462 = vector.broadcast %broadcast_in_dim3A_2456 : vector<1x256xf32> to vector<64x256xf32>
    %mul3A_2463 = arith.mulf %mul3A_2462, %get3A_2461 : vector<64x256xf32>
    %add3A_2464 = arith.addf %add3A_2451, %mul3A_2463 : vector<64x256xf32>
    %get3A_2465 = arith.constant 190 : index
    %get3A_2466 = arith.constant 0 : index
    %get3A_2467 = vector.load %arg1[%get3A_2465, %get3A_2466] : memref<200x256xf32, #tpu.memory_space<vmem>>, vector<1x256xf32>
    %get3A_2468 = vector.shape_cast %get3A_2467 : vector<1x256xf32> to vector<256xf32>
    %broadcast_in_dim3A_2469 = vector.shape_cast %get3A_2468 : vector<256xf32> to vector<1x256xf32>
    %get3A_2470 = arith.constant 190 : index
    %get3A_2471 = arith.constant 0 : index
    %get3A_2472 = arith.constant 0 : index
    %get3A_2473 = vector.load %arg2[%get3A_2470, %get3A_2471, %get3A_2472] : memref<200x64x256xf32, #tpu.memory_space<vmem>>, vector<1x64x256xf32>
    %get3A_2474 = vector.shape_cast %get3A_2473 : vector<1x64x256xf32> to vector<64x256xf32>
    %mul3A_2475 = vector.broadcast %broadcast_in_dim3A_2469 : vector<1x256xf32> to vector<64x256xf32>
    %mul3A_2476 = arith.mulf %mul3A_2475, %get3A_2474 : vector<64x256xf32>
    %add3A_2477 = arith.addf %add3A_2464, %mul3A_2476 : vector<64x256xf32>
    %get3A_2478 = arith.constant 191 : index
    %get3A_2479 = arith.constant 0 : index
    %get3A_2480 = vector.load %arg1[%get3A_2478, %get3A_2479] : memref<200x256xf32, #tpu.memory_space<vmem>>, vector<1x256xf32>
    %get3A_2481 = vector.shape_cast %get3A_2480 : vector<1x256xf32> to vector<256xf32>
    %broadcast_in_dim3A_2482 = vector.shape_cast %get3A_2481 : vector<256xf32> to vector<1x256xf32>
    %get3A_2483 = arith.constant 191 : index
    %get3A_2484 = arith.constant 0 : index
    %get3A_2485 = arith.constant 0 : index
    %get3A_2486 = vector.load %arg2[%get3A_2483, %get3A_2484, %get3A_2485] : memref<200x64x256xf32, #tpu.memory_space<vmem>>, vector<1x64x256xf32>
    %get3A_2487 = vector.shape_cast %get3A_2486 : vector<1x64x256xf32> to vector<64x256xf32>
    %mul3A_2488 = vector.broadcast %broadcast_in_dim3A_2482 : vector<1x256xf32> to vector<64x256xf32>
    %mul3A_2489 = arith.mulf %mul3A_2488, %get3A_2487 : vector<64x256xf32>
    %add3A_2490 = arith.addf %add3A_2477, %mul3A_2489 : vector<64x256xf32>
    %get3A_2491 = arith.constant 192 : index
    %get3A_2492 = arith.constant 0 : index
    %get3A_2493 = vector.load %arg1[%get3A_2491, %get3A_2492] : memref<200x256xf32, #tpu.memory_space<vmem>>, vector<1x256xf32>
    %get3A_2494 = vector.shape_cast %get3A_2493 : vector<1x256xf32> to vector<256xf32>
    %broadcast_in_dim3A_2495 = vector.shape_cast %get3A_2494 : vector<256xf32> to vector<1x256xf32>
    %get3A_2496 = arith.constant 192 : index
    %get3A_2497 = arith.constant 0 : index
    %get3A_2498 = arith.constant 0 : index
    %get3A_2499 = vector.load %arg2[%get3A_2496, %get3A_2497, %get3A_2498] : memref<200x64x256xf32, #tpu.memory_space<vmem>>, vector<1x64x256xf32>
    %get3A_2500 = vector.shape_cast %get3A_2499 : vector<1x64x256xf32> to vector<64x256xf32>
    %mul3A_2501 = vector.broadcast %broadcast_in_dim3A_2495 : vector<1x256xf32> to vector<64x256xf32>
    %mul3A_2502 = arith.mulf %mul3A_2501, %get3A_2500 : vector<64x256xf32>
    %add3A_2503 = arith.addf %add3A_2490, %mul3A_2502 : vector<64x256xf32>
    %get3A_2504 = arith.constant 193 : index
    %get3A_2505 = arith.constant 0 : index
    %get3A_2506 = vector.load %arg1[%get3A_2504, %get3A_2505] : memref<200x256xf32, #tpu.memory_space<vmem>>, vector<1x256xf32>
    %get3A_2507 = vector.shape_cast %get3A_2506 : vector<1x256xf32> to vector<256xf32>
    %broadcast_in_dim3A_2508 = vector.shape_cast %get3A_2507 : vector<256xf32> to vector<1x256xf32>
    %get3A_2509 = arith.constant 193 : index
    %get3A_2510 = arith.constant 0 : index
    %get3A_2511 = arith.constant 0 : index
    %get3A_2512 = vector.load %arg2[%get3A_2509, %get3A_2510, %get3A_2511] : memref<200x64x256xf32, #tpu.memory_space<vmem>>, vector<1x64x256xf32>
    %get3A_2513 = vector.shape_cast %get3A_2512 : vector<1x64x256xf32> to vector<64x256xf32>
    %mul3A_2514 = vector.broadcast %broadcast_in_dim3A_2508 : vector<1x256xf32> to vector<64x256xf32>
    %mul3A_2515 = arith.mulf %mul3A_2514, %get3A_2513 : vector<64x256xf32>
    %add3A_2516 = arith.addf %add3A_2503, %mul3A_2515 : vector<64x256xf32>
    %get3A_2517 = arith.constant 194 : index
    %get3A_2518 = arith.constant 0 : index
    %get3A_2519 = vector.load %arg1[%get3A_2517, %get3A_2518] : memref<200x256xf32, #tpu.memory_space<vmem>>, vector<1x256xf32>
    %get3A_2520 = vector.shape_cast %get3A_2519 : vector<1x256xf32> to vector<256xf32>
    %broadcast_in_dim3A_2521 = vector.shape_cast %get3A_2520 : vector<256xf32> to vector<1x256xf32>
    %get3A_2522 = arith.constant 194 : index
    %get3A_2523 = arith.constant 0 : index
    %get3A_2524 = arith.constant 0 : index
    %get3A_2525 = vector.load %arg2[%get3A_2522, %get3A_2523, %get3A_2524] : memref<200x64x256xf32, #tpu.memory_space<vmem>>, vector<1x64x256xf32>
    %get3A_2526 = vector.shape_cast %get3A_2525 : vector<1x64x256xf32> to vector<64x256xf32>
    %mul3A_2527 = vector.broadcast %broadcast_in_dim3A_2521 : vector<1x256xf32> to vector<64x256xf32>
    %mul3A_2528 = arith.mulf %mul3A_2527, %get3A_2526 : vector<64x256xf32>
    %add3A_2529 = arith.addf %add3A_2516, %mul3A_2528 : vector<64x256xf32>
    %get3A_2530 = arith.constant 195 : index
    %get3A_2531 = arith.constant 0 : index
    %get3A_2532 = vector.load %arg1[%get3A_2530, %get3A_2531] : memref<200x256xf32, #tpu.memory_space<vmem>>, vector<1x256xf32>
    %get3A_2533 = vector.shape_cast %get3A_2532 : vector<1x256xf32> to vector<256xf32>
    %broadcast_in_dim3A_2534 = vector.shape_cast %get3A_2533 : vector<256xf32> to vector<1x256xf32>
    %get3A_2535 = arith.constant 195 : index
    %get3A_2536 = arith.constant 0 : index
    %get3A_2537 = arith.constant 0 : index
    %get3A_2538 = vector.load %arg2[%get3A_2535, %get3A_2536, %get3A_2537] : memref<200x64x256xf32, #tpu.memory_space<vmem>>, vector<1x64x256xf32>
    %get3A_2539 = vector.shape_cast %get3A_2538 : vector<1x64x256xf32> to vector<64x256xf32>
    %mul3A_2540 = vector.broadcast %broadcast_in_dim3A_2534 : vector<1x256xf32> to vector<64x256xf32>
    %mul3A_2541 = arith.mulf %mul3A_2540, %get3A_2539 : vector<64x256xf32>
    %add3A_2542 = arith.addf %add3A_2529, %mul3A_2541 : vector<64x256xf32>
    %get3A_2543 = arith.constant 196 : index
    %get3A_2544 = arith.constant 0 : index
    %get3A_2545 = vector.load %arg1[%get3A_2543, %get3A_2544] : memref<200x256xf32, #tpu.memory_space<vmem>>, vector<1x256xf32>
    %get3A_2546 = vector.shape_cast %get3A_2545 : vector<1x256xf32> to vector<256xf32>
    %broadcast_in_dim3A_2547 = vector.shape_cast %get3A_2546 : vector<256xf32> to vector<1x256xf32>
    %get3A_2548 = arith.constant 196 : index
    %get3A_2549 = arith.constant 0 : index
    %get3A_2550 = arith.constant 0 : index
    %get3A_2551 = vector.load %arg2[%get3A_2548, %get3A_2549, %get3A_2550] : memref<200x64x256xf32, #tpu.memory_space<vmem>>, vector<1x64x256xf32>
    %get3A_2552 = vector.shape_cast %get3A_2551 : vector<1x64x256xf32> to vector<64x256xf32>
    %mul3A_2553 = vector.broadcast %broadcast_in_dim3A_2547 : vector<1x256xf32> to vector<64x256xf32>
    %mul3A_2554 = arith.mulf %mul3A_2553, %get3A_2552 : vector<64x256xf32>
    %add3A_2555 = arith.addf %add3A_2542, %mul3A_2554 : vector<64x256xf32>
    %get3A_2556 = arith.constant 197 : index
    %get3A_2557 = arith.constant 0 : index
    %get3A_2558 = vector.load %arg1[%get3A_2556, %get3A_2557] : memref<200x256xf32, #tpu.memory_space<vmem>>, vector<1x256xf32>
    %get3A_2559 = vector.shape_cast %get3A_2558 : vector<1x256xf32> to vector<256xf32>
    %broadcast_in_dim3A_2560 = vector.shape_cast %get3A_2559 : vector<256xf32> to vector<1x256xf32>
    %get3A_2561 = arith.constant 197 : index
    %get3A_2562 = arith.constant 0 : index
    %get3A_2563 = arith.constant 0 : index
    %get3A_2564 = vector.load %arg2[%get3A_2561, %get3A_2562, %get3A_2563] : memref<200x64x256xf32, #tpu.memory_space<vmem>>, vector<1x64x256xf32>
    %get3A_2565 = vector.shape_cast %get3A_2564 : vector<1x64x256xf32> to vector<64x256xf32>
    %mul3A_2566 = vector.broadcast %broadcast_in_dim3A_2560 : vector<1x256xf32> to vector<64x256xf32>
    %mul3A_2567 = arith.mulf %mul3A_2566, %get3A_2565 : vector<64x256xf32>
    %add3A_2568 = arith.addf %add3A_2555, %mul3A_2567 : vector<64x256xf32>
    %get3A_2569 = arith.constant 198 : index
    %get3A_2570 = arith.constant 0 : index
    %get3A_2571 = vector.load %arg1[%get3A_2569, %get3A_2570] : memref<200x256xf32, #tpu.memory_space<vmem>>, vector<1x256xf32>
    %get3A_2572 = vector.shape_cast %get3A_2571 : vector<1x256xf32> to vector<256xf32>
    %broadcast_in_dim3A_2573 = vector.shape_cast %get3A_2572 : vector<256xf32> to vector<1x256xf32>
    %get3A_2574 = arith.constant 198 : index
    %get3A_2575 = arith.constant 0 : index
    %get3A_2576 = arith.constant 0 : index
    %get3A_2577 = vector.load %arg2[%get3A_2574, %get3A_2575, %get3A_2576] : memref<200x64x256xf32, #tpu.memory_space<vmem>>, vector<1x64x256xf32>
    %get3A_2578 = vector.shape_cast %get3A_2577 : vector<1x64x256xf32> to vector<64x256xf32>
    %mul3A_2579 = vector.broadcast %broadcast_in_dim3A_2573 : vector<1x256xf32> to vector<64x256xf32>
    %mul3A_2580 = arith.mulf %mul3A_2579, %get3A_2578 : vector<64x256xf32>
    %add3A_2581 = arith.addf %add3A_2568, %mul3A_2580 : vector<64x256xf32>
    %get3A_2582 = arith.constant 199 : index
    %get3A_2583 = arith.constant 0 : index
    %get3A_2584 = vector.load %arg1[%get3A_2582, %get3A_2583] : memref<200x256xf32, #tpu.memory_space<vmem>>, vector<1x256xf32>
    %get3A_2585 = vector.shape_cast %get3A_2584 : vector<1x256xf32> to vector<256xf32>
    %broadcast_in_dim3A_2586 = vector.shape_cast %get3A_2585 : vector<256xf32> to vector<1x256xf32>
    %get3A_2587 = arith.constant 199 : index
    %get3A_2588 = arith.constant 0 : index
    %get3A_2589 = arith.constant 0 : index
    %get3A_2590 = vector.load %arg2[%get3A_2587, %get3A_2588, %get3A_2589] : memref<200x64x256xf32, #tpu.memory_space<vmem>>, vector<1x64x256xf32>
    %get3A_2591 = vector.shape_cast %get3A_2590 : vector<1x64x256xf32> to vector<64x256xf32>
    %mul3A_2592 = vector.broadcast %broadcast_in_dim3A_2586 : vector<1x256xf32> to vector<64x256xf32>
    %mul3A_2593 = arith.mulf %mul3A_2592, %get3A_2591 : vector<64x256xf32>
    %add3A_2594 = arith.addf %add3A_2581, %mul3A_2593 : vector<64x256xf32>
    %swap3A = arith.constant 0 : index
    %swap3A_2595 = arith.constant 0 : index
    %swap3A_2596 = vector.load %arg3[%swap3A, %swap3A_2595] : memref<64x256xf32, #tpu.memory_space<vmem>>, vector<64x256xf32>
    tpu.vector_store %arg3[%swap3A, %swap3A_2595], %add3A_2594 {strides = array<i32>} : memref<64x256xf32, #tpu.memory_space<vmem>>, vector<64x256xf32>,
    return
  }
  func.func @transform_0(%arg0: i32) -> (i32, i32) {
    %c0_i32 = arith.constant 0 : i32
    %c0_i32_0 = arith.constant 0 : i32
    return %c0_i32, %arg0 : i32, i32
  }
  func.func @transform_1(%arg0: i32) -> (i32, i32, i32) {
    %c0_i32 = arith.constant 0 : i32
    %c0_i32_0 = arith.constant 0 : i32
    %c0_i32_1 = arith.constant 0 : i32
    return %c0_i32, %c0_i32_0, %arg0 : i32, i32, i32
  }
  func.func @transform_2(%arg0: i32) -> (i32, i32) {
    %c0_i32 = arith.constant 0 : i32
    %c0_i32_0 = arith.constant 0 : i32
    return %c0_i32, %arg0 : i32, i32
  }
}

</mosaic_0001>

<sc_bundles>
// kernel: _run.4.cloned.1.call-start
scs
__scs_entry_jumppad:
0x0: {  	(pc) =	sbr.rel $0x88, $3  }
0x1: {  	(tag) =	ssettag $0x0;
	lr =	simm.s32 $0x1  }
0x2: {  	[smem:$0x3F9E] =	sst lr;
	_ =	strace $0xD0000000  }
0x3: {  	_ = 	snop  }
0x4: {  	_ = 	snop  }
0x5: {  	_ = 	snop  }
0x6: {  	_ = 	snop  }
0x7: {  	_ = 	snop  }
__scs_overlays_trampoline_lowered:
0x8: {  	[smem:$0x3FAD] =	sst s0  }
0x9: {  	[smem:$0x3FAE] =	sst s1  }
0xa: {  	[smem:$0x3FAF] =	sst s2  }
0xb: {  	[smem:$0x3FB0] =	sst s3  }
0xc: {  	[smem:$0x3FB1] =	sst s4  }
0xd: {  	[smem:$0x3FB2] =	sst s5  }
0xe: {  	[smem:$0x3FB3] =	sst s6  }
0xf: {  	[smem:$0x3FB4] =	sst s7  }
0x10: {  	[smem:$0x3FB5] =	sst s8  }
0x11: {  	[smem:$0x3FB6] =	sst s9;
	s0 =	simm.s32 @!p0 $0x0  }
0x12: {  	s1 =	sld [smem:$0x3F9C];
	s0 =	simm.s32 @p0 $0x1  }
0x13: {  	[smem:$0x3FB7] =	sst s0;
	s0 =	simm.s32 @!p1 $0x0  }
0x14: {  	s2 =	sld [smem:$0x3F9B];
	s0 =	simm.s32 @p1 $0x1  }
0x15: {  	[smem:$0x3FB8] =	sst s0;
	s0 =	simm.s32 @!p2 $0x0  }
0x16: {  	s3 =	sld [smem:$0x3FDB];
	s0 =	simm.s32 @p2 $0x1  }
0x17: {  	s4 =	simm.s32 $0x1BF5;
	[smem:$0x3FBA] =	sst s0  }
0x18: {  	s0 =	sld [smem:$0x3F9D];
	_ =	swait.ge [sflag:s4], $0x0  }
0x19: {  	s7 =	sld [smem:$0x3F9E]  }
0x1a: {  	s8 =	sadd.s32 $0xFFFFE003, lr  }
0x1b: {  	s9 =	sadd.s32 $0xFFFFFEF7, lr;
	s5 =	simm.s32 $0xFFFFFFFF;
	p2 =	slt.u32 s8, $0xFFFFF086  }
0x1c: {  	p1 =	slt.u32 s9, $0xF7A;
	s5 =	simm.s32 @!p2 $0x0  }
0x1d: {  	s5 =	simm.s32 @p1 $0x1;
	p0 =	seq.s32 s7, s2  }
0x1e: {  	s7 =	smul.u32 @!p0 $0xF7A, s2;
	p2 =	seq.s32 @!p0 s5, $0x0  }
0x1f: {  	s9 =	smul.u32 $0xF7A, s1;
	s8 =	simm.s32 @!p0 $0x1BF5;
	p2 =	por !p2, p0  }
0x20: {  	[sflag:s8] =	ssyncset.s32 @!p0 $0xFFFFF086;
	s6 =	sadd.s32 @!p0 s3, s7;
	s7 =	simm.s32 @!p0 $0x108  }
0x21: {  	s3 =	sadd.s32 s3, s9;
	s6 =	sadd.s32 @!p0 $0x88, s6;
	s7 =	simm.s32 @p2 $0x1082  }
0x22: {  	[simem:s7], [sflag:s8] =	dma.local @!p0 [hbm:s6], $0xF7A  }
0x23: {  	s9 =	sor.u32 $0xD0000000, s2;
	s6 =	simm.s32 $0x108;
	_ =	swait.ge @!p0 [sflag:s8], $0x0  }
0x24: {  	s3 =	sadd.s32 $0x88, s3;
	s6 =	simm.s32 @!p1 $0x1082;
	[sflag:s4] =	ssyncset.s32 $0xFFFFF086  }
0x25: {  	[simem:s6], [sflag:s4] =	dma.local [hbm:s3], $0xF7A  }
0x26: {  	[smem:$0x3F9E] =	sst s1;
	(tag) =	ssettag s2;
	_ =	strace s9  }
0x27: {  	s1 =	sld [smem:$0x3FAE]  }
0x28: {  	s2 =	sld [smem:$0x3FAF]  }
0x29: {  	s4 =	sld [smem:$0x3FB1]  }
0x2a: {  	p0 =	seq.s32 s5, $0x0;
	s5 =	sld [smem:$0x3FB2]  }
0x2b: {  	s6 =	sld [smem:$0x3FB3]  }
0x2c: {  	s7 =	sld [smem:$0x3FB4]  }
0x2d: {  	s3 =	simm.s32 $0x108;
	s8 =	sld [smem:$0x3FB5]  }
0x2e: {  	s3 =	simm.s32 @!p0 $0x1082;
	s9 =	sld [smem:$0x3FB6]  }
0x2f: {  	lr =	sadd.s32 s0, s3;
	s0 =	sld [smem:$0x3FAD]  }
0x30: {  	s3 =	sld [smem:$0x3FB0]  }
0x31: {  	[smem:$0x3FB9] =	sst s10  }
0x32: {  	s10 =	sld [smem:$0x3FB7];
	_ =	sdelay $0x3  }
0x33: {  	p0 =	seq.s32 s10, $0x1;
	s10 =	sld [smem:$0x3FB9];
	_ =	sdelay $0x3  }
0x34: {  	[smem:$0x3FB9] =	sst s10  }
0x35: {  	s10 =	sld [smem:$0x3FB8];
	_ =	sdelay $0x3  }
0x36: {  	p1 =	seq.s32 s10, $0x1;
	s10 =	sld [smem:$0x3FB9];
	_ =	sdelay $0x3  }
0x37: {  	[smem:$0x3FB9] =	sst s10  }
0x38: {  	s10 =	sld [smem:$0x3FBA]  }
0x39: {  	_ = 	snop;
	(pc) =	sbr.ind lr, $3  }
0x3a: {  	_ = 	snop  }
0x3b: {  	_ = 	snop  }
0x3c: {  	p2 =	seq.s32 s10, $0x1;
	s10 =	sld [smem:$0x3FB9]  }
0x3d: {  	_ =	shalt  }
0x3e: {  	_ =	shalt  }
0x3f: {  	_ =	shalt  }
0x40: {  	_ =	shalt  }
0x41: {  	_ =	shalt  }
0x42: {  	_ =	shalt  }
0x43: {  	_ =	shalt  }
0x44: {  	_ =	shalt  }
0x45: {  	_ =	shalt  }
0x46: {  	_ =	shalt  }
0x47: {  	_ =	shalt  }
0x48: {  	_ =	shalt  }
0x49: {  	_ =	shalt  }
0x4a: {  	_ =	shalt  }
0x4b: {  	_ =	shalt  }
0x4c: {  	_ =	shalt  }
0x4d: {  	_ =	shalt  }
0x4e: {  	_ =	shalt  }
0x4f: {  	_ =	shalt  }
0x50: {  	_ =	shalt  }
0x51: {  	_ =	shalt  }
0x52: {  	_ =	shalt  }
0x53: {  	_ =	shalt  }
0x54: {  	_ =	shalt  }
0x55: {  	_ =	shalt  }
0x56: {  	_ =	shalt  }
0x57: {  	_ =	shalt  }
0x58: {  	_ =	shalt  }
0x59: {  	_ =	shalt  }
0x5a: {  	_ =	shalt  }
0x5b: {  	_ =	shalt  }
0x5c: {  	_ =	shalt  }
0x5d: {  	_ =	shalt  }
0x5e: {  	_ =	shalt  }
0x5f: {  	_ =	shalt  }
0x60: {  	_ =	shalt  }
0x61: {  	_ =	shalt  }
0x62: {  	_ =	shalt  }
0x63: {  	_ =	shalt  }
0x64: {  	_ =	shalt  }
0x65: {  	_ =	shalt  }
0x66: {  	_ =	shalt  }
0x67: {  	_ =	shalt  }
0x68: {  	_ =	shalt  }
0x69: {  	_ =	shalt  }
0x6a: {  	_ =	shalt  }
0x6b: {  	_ =	shalt  }
0x6c: {  	_ =	shalt  }
0x6d: {  	_ =	shalt  }
0x6e: {  	_ =	shalt  }
0x6f: {  	_ =	shalt  }
0x70: {  	_ =	shalt  }
0x71: {  	_ =	shalt  }
0x72: {  	_ =	shalt  }
0x73: {  	_ =	shalt  }
0x74: {  	_ =	shalt  }
0x75: {  	_ =	shalt  }
0x76: {  	_ =	shalt  }
0x77: {  	_ =	shalt  }
0x78: {  	_ =	shalt  }
0x79: {  	_ =	shalt  }
0x7a: {  	_ =	shalt  }
0x7b: {  	_ =	shalt  }
0x7c: {  	_ =	shalt  }
0x7d: {  	_ =	shalt  }
0x7e: {  	_ =	shalt  }
0x7f: {  	_ =	shalt  }
0x80: {  	_ =	shalt  }
0x81: {  	_ =	shalt  }
0x82: {  	_ =	shalt  }
0x83: {  	_ =	shalt  }
0x84: {  	_ =	shalt  }
0x85: {  	_ =	shalt  }
0x86: {  	_ =	shalt  }
0x87: {  	_ =	shalt  }
.Lfunc_end0:
.L_simem_size_0:
called_computation_lowered:
.L_overlay_start_0:
0x88: {  	s2 =	sld [smem:$0x3FD9]  }
0x89: {  	s3 =	sld [smem:$0x3FFE];
	_ =	sdelay $0x1  }
0x8a: {  	s1 =	srdreg.scid  }
0x8b: {  	s0 =	sand.u32 $0x1, s1  }
0x8c: {  	s14 =	sshll.u32 s0, $0xA;
	s2 =	sadd.s32 s3, s2  }
0x8d: {  	s2 =	sadd.s32 s2, s14  }
0x8e: {  	[smem:$0x3FC5] =	sst s2  }
0x8f: {  	_ = 	snop  }
0x90: {  	s2 =	sld [smem:$0x3FD0];
	_ =	sdelay $0x2  }
0x91: {  	s15 =	simm.s32 $0xA;
	s4 =	simm.s32 $0x10  }
0x92: {  	[smem:s4], [sflag:s15] =	dma.local [hbm:s2], $0x1  }
0x93: {  	_ =	swait.eq [sflag:s15], $0x1  }
0x94: {  	[sflag:s15] =	ssyncset.done $0x0  }
0x95: {  	s16 =	sld [smem:$0x10];
	[sflag:s15] =	ssyncadd.s32 $0xFFFFFFFF  }
0x96: {  	s17 =	sld [smem:$0x11];
	(tm) =	ssettm $0x1  }
0x97: {  	s18 =	sld [smem:$0x3FFB];
	_ =	sdelay $0x3  }
0x98: {  	_ =	strace s18  }
0x99: {  	s4 =	sld [smem:$0x3FFC];
	_ =	sdelay $0x3  }
0x9a: {  	_ =	strace s4  }
0x9b: {  	s4 =	sld [smem:$0x3FFD];
	_ =	sdelay $0x3  }
0x9c: {  	_ =	strace s4  }
0x9d: {  	_ =	strace $0x8FFFFFFF  }
0x9e: {  	s19 =	sld [smem:$0x3FDB];
	_ =	sdelay $0x1  }
0x9f: {  	s5 =	simm.s32 $_scs_section_size  }
0xa0: {  	s6 =	simm.s32 $_size__tile_overlayer_lowered;
	s7 =	simm.s32 $_tile_overlayer_lowered  }
0xa1: {  	s22 =	simm.s32 $0x1BFF;
	s21 =	sshll.u32 s7, $0x1;
	s4 =	sadd.s32 s5, s19  }
0xa2: {  	s8 =	simm.s32 $0x0;
	s20 =	sshll.u32 s6, $0x1;
	s6 =	sadd.s32 s21, s4  }
0xa3: {  	[timem:s8], [sflag:s22] =	dma.local [hbm:s6], s20  }
0xa4: {  	_ =	swait.ge [sflag:s22], s20  }
0xa5: {  	s5 =	ssub.s32 $0x0, s20;
	[sflag:s22] =	ssyncset.done $0x0  }
0xa6: {  	[sflag:s22] =	ssyncadd.s32 s5;
	_ =	sdelay $0x1  }
0xa7: {  	s23 =	simm.s32 $0x1B8B  }
0xa8: {  	_ =	swait.ge [sflag:s23], $0x1  }
0xa9: {  	[sflag:s23] =	ssyncset.done $0x0  }
0xaa: {  	s25 =	simm.s32 $0x1B8E;
	s24 =	sld [smem:$0x3FFE];
	[sflag:s23] =	ssyncadd.s32 $0xFFFFFFFF  }
0xab: {  	s26 =	simm.s32 $execute0_lowered;
	[smem:$0x3FD2] =	sst s25  }
0xac: {  	s6 =	sshll.u32 s26, $0x1;
	_ =	strace $0x80000046;
	[dreg:$0x1] =	wrdreg $0xFFFFFFFF  }
0xad: {  	s28 =	simm.s32 $_size_execute0_lowered;
	s4 =	sadd.s32 s4, s6;
	[dreg:$0x0] =	wrdreg $0x0  }
0xae: {  	s6 =	sshll.u32 s28, $0x1;
	[dreg:$0x2] =	wrdreg s4  }
0xaf: {  	[dreg:$0x3] =	wrdreg s6  }
0xb0: {  	[dreg:$0x4] =	wrdreg $0xC0  }
0xb1: {  	_ =	task [dreg:s8], $0x5FFFF  }
0xb2: {  	[dreg:$0x1] =	wrdreg $0xFFFFFFFF  }
0xb3: {  	[dreg:$0x0] =	wrdreg $0x60  }
0xb4: {  	[dreg:$0x2] =	wrdreg s17  }
0xb5: {  	[dreg:$0x3] =	wrdreg s24  }
0xb6: {  	[dreg:$0x4] =	wrdreg s16  }
0xb7: {  	[dreg:$0x5] =	wrdreg $0x9  }
0xb8: {  	_ =	task.clear_ibuf [dreg:s8], $0x6FFFF;
	_ =	strace $0x90000046  }
0xb9: {  	s29 =	simm.s32 $0x9;
	_ =	strace $0x80000048  }
0xba: {  	_ =	swait.ge [sflag:s29], $0x1  }
0xbb: {  	[sflag:s29] =	ssyncadd.s32 $0xFFFFFFFF  }
0xbc: {  	_ =	strace $0x90000048  }
0xbd: {  	_ =	sfence  }
0xbe: {  	s30 =	sld [smem:$0x0];
	_ =	sdelay $0x2  }
0xbf: {  	s31 =	sshll.u32 s1, $0xD;
	s1 =	sshrl.u32 s1, $0x2  }
0xc0: {  	s3 =	sand.u32 $0x4000, s31;
	s1 =	sadd.s32 s1, s30  }
0xc1: {  	s0 =	sor.u32 s3, s0;
	s1 =	sshll.u32 s1, $0x11  }
0xc2: {  	s0 =	sor.u32 s1, s0  }
0xc3: {  	s0 =	sadd.s32 $0x8F2B, s0  }
0xc4: {  	[sflag:s0] =	ssyncadd.remote.s32 $0x1  }
0xc5: {  	_ =	sfence.sel $0xFFFF  }
0xc6: {  	[dreg:$0x0] =	wrdreg $0xFFFFFFFF;
	(pc) =	sbr.abs _section_cstart, $3  }
0xc7: {  	[dreg:$0x1] =	wrdreg $0xFFFFFFFF  }
0xc8: {  	_ =	task.clear_ibuf [dreg:s8], $0x2FFFF;
	_ =	strace $0x9FFFFFFF  }
0xc9: {  	(tm) =	ssettm $0x7FFFFFFF  }
tec
execute0_lowered:
.L_overlay_start_1:
0x0: {  	(tag) =	ssettag $0x1  }
0x1: {  	s1 =	rddreg [dreg:$0x0]  }
0x2: {  	s5 =	rddreg [dreg:$0x1]  }
0x3: {  	s9 =	rddreg [dreg:$0x2]  }
0x4: {  	s4 =	srdreg.scid;
	s2 =	stileid.u32  }
0x5: {  	s3 =	simm.s32 $0x0;
	s13 =	simm.s32 $0x3200;
	s14 =	simm.s32 $0x5848  }
0x6: {  	s15 =	simm.s32 $0x10;
	s16 =	simm.s32 $0x1000;
	s17 =	simm.s32 $0x2  }
0x7: {  	s18 =	simm.s32 $0x3;
	s19 =	simm.s32 $0x0;
	s4 =	sand.u32 $0x1, s4  }
0x8: {  	s6 =	sshll.u32 s2, $0x1;
	[smem:$0x7FF] =	sst s3;
	s7 =	ssub.s32 $0x2, s4  }
0x9: {  	s8 =	sor.u32 s4, s6;
	_ =	strace $0x80000047;
	s4 =	sadd.s32 $0xC00, s5  }
0xa: {  	s5 =	sadd.s32 $0x19C00, s5;
	s31 =	sshrl.u32 s7, $0x1;
	s10 =	smul.u32 $0xC80, s8  }
0xb: {  	s6 =	sshll.u32 s8, $0x7;
	s12 =	sshll.u32 s8, $0x4;
	s11 =	ssub.s32 s7, s31  }
0xc: {  	v0 =	vlaneseq.u32;
	v2 =	vimm.s32 $0x0;
	s9 =	sadd.s32 s9, s12;
	s12 =	simm.s32 $0x1;
	s7 =	sadd.s32 s1, s10  }
0xd: {  	v3 =	vimm.s32 $0x8;
	v4 =	vimm.f32 $0.0e+00;
	v1 =	vmul.u32 $0x11, v0;
	s8 =	sadd.s32 s4, s10;
	s10 =	smax.u32 s11, $0x1;
	s11 =	simm.s32 $0x1900  }
.LBB2_1:
0xe: {  	[tilespmem:s3], [sflag:$0x1] =	stream.linear.gather [hbm4b:s7+s3], $0xC80, $0x38;
	[tilespmem:$0x58C8] =	vst v63  }
0xf: {  	p0 =	por $0x0, $0x0;
	s23 =	simm.s32 $0x0  }
0x10: {  	[tilespmem:s11], [sflag:$0x1] =	stream.linear.gather [hbm4b:s8+s3], $0xC80, $0x38;
	[tilespmem:$0x58C8] =	vst v63  }
.LBB2_2:
0x11: {  	s21 =	simm.s32 $0x1;
	_ =	swait.ge [sflag:s12], $0xC80  }
0x12: {  	s20 =	sadd.s32 $0x1, s23;
	p1 =	seq.s32 s23, $0x7;
	s22 =	sand.u32 $0x1, s23  }
0x13: {  	s21 =	simm.s32 @!p0 $0x0;
	[sflag:s12] =	ssyncset.done $0x0;
	s24 =	sshll.u32 @!p1 s20, $0x4  }
0x14: {  	s21 =	smul.u32 $0x3200, s21;
	[sflag:s12] =	ssyncadd.s32 $0xFFFFF380;
	s24 =	sadd.s32 @!p1 s6, s24  }
0x15: {  	s25 =	sxor.u32 @!p1 $0x1, s22;
	_ =	swait.ge [sflag:s12], $0xC80;
	s24 =	smul.u32 @!p1 $0x19, s24  }
0x16: {  	s28 =	simm.s32 @!p1 $0x0;
	s25 =	smul.u32 @!p1 $0xC80, s25;
	[sflag:s12] =	ssyncset.done $0x0  }
0x17: {  	s21 =	sshrl.u32 s21, $0x2;
	[sflag:s12] =	ssyncadd.s32 $0xFFFFF380;
	s26 =	sadd.s32 @!p1 s1, s24  }
0x18: {  	[tilespmem:s25], [sflag:$0x1] =	stream.linear.gather @!p1 [hbm4b:s26+s28], $0xC80, $0x38;
	[tilespmem:$0x58C8] =	vst v63  }
0x19: {  	s24 =	sadd.s32 @!p1 s4, s24;
	s26 =	sadd.s32 $0x19C8, s21;
	s25 =	sadd.s32 @!p1 $0x1900, s25  }
0x1a: {  	[tilespmem:s25], [sflag:$0x1] =	stream.linear.gather @!p1 [hbm4b:s24+s28], $0xC80, $0x38;
	[tilespmem:$0x58C8] =	vst v63  }
0x1b: {  	s28 =	sadd.s32 $0xC8, s21;
	v5 =	vld [tilespmem:s26+$0xFFFFFF38]  }
0x1c: {  	s31 =	simm.s32 $0x0;
	v6 =	vld [tilespmem:s28+$0xFFFFFF38]  }
0x1d: {  	v7 =	vadd.s32 s31, v1;
	_ =	sdelay $0x2  }
0x1e: {  	vm0 =	vgt.f32 v5, $0.0e+00  }
0x1f: {  	v5 =	vnsel vm0, $0xFF800000, v6  }
0x20: {  	[tilespmem:v7+s13+$0x0] =	vst.idx.msk $0xffff, v5  }
0x21: {  	v5 =	vld [tilespmem:s26+$0xFFFFFF48]  }
0x22: {  	s0 =	simm.s32 $0x110;
	v6 =	vld [tilespmem:s28+$0xFFFFFF48]  }
0x23: {  	v7 =	vadd.s32 s0, v1;
	_ =	sdelay $0x2  }
0x24: {  	vm15 =	vgt.f32 v5, $0.0e+00  }
0x25: {  	v5 =	vnsel vm15, $0xFF800000, v6  }
0x26: {  	[tilespmem:v7+s13+$0x0] =	vst.idx.msk $0xffff, v5  }
0x27: {  	v5 =	vld [tilespmem:s26+$0xFFFFFF58]  }
0x28: {  	s25 =	simm.s32 $0x220;
	v6 =	vld [tilespmem:s28+$0xFFFFFF58]  }
0x29: {  	v7 =	vadd.s32 s25, v1;
	_ =	sdelay $0x2  }
0x2a: {  	vm4 =	vgt.f32 v5, $0.0e+00  }
0x2b: {  	v5 =	vnsel vm4, $0xFF800000, v6  }
0x2c: {  	[tilespmem:v7+s13+$0x0] =	vst.idx.msk $0xffff, v5  }
0x2d: {  	v5 =	vld [tilespmem:s26+$0xFFFFFF68]  }
0x2e: {  	s31 =	simm.s32 $0x330;
	v6 =	vld [tilespmem:s28+$0xFFFFFF68]  }
0x2f: {  	v7 =	vadd.s32 s31, v1;
	_ =	sdelay $0x2  }
0x30: {  	vm5 =	vgt.f32 v5, $0.0e+00  }
0x31: {  	v5 =	vnsel vm5, $0xFF800000, v6  }
0x32: {  	[tilespmem:v7+s13+$0x0] =	vst.idx.msk $0xffff, v5  }
0x33: {  	v5 =	vld [tilespmem:s26+$0xFFFFFF78]  }
0x34: {  	s0 =	simm.s32 $0x440;
	v6 =	vld [tilespmem:s28+$0xFFFFFF78]  }
0x35: {  	v7 =	vadd.s32 s0, v1;
	_ =	sdelay $0x2  }
0x36: {  	vm6 =	vgt.f32 v5, $0.0e+00  }
0x37: {  	v5 =	vnsel vm6, $0xFF800000, v6  }
0x38: {  	[tilespmem:v7+s13+$0x0] =	vst.idx.msk $0xffff, v5  }
0x39: {  	v5 =	vld [tilespmem:s26+$0xFFFFFF88]  }
0x3a: {  	s25 =	simm.s32 $0x550;
	v6 =	vld [tilespmem:s28+$0xFFFFFF88]  }
0x3b: {  	v7 =	vadd.s32 s25, v1;
	_ =	sdelay $0x2  }
0x3c: {  	vm7 =	vgt.f32 v5, $0.0e+00  }
0x3d: {  	v5 =	vnsel vm7, $0xFF800000, v6  }
0x3e: {  	[tilespmem:v7+s13+$0x0] =	vst.idx.msk $0xffff, v5  }
0x3f: {  	v5 =	vld [tilespmem:s26+$0xFFFFFF98]  }
0x40: {  	s31 =	simm.s32 $0x660;
	v6 =	vld [tilespmem:s28+$0xFFFFFF98]  }
0x41: {  	v7 =	vadd.s32 s31, v1;
	_ =	sdelay $0x2  }
0x42: {  	vm8 =	vgt.f32 v5, $0.0e+00  }
0x43: {  	v5 =	vnsel vm8, $0xFF800000, v6  }
0x44: {  	[tilespmem:v7+s13+$0x0] =	vst.idx.msk $0xffff, v5  }
0x45: {  	v5 =	vld [tilespmem:s26+$0xFFFFFFA8]  }
0x46: {  	s0 =	simm.s32 $0x770;
	v6 =	vld [tilespmem:s28+$0xFFFFFFA8]  }
0x47: {  	v7 =	vadd.s32 s0, v1;
	_ =	sdelay $0x2  }
0x48: {  	vm9 =	vgt.f32 v5, $0.0e+00  }
0x49: {  	v5 =	vnsel vm9, $0xFF800000, v6  }
0x4a: {  	[tilespmem:v7+s13+$0x0] =	vst.idx.msk $0xffff, v5  }
0x4b: {  	v5 =	vld [tilespmem:s26+$0xFFFFFFB8]  }
0x4c: {  	s25 =	simm.s32 $0x880;
	v6 =	vld [tilespmem:s28+$0xFFFFFFB8]  }
0x4d: {  	v7 =	vadd.s32 s25, v1;
	_ =	sdelay $0x2  }
0x4e: {  	vm10 =	vgt.f32 v5, $0.0e+00  }
0x4f: {  	v5 =	vnsel vm10, $0xFF800000, v6  }
0x50: {  	[tilespmem:v7+s13+$0x0] =	vst.idx.msk $0xffff, v5  }
0x51: {  	v5 =	vld [tilespmem:s26+$0xFFFFFFC8]  }
0x52: {  	s31 =	simm.s32 $0x990;
	v6 =	vld [tilespmem:s28+$0xFFFFFFC8]  }
0x53: {  	v7 =	vadd.s32 s31, v1;
	_ =	sdelay $0x2  }
0x54: {  	vm11 =	vgt.f32 v5, $0.0e+00  }
0x55: {  	v5 =	vnsel vm11, $0xFF800000, v6  }
0x56: {  	[tilespmem:v7+s13+$0x0] =	vst.idx.msk $0xffff, v5  }
0x57: {  	v5 =	vld [tilespmem:s26+$0xFFFFFFD8]  }
0x58: {  	s0 =	simm.s32 $0xAA0;
	v6 =	vld [tilespmem:s28+$0xFFFFFFD8]  }
0x59: {  	v7 =	vadd.s32 s0, v1;
	_ =	sdelay $0x2  }
0x5a: {  	vm12 =	vgt.f32 v5, $0.0e+00  }
0x5b: {  	v5 =	vnsel vm12, $0xFF800000, v6  }
0x5c: {  	[tilespmem:v7+s13+$0x0] =	vst.idx.msk $0xffff, v5  }
0x5d: {  	v5 =	vld [tilespmem:s26+$0xFFFFFFE8]  }
0x5e: {  	s25 =	simm.s32 $0xBB0;
	v6 =	vld [tilespmem:s28+$0xFFFFFFE8]  }
0x5f: {  	v7 =	vadd.s32 s25, v1;
	_ =	sdelay $0x2  }
0x60: {  	vm13 =	vgt.f32 v5, $0.0e+00  }
0x61: {  	v5 =	vnsel vm13, $0xFF800000, v6  }
0x62: {  	[tilespmem:v7+s13+$0x0] =	vst.idx.msk $0xffff, v5  }
0x63: {  	v5 =	vld [tilespmem:s26+$0xFFFFFFF0]  }
0x64: {  	s31 =	simm.s32 $0xC38;
	v6 =	vld [tilespmem:s28+$0xFFFFFFF0]  }
0x65: {  	v7 =	vadd.s32 s31, v1;
	_ =	sdelay $0x2  }
0x66: {  	vm14 =	vgt.f32 v5, $0.0e+00  }
0x67: {  	v5 =	vnsel vm14, $0xFF800000, v6  }
0x68: {  	[tilespmem:v7+s13+$0x0] =	vst.idx.msk $0xffff, v5  }
0x69: {  	v5 =	vld [tilespmem:s26+$0x0]  }
0x6a: {  	s0 =	simm.s32 $0x1;
	v6 =	vld [tilespmem:s28+$0x0]  }
0x6b: {  	v7 =	vadd.s32 s0, v1;
	_ =	sdelay $0x2  }
0x6c: {  	vm15 =	vgt.f32 v5, $0.0e+00  }
0x6d: {  	v5 =	vnsel vm15, $0xFF800000, v6  }
0x6e: {  	[tilespmem:v7+s13+$0x0] =	vst.idx.msk $0xffff, v5  }
0x6f: {  	v5 =	vld [tilespmem:s26+$0x10]  }
0x70: {  	s25 =	simm.s32 $0x111;
	v6 =	vld [tilespmem:s28+$0x10]  }
0x71: {  	v7 =	vadd.s32 s25, v1;
	_ =	sdelay $0x2  }
0x72: {  	vm4 =	vgt.f32 v5, $0.0e+00  }
0x73: {  	v5 =	vnsel vm4, $0xFF800000, v6  }
0x74: {  	[tilespmem:v7+s13+$0x0] =	vst.idx.msk $0xffff, v5  }
0x75: {  	v5 =	vld [tilespmem:s26+$0x20]  }
0x76: {  	s31 =	simm.s32 $0x221;
	v6 =	vld [tilespmem:s28+$0x20]  }
0x77: {  	v7 =	vadd.s32 s31, v1;
	_ =	sdelay $0x2  }
0x78: {  	vm5 =	vgt.f32 v5, $0.0e+00  }
0x79: {  	v5 =	vnsel vm5, $0xFF800000, v6  }
0x7a: {  	[tilespmem:v7+s13+$0x0] =	vst.idx.msk $0xffff, v5  }
0x7b: {  	v5 =	vld [tilespmem:s26+$0x30]  }
0x7c: {  	s0 =	simm.s32 $0x331;
	v6 =	vld [tilespmem:s28+$0x30]  }
0x7d: {  	v7 =	vadd.s32 s0, v1;
	_ =	sdelay $0x2  }
0x7e: {  	vm6 =	vgt.f32 v5, $0.0e+00  }
0x7f: {  	v5 =	vnsel vm6, $0xFF800000, v6  }
0x80: {  	[tilespmem:v7+s13+$0x0] =	vst.idx.msk $0xffff, v5  }
0x81: {  	v5 =	vld [tilespmem:s26+$0x40]  }
0x82: {  	s25 =	simm.s32 $0x441;
	v6 =	vld [tilespmem:s28+$0x40]  }
0x83: {  	v7 =	vadd.s32 s25, v1;
	_ =	sdelay $0x2  }
0x84: {  	vm7 =	vgt.f32 v5, $0.0e+00  }
0x85: {  	v5 =	vnsel vm7, $0xFF800000, v6  }
0x86: {  	[tilespmem:v7+s13+$0x0] =	vst.idx.msk $0xffff, v5  }
0x87: {  	v5 =	vld [tilespmem:s26+$0x50]  }
0x88: {  	s31 =	simm.s32 $0x551;
	v6 =	vld [tilespmem:s28+$0x50]  }
0x89: {  	v7 =	vadd.s32 s31, v1;
	_ =	sdelay $0x2  }
0x8a: {  	vm8 =	vgt.f32 v5, $0.0e+00  }
0x8b: {  	v5 =	vnsel vm8, $0xFF800000, v6  }
0x8c: {  	[tilespmem:v7+s13+$0x0] =	vst.idx.msk $0xffff, v5  }
0x8d: {  	v5 =	vld [tilespmem:s26+$0x60]  }
0x8e: {  	s0 =	simm.s32 $0x661;
	v6 =	vld [tilespmem:s28+$0x60]  }
0x8f: {  	v7 =	vadd.s32 s0, v1;
	_ =	sdelay $0x2  }
0x90: {  	vm9 =	vgt.f32 v5, $0.0e+00  }
0x91: {  	v5 =	vnsel vm9, $0xFF800000, v6  }
0x92: {  	[tilespmem:v7+s13+$0x0] =	vst.idx.msk $0xffff, v5  }
0x93: {  	v5 =	vld [tilespmem:s26+$0x70]  }
0x94: {  	s25 =	simm.s32 $0x771;
	v6 =	vld [tilespmem:s28+$0x70]  }
0x95: {  	v7 =	vadd.s32 s25, v1;
	_ =	sdelay $0x2  }
0x96: {  	vm10 =	vgt.f32 v5, $0.0e+00  }
0x97: {  	v5 =	vnsel vm10, $0xFF800000, v6  }
0x98: {  	[tilespmem:v7+s13+$0x0] =	vst.idx.msk $0xffff, v5  }
0x99: {  	v5 =	vld [tilespmem:s26+$0x80]  }
0x9a: {  	s31 =	simm.s32 $0x881;
	v6 =	vld [tilespmem:s28+$0x80]  }
0x9b: {  	v7 =	vadd.s32 s31, v1;
	_ =	sdelay $0x2  }
0x9c: {  	vm11 =	vgt.f32 v5, $0.0e+00  }
0x9d: {  	v5 =	vnsel vm11, $0xFF800000, v6  }
0x9e: {  	[tilespmem:v7+s13+$0x0] =	vst.idx.msk $0xffff, v5  }
0x9f: {  	v5 =	vld [tilespmem:s26+$0x90]  }
0xa0: {  	s0 =	simm.s32 $0x991;
	v6 =	vld [tilespmem:s28+$0x90]  }
0xa1: {  	v7 =	vadd.s32 s0, v1;
	_ =	sdelay $0x2  }
0xa2: {  	vm12 =	vgt.f32 v5, $0.0e+00  }
0xa3: {  	v5 =	vnsel vm12, $0xFF800000, v6  }
0xa4: {  	[tilespmem:v7+s13+$0x0] =	vst.idx.msk $0xffff, v5  }
0xa5: {  	v5 =	vld [tilespmem:s26+$0xA0]  }
0xa6: {  	s25 =	simm.s32 $0xAA1;
	v6 =	vld [tilespmem:s28+$0xA0]  }
0xa7: {  	v7 =	vadd.s32 s25, v1;
	_ =	sdelay $0x2  }
0xa8: {  	vm13 =	vgt.f32 v5, $0.0e+00  }
0xa9: {  	v5 =	vnsel vm13, $0xFF800000, v6  }
0xaa: {  	[tilespmem:v7+s13+$0x0] =	vst.idx.msk $0xffff, v5  }
0xab: {  	v5 =	vld [tilespmem:s26+$0xB0]  }
0xac: {  	s31 =	simm.s32 $0xBB1;
	v6 =	vld [tilespmem:s28+$0xB0]  }
0xad: {  	v7 =	vadd.s32 s31, v1;
	_ =	sdelay $0x2  }
0xae: {  	vm14 =	vgt.f32 v5, $0.0e+00  }
0xaf: {  	v5 =	vnsel vm14, $0xFF800000, v6  }
0xb0: {  	[tilespmem:v7+s13+$0x0] =	vst.idx.msk $0xffff, v5  }
0xb1: {  	v5 =	vld [tilespmem:s26+$0xB8]  }
0xb2: {  	s29 =	simm.s32 $0xC39;
	v7 =	vld [tilespmem:s28+$0xB8]  }
0xb3: {  	v6 =	vadd.s32 s29, v1;
	_ =	sdelay $0x2  }
0xb4: {  	s30 =	simm.s32 $0x2;
	s21 =	sadd.s32 $0x3F88, s21;
	s25 =	sshll.u32 s23, $0x4;
	vm15 =	vgt.f32 v5, $0.0e+00  }
0xb5: {  	s24 =	smul.u32 $0xC80, s22;
	s22 =	sor.u32 s6, s25;
	s29 =	simm.s32 $0x3288;
	v7 =	vnsel vm15, $0xFF800000, v7  }
.LBB2_3:
0xb6: {  	p1 =	slt.u32 s30, $0xE;
	v5 =	vimm.f32 $-Inf;
	[tilespmem:v6+s13+$0x0] =	vst.idx.msk $0xffff, v7;
	s26 =	sadd.s32 $0x190, s26;
	s28 =	sadd.s32 $0x190, s28  }
0xb7: {  	s31 =	smov.u32 s30;
	s30 =	sadd.s32 $0x2, s30;
	v6 =	vld [tilespmem:s26+$0xFFFFFF38]  }
0xb8: {  	v7 =	vld [tilespmem:s28+$0xFFFFFF38]  }
0xb9: {  	v8 =	vadd.s32 s31, v1;
	_ =	sdelay $0x2  }
0xba: {  	vm0 =	vgt.f32 v6, $0.0e+00  }
0xbb: {  	v6 =	vnsel vm0, $0xFF800000, v7  }
0xbc: {  	[tilespmem:v8+s13+$0x0] =	vst.idx.msk $0xffff, v6  }
0xbd: {  	v6 =	vld [tilespmem:s26+$0xFFFFFF48]  }
0xbe: {  	s0 =	sadd.s32 $0x110, s31;
	v7 =	vld [tilespmem:s28+$0xFFFFFF48]  }
0xbf: {  	v8 =	vadd.s32 s0, v1;
	_ =	sdelay $0x2  }
0xc0: {  	vm0 =	vgt.f32 v6, $0.0e+00  }
0xc1: {  	v6 =	vnsel vm0, $0xFF800000, v7  }
0xc2: {  	[tilespmem:v8+s13+$0x0] =	vst.idx.msk $0xffff, v6  }
0xc3: {  	v6 =	vld [tilespmem:s26+$0xFFFFFF58]  }
0xc4: {  	s0 =	sadd.s32 $0x220, s31;
	v7 =	vld [tilespmem:s28+$0xFFFFFF58]  }
0xc5: {  	v8 =	vadd.s32 s0, v1;
	_ =	sdelay $0x2  }
0xc6: {  	vm0 =	vgt.f32 v6, $0.0e+00  }
0xc7: {  	v6 =	vnsel vm0, $0xFF800000, v7  }
0xc8: {  	[tilespmem:v8+s13+$0x0] =	vst.idx.msk $0xffff, v6  }
0xc9: {  	v6 =	vld [tilespmem:s26+$0xFFFFFF68]  }
0xca: {  	s0 =	sadd.s32 $0x330, s31;
	v7 =	vld [tilespmem:s28+$0xFFFFFF68]  }
0xcb: {  	v8 =	vadd.s32 s0, v1;
	_ =	sdelay $0x2  }
0xcc: {  	vm0 =	vgt.f32 v6, $0.0e+00  }
0xcd: {  	v6 =	vnsel vm0, $0xFF800000, v7  }
0xce: {  	[tilespmem:v8+s13+$0x0] =	vst.idx.msk $0xffff, v6  }
0xcf: {  	v6 =	vld [tilespmem:s26+$0xFFFFFF78]  }
0xd0: {  	s0 =	sadd.s32 $0x440, s31;
	v7 =	vld [tilespmem:s28+$0xFFFFFF78]  }
0xd1: {  	v8 =	vadd.s32 s0, v1;
	_ =	sdelay $0x2  }
0xd2: {  	vm0 =	vgt.f32 v6, $0.0e+00  }
0xd3: {  	v6 =	vnsel vm0, $0xFF800000, v7  }
0xd4: {  	[tilespmem:v8+s13+$0x0] =	vst.idx.msk $0xffff, v6  }
0xd5: {  	v6 =	vld [tilespmem:s26+$0xFFFFFF88]  }
0xd6: {  	s0 =	sadd.s32 $0x550, s31;
	v7 =	vld [tilespmem:s28+$0xFFFFFF88]  }
0xd7: {  	v8 =	vadd.s32 s0, v1;
	_ =	sdelay $0x2  }
0xd8: {  	vm0 =	vgt.f32 v6, $0.0e+00  }
0xd9: {  	v6 =	vnsel vm0, $0xFF800000, v7  }
0xda: {  	[tilespmem:v8+s13+$0x0] =	vst.idx.msk $0xffff, v6  }
0xdb: {  	v6 =	vld [tilespmem:s26+$0xFFFFFF98]  }
0xdc: {  	s0 =	sadd.s32 $0x660, s31;
	v7 =	vld [tilespmem:s28+$0xFFFFFF98]  }
0xdd: {  	v8 =	vadd.s32 s0, v1;
	_ =	sdelay $0x2  }
0xde: {  	vm0 =	vgt.f32 v6, $0.0e+00  }
0xdf: {  	v6 =	vnsel vm0, $0xFF800000, v7  }
0xe0: {  	[tilespmem:v8+s13+$0x0] =	vst.idx.msk $0xffff, v6  }
0xe1: {  	v6 =	vld [tilespmem:s26+$0xFFFFFFA8]  }
0xe2: {  	s0 =	sadd.s32 $0x770, s31;
	v7 =	vld [tilespmem:s28+$0xFFFFFFA8]  }
0xe3: {  	v8 =	vadd.s32 s0, v1;
	_ =	sdelay $0x2  }
0xe4: {  	vm0 =	vgt.f32 v6, $0.0e+00  }
0xe5: {  	v6 =	vnsel vm0, $0xFF800000, v7  }
0xe6: {  	[tilespmem:v8+s13+$0x0] =	vst.idx.msk $0xffff, v6  }
0xe7: {  	v6 =	vld [tilespmem:s26+$0xFFFFFFB8]  }
0xe8: {  	s0 =	sadd.s32 $0x880, s31;
	v7 =	vld [tilespmem:s28+$0xFFFFFFB8]  }
0xe9: {  	v8 =	vadd.s32 s0, v1;
	_ =	sdelay $0x2  }
0xea: {  	vm0 =	vgt.f32 v6, $0.0e+00  }
0xeb: {  	v6 =	vnsel vm0, $0xFF800000, v7  }
0xec: {  	[tilespmem:v8+s13+$0x0] =	vst.idx.msk $0xffff, v6  }
0xed: {  	v6 =	vld [tilespmem:s26+$0xFFFFFFC8]  }
0xee: {  	s0 =	sadd.s32 $0x990, s31;
	v7 =	vld [tilespmem:s28+$0xFFFFFFC8]  }
0xef: {  	v8 =	vadd.s32 s0, v1;
	_ =	sdelay $0x2  }
0xf0: {  	vm0 =	vgt.f32 v6, $0.0e+00  }
0xf1: {  	v6 =	vnsel vm0, $0xFF800000, v7  }
0xf2: {  	[tilespmem:v8+s13+$0x0] =	vst.idx.msk $0xffff, v6  }
0xf3: {  	v6 =	vld [tilespmem:s26+$0xFFFFFFD8]  }
0xf4: {  	s0 =	sadd.s32 $0xAA0, s31;
	v7 =	vld [tilespmem:s28+$0xFFFFFFD8]  }
0xf5: {  	v8 =	vadd.s32 s0, v1;
	_ =	sdelay $0x2  }
0xf6: {  	vm0 =	vgt.f32 v6, $0.0e+00  }
0xf7: {  	v6 =	vnsel vm0, $0xFF800000, v7  }
0xf8: {  	[tilespmem:v8+s13+$0x0] =	vst.idx.msk $0xffff, v6  }
0xf9: {  	v6 =	vld [tilespmem:s26+$0xFFFFFFE8]  }
0xfa: {  	s0 =	sadd.s32 $0xBB0, s31;
	v7 =	vld [tilespmem:s28+$0xFFFFFFE8]  }
0xfb: {  	v8 =	vadd.s32 s0, v1;
	_ =	sdelay $0x2  }
0xfc: {  	vm0 =	vgt.f32 v6, $0.0e+00  }
0xfd: {  	v6 =	vnsel vm0, $0xFF800000, v7  }
0xfe: {  	[tilespmem:v8+s13+$0x0] =	vst.idx.msk $0xffff, v6  }
0xff: {  	v6 =	vld [tilespmem:s26+$0xFFFFFFF0]  }
0x100: {  	s0 =	sadd.s32 $0xC38, s31;
	v7 =	vld [tilespmem:s28+$0xFFFFFFF0]  }
0x101: {  	v8 =	vadd.s32 s0, v1;
	_ =	sdelay $0x2  }
0x102: {  	vm0 =	vgt.f32 v6, $0.0e+00  }
0x103: {  	v6 =	vnsel vm0, $0xFF800000, v7  }
0x104: {  	[tilespmem:v8+s13+$0x0] =	vst.idx.msk $0xffff, v6  }
0x105: {  	v6 =	vld [tilespmem:s26+$0x0]  }
0x106: {  	s0 =	sadd.s32 $0x1, s31;
	v7 =	vld [tilespmem:s28+$0x0]  }
0x107: {  	v8 =	vadd.s32 s0, v1;
	_ =	sdelay $0x2  }
0x108: {  	vm0 =	vgt.f32 v6, $0.0e+00  }
0x109: {  	v6 =	vnsel vm0, $0xFF800000, v7  }
0x10a: {  	[tilespmem:v8+s13+$0x0] =	vst.idx.msk $0xffff, v6  }
0x10b: {  	v6 =	vld [tilespmem:s26+$0x10]  }
0x10c: {  	s0 =	sadd.s32 $0x111, s31;
	v7 =	vld [tilespmem:s28+$0x10]  }
0x10d: {  	v8 =	vadd.s32 s0, v1;
	_ =	sdelay $0x2  }
0x10e: {  	vm0 =	vgt.f32 v6, $0.0e+00  }
0x10f: {  	v6 =	vnsel vm0, $0xFF800000, v7  }
0x110: {  	[tilespmem:v8+s13+$0x0] =	vst.idx.msk $0xffff, v6  }
0x111: {  	v6 =	vld [tilespmem:s26+$0x20]  }
0x112: {  	s0 =	sadd.s32 $0x221, s31;
	v7 =	vld [tilespmem:s28+$0x20]  }
0x113: {  	v8 =	vadd.s32 s0, v1;
	_ =	sdelay $0x2  }
0x114: {  	vm0 =	vgt.f32 v6, $0.0e+00  }
0x115: {  	v6 =	vnsel vm0, $0xFF800000, v7  }
0x116: {  	[tilespmem:v8+s13+$0x0] =	vst.idx.msk $0xffff, v6  }
0x117: {  	v6 =	vld [tilespmem:s26+$0x30]  }
0x118: {  	s0 =	sadd.s32 $0x331, s31;
	v7 =	vld [tilespmem:s28+$0x30]  }
0x119: {  	v8 =	vadd.s32 s0, v1;
	_ =	sdelay $0x2  }
0x11a: {  	vm0 =	vgt.f32 v6, $0.0e+00  }
0x11b: {  	v6 =	vnsel vm0, $0xFF800000, v7  }
0x11c: {  	[tilespmem:v8+s13+$0x0] =	vst.idx.msk $0xffff, v6  }
0x11d: {  	v6 =	vld [tilespmem:s26+$0x40]  }
0x11e: {  	s0 =	sadd.s32 $0x441, s31;
	v7 =	vld [tilespmem:s28+$0x40]  }
0x11f: {  	v8 =	vadd.s32 s0, v1;
	_ =	sdelay $0x2  }
0x120: {  	vm0 =	vgt.f32 v6, $0.0e+00  }
0x121: {  	v6 =	vnsel vm0, $0xFF800000, v7  }
0x122: {  	[tilespmem:v8+s13+$0x0] =	vst.idx.msk $0xffff, v6  }
0x123: {  	v6 =	vld [tilespmem:s26+$0x50]  }
0x124: {  	s0 =	sadd.s32 $0x551, s31;
	v7 =	vld [tilespmem:s28+$0x50]  }
0x125: {  	v8 =	vadd.s32 s0, v1;
	_ =	sdelay $0x2  }
0x126: {  	vm0 =	vgt.f32 v6, $0.0e+00  }
0x127: {  	v6 =	vnsel vm0, $0xFF800000, v7  }
0x128: {  	[tilespmem:v8+s13+$0x0] =	vst.idx.msk $0xffff, v6  }
0x129: {  	v6 =	vld [tilespmem:s26+$0x60]  }
0x12a: {  	s0 =	sadd.s32 $0x661, s31;
	v7 =	vld [tilespmem:s28+$0x60]  }
0x12b: {  	v8 =	vadd.s32 s0, v1;
	_ =	sdelay $0x2  }
0x12c: {  	vm0 =	vgt.f32 v6, $0.0e+00  }
0x12d: {  	v6 =	vnsel vm0, $0xFF800000, v7  }
0x12e: {  	[tilespmem:v8+s13+$0x0] =	vst.idx.msk $0xffff, v6  }
0x12f: {  	v6 =	vld [tilespmem:s26+$0x70]  }
0x130: {  	s0 =	sadd.s32 $0x771, s31;
	v7 =	vld [tilespmem:s28+$0x70]  }
0x131: {  	v8 =	vadd.s32 s0, v1;
	_ =	sdelay $0x2  }
0x132: {  	vm0 =	vgt.f32 v6, $0.0e+00  }
0x133: {  	v6 =	vnsel vm0, $0xFF800000, v7  }
0x134: {  	[tilespmem:v8+s13+$0x0] =	vst.idx.msk $0xffff, v6  }
0x135: {  	v6 =	vld [tilespmem:s26+$0x80]  }
0x136: {  	s0 =	sadd.s32 $0x881, s31;
	v7 =	vld [tilespmem:s28+$0x80]  }
0x137: {  	v8 =	vadd.s32 s0, v1;
	_ =	sdelay $0x2  }
0x138: {  	vm0 =	vgt.f32 v6, $0.0e+00  }
0x139: {  	v6 =	vnsel vm0, $0xFF800000, v7  }
0x13a: {  	[tilespmem:v8+s13+$0x0] =	vst.idx.msk $0xffff, v6  }
0x13b: {  	v6 =	vld [tilespmem:s26+$0x90]  }
0x13c: {  	s0 =	sadd.s32 $0x991, s31;
	v7 =	vld [tilespmem:s28+$0x90]  }
0x13d: {  	v8 =	vadd.s32 s0, v1;
	_ =	sdelay $0x2  }
0x13e: {  	vm0 =	vgt.f32 v6, $0.0e+00  }
0x13f: {  	v6 =	vnsel vm0, $0xFF800000, v7  }
0x140: {  	[tilespmem:v8+s13+$0x0] =	vst.idx.msk $0xffff, v6  }
0x141: {  	v6 =	vld [tilespmem:s26+$0xA0]  }
0x142: {  	s0 =	sadd.s32 $0xAA1, s31;
	v7 =	vld [tilespmem:s28+$0xA0]  }
0x143: {  	v8 =	vadd.s32 s0, v1;
	_ =	sdelay $0x2  }
0x144: {  	vm0 =	vgt.f32 v6, $0.0e+00  }
0x145: {  	v6 =	vnsel vm0, $0xFF800000, v7  }
0x146: {  	[tilespmem:v8+s13+$0x0] =	vst.idx.msk $0xffff, v6  }
0x147: {  	v6 =	vld [tilespmem:s26+$0xB0]  }
0x148: {  	s0 =	sadd.s32 $0xBB1, s31;
	v7 =	vld [tilespmem:s28+$0xB0]  }
0x149: {  	v8 =	vadd.s32 s0, v1;
	_ =	sdelay $0x2  }
0x14a: {  	vm0 =	vgt.f32 v6, $0.0e+00  }
0x14b: {  	v6 =	vnsel vm0, $0xFF800000, v7  }
0x14c: {  	[tilespmem:v8+s13+$0x0] =	vst.idx.msk $0xffff, v6  }
0x14d: {  	v7 =	vld [tilespmem:s26+$0xB8]  }
0x14e: {  	s0 =	sadd.s32 $0xC39, s31;
	v8 =	vld [tilespmem:s28+$0xB8]  }
.Ltmp0:
0x14f: {  	v6 =	vadd.s32 s0, v1;
	(pc) =	sbr.rel @p1 .LBB2_3-.Ltmp0, $3  }
0x150: {  	_ =	sdelay $0x1  }
0x151: {  	vm0 =	vgt.f32 v7, $0.0e+00  }
0x152: {  	v7 =	vnsel vm0, $0xFF800000, v8  }
0x153: {  	_ =	sdelay $0x3  }
0x154: {  	[tilespmem:v6+s13+$0x0] =	vst.idx.msk $0xffff, v7  }
0x155: {  	v6 =	vld [tilespmem:s29+$0x0]  }
0x156: {  	v7 =	vld [tilespmem:s29+$0x11]  }
0x157: {  	v8 =	vld [tilespmem:s29+$0x22]  }
0x158: {  	v9 =	vld [tilespmem:s29+$0x33]  }
0x159: {  	v10 =	vld [tilespmem:s29+$0x44]  }
0x15a: {  	v11 =	vld [tilespmem:s29+$0x55]  }
0x15b: {  	v12 =	vld [tilespmem:s29+$0x66]  }
0x15c: {  	v13 =	vld [tilespmem:s29+$0x77]  }
0x15d: {  	v14 =	vld [tilespmem:s29+$0xFFFFFF78]  }
0x15e: {  	v15 =	vld [tilespmem:s29+$0xFFFFFF89]  }
0x15f: {  	v16 =	vld [tilespmem:s29+$0xFFFFFF9A]  }
0x160: {  	v17 =	vld [tilespmem:s29+$0xFFFFFFAB]  }
0x161: {  	v18 =	vld [tilespmem:s29+$0xFFFFFFBC]  }
0x162: {  	v19 =	vld [tilespmem:s29+$0xFFFFFFCD]  }
0x163: {  	v20 =	vld [tilespmem:s29+$0xFFFFFFDE]  }
0x164: {  	v21 =	vld [tilespmem:s29+$0xFFFFFFEF]  }
0x165: {  	v22 =	vmax.f32 v6, v7;
	v6 =	vmin.f32 v6, v7;
	v7 =	vmax.f32 v8, v9  }
0x166: {  	v8 =	vmin.f32 v8, v9;
	v9 =	vmax.f32 v10, v11;
	v10 =	vmin.f32 v10, v11  }
0x167: {  	v11 =	vmax.f32 v14, v15;
	v23 =	vmax.f32 v12, v13;
	v12 =	vmin.f32 v12, v13  }
0x168: {  	v13 =	vmin.f32 v14, v15;
	v14 =	vmax.f32 v16, v17;
	v15 =	vmin.f32 v16, v17  }
0x169: {  	v16 =	vmax.f32 v18, v19;
	v17 =	vmin.f32 v18, v19;
	v18 =	vmax.f32 v20, v21  }
0x16a: {  	v19 =	vmin.f32 v20, v21;
	v20 =	vmax.f32 v22, v7;
	v21 =	vmin.f32 v6, v8  }
0x16b: {  	v22 =	vmin.f32 v22, v7;
	v7 =	vmax.f32 v9, v23;
	v24 =	vmin.f32 v10, v12  }
0x16c: {  	v8 =	vmax.f32 v6, v8;
	v9 =	vmin.f32 v9, v23;
	v10 =	vmax.f32 v10, v12  }
0x16d: {  	v12 =	vmax.f32 v11, v14;
	v23 =	vmin.f32 v13, v15;
	v25 =	vmax.f32 v16, v18  }
0x16e: {  	v11 =	vmin.f32 v11, v14;
	v13 =	vmax.f32 v13, v15;
	v14 =	vmin.f32 v17, v19  }
0x16f: {  	v15 =	vmin.f32 v16, v18;
	v16 =	vmax.f32 v17, v19;
	v6 =	vmax.f32 v20, v7  }
0x170: {  	v17 =	vmin.f32 v20, v7;
	v18 =	vmax.f32 v21, v24;
	v7 =	vmin.f32 v21, v24  }
0x171: {  	v19 =	vmax.f32 v12, v25;
	v20 =	vmin.f32 v23, v14;
	v21 =	vmax.f32 v8, v22  }
0x172: {  	v8 =	vmin.f32 v8, v22;
	v22 =	vmax.f32 v10, v9;
	v9 =	vmin.f32 v10, v9  }
0x173: {  	v10 =	vmax.f32 v13, v11;
	v12 =	vmin.f32 v12, v25;
	v14 =	vmax.f32 v23, v14  }
0x174: {  	v11 =	vmin.f32 v13, v11;
	v13 =	vmax.f32 v16, v15;
	v15 =	vmin.f32 v16, v15  }
0x175: {  	v16 =	vmax.f32 v21, v22;
	v21 =	vmin.f32 v21, v22;
	v22 =	vmax.f32 v8, v9  }
0x176: {  	v23 =	vmin.f32 v10, v13;
	v62 =	vmax.f32 v11, v15;
	v9 =	vmin.f32 v8, v9  }
0x177: {  	v10 =	vmax.f32 v10, v13;
	v11 =	vmin.f32 v11, v15;
	v63 =	vmax.f32 v5, v19  }
0x178: {  	v8 =	vmax.f32 v16, v17;
	v13 =	vmin.f32 v16, v17;
	v15 =	vmax.f32 v18, v9  }
0x179: {  	v9 =	vmin.f32 v18, v9;
	v16 =	vmax.f32 v10, v12;
	v12 =	vmin.f32 v10, v12  }
0x17a: {  	v17 =	vmin.f32 v14, v11;
	v14 =	vmax.f32 v14, v11;
	v10 =	vmax.f32 v22, v13  }
0x17b: {  	v11 =	vmin.f32 v15, v21;
	v18 =	vmax.f32 v62, v12;
	v13 =	vmin.f32 v22, v13  }
0x17c: {  	v15 =	vmax.f32 v15, v21;
	v21 =	vmin.f32 v62, v12;
	v22 =	vmax.f32 v14, v23  }
0x17d: {  	v14 =	vmin.f32 v14, v23;
	v17 =	vmax.f32 v5, v17;
	v16 =	vmax.f32 v5, v16  }
0x17e: {  	v23 =	vmax.f32 v22, v21;
	v12 =	vmax.f32 v15, v13;
	v13 =	vmin.f32 v15, v13  }
0x17f: {  	v21 =	vmin.f32 v22, v21;
	v22 =	vmax.f32 v5, v20;
	v18 =	vmax.f32 v5, v18  }
0x180: {  	v20 =	vmax.f32 v5, v14;
	v15 =	vmax.f32 v17, v18;
	v14 =	vmin.f32 v17, v18  }
0x181: {  	v17 =	vmax.f32 v5, v23;
	v19 =	vmax.f32 v20, v16;
	v16 =	vmin.f32 v20, v16  }
0x182: {  	v5 =	vmax.f32 v5, v21;
	v20 =	vmax.f32 v22, v17;
	v17 =	vmin.f32 v22, v17  }
0x183: {  	s26 =	simm.s32 $0x0;
	s28 =	simm.s32 $0x3398;
	v21 =	vmax.f32 v5, v63;
	v18 =	vmin.f32 v5, v63;
	v5 =	vmax.f32 v20, v19  }
.LBB2_5:
0x184: {  	v22 =	vld [tilespmem:s28+$0x0];
	v19 =	vmin.f32 v20, v19;
	v20 =	vmax.f32 v15, v21;
	v15 =	vmin.f32 v15, v21  }
0x185: {  	v23 =	vmax.f32 v17, v16;
	v16 =	vmin.f32 v17, v16;
	v17 =	vmax.f32 v14, v18;
	v21 =	vld [tilespmem:s28+$0x11]  }
0x186: {  	v14 =	vmin.f32 v14, v18;
	v18 =	vmax.f32 v5, v20;
	v5 =	vmin.f32 v5, v20;
	v24 =	vld [tilespmem:s28+$0x22]  }
0x187: {  	v25 =	vmax.f32 v19, v15;
	v15 =	vmin.f32 v19, v15;
	v19 =	vmax.f32 v23, v17;
	v20 =	vld [tilespmem:s28+$0x33]  }
0x188: {  	v17 =	vmin.f32 v23, v17;
	v23 =	vmax.f32 v16, v14;
	v14 =	vmin.f32 v16, v14;
	v26 =	vld [tilespmem:s28+$0x44]  }
0x189: {  	v7 =	vmax.f32 v18, v7;
	v5 =	vmax.f32 v5, v9;
	v9 =	vmax.f32 v25, v11;
	v16 =	vld [tilespmem:s28+$0x55]  }
0x18a: {  	v13 =	vmax.f32 v15, v13;
	v12 =	vmax.f32 v19, v12;
	v10 =	vmax.f32 v17, v10;
	v11 =	vld [tilespmem:s28+$0x66]  }
0x18b: {  	v8 =	vmax.f32 v23, v8;
	v6 =	vmax.f32 v14, v6;
	v14 =	vmin.f32 v7, v12;
	v15 =	vld [tilespmem:s28+$0x77]  }
0x18c: {  	v18 =	vmin.f32 v5, v10;
	v19 =	vmin.f32 v9, v8;
	v23 =	vmin.f32 v13, v6;
	v17 =	vld [tilespmem:s28+$0xFFFFFF78]  }
0x18d: {  	v7 =	vmax.f32 v7, v12;
	v12 =	vmin.f32 v14, v19;
	v27 =	vmin.f32 v18, v23;
	v25 =	vld [tilespmem:s28+$0xFFFFFF89]  }
0x18e: {  	v10 =	vmax.f32 v5, v10;
	v8 =	vmax.f32 v9, v8;
	v5 =	vmin.f32 v12, v27;
	v28 =	vld [tilespmem:s28+$0xFFFFFF9A]  }
0x18f: {  	v6 =	vmax.f32 v13, v6;
	v13 =	vmax.f32 v7, v8;
	v7 =	vmin.f32 v7, v8;
	v9 =	vld [tilespmem:s28+$0xFFFFFFAB]  }
0x190: {  	v29 =	vmax.f32 v10, v6;
	v6 =	vmin.f32 v10, v6;
	v10 =	vmax.f32 v14, v19;
	v8 =	vld [tilespmem:s28+$0xFFFFFFBC]  }
0x191: {  	v18 =	vmax.f32 v18, v23;
	v19 =	vmax.f32 v13, v29;
	v23 =	vmin.f32 v13, v29;
	v14 =	vld [tilespmem:s28+$0xFFFFFFCD]  }
0x192: {  	v29 =	vmax.f32 v7, v6;
	v30 =	vmin.f32 v7, v6;
	v31 =	vmax.f32 v10, v18;
	v13 =	vld [tilespmem:s28+$0xFFFFFFDE]  }
0x193: {  	v18 =	vmin.f32 v10, v18;
	v27 =	vmax.f32 v12, v27;
	v6 =	vld [tilespmem:s28+$0xFFFFFFEF]  }
0x194: {  	v7 =	vmax.f32 v22, v21;
	v10 =	vmin.f32 v22, v21;
	v12 =	vmax.f32 v24, v20  }
0x195: {  	v20 =	vmin.f32 v24, v20;
	v21 =	vmax.f32 v26, v16;
	v16 =	vmin.f32 v26, v16  }
0x196: {  	v24 =	vmax.f32 v11, v15;
	v11 =	vmin.f32 v11, v15;
	v22 =	vmax.f32 v17, v25  }
0x197: {  	v15 =	vmin.f32 v17, v25;
	v17 =	vmax.f32 v28, v9;
	v9 =	vmin.f32 v28, v9  }
0x198: {  	v25 =	vmax.f32 v8, v14;
	v8 =	vmin.f32 v8, v14;
	v14 =	vmax.f32 v13, v6  }
0x199: {  	v26 =	vmin.f32 v10, v20;
	v6 =	vmin.f32 v13, v6;
	v13 =	vmax.f32 v7, v12  }
0x19a: {  	v28 =	vmin.f32 v16, v11;
	v12 =	vmin.f32 v7, v12;
	v7 =	vmax.f32 v21, v24  }
0x19b: {  	v10 =	vmax.f32 v10, v20;
	v20 =	vmin.f32 v21, v24;
	v11 =	vmax.f32 v16, v11  }
0x19c: {  	v16 =	vmax.f32 v22, v17;
	v21 =	vmin.f32 v15, v9;
	v24 =	vmax.f32 v25, v14  }
0x19d: {  	v17 =	vmin.f32 v22, v17;
	v9 =	vmax.f32 v15, v9;
	v15 =	vmin.f32 v8, v6  }
0x19e: {  	v14 =	vmin.f32 v25, v14;
	v8 =	vmax.f32 v8, v6;
	v6 =	vmax.f32 v13, v7  }
0x19f: {  	v22 =	vmax.f32 v26, v28;
	v13 =	vmin.f32 v13, v7;
	v7 =	vmin.f32 v26, v28  }
0x1a0: {  	v28 =	vmax.f32 v10, v12;
	v25 =	vmax.f32 v16, v24;
	v26 =	vmin.f32 v21, v15  }
0x1a1: {  	v10 =	vmin.f32 v10, v12;
	v12 =	vmax.f32 v11, v20;
	v11 =	vmin.f32 v11, v20  }
0x1a2: {  	v20 =	vmax.f32 v9, v17;
	v16 =	vmin.f32 v16, v24;
	v15 =	vmax.f32 v21, v15  }
0x1a3: {  	v9 =	vmin.f32 v9, v17;
	v17 =	vmax.f32 v8, v14;
	v8 =	vmin.f32 v8, v14  }
0x1a4: {  	v14 =	vmax.f32 v28, v12;
	v12 =	vmin.f32 v28, v12;
	v21 =	vmax.f32 v10, v11  }
0x1a5: {  	v10 =	vmin.f32 v10, v11;
	v24 =	vmin.f32 v20, v17;
	v28 =	vmax.f32 v9, v8  }
0x1a6: {  	v11 =	vmax.f32 v20, v17;
	v17 =	vmin.f32 v9, v8;
	v8 =	vmax.f32 v14, v13  }
0x1a7: {  	v13 =	vmin.f32 v14, v13;
	v14 =	vmax.f32 v22, v10;
	v9 =	vmin.f32 v22, v10  }
0x1a8: {  	v20 =	vmax.f32 v11, v16;
	v16 =	vmin.f32 v11, v16;
	v22 =	vmin.f32 v15, v17  }
0x1a9: {  	v15 =	vmax.f32 v15, v17;
	v10 =	vmax.f32 v21, v13;
	v11 =	vmin.f32 v14, v12  }
0x1aa: {  	s26 =	sadd.s32 $0x2, s26;
	v13 =	vmin.f32 v21, v13;
	v14 =	vmax.f32 v14, v12;
	v17 =	vmax.f32 v28, v16  }
0x1ab: {  	p1 =	slt.u32 s26, $0x16;
	v16 =	vmin.f32 v28, v16;
	v21 =	vmax.f32 v15, v24;
	v15 =	vmin.f32 v15, v24  }
0x1ac: {  	v12 =	vmax.f32 v14, v13;
	v13 =	vmin.f32 v14, v13;
	v24 =	vmax.f32 v21, v16  }
0x1ad: {  	v26 =	vmax.f32 v19, v26;
	v5 =	vmax.f32 v5, v25;
	v21 =	vmin.f32 v21, v16  }
.Ltmp1:
0x1ae: {  	v14 =	vmax.f32 v23, v22;
	v16 =	vmax.f32 v18, v17;
	v17 =	vmax.f32 v27, v20;
	(pc) =	sbr.rel @p1 .LBB2_5-.Ltmp1, $4  }
0x1af: {  	v18 =	vmax.f32 v29, v15;
	v15 =	vmax.f32 v14, v16;
	v14 =	vmin.f32 v14, v16  }
0x1b0: {  	v22 =	vmax.f32 v31, v24;
	v19 =	vmax.f32 v18, v17;
	v16 =	vmin.f32 v18, v17  }
0x1b1: {  	v18 =	vmax.f32 v30, v21;
	v20 =	vmax.f32 v26, v22;
	v17 =	vmin.f32 v26, v22  }
0x1b2: {  	s28 =	sadd.s32 $0x110, s28;
	v21 =	vmax.f32 v18, v5;
	v18 =	vmin.f32 v18, v5;
	v5 =	vmax.f32 v20, v19  }
0x1b3: {  	v19 =	vmin.f32 v20, v19  }
0x1b4: {  	v48 =	vmax.f32 v15, v21;
	v49 =	vmin.f32 v15, v21;
	v50 =	vmax.f32 v17, v16  }
0x1b5: {  	v51 =	vmin.f32 v17, v16;
	v52 =	vmax.f32 v14, v18;
	v53 =	vmin.f32 v14, v18  }
0x1b6: {  	v54 =	vmax.f32 v5, v48;
	v5 =	vmin.f32 v5, v48;
	v55 =	vmax.f32 v19, v49  }
0x1b7: {  	v15 =	vmin.f32 v19, v49;
	v56 =	vmax.f32 v50, v52;
	v17 =	vmin.f32 v50, v52  }
0x1b8: {  	v57 =	vmax.f32 v51, v53;
	v14 =	vmin.f32 v51, v53;
	v7 =	vmax.f32 v54, v7  }
0x1b9: {  	v5 =	vmax.f32 v5, v9;
	v9 =	vmax.f32 v55, v11;
	v11 =	vmax.f32 v15, v13  }
0x1ba: {  	v58 =	vld [tilespmem:$0x3EC0];
	v12 =	vmax.f32 v56, v12;
	v10 =	vmax.f32 v17, v10;
	v8 =	vmax.f32 v57, v8  }
0x1bb: {  	v59 =	vld [tilespmem:$0x3ED1];
	v6 =	vmax.f32 v14, v6;
	v60 =	vmin.f32 v7, v12;
	v61 =	vmin.f32 v5, v10  }
0x1bc: {  	v62 =	vld [tilespmem:$0x3EE2];
	v63 =	vmin.f32 v9, v8;
	v24 =	vmin.f32 v11, v6;
	v7 =	vmax.f32 v7, v12  }
0x1bd: {  	v25 =	vld [tilespmem:$0x3EF3];
	v8 =	vmax.f32 v9, v8;
	v5 =	vmax.f32 v5, v10;
	v6 =	vmax.f32 v11, v6  }
0x1be: {  	v29 =	vld [tilespmem:$0x3F37];
	v26 =	vmin.f32 v60, v63;
	v27 =	vmin.f32 v61, v24;
	v10 =	vmax.f32 v7, v8  }
0x1bf: {  	v9 =	vld [tilespmem:$0x3F04];
	v7 =	vmin.f32 v7, v8;
	v8 =	vmax.f32 v5, v6;
	v5 =	vmin.f32 v5, v6  }
0x1c0: {  	v11 =	vld [tilespmem:$0x3F15];
	v14 =	vmax.f32 v60, v63;
	v16 =	vmax.f32 v61, v24;
	v28 =	vmax.f32 v10, v8  }
0x1c1: {  	v6 =	vld [tilespmem:$0x3F26];
	v8 =	vmin.f32 v10, v8;
	v10 =	vmax.f32 v7, v5;
	v5 =	vmin.f32 v7, v5  }
0x1c2: {  	v7 =	vmax.f32 v14, v16;
	v14 =	vmin.f32 v14, v16;
	v30 =	vmin.f32 v26, v27  }
0x1c3: {  	v20 =	vmax.f32 v26, v27;
	v31 =	vmax.f32 v58, v59;
	v32 =	vmax.f32 v62, v25  }
0x1c4: {  	v13 =	vmin.f32 v58, v59;
	v12 =	vmin.f32 v62, v25;
	v34 =	vmax.f32 v31, v32  }
0x1c5: {  	v15 =	vmin.f32 v31, v32;
	v35 =	vmax.f32 v13, v12;
	v12 =	vmin.f32 v13, v12  }
0x1c6: {  	v33 =	vmax.f32 v9, v11;
	v9 =	vmin.f32 v9, v11;
	v11 =	vmax.f32 v6, v29  }
0x1c7: {  	v6 =	vmin.f32 v6, v29;
	v36 =	vmax.f32 v33, v11;
	v11 =	vmin.f32 v33, v11  }
0x1c8: {  	v37 =	vmax.f32 v9, v6;
	v6 =	vmin.f32 v9, v6;
	v9 =	vmax.f32 v35, v15  }
0x1c9: {  	v15 =	vmin.f32 v35, v15;
	v38 =	vmax.f32 v37, v11;
	v11 =	vmin.f32 v37, v11  }
0x1ca: {  	v39 =	vmax.f32 v34, v36;
	v13 =	vmin.f32 v34, v36;
	v40 =	vmax.f32 v12, v6  }
0x1cb: {  	v6 =	vmin.f32 v12, v6;
	v41 =	vmax.f32 v9, v38;
	v9 =	vmin.f32 v9, v38  }
0x1cc: {  	v42 =	vmax.f32 v15, v11;
	v11 =	vmin.f32 v15, v11;
	v6 =	vmax.f32 v28, v6  }
0x1cd: {  	v48 =	vmax.f32 v30, v39;
	v43 =	vmax.f32 v41, v13;
	v12 =	vmin.f32 v41, v13  }
0x1ce: {  	v44 =	vmax.f32 v40, v11;
	v11 =	vmin.f32 v40, v11;
	v45 =	vmax.f32 v42, v12  }
0x1cf: {  	v12 =	vmin.f32 v42, v12;
	v46 =	vmax.f32 v44, v9;
	v9 =	vmin.f32 v44, v9  }
0x1d0: {  	v8 =	vmax.f32 v8, v11;
	v11 =	vmax.f32 v20, v43;
	v47 =	vmax.f32 v46, v12  }
0x1d1: {  	v12 =	vmin.f32 v46, v12;
	v9 =	vmax.f32 v10, v9;
	v10 =	vmax.f32 v14, v45  }
0x1d2: {  	v5 =	vmax.f32 v5, v12;
	v7 =	vmax.f32 v7, v47;
	v14 =	vmax.f32 v8, v10  }
0x1d3: {  	v15 =	vmax.f32 v9, v11;
	v13 =	vmax.f32 v6, v7;
	v16 =	vmax.f32 v5, v48  }
0x1d4: {  	v49 =	vmax.f32 v13, v15;
	v50 =	vmax.f32 v14, v16  }
0x1d5: {  	v51 =	vmax.f32 v49, v50  }
0x1d6: {  	v52 =	vsub.f32 v51, v51  }
0x1d7: {  	v6 =	vmin.f32 v6, v7  }
0x1d8: {  	v7 =	vmin.f32 v8, v10;
	v8 =	vmin.f32 v49, v50;
	v10 =	vmul.f32 $1.442695020e+00, v52  }
0x1d9: {  	v13 =	vmin.f32 v13, v15;
	v14 =	vmin.f32 v14, v16;
	v53 =	vsub.f32 v8, v51  }
0x1da: {  	v9 =	vmin.f32 v9, v11;
	v11 =	vmax.f32 v13, v14;
	(erf) = vpow2.f32 v10  }
0x1db: {  	v5 =	vmin.f32 v5, v48;
	v54 =	vsub.f32 v11, v51;
	v10 =	vmul.f32 $1.442695020e+00, v53  }
0x1dc: {  	v55 =	vmax.f32 v6, v9;
	v56 =	vmax.f32 v7, v5;
	v13 =	vmin.f32 v13, v14  }
0x1dd: {  	v57 =	vsub.f32 v13, v51;
	(erf) = vpow2.f32 v10;
	v10 =	vmul.f32 $1.442695020e+00, v54  }
0x1de: {  	v58 =	vmax.f32 v55, v56  }
0x1df: {  	v59 =	vsub.f32 v58, v51;
	(erf) = vpow2.f32 v10;
	v10 =	vmul.f32 $1.442695020e+00, v57  }
0x1e0: {  	v6 =	vmin.f32 v6, v9;
	v5 =	vmin.f32 v7, v5;
	v7 =	vmin.f32 v55, v56  }
0x1e1: {  	v9 =	vmul.f32 $1.442695020e+00, v59;
	(erf) = vpow2.f32 v10;
	v10 =	vsub.f32 v7, v51  }
0x1e2: {  	v60 =	vmax.f32 v6, v5  }
0x1e3: {  	v61 =	vpop (erf);
	(erf) = vpow2.f32 v9;
	v9 =	vmul.f32 $1.442695020e+00, v10;
	v10 =	vsub.f32 v60, v51  }
0x1e4: {  	v5 =	vmin.f32 v6, v5  }
0x1e5: {  	(erf) = vpow2.f32 v9;
	v9 =	vmul.f32 $1.442695020e+00, v10;
	v10 =	vsub.f32 v5, v51  }
0x1e6: {  	v6 =	vadd.f32 $0.0e+00, v61  }
0x1e7: {  	v62 =	vpop (erf);
	(erf) = vpow2.f32 v9;
	v9 =	vmul.f32 $1.442695020e+00, v10  }
0x1e8: {  	v6 =	vadd.f32 v6, v62  }
0x1e9: {  	v10 =	vpop (erf)  }
0x1ea: {  	(erf) = vpow2.f32 v9;
	v6 =	vadd.f32 v6, v10  }
0x1eb: {  	v9 =	vpop (erf)  }
0x1ec: {  	v6 =	vadd.f32 v6, v9  }
0x1ed: {  	v9 =	vpop (erf)  }
0x1ee: {  	v6 =	vadd.f32 v6, v9  }
0x1ef: {  	v9 =	vpop (erf)  }
0x1f0: {  	v6 =	vadd.f32 v6, v9  }
0x1f1: {  	v9 =	vpop (erf)  }
0x1f2: {  	v6 =	vadd.f32 v6, v9  }
0x1f3: {  	v9 =	vpop (erf)  }
0x1f4: {  	v6 =	vadd.f32 v6, v9;
	_ =	sdelay $0x1  }
0x1f5: {  	v9 =	vand.u32 $0x7FFFFF, v6  }
0x1f6: {  	v9 =	vor.u32 $0x3F800000, v9  }
0x1f7: {  	v10 =	vadd.f32 $1.000000000e+00, v9;
	_ =	sdelay $0x1  }
0x1f8: {  	(erf) = vrcp.f32 v10;
	_ =	sdelay $0x7  }
0x1f9: {  	v9 =	vadd.f32 $-1.000000000e+00, v9  }
0x1fa: {  	v10 =	vpop (erf)  }
0x1fb: {  	v9 =	vmul.f32 v10, v9;
	_ =	sdelay $0x1  }
0x1fc: {  	v10 =	vmul.f32 v9, v9;
	_ =	sdelay $0x1  }
0x1fd: {  	v63 =	vmul.f32 $9.090909360e-02, v10;
	_ =	sdelay $0x1  }
0x1fe: {  	v15 =	vadd.f32 $1.111111120e-01, v63;
	_ =	sdelay $0x1  }
0x1ff: {  	v15 =	vmul.f32 v15, v10;
	_ =	sdelay $0x1  }
0x200: {  	v15 =	vadd.f32 $1.428571490e-01, v15;
	_ =	sdelay $0x1  }
0x201: {  	v15 =	vmul.f32 v15, v10;
	_ =	sdelay $0x1  }
0x202: {  	v15 =	vadd.f32 $2.000000030e-01, v15;
	_ =	sdelay $0x1  }
0x203: {  	v15 =	vmul.f32 v15, v10;
	_ =	sdelay $0x1  }
0x204: {  	v15 =	vadd.f32 $3.333333430e-01, v15;
	_ =	sdelay $0x1  }
0x205: {  	v6 =	vshra.s32 v6, $0x17;
	v10 =	vmul.f32 v15, v10  }
0x206: {  	v6 =	vadd.s32 $0xFFFFFF81, v6  }
0x207: {  	v6 =	vcvt.s32.f32 v6;
	v9 =	vadd.f32 v9, v9;
	v10 =	vadd.f32 $1.000000000e+00, v10;
	_ =	sdelay $0x1  }
0x208: {  	v6 =	vmul.f32 $6.931471820e-01, v6;
	v9 =	vmul.f32 v10, v9;
	_ =	sdelay $0x1  }
0x209: {  	v6 =	vadd.f32 v9, v6;
	_ =	sdelay $0x1  }
0x20a: {  	v9 =	vor.u32 s25, v0;
	v6 =	vadd.f32 v6, v51;
	_ =	sdelay $0x1  }
0x20b: {  	v6 =	vadd.f32 $-2.079441550e+00, v6  }
0x20c: {  	vm0 =	veq.f32 v51, $-Inf  }
0x20d: {  	p1 =	slt.u32 s23, $0x2;
	v6 =	vsel vm0, $0x0, v6  }
0x20e: {  	s0 =	simm.s32 @!p1 $0x2;
	vm1 =	vgt.f32 v51, v5;
	vm2 =	vgt.f32 v8, v5;
	[tilespmem:v9+s14+$0x0] =	vst.idx.msk $0xffff, v6  }
0x20f: {  	vm11 =	vgt.f32 v11, v5;
	v8 =	vsel vm2, $0x7, v3;
	v6 =	vsel vm1, $0xFFFFFFFF, v2;
	_ =	swait.ge @!p1 [sflag:s0], $0xC80  }
0x210: {  	vm12 =	vgt.f32 v13, v5;
	v9 =	vsel vm11, $0xFFFFFFFF, v2;
	v6 =	vadd.s32 v6, v8;
	[sflag:s0] =	ssyncset.done @!p1 $0x0  }
0x211: {  	s23 =	simm.s32 $0x3244;
	vm13 =	vgt.f32 v58, v5;
	v8 =	vsel vm12, $0xFFFFFFFF, v2;
	v6 =	vadd.s32 v9, v6;
	[sflag:s0] =	ssyncadd.s32 @!p1 $0xFFFFF380  }
0x212: {  	vm14 =	vgt.f32 v7, v5;
	v9 =	vsel vm13, $0xFFFFFFFF, v2;
	v6 =	vadd.s32 v8, v6;
	v7 =	vld [tilespmem:s23+$0xFFFFFFBC]  }
0x213: {  	vm15 =	vgt.f32 v60, v5;
	v8 =	vsel vm14, $0xFFFFFFFF, v2;
	v6 =	vadd.s32 v9, v6  }
0x214: {  	v9 =	vsel vm15, $0xFFFFFFFF, v2;
	v6 =	vadd.s32 v8, v6  }
0x215: {  	v6 =	vadd.s32 v9, v6  }
0x216: {  	v8 =	vimm.s32 $0x0;
	v6 =	vsel vm0, $0x0, v6  }
0x217: {  	vm5 =	vlt.s32 v8, v6;
	vm4 =	veq.f32 v7, v5  }
0x218: {  	vm6 =	vgt.f32 v7, v5;
	vm0 =	vmand vm5, vm4  }
0x219: {  	vm1 =	vmor vm6, vm0  }
0x21a: {  	v7 =	vsel vm1, $0x3E000000, v4  }
0x21b: {  	[tilespmem:s21+$0xFFFFFFC0] =	vst v7  }
0x21c: {  	v7 =	vld [tilespmem:s23+$0xFFFFFFCD];
	_ =	sdelay $0x2  }
0x21d: {  	v9 =	vsel vm0, $0x1, v2  }
0x21e: {  	v8 =	vadd.s32 v9, v8  }
0x21f: {  	vm8 =	vlt.s32 v8, v6;
	vm7 =	veq.f32 v7, v5  }
0x220: {  	vm9 =	vgt.f32 v7, v5;
	vm0 =	vmand vm7, vm8  }
0x221: {  	vm1 =	vmor vm9, vm0  }
0x222: {  	v7 =	vsel vm1, $0x3E000000, v4  }
0x223: {  	[tilespmem:s21+$0xFFFFFFD0] =	vst v7  }
0x224: {  	v7 =	vld [tilespmem:s23+$0xFFFFFFDE];
	_ =	sdelay $0x2  }
0x225: {  	v9 =	vsel vm0, $0x1, v2  }
0x226: {  	v8 =	vadd.s32 v9, v8  }
0x227: {  	vm11 =	vlt.s32 v8, v6;
	vm10 =	veq.f32 v7, v5  }
0x228: {  	vm12 =	vgt.f32 v7, v5;
	vm0 =	vmand vm10, vm11  }
0x229: {  	vm1 =	vmor vm12, vm0  }
0x22a: {  	v7 =	vsel vm1, $0x3E000000, v4  }
0x22b: {  	[tilespmem:s21+$0xFFFFFFE0] =	vst v7  }
0x22c: {  	v7 =	vld [tilespmem:s23+$0xFFFFFFEF];
	_ =	sdelay $0x2  }
0x22d: {  	v9 =	vsel vm0, $0x1, v2  }
0x22e: {  	v8 =	vadd.s32 v9, v8  }
0x22f: {  	vm14 =	vlt.s32 v8, v6;
	vm13 =	veq.f32 v7, v5  }
0x230: {  	vm15 =	vgt.f32 v7, v5;
	vm0 =	vmand vm13, vm14  }
0x231: {  	vm1 =	vmor vm15, vm0  }
0x232: {  	v7 =	vsel vm1, $0x3E000000, v4  }
0x233: {  	[tilespmem:s21+$0xFFFFFFF0] =	vst v7  }
0x234: {  	v7 =	vld [tilespmem:s23+$0x0];
	_ =	sdelay $0x2  }
0x235: {  	v9 =	vsel vm0, $0x1, v2  }
0x236: {  	v8 =	vadd.s32 v9, v8  }
0x237: {  	vm5 =	vlt.s32 v8, v6;
	vm4 =	veq.f32 v7, v5  }
0x238: {  	vm6 =	vgt.f32 v7, v5;
	vm0 =	vmand vm4, vm5  }
0x239: {  	vm1 =	vmor vm6, vm0  }
0x23a: {  	v7 =	vsel vm1, $0x3E000000, v4  }
0x23b: {  	[tilespmem:s21+$0x0] =	vst v7  }
0x23c: {  	v7 =	vld [tilespmem:s23+$0x11];
	_ =	sdelay $0x2  }
0x23d: {  	v9 =	vsel vm0, $0x1, v2  }
0x23e: {  	v8 =	vadd.s32 v9, v8  }
0x23f: {  	vm8 =	vlt.s32 v8, v6;
	vm7 =	veq.f32 v7, v5  }
0x240: {  	vm9 =	vgt.f32 v7, v5;
	vm0 =	vmand vm7, vm8  }
0x241: {  	vm1 =	vmor vm9, vm0  }
0x242: {  	v7 =	vsel vm1, $0x3E000000, v4  }
0x243: {  	[tilespmem:s21+$0x10] =	vst v7  }
0x244: {  	v7 =	vld [tilespmem:s23+$0x22];
	_ =	sdelay $0x2  }
0x245: {  	v9 =	vsel vm0, $0x1, v2  }
0x246: {  	v8 =	vadd.s32 v9, v8  }
0x247: {  	vm11 =	vlt.s32 v8, v6;
	vm10 =	veq.f32 v7, v5  }
0x248: {  	vm12 =	vgt.f32 v7, v5;
	vm0 =	vmand vm10, vm11  }
0x249: {  	vm1 =	vmor vm12, vm0  }
0x24a: {  	v7 =	vsel vm1, $0x3E000000, v4  }
0x24b: {  	[tilespmem:s21+$0x20] =	vst v7  }
0x24c: {  	v7 =	vld [tilespmem:s23+$0x33];
	_ =	sdelay $0x2  }
0x24d: {  	v9 =	vsel vm0, $0x1, v2  }
0x24e: {  	v9 =	vadd.s32 v9, v8  }
0x24f: {  	vm14 =	vlt.s32 v9, v6;
	vm13 =	veq.f32 v7, v5  }
0x250: {  	vm15 =	vgt.f32 v7, v5;
	vm0 =	vmand vm13, vm14  }
0x251: {  	vm1 =	vmor vm15, vm0;
	v7 =	vsel vm0, $0x1, v2  }
0x252: {  	s24 =	sadd.s32 $0x3F48, s24;
	s25 =	simm.s32 $0x0;
	v8 =	vsel vm1, $0x3E000000, v4;
	v7 =	vadd.s32 v7, v9  }
.LBB2_7:
0x253: {  	s25 =	sadd.s32 $0x8, s25;
	[tilespmem:s21+$0x30] =	vst v8;
	s21 =	sadd.s32 $0x80, s21;
	s23 =	sadd.s32 $0x88, s23  }
0x254: {  	v8 =	vld [tilespmem:s23+$0xFFFFFFBC];
	p1 =	slt.u32 s25, $0xC0;
	_ =	sdelay $0x4  }
0x255: {  	vm1 =	vlt.s32 v7, v6;
	vm0 =	veq.f32 v8, v5  }
0x256: {  	vm0 =	vmand vm1, vm0;
	vm1 =	vgt.f32 v8, v5  }
0x257: {  	vm1 =	vmor vm1, vm0;
	v8 =	vsel vm0, $0x1, v2  }
0x258: {  	v9 =	vsel vm1, $0x3E000000, v4;
	v7 =	vadd.s32 v8, v7  }
0x259: {  	[tilespmem:s21+$0xFFFFFFC0] =	vst v9  }
0x25a: {  	v8 =	vld [tilespmem:s23+$0xFFFFFFCD];
	_ =	sdelay $0x4  }
0x25b: {  	vm1 =	vlt.s32 v7, v6;
	vm0 =	veq.f32 v8, v5  }
0x25c: {  	vm0 =	vmand vm0, vm1;
	vm1 =	vgt.f32 v8, v5  }
0x25d: {  	vm1 =	vmor vm1, vm0;
	v8 =	vsel vm0, $0x1, v2  }
0x25e: {  	v9 =	vsel vm1, $0x3E000000, v4;
	v7 =	vadd.s32 v8, v7  }
0x25f: {  	[tilespmem:s21+$0xFFFFFFD0] =	vst v9  }
0x260: {  	v8 =	vld [tilespmem:s23+$0xFFFFFFDE];
	_ =	sdelay $0x4  }
0x261: {  	vm1 =	vlt.s32 v7, v6;
	vm0 =	veq.f32 v8, v5  }
0x262: {  	vm0 =	vmand vm0, vm1;
	vm1 =	vgt.f32 v8, v5  }
0x263: {  	vm1 =	vmor vm1, vm0;
	v8 =	vsel vm0, $0x1, v2  }
0x264: {  	v9 =	vsel vm1, $0x3E000000, v4;
	v7 =	vadd.s32 v8, v7  }
0x265: {  	[tilespmem:s21+$0xFFFFFFE0] =	vst v9  }
0x266: {  	v8 =	vld [tilespmem:s23+$0xFFFFFFEF];
	_ =	sdelay $0x4  }
0x267: {  	vm1 =	vlt.s32 v7, v6;
	vm0 =	veq.f32 v8, v5  }
0x268: {  	vm0 =	vmand vm0, vm1;
	vm1 =	vgt.f32 v8, v5  }
0x269: {  	vm1 =	vmor vm1, vm0;
	v8 =	vsel vm0, $0x1, v2  }
0x26a: {  	v9 =	vsel vm1, $0x3E000000, v4;
	v7 =	vadd.s32 v8, v7  }
0x26b: {  	[tilespmem:s21+$0xFFFFFFF0] =	vst v9  }
0x26c: {  	v8 =	vld [tilespmem:s23+$0x0];
	_ =	sdelay $0x4  }
0x26d: {  	vm1 =	vlt.s32 v7, v6;
	vm0 =	veq.f32 v8, v5  }
0x26e: {  	vm0 =	vmand vm0, vm1;
	vm1 =	vgt.f32 v8, v5  }
0x26f: {  	vm1 =	vmor vm1, vm0;
	v8 =	vsel vm0, $0x1, v2  }
0x270: {  	v9 =	vsel vm1, $0x3E000000, v4;
	v7 =	vadd.s32 v8, v7  }
0x271: {  	[tilespmem:s21+$0x0] =	vst v9  }
0x272: {  	v8 =	vld [tilespmem:s23+$0x11];
	_ =	sdelay $0x4  }
0x273: {  	vm1 =	vlt.s32 v7, v6;
	vm0 =	veq.f32 v8, v5  }
0x274: {  	vm0 =	vmand vm0, vm1;
	vm1 =	vgt.f32 v8, v5  }
0x275: {  	vm1 =	vmor vm1, vm0;
	v8 =	vsel vm0, $0x1, v2  }
0x276: {  	v9 =	vsel vm1, $0x3E000000, v4;
	v7 =	vadd.s32 v8, v7  }
0x277: {  	[tilespmem:s21+$0x10] =	vst v9  }
0x278: {  	v8 =	vld [tilespmem:s23+$0x22];
	_ =	sdelay $0x4  }
0x279: {  	vm1 =	vlt.s32 v7, v6;
	vm0 =	veq.f32 v8, v5  }
0x27a: {  	vm0 =	vmand vm0, vm1;
	vm1 =	vgt.f32 v8, v5  }
0x27b: {  	vm1 =	vmor vm1, vm0;
	v8 =	vsel vm0, $0x1, v2  }
0x27c: {  	v9 =	vsel vm1, $0x3E000000, v4;
	v7 =	vadd.s32 v8, v7  }
0x27d: {  	[tilespmem:s21+$0x20] =	vst v9  }
0x27e: {  	v8 =	vld [tilespmem:s23+$0x33];
	_ =	sdelay $0x3  }
.Ltmp2:
0x27f: {  	(pc) =	sbr.rel @p1 .LBB2_7-.Ltmp2, $4  }
0x280: {  	vm1 =	vlt.s32 v7, v6;
	vm0 =	veq.f32 v8, v5  }
0x281: {  	vm0 =	vmand vm0, vm1;
	vm1 =	vgt.f32 v8, v5  }
0x282: {  	vm1 =	vmor vm1, vm0;
	v9 =	vsel vm0, $0x1, v2  }
0x283: {  	v8 =	vsel vm1, $0x3E000000, v4;
	v7 =	vadd.s32 v9, v7  }
0x284: {  	p1 =	sne.s32 s20, $0x8  }
.Ltmp3:
0x285: {  	_ = 	snop;
	(pc) =	sbr.rel @p1 .LBB2_2-.Ltmp3, $4  }
0x286: {  	_ = 	snop  }
0x287: {  	s0 =	sshrl.u32 s22, $0x3  }
0x288: {  	[tilespmem:s21+$0x30] =	vst v8;
	p0 =	por !p0, !p0;
	s23 =	smov.u32 s20;
	s0 =	sadd.s32 s5, s0  }
0x289: {  	[hbm4b:s0+s15] =	stream.strided.scatter [tilespmem:s24], [sflag:$0x2], $0xC80, s16, s15, $0x38;
	[tilespmem:$0x58C8] =	vst v63  }
0x28a: {  	_ =	swait.ge [sflag:s17], $0xC80  }
0x28b: {  	[sflag:s17] =	ssyncset.done $0x0  }
0x28c: {  	[sflag:s17] =	ssyncadd.s32 $0xFFFFF380  }
0x28d: {  	s19 =	sadd.s32 $0x1, s19;
	_ =	swait.ge [sflag:s17], $0xC80  }
0x28e: {  	p0 =	sne.s32 s19, s10;
	[sflag:s17] =	ssyncset.done $0x0  }
.Ltmp4:
0x28f: {  	[sflag:s17] =	ssyncadd.s32 $0xFFFFF380;
	(pc) =	sbr.rel @p0 .LBB2_1-.Ltmp4, $4  }
0x290: {  	[hbm4b:s9+s3] =	stream.linear.scatter [tilespmem:s14], [sflag:$0x3], $0x80, $0x38;
	[tilespmem:$0x58C8] =	vst v63  }
0x291: {  	_ =	swait.ge [sflag:s18], $0x80  }
0x292: {  	[sflag:s18] =	ssyncset.done $0x0  }
0x293: {  	[sflag:s18] =	ssyncadd.s32 $0xFFFFFF80  }
0x294: {  	_ =	sfence.sel $0x180000  }
0x295: {  	[bflag:$0x0] =	sbarrier.arrive $0xFFFF  }
0x296: {  	_ =	strace $0x90000047  }
0x297: {  	[bflag:$0x2] =	sbarrier.arrive $0xFFFF  }
0x298: {  	p0 =	sne.s32 s2, $0x0;
	s0 =	rddreg [dreg:$0x3]  }
0x299: {  	s0 =	sadd.s32 @!p0 $0x100000, s0  }
0x29a: {  	[sflag:s0] =	ssyncadd.tile.s32 @!p0 $0x1;
	_ =	shalt  }
.Lfunc_end2:
_tile_overlayer_lowered:
.L_overlay_start_2:
0x29b: {  	(tag) =	ssettag $0x2  }
0x29c: {  	s0 =	rddreg [dreg:$0x0];
	s2 =	stileid.u32  }
0x29d: {  	s1 =	rddreg [dreg:$0x1];
	p0 =	sne.s32 s2, $0x0  }
0x29e: {  	s3 =	rddreg [dreg:$0x2];
	[bflag:$0x3] =	sbarrier.arrive $0xFFFF;
	s2 =	simm.s32 @!p0 $0x1C03  }
0x29f: {  	[timem:s3], [sflag:s2] =	dma.local @!p0 [hbm:s0], s1  }
0x2a0: {  	s0 =	simm.s32 @!p0 $0x3  }
0x2a1: {  	_ =	swait.ge @!p0 [sflag:s0], s1  }
0x2a2: {  	s1 =	ssub.s32 @!p0 $0x0, s1;
	[sflag:s0] =	ssyncset.done @!p0 $0x0  }
0x2a3: {  	[sflag:s0] =	ssyncadd.s32 @!p0 s1  }
0x2a4: {  	[bflag:$0x3] =	sbarrier.arrive $0xFFFF  }
0x2a5: {  	_ =	shalt  }

</sc_bundles>
